<compile_context>
chip_gen: v7x
topology: tpu7x:2x2x1
jax: 0.10.2.dev20260603
libtpu: 0.0.44.dev20260713+nightly
codegen_flags: <defaults>
</compile_context>

<pallas_src>
import functools

import jax
import jax.numpy as jnp
from jax import lax
from jax.experimental import pallas as pl
from jax.experimental.pallas import tpu as pltpu
from jax.experimental.pallas import tpu_sc as plsc

D = 64
L = 16
NC = 2
NS = 16
NW = NC * NS
BCHUNK = 4


def _shuf(x, idx):
    dn = lax.GatherDimensionNumbers(
        offset_dims=(), collapsed_slice_dims=(0,), start_index_map=(0,))
    return lax.gather(x, idx[:, None], dn, (1,),
                      mode=lax.GatherScatterMode.PROMISE_IN_BOUNDS)


def _allsum(x):
    idx = lax.iota(jnp.int32, L)
    for d in (8, 4, 2, 1):
        x = x + _shuf(x, jnp.bitwise_xor(idx, d))
    return x


def _rsqrt(x):
    bits = plsc.bitcast(x, jnp.int32)
    bits = jnp.int32(0x5F3759DF) - lax.shift_right_logical(bits, 1)
    y = plsc.bitcast(bits, jnp.float32)
    for _ in range(2):
        y = y * (1.5 - 0.5 * x * y * y)
    return y


def _layernorm_chunk(rows_v, out_v, n, g_vecs, b_vecs):

    @plsc.parallel_loop(0, n, unroll=8)
    def row_body(r):
        vs = [rows_v[r, pl.ds(L * i, L)] for i in range(D // L)]
        t = (vs[0] + vs[1]) + (vs[2] + vs[3])
        q = (vs[0] * vs[0] + vs[1] * vs[1]) + (vs[2] * vs[2] + vs[3] * vs[3])
        mean_v = _allsum(t) * (1.0 / D)
        var_v = _allsum(q) * (1.0 / D) - mean_v * mean_v
        rstd = _rsqrt(var_v + 1e-5)
        for i in range(D // L):
            y = (vs[i] - mean_v) * rstd * g_vecs[i] + b_vecs[i]
            out_v[r, pl.ds(L * i, L)] = y


def _make_call(batch, seq, n_pairs_rows):
    bat_per_w = batch // NW
    n_chunks = bat_per_w // BCHUNK
    assert n_chunks % 2 == 0
    n_pairs = n_chunks // 2
    nlook = BCHUNK * seq
    mesh = plsc.VectorSubcoreMesh(core_axis_name="c", subcore_axis_name="s")

    @functools.partial(
        pl.kernel,
        mesh=mesh,
        out_type=jax.ShapeDtypeStruct((batch, seq, D), jnp.float32),
        scratch_types=[
            [pltpu.VMEM((BCHUNK * seq,), jnp.int32)] * 4,
            [pltpu.VMEM((BCHUNK * seq, 2 * D), jnp.float32)] * 4,
            pltpu.VMEM((BCHUNK * seq, D), jnp.float32),
            pltpu.VMEM((2 * D,), jnp.float32),
            [pltpu.SemaphoreType.DMA] * 4,
            pltpu.SemaphoreType.DMA,
        ],
        compiler_params=pltpu.CompilerParams(
            needs_layout_passes=False, use_tc_tiling_on_sc=True),
    )
    def call(idp_hbm, table_hbm, gb_hbm, out_hbm,
             idxs, rowss, out_v, gb_v, gsems, osem):
        wid = lax.axis_index("s") * NC + lax.axis_index("c")
        base = wid * bat_per_w
        pltpu.sync_copy(gb_hbm, gb_v)
        g_vecs = [gb_v[pl.ds(L * i, L)] for i in range(D // L)]
        b_vecs = [gb_v[pl.ds(D + L * i, L)] for i in range(D // L)]

        def brow_of(g):
            return pl.multiple_of(base + g * BCHUNK, 4)

        def fire_gather(g, b):
            off = pl.multiple_of((base + g * BCHUNK) * seq, 8)
            pltpu.sync_copy(idp_hbm.at[pl.ds(off, nlook)], idxs[b])
            pltpu.async_copy(table_hbm.at[idxs[b]], rowss[b], gsems[b])

        def wait_gather(b):
            pltpu.make_async_copy(
                table_hbm.at[idxs[b]], rowss[b], gsems[b]).wait()

        def fire_out(g):
            brow = brow_of(g)
            for b in range(BCHUNK):
                pltpu.async_copy(
                    out_v.at[pl.ds(b * seq, seq)], out_hbm.at[brow + b], osem)

        def drain_out():
            for b in range(BCHUNK):
                pltpu.make_async_copy(
                    out_hbm.at[0], out_v.at[pl.ds(b * seq, seq)], osem).wait()

        fire_gather(0, 0)
        fire_gather(1, 1)
        fire_gather(2, 2)
        n_quads = n_chunks // 4

        def quad_body(q, carry):
            for b in range(4):
                g = 4 * q + b
                wait_gather(b)
                if b == 0:
                    @pl.when(q > 0)
                    def _():
                        drain_out()
                else:
                    drain_out()
                _layernorm_chunk(rowss[b], out_v, nlook, g_vecs, b_vecs)
                fire_out(g)
                nb = (b + 3) % 4
                if b == 0:
                    fire_gather(g + 3, nb)
                else:
                    @pl.when(q < n_quads - 1)
                    def _():
                        fire_gather(g + 3, nb)
            return carry

        lax.fori_loop(0, n_quads, quad_body, 0, unroll=False)

        drain_out()

    return call


def kernel(stock_ids, table, gamma, beta):
    batch, seq = stock_ids.shape
    ids = stock_ids.reshape(-1).astype(jnp.int32)
    table2 = jnp.pad(table, ((0, 0), (0, D)))
    gb = jnp.concatenate([gamma, beta]).astype(jnp.float32)
    return _make_call(batch, seq, table2.shape[0])(ids, table2, gb)

# --- scband reference (transcript-rebuilt; emitter-appended) ---
"""Pipeline reference for scband-stock-embedding-3298534883658 (READ-ONLY COPY).

The authoritative reference and input builder live on the scoring server;
editing this copy changes nothing except your own understanding.
"""

import jax, jax.numpy as jnp
import numpy as np

NUM_STOCKS = 1000000
EMBED_DIM = 64
BATCH = 16384
SEQ_LEN = 50


def setup_inputs(seed: int = 0) -> dict:
    key = jax.random.key(seed)
    k1, k2, k3 = jax.random.split(key, 3)
    stock_ids = jax.random.randint(k1, (BATCH, SEQ_LEN), 0, NUM_STOCKS, dtype=jnp.int64) if jax.config.jax_enable_x64 else jax.random.randint(k1, (BATCH, SEQ_LEN), 0, NUM_STOCKS, dtype=jnp.int32)
    # Embedding table initialized ~ N(0, 0.02) as in the torch module
    table = jax.random.normal(k2, (NUM_STOCKS, EMBED_DIM), dtype=jnp.float32) * 0.02
    # LayerNorm affine params
    gamma = jnp.ones((EMBED_DIM,), dtype=jnp.float32)
    beta = jnp.zeros((EMBED_DIM,), dtype=jnp.float32)
    return {"stock_ids": stock_ids, "table": table, "gamma": gamma, "beta": beta}


def reference(stock_ids, table, gamma, beta):
    # Embedding lookup (gather)
    emb = jnp.take(table, stock_ids, axis=0)  # [B, L, D]
    # Dropout is identity in eval mode
    # LayerNorm over last dim, eps=1e-5 (torch default)
    mean = jnp.mean(emb, axis=-1, keepdims=True)
    var = jnp.mean(jnp.square(emb - mean), axis=-1, keepdims=True)
    normed = (emb - mean) / jnp.sqrt(var + 1e-5)
    return normed * gamma + beta

if __name__ == "__main__":
    import jax
    _d = setup_inputs()
    print(jax.jit(kernel)(*tuple(_d.values())))

</pallas_src>

<mosaic_0001>
#map = affine_map<(d0, d1) -> (0)>
#map1 = affine_map<(d0, d1) -> (0, 0)>
#map2 = affine_map<(d0, d1) -> (0, 0, 0)>
module attributes {stable_mosaic.version = 14 : i64} {
  func.func @call(%arg0: i32, %arg1: i32, %arg2: memref<819200xi32, #tpu.memory_space<hbm>>, %arg3: memref<1000000x128xf32, #tpu.memory_space<hbm>>, %arg4: memref<128xf32, #tpu.memory_space<hbm>>, %arg5: memref<16384x50x64xf32, #tpu.memory_space<hbm>>, %arg6: memref<200xi32, #tpu.memory_space<vmem>>, %arg7: memref<200xi32, #tpu.memory_space<vmem>>, %arg8: memref<200xi32, #tpu.memory_space<vmem>>, %arg9: memref<200xi32, #tpu.memory_space<vmem>>, %arg10: memref<200x128xf32, #tpu.memory_space<vmem>>, %arg11: memref<200x128xf32, #tpu.memory_space<vmem>>, %arg12: memref<200x128xf32, #tpu.memory_space<vmem>>, %arg13: memref<200x128xf32, #tpu.memory_space<vmem>>, %arg14: memref<200x64xf32, #tpu.memory_space<vmem>>, %arg15: memref<128xf32, #tpu.memory_space<vmem>>, %arg16: memref<!tpu.dma_semaphore, #tpu.memory_space<semaphore_mem>>, %arg17: memref<!tpu.dma_semaphore, #tpu.memory_space<semaphore_mem>>, %arg18: memref<!tpu.dma_semaphore, #tpu.memory_space<semaphore_mem>>, %arg19: memref<!tpu.dma_semaphore, #tpu.memory_space<semaphore_mem>>, %arg20: memref<!tpu.dma_semaphore, #tpu.memory_space<semaphore_mem>>) attributes {dimension_semantics = [#tpu.dimension_semantics<core_parallel>, #tpu.dimension_semantics<subcore_parallel>], iteration_bounds = array<i64: 2, 16>, scalar_prefetch = 0 : i64, scratch_operands = 15 : i64, tpu.core_type = #tpu.core_type<sc_vector_subcore>, window_params = [{transform_indices = #map}, {transform_indices = #map1}, {transform_indices = #map}, {transform_indices = #map2}]} {
    %mul3A = arith.constant 2 : i32
    %mul3A_0 = arith.muli %arg1, %mul3A : i32
    %add3A = arith.addi %mul3A_0, %arg0 : i32
    %mul3A_1 = arith.constant 512 : i32
    %mul3A_2 = arith.muli %add3A, %mul3A_1 : i32
    "tpu.region"() ({
      %run_scoped3A = tpu.sem_alloc : memref<!tpu.dma_semaphore, #tpu.memory_space<semaphore_mem>>
      tpu.enqueue_dma source(%arg4 : memref<128xf32, #tpu.memory_space<hbm>>) target(%arg15 : memref<128xf32, #tpu.memory_space<vmem>>) target_semaphore(%run_scoped3A : memref<!tpu.dma_semaphore, #tpu.memory_space<semaphore_mem>>)
      tpu.wait_dma2 semaphore(%run_scoped3A : memref<!tpu.dma_semaphore, #tpu.memory_space<semaphore_mem>>) src(%arg4 : memref<128xf32, #tpu.memory_space<hbm>>) dst(%arg15 : memref<128xf32, #tpu.memory_space<vmem>>)
      tpu.yield
    }) : () -> ()
    %get3A = arith.constant 0 : index
    %get3A_3 = tpu.vector_load %arg15[%get3A] {strides = array<i32>} : memref<128xf32, #tpu.memory_space<vmem>>, vector<16xf32>,
    %get3A_4 = arith.constant 16 : index
    %get3A_5 = tpu.vector_load %arg15[%get3A_4] {strides = array<i32>} : memref<128xf32, #tpu.memory_space<vmem>>, vector<16xf32>,
    %get3A_6 = arith.constant 32 : index
    %get3A_7 = tpu.vector_load %arg15[%get3A_6] {strides = array<i32>} : memref<128xf32, #tpu.memory_space<vmem>>, vector<16xf32>,
    %get3A_8 = arith.constant 48 : index
    %get3A_9 = tpu.vector_load %arg15[%get3A_8] {strides = array<i32>} : memref<128xf32, #tpu.memory_space<vmem>>, vector<16xf32>,
    %get3A_10 = arith.constant 64 : index
    %get3A_11 = tpu.vector_load %arg15[%get3A_10] {strides = array<i32>} : memref<128xf32, #tpu.memory_space<vmem>>, vector<16xf32>,
    %get3A_12 = arith.constant 80 : index
    %get3A_13 = tpu.vector_load %arg15[%get3A_12] {strides = array<i32>} : memref<128xf32, #tpu.memory_space<vmem>>, vector<16xf32>,
    %get3A_14 = arith.constant 96 : index
    %get3A_15 = tpu.vector_load %arg15[%get3A_14] {strides = array<i32>} : memref<128xf32, #tpu.memory_space<vmem>>, vector<16xf32>,
    %get3A_16 = arith.constant 112 : index
    %get3A_17 = tpu.vector_load %arg15[%get3A_16] {strides = array<i32>} : memref<128xf32, #tpu.memory_space<vmem>>, vector<16xf32>,
    %add3A_18 = arith.constant 0 : i32
    %add3A_19 = arith.addi %mul3A_2, %add3A_18 : i32
    %mul3A_20 = arith.constant 50 : i32
    %mul3A_21 = arith.muli %add3A_19, %mul3A_20 : i32
    %multiple_of3A = tpu.assume_multiple %mul3A_21, 8 : i32
    "tpu.region"() ({
      %run_scoped3A = tpu.sem_alloc : memref<!tpu.dma_semaphore, #tpu.memory_space<semaphore_mem>>
      %dma_start3A_104 = tpu.memref_slice %arg2[%multiple_of3A] : memref<819200xi32, #tpu.memory_space<hbm>> -> memref<200xi32, #tpu.memory_space<hbm>>
      %dma_start3A_105 = tpu.memref_slice %arg2[%multiple_of3A] : memref<819200xi32, #tpu.memory_space<hbm>> -> memref<200xi32, #tpu.memory_space<hbm>>
      tpu.enqueue_dma source(%dma_start3A_105 : memref<200xi32, #tpu.memory_space<hbm>>) target(%arg6 : memref<200xi32, #tpu.memory_space<vmem>>) target_semaphore(%run_scoped3A : memref<!tpu.dma_semaphore, #tpu.memory_space<semaphore_mem>>)
      %dma_wait3A_106 = tpu.memref_slice %arg2[%multiple_of3A] : memref<819200xi32, #tpu.memory_space<hbm>> -> memref<200xi32, #tpu.memory_space<hbm>>
      %dma_wait3A_107 = tpu.memref_slice %arg2[%multiple_of3A] : memref<819200xi32, #tpu.memory_space<hbm>> -> memref<200xi32, #tpu.memory_space<hbm>>
      tpu.wait_dma2 semaphore(%run_scoped3A : memref<!tpu.dma_semaphore, #tpu.memory_space<semaphore_mem>>) src(%dma_wait3A_107 : memref<200xi32, #tpu.memory_space<hbm>>) dst(%arg6 : memref<200xi32, #tpu.memory_space<vmem>>)
      tpu.yield
    }) : () -> ()
    %dma_start3A = arith.constant 0 : i32
    %dma_start3A_22 = arith.constant 0 : i32
    %dma_start3A_23 = tpu.memref_slice %arg3[%dma_start3A, %dma_start3A_22] : memref<1000000x128xf32, #tpu.memory_space<hbm>> -> memref<1000000x128xf32, #tpu.memory_space<hbm>>
    tpu.enqueue_indirect_dma source(%dma_start3A_23 : memref<1000000x128xf32, #tpu.memory_space<hbm>>) target(%arg10 : memref<200x128xf32, #tpu.memory_space<vmem>>) offsets(%arg6 : memref<200xi32, #tpu.memory_space<vmem>>) semaphore(%arg16 : memref<!tpu.dma_semaphore, #tpu.memory_space<semaphore_mem>>)
    %add3A_24 = arith.constant 4 : i32
    %add3A_25 = arith.addi %mul3A_2, %add3A_24 : i32
    %mul3A_26 = arith.constant 50 : i32
    %mul3A_27 = arith.muli %add3A_25, %mul3A_26 : i32
    %multiple_of3A_28 = tpu.assume_multiple %mul3A_27, 8 : i32
    "tpu.region"() ({
      %run_scoped3A = tpu.sem_alloc : memref<!tpu.dma_semaphore, #tpu.memory_space<semaphore_mem>>
      %dma_start3A_104 = tpu.memref_slice %arg2[%multiple_of3A_28] : memref<819200xi32, #tpu.memory_space<hbm>> -> memref<200xi32, #tpu.memory_space<hbm>>
      %dma_start3A_105 = tpu.memref_slice %arg2[%multiple_of3A_28] : memref<819200xi32, #tpu.memory_space<hbm>> -> memref<200xi32, #tpu.memory_space<hbm>>
      tpu.enqueue_dma source(%dma_start3A_105 : memref<200xi32, #tpu.memory_space<hbm>>) target(%arg7 : memref<200xi32, #tpu.memory_space<vmem>>) target_semaphore(%run_scoped3A : memref<!tpu.dma_semaphore, #tpu.memory_space<semaphore_mem>>)
      %dma_wait3A_106 = tpu.memref_slice %arg2[%multiple_of3A_28] : memref<819200xi32, #tpu.memory_space<hbm>> -> memref<200xi32, #tpu.memory_space<hbm>>
      %dma_wait3A_107 = tpu.memref_slice %arg2[%multiple_of3A_28] : memref<819200xi32, #tpu.memory_space<hbm>> -> memref<200xi32, #tpu.memory_space<hbm>>
      tpu.wait_dma2 semaphore(%run_scoped3A : memref<!tpu.dma_semaphore, #tpu.memory_space<semaphore_mem>>) src(%dma_wait3A_107 : memref<200xi32, #tpu.memory_space<hbm>>) dst(%arg7 : memref<200xi32, #tpu.memory_space<vmem>>)
      tpu.yield
    }) : () -> ()
    %dma_start3A_29 = arith.constant 0 : i32
    %dma_start3A_30 = arith.constant 0 : i32
    %dma_start3A_31 = tpu.memref_slice %arg3[%dma_start3A_29, %dma_start3A_30] : memref<1000000x128xf32, #tpu.memory_space<hbm>> -> memref<1000000x128xf32, #tpu.memory_space<hbm>>
    tpu.enqueue_indirect_dma source(%dma_start3A_31 : memref<1000000x128xf32, #tpu.memory_space<hbm>>) target(%arg11 : memref<200x128xf32, #tpu.memory_space<vmem>>) offsets(%arg7 : memref<200xi32, #tpu.memory_space<vmem>>) semaphore(%arg17 : memref<!tpu.dma_semaphore, #tpu.memory_space<semaphore_mem>>)
    %add3A_32 = arith.constant 8 : i32
    %add3A_33 = arith.addi %mul3A_2, %add3A_32 : i32
    %mul3A_34 = arith.constant 50 : i32
    %mul3A_35 = arith.muli %add3A_33, %mul3A_34 : i32
    %multiple_of3A_36 = tpu.assume_multiple %mul3A_35, 8 : i32
    "tpu.region"() ({
      %run_scoped3A = tpu.sem_alloc : memref<!tpu.dma_semaphore, #tpu.memory_space<semaphore_mem>>
      %dma_start3A_104 = tpu.memref_slice %arg2[%multiple_of3A_36] : memref<819200xi32, #tpu.memory_space<hbm>> -> memref<200xi32, #tpu.memory_space<hbm>>
      %dma_start3A_105 = tpu.memref_slice %arg2[%multiple_of3A_36] : memref<819200xi32, #tpu.memory_space<hbm>> -> memref<200xi32, #tpu.memory_space<hbm>>
      tpu.enqueue_dma source(%dma_start3A_105 : memref<200xi32, #tpu.memory_space<hbm>>) target(%arg8 : memref<200xi32, #tpu.memory_space<vmem>>) target_semaphore(%run_scoped3A : memref<!tpu.dma_semaphore, #tpu.memory_space<semaphore_mem>>)
      %dma_wait3A_106 = tpu.memref_slice %arg2[%multiple_of3A_36] : memref<819200xi32, #tpu.memory_space<hbm>> -> memref<200xi32, #tpu.memory_space<hbm>>
      %dma_wait3A_107 = tpu.memref_slice %arg2[%multiple_of3A_36] : memref<819200xi32, #tpu.memory_space<hbm>> -> memref<200xi32, #tpu.memory_space<hbm>>
      tpu.wait_dma2 semaphore(%run_scoped3A : memref<!tpu.dma_semaphore, #tpu.memory_space<semaphore_mem>>) src(%dma_wait3A_107 : memref<200xi32, #tpu.memory_space<hbm>>) dst(%arg8 : memref<200xi32, #tpu.memory_space<vmem>>)
      tpu.yield
    }) : () -> ()
    %dma_start3A_37 = arith.constant 0 : i32
    %dma_start3A_38 = arith.constant 0 : i32
    %dma_start3A_39 = tpu.memref_slice %arg3[%dma_start3A_37, %dma_start3A_38] : memref<1000000x128xf32, #tpu.memory_space<hbm>> -> memref<1000000x128xf32, #tpu.memory_space<hbm>>
    tpu.enqueue_indirect_dma source(%dma_start3A_39 : memref<1000000x128xf32, #tpu.memory_space<hbm>>) target(%arg12 : memref<200x128xf32, #tpu.memory_space<vmem>>) offsets(%arg8 : memref<200xi32, #tpu.memory_space<vmem>>) semaphore(%arg18 : memref<!tpu.dma_semaphore, #tpu.memory_space<semaphore_mem>>)
    %scan3A = arith.constant 0 : i32
    %scan3A_40 = arith.constant 0 : i32
    %scan3A_41 = arith.constant 32 : i32
    %scan3A_42 = arith.addi %scan3A_40, %scan3A_41 : i32
    %scan3A_43 = arith.constant 1 : i32
    scf.for %scan3A_104 = %scan3A_40 to %scan3A_42 step %scan3A_43  : i32 {
      %mul3A_105 = arith.constant 4 : i32
      %mul3A_106 = arith.muli %mul3A_105, %scan3A_104 : i32
      %add3A_107 = arith.constant 0 : i32
      %add3A_108 = arith.addi %mul3A_106, %add3A_107 : i32
      %dma_wait3A_109 = arith.constant 0 : i32
      %dma_wait3A_110 = arith.constant 0 : i32
      %dma_wait3A_111 = tpu.memref_slice %arg3[%dma_wait3A_109, %dma_wait3A_110] : memref<1000000x128xf32, #tpu.memory_space<hbm>> -> memref<1000000x128xf32, #tpu.memory_space<hbm>>
      tpu.wait_indirect_dma semaphore(%arg16 : memref<!tpu.dma_semaphore, #tpu.memory_space<semaphore_mem>>) src(%dma_wait3A_111 : memref<1000000x128xf32, #tpu.memory_space<hbm>>) dst(%arg10 : memref<200x128xf32, #tpu.memory_space<vmem>>)
      %gt3A = arith.constant 0 : i32
      %gt3A_112 = arith.cmpi sgt, %scan3A_104, %gt3A : i32
      %convert_element_type3A = arith.extui %gt3A_112 : i1 to i32
      %cond3A = arith.constant 0 : i32
      %cond3A_113 = arith.cmpi ne, %convert_element_type3A, %cond3A : i32
      scf.if %cond3A_113 {
        %dma_wait3A_623 = arith.constant 0 : i32
        %dma_wait3A_624 = arith.constant 0 : i32
        %dma_wait3A_625 = arith.constant 0 : i32
        %dma_wait3A_626 = tpu.memref_slice %arg14[%dma_wait3A_624, %dma_wait3A_625] : memref<200x64xf32, #tpu.memory_space<vmem>> -> memref<50x64xf32, #tpu.memory_space<vmem>>
        %dma_wait3A_627 = arith.constant 0 : i32
        %dma_wait3A_628 = arith.constant 0 : i32
        %dma_wait3A_629 = tpu.memref_slice %arg5[%dma_wait3A_623, %dma_wait3A_627, %dma_wait3A_628] : memref<16384x50x64xf32, #tpu.memory_space<hbm>> -> memref<1x50x64xf32, #tpu.memory_space<hbm>>
        %dma_wait3A_630 = tpu.memref_squeeze %dma_wait3A_629 : memref<1x50x64xf32, #tpu.memory_space<hbm>> -> memref<50x64xf32, #tpu.memory_space<hbm>>
        %dma_wait3A_631 = arith.constant 0 : i32
        %dma_wait3A_632 = arith.constant 0 : i32
        %dma_wait3A_633 = tpu.memref_slice %arg14[%dma_wait3A_631, %dma_wait3A_632] : memref<200x64xf32, #tpu.memory_space<vmem>> -> memref<50x64xf32, #tpu.memory_space<vmem>>
        %dma_wait3A_634 = arith.constant 0 : i32
        %dma_wait3A_635 = arith.constant 0 : i32
        %dma_wait3A_636 = tpu.memref_slice %arg5[%dma_wait3A_623, %dma_wait3A_634, %dma_wait3A_635] : memref<16384x50x64xf32, #tpu.memory_space<hbm>> -> memref<1x50x64xf32, #tpu.memory_space<hbm>>
        %dma_wait3A_637 = tpu.memref_squeeze %dma_wait3A_636 : memref<1x50x64xf32, #tpu.memory_space<hbm>> -> memref<50x64xf32, #tpu.memory_space<hbm>>
        tpu.wait_dma2 semaphore(%arg20 : memref<!tpu.dma_semaphore, #tpu.memory_space<semaphore_mem>>) src(%dma_wait3A_637 : memref<50x64xf32, #tpu.memory_space<hbm>>) dst(%dma_wait3A_633 : memref<50x64xf32, #tpu.memory_space<vmem>>)
        %dma_wait3A_638 = arith.constant 0 : i32
        %dma_wait3A_639 = arith.constant 50 : i32
        %dma_wait3A_640 = arith.constant 0 : i32
        %dma_wait3A_641 = tpu.memref_slice %arg14[%dma_wait3A_639, %dma_wait3A_640] : memref<200x64xf32, #tpu.memory_space<vmem>> -> memref<50x64xf32, #tpu.memory_space<vmem>>
        %dma_wait3A_642 = arith.constant 0 : i32
        %dma_wait3A_643 = arith.constant 0 : i32
        %dma_wait3A_644 = tpu.memref_slice %arg5[%dma_wait3A_638, %dma_wait3A_642, %dma_wait3A_643] : memref<16384x50x64xf32, #tpu.memory_space<hbm>> -> memref<1x50x64xf32, #tpu.memory_space<hbm>>
        %dma_wait3A_645 = tpu.memref_squeeze %dma_wait3A_644 : memref<1x50x64xf32, #tpu.memory_space<hbm>> -> memref<50x64xf32, #tpu.memory_space<hbm>>
        %dma_wait3A_646 = arith.constant 50 : i32
        %dma_wait3A_647 = arith.constant 0 : i32
        %dma_wait3A_648 = tpu.memref_slice %arg14[%dma_wait3A_646, %dma_wait3A_647] : memref<200x64xf32, #tpu.memory_space<vmem>> -> memref<50x64xf32, #tpu.memory_space<vmem>>
        %dma_wait3A_649 = arith.constant 0 : i32
        %dma_wait3A_650 = arith.constant 0 : i32
        %dma_wait3A_651 = tpu.memref_slice %arg5[%dma_wait3A_638, %dma_wait3A_649, %dma_wait3A_650] : memref<16384x50x64xf32, #tpu.memory_space<hbm>> -> memref<1x50x64xf32, #tpu.memory_space<hbm>>
        %dma_wait3A_652 = tpu.memref_squeeze %dma_wait3A_651 : memref<1x50x64xf32, #tpu.memory_space<hbm>> -> memref<50x64xf32, #tpu.memory_space<hbm>>
        tpu.wait_dma2 semaphore(%arg20 : memref<!tpu.dma_semaphore, #tpu.memory_space<semaphore_mem>>) src(%dma_wait3A_652 : memref<50x64xf32, #tpu.memory_space<hbm>>) dst(%dma_wait3A_648 : memref<50x64xf32, #tpu.memory_space<vmem>>)
        %dma_wait3A_653 = arith.constant 0 : i32
        %dma_wait3A_654 = arith.constant 100 : i32
        %dma_wait3A_655 = arith.constant 0 : i32
        %dma_wait3A_656 = tpu.memref_slice %arg14[%dma_wait3A_654, %dma_wait3A_655] : memref<200x64xf32, #tpu.memory_space<vmem>> -> memref<50x64xf32, #tpu.memory_space<vmem>>
        %dma_wait3A_657 = arith.constant 0 : i32
        %dma_wait3A_658 = arith.constant 0 : i32
        %dma_wait3A_659 = tpu.memref_slice %arg5[%dma_wait3A_653, %dma_wait3A_657, %dma_wait3A_658] : memref<16384x50x64xf32, #tpu.memory_space<hbm>> -> memref<1x50x64xf32, #tpu.memory_space<hbm>>
        %dma_wait3A_660 = tpu.memref_squeeze %dma_wait3A_659 : memref<1x50x64xf32, #tpu.memory_space<hbm>> -> memref<50x64xf32, #tpu.memory_space<hbm>>
        %dma_wait3A_661 = arith.constant 100 : i32
        %dma_wait3A_662 = arith.constant 0 : i32
        %dma_wait3A_663 = tpu.memref_slice %arg14[%dma_wait3A_661, %dma_wait3A_662] : memref<200x64xf32, #tpu.memory_space<vmem>> -> memref<50x64xf32, #tpu.memory_space<vmem>>
        %dma_wait3A_664 = arith.constant 0 : i32
        %dma_wait3A_665 = arith.constant 0 : i32
        %dma_wait3A_666 = tpu.memref_slice %arg5[%dma_wait3A_653, %dma_wait3A_664, %dma_wait3A_665] : memref<16384x50x64xf32, #tpu.memory_space<hbm>> -> memref<1x50x64xf32, #tpu.memory_space<hbm>>
        %dma_wait3A_667 = tpu.memref_squeeze %dma_wait3A_666 : memref<1x50x64xf32, #tpu.memory_space<hbm>> -> memref<50x64xf32, #tpu.memory_space<hbm>>
        tpu.wait_dma2 semaphore(%arg20 : memref<!tpu.dma_semaphore, #tpu.memory_space<semaphore_mem>>) src(%dma_wait3A_667 : memref<50x64xf32, #tpu.memory_space<hbm>>) dst(%dma_wait3A_663 : memref<50x64xf32, #tpu.memory_space<vmem>>)
        %dma_wait3A_668 = arith.constant 0 : i32
        %dma_wait3A_669 = arith.constant 150 : i32
        %dma_wait3A_670 = arith.constant 0 : i32
        %dma_wait3A_671 = tpu.memref_slice %arg14[%dma_wait3A_669, %dma_wait3A_670] : memref<200x64xf32, #tpu.memory_space<vmem>> -> memref<50x64xf32, #tpu.memory_space<vmem>>
        %dma_wait3A_672 = arith.constant 0 : i32
        %dma_wait3A_673 = arith.constant 0 : i32
        %dma_wait3A_674 = tpu.memref_slice %arg5[%dma_wait3A_668, %dma_wait3A_672, %dma_wait3A_673] : memref<16384x50x64xf32, #tpu.memory_space<hbm>> -> memref<1x50x64xf32, #tpu.memory_space<hbm>>
        %dma_wait3A_675 = tpu.memref_squeeze %dma_wait3A_674 : memref<1x50x64xf32, #tpu.memory_space<hbm>> -> memref<50x64xf32, #tpu.memory_space<hbm>>
        %dma_wait3A_676 = arith.constant 150 : i32
        %dma_wait3A_677 = arith.constant 0 : i32
        %dma_wait3A_678 = tpu.memref_slice %arg14[%dma_wait3A_676, %dma_wait3A_677] : memref<200x64xf32, #tpu.memory_space<vmem>> -> memref<50x64xf32, #tpu.memory_space<vmem>>
        %dma_wait3A_679 = arith.constant 0 : i32
        %dma_wait3A_680 = arith.constant 0 : i32
        %dma_wait3A_681 = tpu.memref_slice %arg5[%dma_wait3A_668, %dma_wait3A_679, %dma_wait3A_680] : memref<16384x50x64xf32, #tpu.memory_space<hbm>> -> memref<1x50x64xf32, #tpu.memory_space<hbm>>
        %dma_wait3A_682 = tpu.memref_squeeze %dma_wait3A_681 : memref<1x50x64xf32, #tpu.memory_space<hbm>> -> memref<50x64xf32, #tpu.memory_space<hbm>>
        tpu.wait_dma2 semaphore(%arg20 : memref<!tpu.dma_semaphore, #tpu.memory_space<semaphore_mem>>) src(%dma_wait3A_682 : memref<50x64xf32, #tpu.memory_space<hbm>>) dst(%dma_wait3A_678 : memref<50x64xf32, #tpu.memory_space<vmem>>)
      } else {
      }
      %parallel_loop3A = arith.constant 0 : i32
      %parallel_loop3A_114 = arith.constant 200 : i32
      %parallel_loop3A_115 = arith.constant 1 : i32
      scf.for %parallel_loop3A_623 = %parallel_loop3A to %parallel_loop3A_114 step %parallel_loop3A_115  : i32 {
        %parallel_loop3A_624 = arith.index_cast %parallel_loop3A_623 : i32 to index
        %parallel_loop3A_625 = arith.constant 0 : index
        %parallel_loop3A_626 = tpu.vector_load %arg10[%parallel_loop3A_624, %parallel_loop3A_625] {strides = array<i32>} : memref<200x128xf32, #tpu.memory_space<vmem>>, vector<16xf32>,
        %parallel_loop3A_627 = arith.index_cast %parallel_loop3A_623 : i32 to index
        %parallel_loop3A_628 = arith.constant 16 : index
        %parallel_loop3A_629 = tpu.vector_load %arg10[%parallel_loop3A_627, %parallel_loop3A_628] {strides = array<i32>} : memref<200x128xf32, #tpu.memory_space<vmem>>, vector<16xf32>,
        %parallel_loop3A_630 = arith.index_cast %parallel_loop3A_623 : i32 to index
        %parallel_loop3A_631 = arith.constant 32 : index
        %parallel_loop3A_632 = tpu.vector_load %arg10[%parallel_loop3A_630, %parallel_loop3A_631] {strides = array<i32>} : memref<200x128xf32, #tpu.memory_space<vmem>>, vector<16xf32>,
        %parallel_loop3A_633 = arith.index_cast %parallel_loop3A_623 : i32 to index
        %parallel_loop3A_634 = arith.constant 48 : index
        %parallel_loop3A_635 = tpu.vector_load %arg10[%parallel_loop3A_633, %parallel_loop3A_634] {strides = array<i32>} : memref<200x128xf32, #tpu.memory_space<vmem>>, vector<16xf32>,
        %parallel_loop3A_636 = arith.addf %parallel_loop3A_626, %parallel_loop3A_629 : vector<16xf32>
        %parallel_loop3A_637 = arith.addf %parallel_loop3A_632, %parallel_loop3A_635 : vector<16xf32>
        %parallel_loop3A_638 = arith.addf %parallel_loop3A_636, %parallel_loop3A_637 : vector<16xf32>
        %parallel_loop3A_639 = arith.mulf %parallel_loop3A_626, %parallel_loop3A_626 : vector<16xf32>
        %parallel_loop3A_640 = arith.mulf %parallel_loop3A_629, %parallel_loop3A_629 : vector<16xf32>
        %parallel_loop3A_641 = arith.addf %parallel_loop3A_639, %parallel_loop3A_640 : vector<16xf32>
        %parallel_loop3A_642 = arith.mulf %parallel_loop3A_632, %parallel_loop3A_632 : vector<16xf32>
        %parallel_loop3A_643 = arith.mulf %parallel_loop3A_635, %parallel_loop3A_635 : vector<16xf32>
        %parallel_loop3A_644 = arith.addf %parallel_loop3A_642, %parallel_loop3A_643 : vector<16xf32>
        %parallel_loop3A_645 = arith.addf %parallel_loop3A_641, %parallel_loop3A_644 : vector<16xf32>
        %parallel_loop3A_646 = tpu.iota {dimensions = array<i32: 0>} : vector<16xi32>
        %parallel_loop3A_647 = arith.constant 8 : i32
        %parallel_loop3A_648 = vector.broadcast %parallel_loop3A_647 : i32 to vector<16xi32>
        %parallel_loop3A_649 = arith.xori %parallel_loop3A_646, %parallel_loop3A_648 : vector<16xi32>
        %parallel_loop3A_650 = vector.shape_cast %parallel_loop3A_649 : vector<16xi32> to vector<16x1xi32>
        %parallel_loop3A_651 = vector.shape_cast %parallel_loop3A_650 : vector<16x1xi32> to vector<16xi32>
        %parallel_loop3A_652 = tpu.dynamic_gather %parallel_loop3A_638[%parallel_loop3A_651] in [0] : vector<16xf32>, vector<16xi32> -> vector<16xf32>
        %parallel_loop3A_653 = arith.addf %parallel_loop3A_638, %parallel_loop3A_652 : vector<16xf32>
        %parallel_loop3A_654 = arith.constant 4 : i32
        %parallel_loop3A_655 = vector.broadcast %parallel_loop3A_654 : i32 to vector<16xi32>
        %parallel_loop3A_656 = arith.xori %parallel_loop3A_646, %parallel_loop3A_655 : vector<16xi32>
        %parallel_loop3A_657 = vector.shape_cast %parallel_loop3A_656 : vector<16xi32> to vector<16x1xi32>
        %parallel_loop3A_658 = vector.shape_cast %parallel_loop3A_657 : vector<16x1xi32> to vector<16xi32>
        %parallel_loop3A_659 = tpu.dynamic_gather %parallel_loop3A_653[%parallel_loop3A_658] in [0] : vector<16xf32>, vector<16xi32> -> vector<16xf32>
        %parallel_loop3A_660 = arith.addf %parallel_loop3A_653, %parallel_loop3A_659 : vector<16xf32>
        %parallel_loop3A_661 = arith.constant 2 : i32
        %parallel_loop3A_662 = vector.broadcast %parallel_loop3A_661 : i32 to vector<16xi32>
        %parallel_loop3A_663 = arith.xori %parallel_loop3A_646, %parallel_loop3A_662 : vector<16xi32>
        %parallel_loop3A_664 = vector.shape_cast %parallel_loop3A_663 : vector<16xi32> to vector<16x1xi32>
        %parallel_loop3A_665 = vector.shape_cast %parallel_loop3A_664 : vector<16x1xi32> to vector<16xi32>
        %parallel_loop3A_666 = tpu.dynamic_gather %parallel_loop3A_660[%parallel_loop3A_665] in [0] : vector<16xf32>, vector<16xi32> -> vector<16xf32>
        %parallel_loop3A_667 = arith.addf %parallel_loop3A_660, %parallel_loop3A_666 : vector<16xf32>
        %parallel_loop3A_668 = arith.constant 1 : i32
        %parallel_loop3A_669 = vector.broadcast %parallel_loop3A_668 : i32 to vector<16xi32>
        %parallel_loop3A_670 = arith.xori %parallel_loop3A_646, %parallel_loop3A_669 : vector<16xi32>
        %parallel_loop3A_671 = vector.shape_cast %parallel_loop3A_670 : vector<16xi32> to vector<16x1xi32>
        %parallel_loop3A_672 = vector.shape_cast %parallel_loop3A_671 : vector<16x1xi32> to vector<16xi32>
        %parallel_loop3A_673 = tpu.dynamic_gather %parallel_loop3A_667[%parallel_loop3A_672] in [0] : vector<16xf32>, vector<16xi32> -> vector<16xf32>
        %parallel_loop3A_674 = arith.addf %parallel_loop3A_667, %parallel_loop3A_673 : vector<16xf32>
        %parallel_loop3A_675 = arith.constant 1.562500e-02 : f32
        %parallel_loop3A_676 = vector.broadcast %parallel_loop3A_675 : f32 to vector<16xf32>
        %parallel_loop3A_677 = arith.mulf %parallel_loop3A_674, %parallel_loop3A_676 : vector<16xf32>
        %parallel_loop3A_678 = tpu.iota {dimensions = array<i32: 0>} : vector<16xi32>
        %parallel_loop3A_679 = arith.constant 8 : i32
        %parallel_loop3A_680 = vector.broadcast %parallel_loop3A_679 : i32 to vector<16xi32>
        %parallel_loop3A_681 = arith.xori %parallel_loop3A_678, %parallel_loop3A_680 : vector<16xi32>
        %parallel_loop3A_682 = vector.shape_cast %parallel_loop3A_681 : vector<16xi32> to vector<16x1xi32>
        %parallel_loop3A_683 = vector.shape_cast %parallel_loop3A_682 : vector<16x1xi32> to vector<16xi32>
        %parallel_loop3A_684 = tpu.dynamic_gather %parallel_loop3A_645[%parallel_loop3A_683] in [0] : vector<16xf32>, vector<16xi32> -> vector<16xf32>
        %parallel_loop3A_685 = arith.addf %parallel_loop3A_645, %parallel_loop3A_684 : vector<16xf32>
        %parallel_loop3A_686 = arith.constant 4 : i32
        %parallel_loop3A_687 = vector.broadcast %parallel_loop3A_686 : i32 to vector<16xi32>
        %parallel_loop3A_688 = arith.xori %parallel_loop3A_678, %parallel_loop3A_687 : vector<16xi32>
        %parallel_loop3A_689 = vector.shape_cast %parallel_loop3A_688 : vector<16xi32> to vector<16x1xi32>
        %parallel_loop3A_690 = vector.shape_cast %parallel_loop3A_689 : vector<16x1xi32> to vector<16xi32>
        %parallel_loop3A_691 = tpu.dynamic_gather %parallel_loop3A_685[%parallel_loop3A_690] in [0] : vector<16xf32>, vector<16xi32> -> vector<16xf32>
        %parallel_loop3A_692 = arith.addf %parallel_loop3A_685, %parallel_loop3A_691 : vector<16xf32>
        %parallel_loop3A_693 = arith.constant 2 : i32
        %parallel_loop3A_694 = vector.broadcast %parallel_loop3A_693 : i32 to vector<16xi32>
        %parallel_loop3A_695 = arith.xori %parallel_loop3A_678, %parallel_loop3A_694 : vector<16xi32>
        %parallel_loop3A_696 = vector.shape_cast %parallel_loop3A_695 : vector<16xi32> to vector<16x1xi32>
        %parallel_loop3A_697 = vector.shape_cast %parallel_loop3A_696 : vector<16x1xi32> to vector<16xi32>
        %parallel_loop3A_698 = tpu.dynamic_gather %parallel_loop3A_692[%parallel_loop3A_697] in [0] : vector<16xf32>, vector<16xi32> -> vector<16xf32>
        %parallel_loop3A_699 = arith.addf %parallel_loop3A_692, %parallel_loop3A_698 : vector<16xf32>
        %parallel_loop3A_700 = arith.constant 1 : i32
        %parallel_loop3A_701 = vector.broadcast %parallel_loop3A_700 : i32 to vector<16xi32>
        %parallel_loop3A_702 = arith.xori %parallel_loop3A_678, %parallel_loop3A_701 : vector<16xi32>
        %parallel_loop3A_703 = vector.shape_cast %parallel_loop3A_702 : vector<16xi32> to vector<16x1xi32>
        %parallel_loop3A_704 = vector.shape_cast %parallel_loop3A_703 : vector<16x1xi32> to vector<16xi32>
        %parallel_loop3A_705 = tpu.dynamic_gather %parallel_loop3A_699[%parallel_loop3A_704] in [0] : vector<16xf32>, vector<16xi32> -> vector<16xf32>
        %parallel_loop3A_706 = arith.addf %parallel_loop3A_699, %parallel_loop3A_705 : vector<16xf32>
        %parallel_loop3A_707 = arith.constant 1.562500e-02 : f32
        %parallel_loop3A_708 = vector.broadcast %parallel_loop3A_707 : f32 to vector<16xf32>
        %parallel_loop3A_709 = arith.mulf %parallel_loop3A_706, %parallel_loop3A_708 : vector<16xf32>
        %parallel_loop3A_710 = arith.mulf %parallel_loop3A_677, %parallel_loop3A_677 : vector<16xf32>
        %parallel_loop3A_711 = arith.subf %parallel_loop3A_709, %parallel_loop3A_710 : vector<16xf32>
        %parallel_loop3A_712 = arith.constant 9.99999974E-6 : f32
        %parallel_loop3A_713 = vector.broadcast %parallel_loop3A_712 : f32 to vector<16xf32>
        %parallel_loop3A_714 = arith.addf %parallel_loop3A_711, %parallel_loop3A_713 : vector<16xf32>
        %parallel_loop3A_715 = vector.bitcast %parallel_loop3A_714 : vector<16xf32> to vector<16xi32>
        %parallel_loop3A_716 = arith.constant 1 : i32
        %parallel_loop3A_717 = vector.broadcast %parallel_loop3A_716 : i32 to vector<16xi32>
        %parallel_loop3A_718 = arith.shrui %parallel_loop3A_715, %parallel_loop3A_717 : vector<16xi32>
        %parallel_loop3A_719 = arith.constant 1597463007 : i32
        %parallel_loop3A_720 = vector.broadcast %parallel_loop3A_719 : i32 to vector<16xi32>
        %parallel_loop3A_721 = arith.subi %parallel_loop3A_720, %parallel_loop3A_718 : vector<16xi32>
        %parallel_loop3A_722 = vector.bitcast %parallel_loop3A_721 : vector<16xi32> to vector<16xf32>
        %parallel_loop3A_723 = arith.constant 5.000000e-01 : f32
        %parallel_loop3A_724 = vector.broadcast %parallel_loop3A_723 : f32 to vector<16xf32>
        %parallel_loop3A_725 = arith.mulf %parallel_loop3A_724, %parallel_loop3A_714 : vector<16xf32>
        %parallel_loop3A_726 = arith.mulf %parallel_loop3A_725, %parallel_loop3A_722 : vector<16xf32>
        %parallel_loop3A_727 = arith.mulf %parallel_loop3A_726, %parallel_loop3A_722 : vector<16xf32>
        %parallel_loop3A_728 = arith.constant 1.500000e+00 : f32
        %parallel_loop3A_729 = vector.broadcast %parallel_loop3A_728 : f32 to vector<16xf32>
        %parallel_loop3A_730 = arith.subf %parallel_loop3A_729, %parallel_loop3A_727 : vector<16xf32>
        %parallel_loop3A_731 = arith.mulf %parallel_loop3A_722, %parallel_loop3A_730 : vector<16xf32>
        %parallel_loop3A_732 = arith.constant 5.000000e-01 : f32
        %parallel_loop3A_733 = vector.broadcast %parallel_loop3A_732 : f32 to vector<16xf32>
        %parallel_loop3A_734 = arith.mulf %parallel_loop3A_733, %parallel_loop3A_714 : vector<16xf32>
        %parallel_loop3A_735 = arith.mulf %parallel_loop3A_734, %parallel_loop3A_731 : vector<16xf32>
        %parallel_loop3A_736 = arith.mulf %parallel_loop3A_735, %parallel_loop3A_731 : vector<16xf32>
        %parallel_loop3A_737 = arith.constant 1.500000e+00 : f32
        %parallel_loop3A_738 = vector.broadcast %parallel_loop3A_737 : f32 to vector<16xf32>
        %parallel_loop3A_739 = arith.subf %parallel_loop3A_738, %parallel_loop3A_736 : vector<16xf32>
        %parallel_loop3A_740 = arith.mulf %parallel_loop3A_731, %parallel_loop3A_739 : vector<16xf32>
        %parallel_loop3A_741 = arith.subf %parallel_loop3A_626, %parallel_loop3A_677 : vector<16xf32>
        %parallel_loop3A_742 = arith.mulf %parallel_loop3A_741, %parallel_loop3A_740 : vector<16xf32>
        %parallel_loop3A_743 = arith.mulf %parallel_loop3A_742, %get3A_3 : vector<16xf32>
        %parallel_loop3A_744 = arith.addf %parallel_loop3A_743, %get3A_11 : vector<16xf32>
        %parallel_loop3A_745 = arith.index_cast %parallel_loop3A_623 : i32 to index
        %parallel_loop3A_746 = arith.constant 0 : index
        %parallel_loop3A_747 = tpu.vector_load %arg14[%parallel_loop3A_745, %parallel_loop3A_746] {strides = array<i32>} : memref<200x64xf32, #tpu.memory_space<vmem>>, vector<16xf32>,
        tpu.vector_store %arg14[%parallel_loop3A_745, %parallel_loop3A_746], %parallel_loop3A_744 {strides = array<i32>} : memref<200x64xf32, #tpu.memory_space<vmem>>, vector<16xf32>,
        %parallel_loop3A_748 = arith.subf %parallel_loop3A_629, %parallel_loop3A_677 : vector<16xf32>
        %parallel_loop3A_749 = arith.mulf %parallel_loop3A_748, %parallel_loop3A_740 : vector<16xf32>
        %parallel_loop3A_750 = arith.mulf %parallel_loop3A_749, %get3A_5 : vector<16xf32>
        %parallel_loop3A_751 = arith.addf %parallel_loop3A_750, %get3A_13 : vector<16xf32>
        %parallel_loop3A_752 = arith.index_cast %parallel_loop3A_623 : i32 to index
        %parallel_loop3A_753 = arith.constant 16 : index
        %parallel_loop3A_754 = tpu.vector_load %arg14[%parallel_loop3A_752, %parallel_loop3A_753] {strides = array<i32>} : memref<200x64xf32, #tpu.memory_space<vmem>>, vector<16xf32>,
        tpu.vector_store %arg14[%parallel_loop3A_752, %parallel_loop3A_753], %parallel_loop3A_751 {strides = array<i32>} : memref<200x64xf32, #tpu.memory_space<vmem>>, vector<16xf32>,
        %parallel_loop3A_755 = arith.subf %parallel_loop3A_632, %parallel_loop3A_677 : vector<16xf32>
        %parallel_loop3A_756 = arith.mulf %parallel_loop3A_755, %parallel_loop3A_740 : vector<16xf32>
        %parallel_loop3A_757 = arith.mulf %parallel_loop3A_756, %get3A_7 : vector<16xf32>
        %parallel_loop3A_758 = arith.addf %parallel_loop3A_757, %get3A_15 : vector<16xf32>
        %parallel_loop3A_759 = arith.index_cast %parallel_loop3A_623 : i32 to index
        %parallel_loop3A_760 = arith.constant 32 : index
        %parallel_loop3A_761 = tpu.vector_load %arg14[%parallel_loop3A_759, %parallel_loop3A_760] {strides = array<i32>} : memref<200x64xf32, #tpu.memory_space<vmem>>, vector<16xf32>,
        tpu.vector_store %arg14[%parallel_loop3A_759, %parallel_loop3A_760], %parallel_loop3A_758 {strides = array<i32>} : memref<200x64xf32, #tpu.memory_space<vmem>>, vector<16xf32>,
        %parallel_loop3A_762 = arith.subf %parallel_loop3A_635, %parallel_loop3A_677 : vector<16xf32>
        %parallel_loop3A_763 = arith.mulf %parallel_loop3A_762, %parallel_loop3A_740 : vector<16xf32>
        %parallel_loop3A_764 = arith.mulf %parallel_loop3A_763, %get3A_9 : vector<16xf32>
        %parallel_loop3A_765 = arith.addf %parallel_loop3A_764, %get3A_17 : vector<16xf32>
        %parallel_loop3A_766 = arith.index_cast %parallel_loop3A_623 : i32 to index
        %parallel_loop3A_767 = arith.constant 48 : index
        %parallel_loop3A_768 = tpu.vector_load %arg14[%parallel_loop3A_766, %parallel_loop3A_767] {strides = array<i32>} : memref<200x64xf32, #tpu.memory_space<vmem>>, vector<16xf32>,
        tpu.vector_store %arg14[%parallel_loop3A_766, %parallel_loop3A_767], %parallel_loop3A_765 {strides = array<i32>} : memref<200x64xf32, #tpu.memory_space<vmem>>, vector<16xf32>,
      } {sc.loop_unroll_factor = 8 : i64, sc.parallel_access}
      %mul3A_116 = arith.constant 4 : i32
      %mul3A_117 = arith.muli %add3A_108, %mul3A_116 : i32
      %add3A_118 = arith.addi %mul3A_2, %mul3A_117 : i32
      %multiple_of3A_119 = tpu.assume_multiple %add3A_118, 4 : i32
      %add3A_120 = arith.constant 0 : i32
      %add3A_121 = arith.addi %multiple_of3A_119, %add3A_120 : i32
      %dma_start3A_122 = arith.constant 0 : i32
      %dma_start3A_123 = arith.constant 0 : i32
      %dma_start3A_124 = tpu.memref_slice %arg14[%dma_start3A_122, %dma_start3A_123] : memref<200x64xf32, #tpu.memory_space<vmem>> -> memref<50x64xf32, #tpu.memory_space<vmem>>
      %dma_start3A_125 = arith.constant 0 : i32
      %dma_start3A_126 = arith.constant 0 : i32
      %dma_start3A_127 = tpu.memref_slice %arg5[%add3A_121, %dma_start3A_125, %dma_start3A_126] : memref<16384x50x64xf32, #tpu.memory_space<hbm>> -> memref<1x50x64xf32, #tpu.memory_space<hbm>>
      %dma_start3A_128 = tpu.memref_squeeze %dma_start3A_127 : memref<1x50x64xf32, #tpu.memory_space<hbm>> -> memref<50x64xf32, #tpu.memory_space<hbm>>
      %dma_start3A_129 = arith.constant 0 : i32
      %dma_start3A_130 = arith.constant 0 : i32
      %dma_start3A_131 = tpu.memref_slice %arg5[%add3A_121, %dma_start3A_129, %dma_start3A_130] : memref<16384x50x64xf32, #tpu.memory_space<hbm>> -> memref<1x50x64xf32, #tpu.memory_space<hbm>>
      %dma_start3A_132 = tpu.memref_squeeze %dma_start3A_131 : memref<1x50x64xf32, #tpu.memory_space<hbm>> -> memref<50x64xf32, #tpu.memory_space<hbm>>
      %dma_start3A_133 = arith.constant 0 : i32
      %dma_start3A_134 = arith.constant 0 : i32
      %dma_start3A_135 = tpu.memref_slice %arg14[%dma_start3A_133, %dma_start3A_134] : memref<200x64xf32, #tpu.memory_space<vmem>> -> memref<50x64xf32, #tpu.memory_space<vmem>>
      tpu.enqueue_dma source(%dma_start3A_135 : memref<50x64xf32, #tpu.memory_space<vmem>>) target(%dma_start3A_132 : memref<50x64xf32, #tpu.memory_space<hbm>>) target_semaphore(%arg20 : memref<!tpu.dma_semaphore, #tpu.memory_space<semaphore_mem>>)
      %add3A_136 = arith.constant 1 : i32
      %add3A_137 = arith.addi %multiple_of3A_119, %add3A_136 : i32
      %dma_start3A_138 = arith.constant 50 : i32
      %dma_start3A_139 = arith.constant 0 : i32
      %dma_start3A_140 = tpu.memref_slice %arg14[%dma_start3A_138, %dma_start3A_139] : memref<200x64xf32, #tpu.memory_space<vmem>> -> memref<50x64xf32, #tpu.memory_space<vmem>>
      %dma_start3A_141 = arith.constant 0 : i32
      %dma_start3A_142 = arith.constant 0 : i32
      %dma_start3A_143 = tpu.memref_slice %arg5[%add3A_137, %dma_start3A_141, %dma_start3A_142] : memref<16384x50x64xf32, #tpu.memory_space<hbm>> -> memref<1x50x64xf32, #tpu.memory_space<hbm>>
      %dma_start3A_144 = tpu.memref_squeeze %dma_start3A_143 : memref<1x50x64xf32, #tpu.memory_space<hbm>> -> memref<50x64xf32, #tpu.memory_space<hbm>>
      %dma_start3A_145 = arith.constant 0 : i32
      %dma_start3A_146 = arith.constant 0 : i32
      %dma_start3A_147 = tpu.memref_slice %arg5[%add3A_137, %dma_start3A_145, %dma_start3A_146] : memref<16384x50x64xf32, #tpu.memory_space<hbm>> -> memref<1x50x64xf32, #tpu.memory_space<hbm>>
      %dma_start3A_148 = tpu.memref_squeeze %dma_start3A_147 : memref<1x50x64xf32, #tpu.memory_space<hbm>> -> memref<50x64xf32, #tpu.memory_space<hbm>>
      %dma_start3A_149 = arith.constant 50 : i32
      %dma_start3A_150 = arith.constant 0 : i32
      %dma_start3A_151 = tpu.memref_slice %arg14[%dma_start3A_149, %dma_start3A_150] : memref<200x64xf32, #tpu.memory_space<vmem>> -> memref<50x64xf32, #tpu.memory_space<vmem>>
      tpu.enqueue_dma source(%dma_start3A_151 : memref<50x64xf32, #tpu.memory_space<vmem>>) target(%dma_start3A_148 : memref<50x64xf32, #tpu.memory_space<hbm>>) target_semaphore(%arg20 : memref<!tpu.dma_semaphore, #tpu.memory_space<semaphore_mem>>)
      %add3A_152 = arith.constant 2 : i32
      %add3A_153 = arith.addi %multiple_of3A_119, %add3A_152 : i32
      %dma_start3A_154 = arith.constant 100 : i32
      %dma_start3A_155 = arith.constant 0 : i32
      %dma_start3A_156 = tpu.memref_slice %arg14[%dma_start3A_154, %dma_start3A_155] : memref<200x64xf32, #tpu.memory_space<vmem>> -> memref<50x64xf32, #tpu.memory_space<vmem>>
      %dma_start3A_157 = arith.constant 0 : i32
      %dma_start3A_158 = arith.constant 0 : i32
      %dma_start3A_159 = tpu.memref_slice %arg5[%add3A_153, %dma_start3A_157, %dma_start3A_158] : memref<16384x50x64xf32, #tpu.memory_space<hbm>> -> memref<1x50x64xf32, #tpu.memory_space<hbm>>
      %dma_start3A_160 = tpu.memref_squeeze %dma_start3A_159 : memref<1x50x64xf32, #tpu.memory_space<hbm>> -> memref<50x64xf32, #tpu.memory_space<hbm>>
      %dma_start3A_161 = arith.constant 0 : i32
      %dma_start3A_162 = arith.constant 0 : i32
      %dma_start3A_163 = tpu.memref_slice %arg5[%add3A_153, %dma_start3A_161, %dma_start3A_162] : memref<16384x50x64xf32, #tpu.memory_space<hbm>> -> memref<1x50x64xf32, #tpu.memory_space<hbm>>
      %dma_start3A_164 = tpu.memref_squeeze %dma_start3A_163 : memref<1x50x64xf32, #tpu.memory_space<hbm>> -> memref<50x64xf32, #tpu.memory_space<hbm>>
      %dma_start3A_165 = arith.constant 100 : i32
      %dma_start3A_166 = arith.constant 0 : i32
      %dma_start3A_167 = tpu.memref_slice %arg14[%dma_start3A_165, %dma_start3A_166] : memref<200x64xf32, #tpu.memory_space<vmem>> -> memref<50x64xf32, #tpu.memory_space<vmem>>
      tpu.enqueue_dma source(%dma_start3A_167 : memref<50x64xf32, #tpu.memory_space<vmem>>) target(%dma_start3A_164 : memref<50x64xf32, #tpu.memory_space<hbm>>) target_semaphore(%arg20 : memref<!tpu.dma_semaphore, #tpu.memory_space<semaphore_mem>>)
      %add3A_168 = arith.constant 3 : i32
      %add3A_169 = arith.addi %multiple_of3A_119, %add3A_168 : i32
      %dma_start3A_170 = arith.constant 150 : i32
      %dma_start3A_171 = arith.constant 0 : i32
      %dma_start3A_172 = tpu.memref_slice %arg14[%dma_start3A_170, %dma_start3A_171] : memref<200x64xf32, #tpu.memory_space<vmem>> -> memref<50x64xf32, #tpu.memory_space<vmem>>
      %dma_start3A_173 = arith.constant 0 : i32
      %dma_start3A_174 = arith.constant 0 : i32
      %dma_start3A_175 = tpu.memref_slice %arg5[%add3A_169, %dma_start3A_173, %dma_start3A_174] : memref<16384x50x64xf32, #tpu.memory_space<hbm>> -> memref<1x50x64xf32, #tpu.memory_space<hbm>>
      %dma_start3A_176 = tpu.memref_squeeze %dma_start3A_175 : memref<1x50x64xf32, #tpu.memory_space<hbm>> -> memref<50x64xf32, #tpu.memory_space<hbm>>
      %dma_start3A_177 = arith.constant 0 : i32
      %dma_start3A_178 = arith.constant 0 : i32
      %dma_start3A_179 = tpu.memref_slice %arg5[%add3A_169, %dma_start3A_177, %dma_start3A_178] : memref<16384x50x64xf32, #tpu.memory_space<hbm>> -> memref<1x50x64xf32, #tpu.memory_space<hbm>>
      %dma_start3A_180 = tpu.memref_squeeze %dma_start3A_179 : memref<1x50x64xf32, #tpu.memory_space<hbm>> -> memref<50x64xf32, #tpu.memory_space<hbm>>
      %dma_start3A_181 = arith.constant 150 : i32
      %dma_start3A_182 = arith.constant 0 : i32
      %dma_start3A_183 = tpu.memref_slice %arg14[%dma_start3A_181, %dma_start3A_182] : memref<200x64xf32, #tpu.memory_space<vmem>> -> memref<50x64xf32, #tpu.memory_space<vmem>>
      tpu.enqueue_dma source(%dma_start3A_183 : memref<50x64xf32, #tpu.memory_space<vmem>>) target(%dma_start3A_180 : memref<50x64xf32, #tpu.memory_space<hbm>>) target_semaphore(%arg20 : memref<!tpu.dma_semaphore, #tpu.memory_space<semaphore_mem>>)
      %add3A_184 = arith.constant 3 : i32
      %add3A_185 = arith.addi %add3A_108, %add3A_184 : i32
      %mul3A_186 = arith.constant 4 : i32
      %mul3A_187 = arith.muli %add3A_185, %mul3A_186 : i32
      %add3A_188 = arith.addi %mul3A_2, %mul3A_187 : i32
      %mul3A_189 = arith.constant 50 : i32
      %mul3A_190 = arith.muli %add3A_188, %mul3A_189 : i32
      %multiple_of3A_191 = tpu.assume_multiple %mul3A_190, 8 : i32
      "tpu.region"() ({
        %run_scoped3A = tpu.sem_alloc : memref<!tpu.dma_semaphore, #tpu.memory_space<semaphore_mem>>
        %dma_start3A_623 = tpu.memref_slice %arg2[%multiple_of3A_191] : memref<819200xi32, #tpu.memory_space<hbm>> -> memref<200xi32, #tpu.memory_space<hbm>>
        %dma_start3A_624 = tpu.memref_slice %arg2[%multiple_of3A_191] : memref<819200xi32, #tpu.memory_space<hbm>> -> memref<200xi32, #tpu.memory_space<hbm>>
        tpu.enqueue_dma source(%dma_start3A_624 : memref<200xi32, #tpu.memory_space<hbm>>) target(%arg9 : memref<200xi32, #tpu.memory_space<vmem>>) target_semaphore(%run_scoped3A : memref<!tpu.dma_semaphore, #tpu.memory_space<semaphore_mem>>)
        %dma_wait3A_625 = tpu.memref_slice %arg2[%multiple_of3A_191] : memref<819200xi32, #tpu.memory_space<hbm>> -> memref<200xi32, #tpu.memory_space<hbm>>
        %dma_wait3A_626 = tpu.memref_slice %arg2[%multiple_of3A_191] : memref<819200xi32, #tpu.memory_space<hbm>> -> memref<200xi32, #tpu.memory_space<hbm>>
        tpu.wait_dma2 semaphore(%run_scoped3A : memref<!tpu.dma_semaphore, #tpu.memory_space<semaphore_mem>>) src(%dma_wait3A_626 : memref<200xi32, #tpu.memory_space<hbm>>) dst(%arg9 : memref<200xi32, #tpu.memory_space<vmem>>)
        tpu.yield
      }) : () -> ()
      %dma_start3A_192 = arith.constant 0 : i32
      %dma_start3A_193 = arith.constant 0 : i32
      %dma_start3A_194 = tpu.memref_slice %arg3[%dma_start3A_192, %dma_start3A_193] : memref<1000000x128xf32, #tpu.memory_space<hbm>> -> memref<1000000x128xf32, #tpu.memory_space<hbm>>
      tpu.enqueue_indirect_dma source(%dma_start3A_194 : memref<1000000x128xf32, #tpu.memory_space<hbm>>) target(%arg13 : memref<200x128xf32, #tpu.memory_space<vmem>>) offsets(%arg9 : memref<200xi32, #tpu.memory_space<vmem>>) semaphore(%arg19 : memref<!tpu.dma_semaphore, #tpu.memory_space<semaphore_mem>>)
      %mul3A_195 = arith.constant 4 : i32
      %mul3A_196 = arith.muli %mul3A_195, %scan3A_104 : i32
      %add3A_197 = arith.constant 1 : i32
      %add3A_198 = arith.addi %mul3A_196, %add3A_197 : i32
      %dma_wait3A_199 = arith.constant 0 : i32
      %dma_wait3A_200 = arith.constant 0 : i32
      %dma_wait3A_201 = tpu.memref_slice %arg3[%dma_wait3A_199, %dma_wait3A_200] : memref<1000000x128xf32, #tpu.memory_space<hbm>> -> memref<1000000x128xf32, #tpu.memory_space<hbm>>
      tpu.wait_indirect_dma semaphore(%arg17 : memref<!tpu.dma_semaphore, #tpu.memory_space<semaphore_mem>>) src(%dma_wait3A_201 : memref<1000000x128xf32, #tpu.memory_space<hbm>>) dst(%arg11 : memref<200x128xf32, #tpu.memory_space<vmem>>)
      %dma_wait3A_202 = arith.constant 0 : i32
      %dma_wait3A_203 = arith.constant 0 : i32
      %dma_wait3A_204 = arith.constant 0 : i32
      %dma_wait3A_205 = tpu.memref_slice %arg14[%dma_wait3A_203, %dma_wait3A_204] : memref<200x64xf32, #tpu.memory_space<vmem>> -> memref<50x64xf32, #tpu.memory_space<vmem>>
      %dma_wait3A_206 = arith.constant 0 : i32
      %dma_wait3A_207 = arith.constant 0 : i32
      %dma_wait3A_208 = tpu.memref_slice %arg5[%dma_wait3A_202, %dma_wait3A_206, %dma_wait3A_207] : memref<16384x50x64xf32, #tpu.memory_space<hbm>> -> memref<1x50x64xf32, #tpu.memory_space<hbm>>
      %dma_wait3A_209 = tpu.memref_squeeze %dma_wait3A_208 : memref<1x50x64xf32, #tpu.memory_space<hbm>> -> memref<50x64xf32, #tpu.memory_space<hbm>>
      %dma_wait3A_210 = arith.constant 0 : i32
      %dma_wait3A_211 = arith.constant 0 : i32
      %dma_wait3A_212 = tpu.memref_slice %arg14[%dma_wait3A_210, %dma_wait3A_211] : memref<200x64xf32, #tpu.memory_space<vmem>> -> memref<50x64xf32, #tpu.memory_space<vmem>>
      %dma_wait3A_213 = arith.constant 0 : i32
      %dma_wait3A_214 = arith.constant 0 : i32
      %dma_wait3A_215 = tpu.memref_slice %arg5[%dma_wait3A_202, %dma_wait3A_213, %dma_wait3A_214] : memref<16384x50x64xf32, #tpu.memory_space<hbm>> -> memref<1x50x64xf32, #tpu.memory_space<hbm>>
      %dma_wait3A_216 = tpu.memref_squeeze %dma_wait3A_215 : memref<1x50x64xf32, #tpu.memory_space<hbm>> -> memref<50x64xf32, #tpu.memory_space<hbm>>
      tpu.wait_dma2 semaphore(%arg20 : memref<!tpu.dma_semaphore, #tpu.memory_space<semaphore_mem>>) src(%dma_wait3A_216 : memref<50x64xf32, #tpu.memory_space<hbm>>) dst(%dma_wait3A_212 : memref<50x64xf32, #tpu.memory_space<vmem>>)
      %dma_wait3A_217 = arith.constant 0 : i32
      %dma_wait3A_218 = arith.constant 50 : i32
      %dma_wait3A_219 = arith.constant 0 : i32
      %dma_wait3A_220 = tpu.memref_slice %arg14[%dma_wait3A_218, %dma_wait3A_219] : memref<200x64xf32, #tpu.memory_space<vmem>> -> memref<50x64xf32, #tpu.memory_space<vmem>>
      %dma_wait3A_221 = arith.constant 0 : i32
      %dma_wait3A_222 = arith.constant 0 : i32
      %dma_wait3A_223 = tpu.memref_slice %arg5[%dma_wait3A_217, %dma_wait3A_221, %dma_wait3A_222] : memref<16384x50x64xf32, #tpu.memory_space<hbm>> -> memref<1x50x64xf32, #tpu.memory_space<hbm>>
      %dma_wait3A_224 = tpu.memref_squeeze %dma_wait3A_223 : memref<1x50x64xf32, #tpu.memory_space<hbm>> -> memref<50x64xf32, #tpu.memory_space<hbm>>
      %dma_wait3A_225 = arith.constant 50 : i32
      %dma_wait3A_226 = arith.constant 0 : i32
      %dma_wait3A_227 = tpu.memref_slice %arg14[%dma_wait3A_225, %dma_wait3A_226] : memref<200x64xf32, #tpu.memory_space<vmem>> -> memref<50x64xf32, #tpu.memory_space<vmem>>
      %dma_wait3A_228 = arith.constant 0 : i32
      %dma_wait3A_229 = arith.constant 0 : i32
      %dma_wait3A_230 = tpu.memref_slice %arg5[%dma_wait3A_217, %dma_wait3A_228, %dma_wait3A_229] : memref<16384x50x64xf32, #tpu.memory_space<hbm>> -> memref<1x50x64xf32, #tpu.memory_space<hbm>>
      %dma_wait3A_231 = tpu.memref_squeeze %dma_wait3A_230 : memref<1x50x64xf32, #tpu.memory_space<hbm>> -> memref<50x64xf32, #tpu.memory_space<hbm>>
      tpu.wait_dma2 semaphore(%arg20 : memref<!tpu.dma_semaphore, #tpu.memory_space<semaphore_mem>>) src(%dma_wait3A_231 : memref<50x64xf32, #tpu.memory_space<hbm>>) dst(%dma_wait3A_227 : memref<50x64xf32, #tpu.memory_space<vmem>>)
      %dma_wait3A_232 = arith.constant 0 : i32
      %dma_wait3A_233 = arith.constant 100 : i32
      %dma_wait3A_234 = arith.constant 0 : i32
      %dma_wait3A_235 = tpu.memref_slice %arg14[%dma_wait3A_233, %dma_wait3A_234] : memref<200x64xf32, #tpu.memory_space<vmem>> -> memref<50x64xf32, #tpu.memory_space<vmem>>
      %dma_wait3A_236 = arith.constant 0 : i32
      %dma_wait3A_237 = arith.constant 0 : i32
      %dma_wait3A_238 = tpu.memref_slice %arg5[%dma_wait3A_232, %dma_wait3A_236, %dma_wait3A_237] : memref<16384x50x64xf32, #tpu.memory_space<hbm>> -> memref<1x50x64xf32, #tpu.memory_space<hbm>>
      %dma_wait3A_239 = tpu.memref_squeeze %dma_wait3A_238 : memref<1x50x64xf32, #tpu.memory_space<hbm>> -> memref<50x64xf32, #tpu.memory_space<hbm>>
      %dma_wait3A_240 = arith.constant 100 : i32
      %dma_wait3A_241 = arith.constant 0 : i32
      %dma_wait3A_242 = tpu.memref_slice %arg14[%dma_wait3A_240, %dma_wait3A_241] : memref<200x64xf32, #tpu.memory_space<vmem>> -> memref<50x64xf32, #tpu.memory_space<vmem>>
      %dma_wait3A_243 = arith.constant 0 : i32
      %dma_wait3A_244 = arith.constant 0 : i32
      %dma_wait3A_245 = tpu.memref_slice %arg5[%dma_wait3A_232, %dma_wait3A_243, %dma_wait3A_244] : memref<16384x50x64xf32, #tpu.memory_space<hbm>> -> memref<1x50x64xf32, #tpu.memory_space<hbm>>
      %dma_wait3A_246 = tpu.memref_squeeze %dma_wait3A_245 : memref<1x50x64xf32, #tpu.memory_space<hbm>> -> memref<50x64xf32, #tpu.memory_space<hbm>>
      tpu.wait_dma2 semaphore(%arg20 : memref<!tpu.dma_semaphore, #tpu.memory_space<semaphore_mem>>) src(%dma_wait3A_246 : memref<50x64xf32, #tpu.memory_space<hbm>>) dst(%dma_wait3A_242 : memref<50x64xf32, #tpu.memory_space<vmem>>)
      %dma_wait3A_247 = arith.constant 0 : i32
      %dma_wait3A_248 = arith.constant 150 : i32
      %dma_wait3A_249 = arith.constant 0 : i32
      %dma_wait3A_250 = tpu.memref_slice %arg14[%dma_wait3A_248, %dma_wait3A_249] : memref<200x64xf32, #tpu.memory_space<vmem>> -> memref<50x64xf32, #tpu.memory_space<vmem>>
      %dma_wait3A_251 = arith.constant 0 : i32
      %dma_wait3A_252 = arith.constant 0 : i32
      %dma_wait3A_253 = tpu.memref_slice %arg5[%dma_wait3A_247, %dma_wait3A_251, %dma_wait3A_252] : memref<16384x50x64xf32, #tpu.memory_space<hbm>> -> memref<1x50x64xf32, #tpu.memory_space<hbm>>
      %dma_wait3A_254 = tpu.memref_squeeze %dma_wait3A_253 : memref<1x50x64xf32, #tpu.memory_space<hbm>> -> memref<50x64xf32, #tpu.memory_space<hbm>>
      %dma_wait3A_255 = arith.constant 150 : i32
      %dma_wait3A_256 = arith.constant 0 : i32
      %dma_wait3A_257 = tpu.memref_slice %arg14[%dma_wait3A_255, %dma_wait3A_256] : memref<200x64xf32, #tpu.memory_space<vmem>> -> memref<50x64xf32, #tpu.memory_space<vmem>>
      %dma_wait3A_258 = arith.constant 0 : i32
      %dma_wait3A_259 = arith.constant 0 : i32
      %dma_wait3A_260 = tpu.memref_slice %arg5[%dma_wait3A_247, %dma_wait3A_258, %dma_wait3A_259] : memref<16384x50x64xf32, #tpu.memory_space<hbm>> -> memref<1x50x64xf32, #tpu.memory_space<hbm>>
      %dma_wait3A_261 = tpu.memref_squeeze %dma_wait3A_260 : memref<1x50x64xf32, #tpu.memory_space<hbm>> -> memref<50x64xf32, #tpu.memory_space<hbm>>
      tpu.wait_dma2 semaphore(%arg20 : memref<!tpu.dma_semaphore, #tpu.memory_space<semaphore_mem>>) src(%dma_wait3A_261 : memref<50x64xf32, #tpu.memory_space<hbm>>) dst(%dma_wait3A_257 : memref<50x64xf32, #tpu.memory_space<vmem>>)
      %parallel_loop3A_262 = arith.constant 0 : i32
      %parallel_loop3A_263 = arith.constant 200 : i32
      %parallel_loop3A_264 = arith.constant 1 : i32
      scf.for %parallel_loop3A_623 = %parallel_loop3A_262 to %parallel_loop3A_263 step %parallel_loop3A_264  : i32 {
        %parallel_loop3A_624 = arith.index_cast %parallel_loop3A_623 : i32 to index
        %parallel_loop3A_625 = arith.constant 0 : index
        %parallel_loop3A_626 = tpu.vector_load %arg11[%parallel_loop3A_624, %parallel_loop3A_625] {strides = array<i32>} : memref<200x128xf32, #tpu.memory_space<vmem>>, vector<16xf32>,
        %parallel_loop3A_627 = arith.index_cast %parallel_loop3A_623 : i32 to index
        %parallel_loop3A_628 = arith.constant 16 : index
        %parallel_loop3A_629 = tpu.vector_load %arg11[%parallel_loop3A_627, %parallel_loop3A_628] {strides = array<i32>} : memref<200x128xf32, #tpu.memory_space<vmem>>, vector<16xf32>,
        %parallel_loop3A_630 = arith.index_cast %parallel_loop3A_623 : i32 to index
        %parallel_loop3A_631 = arith.constant 32 : index
        %parallel_loop3A_632 = tpu.vector_load %arg11[%parallel_loop3A_630, %parallel_loop3A_631] {strides = array<i32>} : memref<200x128xf32, #tpu.memory_space<vmem>>, vector<16xf32>,
        %parallel_loop3A_633 = arith.index_cast %parallel_loop3A_623 : i32 to index
        %parallel_loop3A_634 = arith.constant 48 : index
        %parallel_loop3A_635 = tpu.vector_load %arg11[%parallel_loop3A_633, %parallel_loop3A_634] {strides = array<i32>} : memref<200x128xf32, #tpu.memory_space<vmem>>, vector<16xf32>,
        %parallel_loop3A_636 = arith.addf %parallel_loop3A_626, %parallel_loop3A_629 : vector<16xf32>
        %parallel_loop3A_637 = arith.addf %parallel_loop3A_632, %parallel_loop3A_635 : vector<16xf32>
        %parallel_loop3A_638 = arith.addf %parallel_loop3A_636, %parallel_loop3A_637 : vector<16xf32>
        %parallel_loop3A_639 = arith.mulf %parallel_loop3A_626, %parallel_loop3A_626 : vector<16xf32>
        %parallel_loop3A_640 = arith.mulf %parallel_loop3A_629, %parallel_loop3A_629 : vector<16xf32>
        %parallel_loop3A_641 = arith.addf %parallel_loop3A_639, %parallel_loop3A_640 : vector<16xf32>
        %parallel_loop3A_642 = arith.mulf %parallel_loop3A_632, %parallel_loop3A_632 : vector<16xf32>
        %parallel_loop3A_643 = arith.mulf %parallel_loop3A_635, %parallel_loop3A_635 : vector<16xf32>
        %parallel_loop3A_644 = arith.addf %parallel_loop3A_642, %parallel_loop3A_643 : vector<16xf32>
        %parallel_loop3A_645 = arith.addf %parallel_loop3A_641, %parallel_loop3A_644 : vector<16xf32>
        %parallel_loop3A_646 = tpu.iota {dimensions = array<i32: 0>} : vector<16xi32>
        %parallel_loop3A_647 = arith.constant 8 : i32
        %parallel_loop3A_648 = vector.broadcast %parallel_loop3A_647 : i32 to vector<16xi32>
        %parallel_loop3A_649 = arith.xori %parallel_loop3A_646, %parallel_loop3A_648 : vector<16xi32>
        %parallel_loop3A_650 = vector.shape_cast %parallel_loop3A_649 : vector<16xi32> to vector<16x1xi32>
        %parallel_loop3A_651 = vector.shape_cast %parallel_loop3A_650 : vector<16x1xi32> to vector<16xi32>
        %parallel_loop3A_652 = tpu.dynamic_gather %parallel_loop3A_638[%parallel_loop3A_651] in [0] : vector<16xf32>, vector<16xi32> -> vector<16xf32>
        %parallel_loop3A_653 = arith.addf %parallel_loop3A_638, %parallel_loop3A_652 : vector<16xf32>
        %parallel_loop3A_654 = arith.constant 4 : i32
        %parallel_loop3A_655 = vector.broadcast %parallel_loop3A_654 : i32 to vector<16xi32>
        %parallel_loop3A_656 = arith.xori %parallel_loop3A_646, %parallel_loop3A_655 : vector<16xi32>
        %parallel_loop3A_657 = vector.shape_cast %parallel_loop3A_656 : vector<16xi32> to vector<16x1xi32>
        %parallel_loop3A_658 = vector.shape_cast %parallel_loop3A_657 : vector<16x1xi32> to vector<16xi32>
        %parallel_loop3A_659 = tpu.dynamic_gather %parallel_loop3A_653[%parallel_loop3A_658] in [0] : vector<16xf32>, vector<16xi32> -> vector<16xf32>
        %parallel_loop3A_660 = arith.addf %parallel_loop3A_653, %parallel_loop3A_659 : vector<16xf32>
        %parallel_loop3A_661 = arith.constant 2 : i32
        %parallel_loop3A_662 = vector.broadcast %parallel_loop3A_661 : i32 to vector<16xi32>
        %parallel_loop3A_663 = arith.xori %parallel_loop3A_646, %parallel_loop3A_662 : vector<16xi32>
        %parallel_loop3A_664 = vector.shape_cast %parallel_loop3A_663 : vector<16xi32> to vector<16x1xi32>
        %parallel_loop3A_665 = vector.shape_cast %parallel_loop3A_664 : vector<16x1xi32> to vector<16xi32>
        %parallel_loop3A_666 = tpu.dynamic_gather %parallel_loop3A_660[%parallel_loop3A_665] in [0] : vector<16xf32>, vector<16xi32> -> vector<16xf32>
        %parallel_loop3A_667 = arith.addf %parallel_loop3A_660, %parallel_loop3A_666 : vector<16xf32>
        %parallel_loop3A_668 = arith.constant 1 : i32
        %parallel_loop3A_669 = vector.broadcast %parallel_loop3A_668 : i32 to vector<16xi32>
        %parallel_loop3A_670 = arith.xori %parallel_loop3A_646, %parallel_loop3A_669 : vector<16xi32>
        %parallel_loop3A_671 = vector.shape_cast %parallel_loop3A_670 : vector<16xi32> to vector<16x1xi32>
        %parallel_loop3A_672 = vector.shape_cast %parallel_loop3A_671 : vector<16x1xi32> to vector<16xi32>
        %parallel_loop3A_673 = tpu.dynamic_gather %parallel_loop3A_667[%parallel_loop3A_672] in [0] : vector<16xf32>, vector<16xi32> -> vector<16xf32>
        %parallel_loop3A_674 = arith.addf %parallel_loop3A_667, %parallel_loop3A_673 : vector<16xf32>
        %parallel_loop3A_675 = arith.constant 1.562500e-02 : f32
        %parallel_loop3A_676 = vector.broadcast %parallel_loop3A_675 : f32 to vector<16xf32>
        %parallel_loop3A_677 = arith.mulf %parallel_loop3A_674, %parallel_loop3A_676 : vector<16xf32>
        %parallel_loop3A_678 = tpu.iota {dimensions = array<i32: 0>} : vector<16xi32>
        %parallel_loop3A_679 = arith.constant 8 : i32
        %parallel_loop3A_680 = vector.broadcast %parallel_loop3A_679 : i32 to vector<16xi32>
        %parallel_loop3A_681 = arith.xori %parallel_loop3A_678, %parallel_loop3A_680 : vector<16xi32>
        %parallel_loop3A_682 = vector.shape_cast %parallel_loop3A_681 : vector<16xi32> to vector<16x1xi32>
        %parallel_loop3A_683 = vector.shape_cast %parallel_loop3A_682 : vector<16x1xi32> to vector<16xi32>
        %parallel_loop3A_684 = tpu.dynamic_gather %parallel_loop3A_645[%parallel_loop3A_683] in [0] : vector<16xf32>, vector<16xi32> -> vector<16xf32>
        %parallel_loop3A_685 = arith.addf %parallel_loop3A_645, %parallel_loop3A_684 : vector<16xf32>
        %parallel_loop3A_686 = arith.constant 4 : i32
        %parallel_loop3A_687 = vector.broadcast %parallel_loop3A_686 : i32 to vector<16xi32>
        %parallel_loop3A_688 = arith.xori %parallel_loop3A_678, %parallel_loop3A_687 : vector<16xi32>
        %parallel_loop3A_689 = vector.shape_cast %parallel_loop3A_688 : vector<16xi32> to vector<16x1xi32>
        %parallel_loop3A_690 = vector.shape_cast %parallel_loop3A_689 : vector<16x1xi32> to vector<16xi32>
        %parallel_loop3A_691 = tpu.dynamic_gather %parallel_loop3A_685[%parallel_loop3A_690] in [0] : vector<16xf32>, vector<16xi32> -> vector<16xf32>
        %parallel_loop3A_692 = arith.addf %parallel_loop3A_685, %parallel_loop3A_691 : vector<16xf32>
        %parallel_loop3A_693 = arith.constant 2 : i32
        %parallel_loop3A_694 = vector.broadcast %parallel_loop3A_693 : i32 to vector<16xi32>
        %parallel_loop3A_695 = arith.xori %parallel_loop3A_678, %parallel_loop3A_694 : vector<16xi32>
        %parallel_loop3A_696 = vector.shape_cast %parallel_loop3A_695 : vector<16xi32> to vector<16x1xi32>
        %parallel_loop3A_697 = vector.shape_cast %parallel_loop3A_696 : vector<16x1xi32> to vector<16xi32>
        %parallel_loop3A_698 = tpu.dynamic_gather %parallel_loop3A_692[%parallel_loop3A_697] in [0] : vector<16xf32>, vector<16xi32> -> vector<16xf32>
        %parallel_loop3A_699 = arith.addf %parallel_loop3A_692, %parallel_loop3A_698 : vector<16xf32>
        %parallel_loop3A_700 = arith.constant 1 : i32
        %parallel_loop3A_701 = vector.broadcast %parallel_loop3A_700 : i32 to vector<16xi32>
        %parallel_loop3A_702 = arith.xori %parallel_loop3A_678, %parallel_loop3A_701 : vector<16xi32>
        %parallel_loop3A_703 = vector.shape_cast %parallel_loop3A_702 : vector<16xi32> to vector<16x1xi32>
        %parallel_loop3A_704 = vector.shape_cast %parallel_loop3A_703 : vector<16x1xi32> to vector<16xi32>
        %parallel_loop3A_705 = tpu.dynamic_gather %parallel_loop3A_699[%parallel_loop3A_704] in [0] : vector<16xf32>, vector<16xi32> -> vector<16xf32>
        %parallel_loop3A_706 = arith.addf %parallel_loop3A_699, %parallel_loop3A_705 : vector<16xf32>
        %parallel_loop3A_707 = arith.constant 1.562500e-02 : f32
        %parallel_loop3A_708 = vector.broadcast %parallel_loop3A_707 : f32 to vector<16xf32>
        %parallel_loop3A_709 = arith.mulf %parallel_loop3A_706, %parallel_loop3A_708 : vector<16xf32>
        %parallel_loop3A_710 = arith.mulf %parallel_loop3A_677, %parallel_loop3A_677 : vector<16xf32>
        %parallel_loop3A_711 = arith.subf %parallel_loop3A_709, %parallel_loop3A_710 : vector<16xf32>
        %parallel_loop3A_712 = arith.constant 9.99999974E-6 : f32
        %parallel_loop3A_713 = vector.broadcast %parallel_loop3A_712 : f32 to vector<16xf32>
        %parallel_loop3A_714 = arith.addf %parallel_loop3A_711, %parallel_loop3A_713 : vector<16xf32>
        %parallel_loop3A_715 = vector.bitcast %parallel_loop3A_714 : vector<16xf32> to vector<16xi32>
        %parallel_loop3A_716 = arith.constant 1 : i32
        %parallel_loop3A_717 = vector.broadcast %parallel_loop3A_716 : i32 to vector<16xi32>
        %parallel_loop3A_718 = arith.shrui %parallel_loop3A_715, %parallel_loop3A_717 : vector<16xi32>
        %parallel_loop3A_719 = arith.constant 1597463007 : i32
        %parallel_loop3A_720 = vector.broadcast %parallel_loop3A_719 : i32 to vector<16xi32>
        %parallel_loop3A_721 = arith.subi %parallel_loop3A_720, %parallel_loop3A_718 : vector<16xi32>
        %parallel_loop3A_722 = vector.bitcast %parallel_loop3A_721 : vector<16xi32> to vector<16xf32>
        %parallel_loop3A_723 = arith.constant 5.000000e-01 : f32
        %parallel_loop3A_724 = vector.broadcast %parallel_loop3A_723 : f32 to vector<16xf32>
        %parallel_loop3A_725 = arith.mulf %parallel_loop3A_724, %parallel_loop3A_714 : vector<16xf32>
        %parallel_loop3A_726 = arith.mulf %parallel_loop3A_725, %parallel_loop3A_722 : vector<16xf32>
        %parallel_loop3A_727 = arith.mulf %parallel_loop3A_726, %parallel_loop3A_722 : vector<16xf32>
        %parallel_loop3A_728 = arith.constant 1.500000e+00 : f32
        %parallel_loop3A_729 = vector.broadcast %parallel_loop3A_728 : f32 to vector<16xf32>
        %parallel_loop3A_730 = arith.subf %parallel_loop3A_729, %parallel_loop3A_727 : vector<16xf32>
        %parallel_loop3A_731 = arith.mulf %parallel_loop3A_722, %parallel_loop3A_730 : vector<16xf32>
        %parallel_loop3A_732 = arith.constant 5.000000e-01 : f32
        %parallel_loop3A_733 = vector.broadcast %parallel_loop3A_732 : f32 to vector<16xf32>
        %parallel_loop3A_734 = arith.mulf %parallel_loop3A_733, %parallel_loop3A_714 : vector<16xf32>
        %parallel_loop3A_735 = arith.mulf %parallel_loop3A_734, %parallel_loop3A_731 : vector<16xf32>
        %parallel_loop3A_736 = arith.mulf %parallel_loop3A_735, %parallel_loop3A_731 : vector<16xf32>
        %parallel_loop3A_737 = arith.constant 1.500000e+00 : f32
        %parallel_loop3A_738 = vector.broadcast %parallel_loop3A_737 : f32 to vector<16xf32>
        %parallel_loop3A_739 = arith.subf %parallel_loop3A_738, %parallel_loop3A_736 : vector<16xf32>
        %parallel_loop3A_740 = arith.mulf %parallel_loop3A_731, %parallel_loop3A_739 : vector<16xf32>
        %parallel_loop3A_741 = arith.subf %parallel_loop3A_626, %parallel_loop3A_677 : vector<16xf32>
        %parallel_loop3A_742 = arith.mulf %parallel_loop3A_741, %parallel_loop3A_740 : vector<16xf32>
        %parallel_loop3A_743 = arith.mulf %parallel_loop3A_742, %get3A_3 : vector<16xf32>
        %parallel_loop3A_744 = arith.addf %parallel_loop3A_743, %get3A_11 : vector<16xf32>
        %parallel_loop3A_745 = arith.index_cast %parallel_loop3A_623 : i32 to index
        %parallel_loop3A_746 = arith.constant 0 : index
        %parallel_loop3A_747 = tpu.vector_load %arg14[%parallel_loop3A_745, %parallel_loop3A_746] {strides = array<i32>} : memref<200x64xf32, #tpu.memory_space<vmem>>, vector<16xf32>,
        tpu.vector_store %arg14[%parallel_loop3A_745, %parallel_loop3A_746], %parallel_loop3A_744 {strides = array<i32>} : memref<200x64xf32, #tpu.memory_space<vmem>>, vector<16xf32>,
        %parallel_loop3A_748 = arith.subf %parallel_loop3A_629, %parallel_loop3A_677 : vector<16xf32>
        %parallel_loop3A_749 = arith.mulf %parallel_loop3A_748, %parallel_loop3A_740 : vector<16xf32>
        %parallel_loop3A_750 = arith.mulf %parallel_loop3A_749, %get3A_5 : vector<16xf32>
        %parallel_loop3A_751 = arith.addf %parallel_loop3A_750, %get3A_13 : vector<16xf32>
        %parallel_loop3A_752 = arith.index_cast %parallel_loop3A_623 : i32 to index
        %parallel_loop3A_753 = arith.constant 16 : index
        %parallel_loop3A_754 = tpu.vector_load %arg14[%parallel_loop3A_752, %parallel_loop3A_753] {strides = array<i32>} : memref<200x64xf32, #tpu.memory_space<vmem>>, vector<16xf32>,
        tpu.vector_store %arg14[%parallel_loop3A_752, %parallel_loop3A_753], %parallel_loop3A_751 {strides = array<i32>} : memref<200x64xf32, #tpu.memory_space<vmem>>, vector<16xf32>,
        %parallel_loop3A_755 = arith.subf %parallel_loop3A_632, %parallel_loop3A_677 : vector<16xf32>
        %parallel_loop3A_756 = arith.mulf %parallel_loop3A_755, %parallel_loop3A_740 : vector<16xf32>
        %parallel_loop3A_757 = arith.mulf %parallel_loop3A_756, %get3A_7 : vector<16xf32>
        %parallel_loop3A_758 = arith.addf %parallel_loop3A_757, %get3A_15 : vector<16xf32>
        %parallel_loop3A_759 = arith.index_cast %parallel_loop3A_623 : i32 to index
        %parallel_loop3A_760 = arith.constant 32 : index
        %parallel_loop3A_761 = tpu.vector_load %arg14[%parallel_loop3A_759, %parallel_loop3A_760] {strides = array<i32>} : memref<200x64xf32, #tpu.memory_space<vmem>>, vector<16xf32>,
        tpu.vector_store %arg14[%parallel_loop3A_759, %parallel_loop3A_760], %parallel_loop3A_758 {strides = array<i32>} : memref<200x64xf32, #tpu.memory_space<vmem>>, vector<16xf32>,
        %parallel_loop3A_762 = arith.subf %parallel_loop3A_635, %parallel_loop3A_677 : vector<16xf32>
        %parallel_loop3A_763 = arith.mulf %parallel_loop3A_762, %parallel_loop3A_740 : vector<16xf32>
        %parallel_loop3A_764 = arith.mulf %parallel_loop3A_763, %get3A_9 : vector<16xf32>
        %parallel_loop3A_765 = arith.addf %parallel_loop3A_764, %get3A_17 : vector<16xf32>
        %parallel_loop3A_766 = arith.index_cast %parallel_loop3A_623 : i32 to index
        %parallel_loop3A_767 = arith.constant 48 : index
        %parallel_loop3A_768 = tpu.vector_load %arg14[%parallel_loop3A_766, %parallel_loop3A_767] {strides = array<i32>} : memref<200x64xf32, #tpu.memory_space<vmem>>, vector<16xf32>,
        tpu.vector_store %arg14[%parallel_loop3A_766, %parallel_loop3A_767], %parallel_loop3A_765 {strides = array<i32>} : memref<200x64xf32, #tpu.memory_space<vmem>>, vector<16xf32>,
      } {sc.loop_unroll_factor = 8 : i64, sc.parallel_access}
      %mul3A_265 = arith.constant 4 : i32
      %mul3A_266 = arith.muli %add3A_198, %mul3A_265 : i32
      %add3A_267 = arith.addi %mul3A_2, %mul3A_266 : i32
      %multiple_of3A_268 = tpu.assume_multiple %add3A_267, 4 : i32
      %add3A_269 = arith.constant 0 : i32
      %add3A_270 = arith.addi %multiple_of3A_268, %add3A_269 : i32
      %dma_start3A_271 = arith.constant 0 : i32
      %dma_start3A_272 = arith.constant 0 : i32
      %dma_start3A_273 = tpu.memref_slice %arg14[%dma_start3A_271, %dma_start3A_272] : memref<200x64xf32, #tpu.memory_space<vmem>> -> memref<50x64xf32, #tpu.memory_space<vmem>>
      %dma_start3A_274 = arith.constant 0 : i32
      %dma_start3A_275 = arith.constant 0 : i32
      %dma_start3A_276 = tpu.memref_slice %arg5[%add3A_270, %dma_start3A_274, %dma_start3A_275] : memref<16384x50x64xf32, #tpu.memory_space<hbm>> -> memref<1x50x64xf32, #tpu.memory_space<hbm>>
      %dma_start3A_277 = tpu.memref_squeeze %dma_start3A_276 : memref<1x50x64xf32, #tpu.memory_space<hbm>> -> memref<50x64xf32, #tpu.memory_space<hbm>>
      %dma_start3A_278 = arith.constant 0 : i32
      %dma_start3A_279 = arith.constant 0 : i32
      %dma_start3A_280 = tpu.memref_slice %arg5[%add3A_270, %dma_start3A_278, %dma_start3A_279] : memref<16384x50x64xf32, #tpu.memory_space<hbm>> -> memref<1x50x64xf32, #tpu.memory_space<hbm>>
      %dma_start3A_281 = tpu.memref_squeeze %dma_start3A_280 : memref<1x50x64xf32, #tpu.memory_space<hbm>> -> memref<50x64xf32, #tpu.memory_space<hbm>>
      %dma_start3A_282 = arith.constant 0 : i32
      %dma_start3A_283 = arith.constant 0 : i32
      %dma_start3A_284 = tpu.memref_slice %arg14[%dma_start3A_282, %dma_start3A_283] : memref<200x64xf32, #tpu.memory_space<vmem>> -> memref<50x64xf32, #tpu.memory_space<vmem>>
      tpu.enqueue_dma source(%dma_start3A_284 : memref<50x64xf32, #tpu.memory_space<vmem>>) target(%dma_start3A_281 : memref<50x64xf32, #tpu.memory_space<hbm>>) target_semaphore(%arg20 : memref<!tpu.dma_semaphore, #tpu.memory_space<semaphore_mem>>)
      %add3A_285 = arith.constant 1 : i32
      %add3A_286 = arith.addi %multiple_of3A_268, %add3A_285 : i32
      %dma_start3A_287 = arith.constant 50 : i32
      %dma_start3A_288 = arith.constant 0 : i32
      %dma_start3A_289 = tpu.memref_slice %arg14[%dma_start3A_287, %dma_start3A_288] : memref<200x64xf32, #tpu.memory_space<vmem>> -> memref<50x64xf32, #tpu.memory_space<vmem>>
      %dma_start3A_290 = arith.constant 0 : i32
      %dma_start3A_291 = arith.constant 0 : i32
      %dma_start3A_292 = tpu.memref_slice %arg5[%add3A_286, %dma_start3A_290, %dma_start3A_291] : memref<16384x50x64xf32, #tpu.memory_space<hbm>> -> memref<1x50x64xf32, #tpu.memory_space<hbm>>
      %dma_start3A_293 = tpu.memref_squeeze %dma_start3A_292 : memref<1x50x64xf32, #tpu.memory_space<hbm>> -> memref<50x64xf32, #tpu.memory_space<hbm>>
      %dma_start3A_294 = arith.constant 0 : i32
      %dma_start3A_295 = arith.constant 0 : i32
      %dma_start3A_296 = tpu.memref_slice %arg5[%add3A_286, %dma_start3A_294, %dma_start3A_295] : memref<16384x50x64xf32, #tpu.memory_space<hbm>> -> memref<1x50x64xf32, #tpu.memory_space<hbm>>
      %dma_start3A_297 = tpu.memref_squeeze %dma_start3A_296 : memref<1x50x64xf32, #tpu.memory_space<hbm>> -> memref<50x64xf32, #tpu.memory_space<hbm>>
      %dma_start3A_298 = arith.constant 50 : i32
      %dma_start3A_299 = arith.constant 0 : i32
      %dma_start3A_300 = tpu.memref_slice %arg14[%dma_start3A_298, %dma_start3A_299] : memref<200x64xf32, #tpu.memory_space<vmem>> -> memref<50x64xf32, #tpu.memory_space<vmem>>
      tpu.enqueue_dma source(%dma_start3A_300 : memref<50x64xf32, #tpu.memory_space<vmem>>) target(%dma_start3A_297 : memref<50x64xf32, #tpu.memory_space<hbm>>) target_semaphore(%arg20 : memref<!tpu.dma_semaphore, #tpu.memory_space<semaphore_mem>>)
      %add3A_301 = arith.constant 2 : i32
      %add3A_302 = arith.addi %multiple_of3A_268, %add3A_301 : i32
      %dma_start3A_303 = arith.constant 100 : i32
      %dma_start3A_304 = arith.constant 0 : i32
      %dma_start3A_305 = tpu.memref_slice %arg14[%dma_start3A_303, %dma_start3A_304] : memref<200x64xf32, #tpu.memory_space<vmem>> -> memref<50x64xf32, #tpu.memory_space<vmem>>
      %dma_start3A_306 = arith.constant 0 : i32
      %dma_start3A_307 = arith.constant 0 : i32
      %dma_start3A_308 = tpu.memref_slice %arg5[%add3A_302, %dma_start3A_306, %dma_start3A_307] : memref<16384x50x64xf32, #tpu.memory_space<hbm>> -> memref<1x50x64xf32, #tpu.memory_space<hbm>>
      %dma_start3A_309 = tpu.memref_squeeze %dma_start3A_308 : memref<1x50x64xf32, #tpu.memory_space<hbm>> -> memref<50x64xf32, #tpu.memory_space<hbm>>
      %dma_start3A_310 = arith.constant 0 : i32
      %dma_start3A_311 = arith.constant 0 : i32
      %dma_start3A_312 = tpu.memref_slice %arg5[%add3A_302, %dma_start3A_310, %dma_start3A_311] : memref<16384x50x64xf32, #tpu.memory_space<hbm>> -> memref<1x50x64xf32, #tpu.memory_space<hbm>>
      %dma_start3A_313 = tpu.memref_squeeze %dma_start3A_312 : memref<1x50x64xf32, #tpu.memory_space<hbm>> -> memref<50x64xf32, #tpu.memory_space<hbm>>
      %dma_start3A_314 = arith.constant 100 : i32
      %dma_start3A_315 = arith.constant 0 : i32
      %dma_start3A_316 = tpu.memref_slice %arg14[%dma_start3A_314, %dma_start3A_315] : memref<200x64xf32, #tpu.memory_space<vmem>> -> memref<50x64xf32, #tpu.memory_space<vmem>>
      tpu.enqueue_dma source(%dma_start3A_316 : memref<50x64xf32, #tpu.memory_space<vmem>>) target(%dma_start3A_313 : memref<50x64xf32, #tpu.memory_space<hbm>>) target_semaphore(%arg20 : memref<!tpu.dma_semaphore, #tpu.memory_space<semaphore_mem>>)
      %add3A_317 = arith.constant 3 : i32
      %add3A_318 = arith.addi %multiple_of3A_268, %add3A_317 : i32
      %dma_start3A_319 = arith.constant 150 : i32
      %dma_start3A_320 = arith.constant 0 : i32
      %dma_start3A_321 = tpu.memref_slice %arg14[%dma_start3A_319, %dma_start3A_320] : memref<200x64xf32, #tpu.memory_space<vmem>> -> memref<50x64xf32, #tpu.memory_space<vmem>>
      %dma_start3A_322 = arith.constant 0 : i32
      %dma_start3A_323 = arith.constant 0 : i32
      %dma_start3A_324 = tpu.memref_slice %arg5[%add3A_318, %dma_start3A_322, %dma_start3A_323] : memref<16384x50x64xf32, #tpu.memory_space<hbm>> -> memref<1x50x64xf32, #tpu.memory_space<hbm>>
      %dma_start3A_325 = tpu.memref_squeeze %dma_start3A_324 : memref<1x50x64xf32, #tpu.memory_space<hbm>> -> memref<50x64xf32, #tpu.memory_space<hbm>>
      %dma_start3A_326 = arith.constant 0 : i32
      %dma_start3A_327 = arith.constant 0 : i32
      %dma_start3A_328 = tpu.memref_slice %arg5[%add3A_318, %dma_start3A_326, %dma_start3A_327] : memref<16384x50x64xf32, #tpu.memory_space<hbm>> -> memref<1x50x64xf32, #tpu.memory_space<hbm>>
      %dma_start3A_329 = tpu.memref_squeeze %dma_start3A_328 : memref<1x50x64xf32, #tpu.memory_space<hbm>> -> memref<50x64xf32, #tpu.memory_space<hbm>>
      %dma_start3A_330 = arith.constant 150 : i32
      %dma_start3A_331 = arith.constant 0 : i32
      %dma_start3A_332 = tpu.memref_slice %arg14[%dma_start3A_330, %dma_start3A_331] : memref<200x64xf32, #tpu.memory_space<vmem>> -> memref<50x64xf32, #tpu.memory_space<vmem>>
      tpu.enqueue_dma source(%dma_start3A_332 : memref<50x64xf32, #tpu.memory_space<vmem>>) target(%dma_start3A_329 : memref<50x64xf32, #tpu.memory_space<hbm>>) target_semaphore(%arg20 : memref<!tpu.dma_semaphore, #tpu.memory_space<semaphore_mem>>)
      %lt3A = arith.constant 31 : i32
      %lt3A_333 = arith.cmpi slt, %scan3A_104, %lt3A : i32
      %convert_element_type3A_334 = arith.extui %lt3A_333 : i1 to i32
      %cond3A_335 = arith.constant 0 : i32
      %cond3A_336 = arith.cmpi ne, %convert_element_type3A_334, %cond3A_335 : i32
      scf.if %cond3A_336 {
        %add3A_623 = arith.constant 3 : i32
        %add3A_624 = arith.addi %add3A_198, %add3A_623 : i32
        %mul3A_625 = arith.constant 4 : i32
        %mul3A_626 = arith.muli %add3A_624, %mul3A_625 : i32
        %add3A_627 = arith.addi %mul3A_2, %mul3A_626 : i32
        %mul3A_628 = arith.constant 50 : i32
        %mul3A_629 = arith.muli %add3A_627, %mul3A_628 : i32
        %multiple_of3A_630 = tpu.assume_multiple %mul3A_629, 8 : i32
        "tpu.region"() ({
          %run_scoped3A = tpu.sem_alloc : memref<!tpu.dma_semaphore, #tpu.memory_space<semaphore_mem>>
          %dma_start3A_634 = tpu.memref_slice %arg2[%multiple_of3A_630] : memref<819200xi32, #tpu.memory_space<hbm>> -> memref<200xi32, #tpu.memory_space<hbm>>
          %dma_start3A_635 = tpu.memref_slice %arg2[%multiple_of3A_630] : memref<819200xi32, #tpu.memory_space<hbm>> -> memref<200xi32, #tpu.memory_space<hbm>>
          tpu.enqueue_dma source(%dma_start3A_635 : memref<200xi32, #tpu.memory_space<hbm>>) target(%arg6 : memref<200xi32, #tpu.memory_space<vmem>>) target_semaphore(%run_scoped3A : memref<!tpu.dma_semaphore, #tpu.memory_space<semaphore_mem>>)
          %dma_wait3A_636 = tpu.memref_slice %arg2[%multiple_of3A_630] : memref<819200xi32, #tpu.memory_space<hbm>> -> memref<200xi32, #tpu.memory_space<hbm>>
          %dma_wait3A_637 = tpu.memref_slice %arg2[%multiple_of3A_630] : memref<819200xi32, #tpu.memory_space<hbm>> -> memref<200xi32, #tpu.memory_space<hbm>>
          tpu.wait_dma2 semaphore(%run_scoped3A : memref<!tpu.dma_semaphore, #tpu.memory_space<semaphore_mem>>) src(%dma_wait3A_637 : memref<200xi32, #tpu.memory_space<hbm>>) dst(%arg6 : memref<200xi32, #tpu.memory_space<vmem>>)
          tpu.yield
        }) : () -> ()
        %dma_start3A_631 = arith.constant 0 : i32
        %dma_start3A_632 = arith.constant 0 : i32
        %dma_start3A_633 = tpu.memref_slice %arg3[%dma_start3A_631, %dma_start3A_632] : memref<1000000x128xf32, #tpu.memory_space<hbm>> -> memref<1000000x128xf32, #tpu.memory_space<hbm>>
        tpu.enqueue_indirect_dma source(%dma_start3A_633 : memref<1000000x128xf32, #tpu.memory_space<hbm>>) target(%arg10 : memref<200x128xf32, #tpu.memory_space<vmem>>) offsets(%arg6 : memref<200xi32, #tpu.memory_space<vmem>>) semaphore(%arg16 : memref<!tpu.dma_semaphore, #tpu.memory_space<semaphore_mem>>)
      } else {
      }
      %mul3A_337 = arith.constant 4 : i32
      %mul3A_338 = arith.muli %mul3A_337, %scan3A_104 : i32
      %add3A_339 = arith.constant 2 : i32
      %add3A_340 = arith.addi %mul3A_338, %add3A_339 : i32
      %dma_wait3A_341 = arith.constant 0 : i32
      %dma_wait3A_342 = arith.constant 0 : i32
      %dma_wait3A_343 = tpu.memref_slice %arg3[%dma_wait3A_341, %dma_wait3A_342] : memref<1000000x128xf32, #tpu.memory_space<hbm>> -> memref<1000000x128xf32, #tpu.memory_space<hbm>>
      tpu.wait_indirect_dma semaphore(%arg18 : memref<!tpu.dma_semaphore, #tpu.memory_space<semaphore_mem>>) src(%dma_wait3A_343 : memref<1000000x128xf32, #tpu.memory_space<hbm>>) dst(%arg12 : memref<200x128xf32, #tpu.memory_space<vmem>>)
      %dma_wait3A_344 = arith.constant 0 : i32
      %dma_wait3A_345 = arith.constant 0 : i32
      %dma_wait3A_346 = arith.constant 0 : i32
      %dma_wait3A_347 = tpu.memref_slice %arg14[%dma_wait3A_345, %dma_wait3A_346] : memref<200x64xf32, #tpu.memory_space<vmem>> -> memref<50x64xf32, #tpu.memory_space<vmem>>
      %dma_wait3A_348 = arith.constant 0 : i32
      %dma_wait3A_349 = arith.constant 0 : i32
      %dma_wait3A_350 = tpu.memref_slice %arg5[%dma_wait3A_344, %dma_wait3A_348, %dma_wait3A_349] : memref<16384x50x64xf32, #tpu.memory_space<hbm>> -> memref<1x50x64xf32, #tpu.memory_space<hbm>>
      %dma_wait3A_351 = tpu.memref_squeeze %dma_wait3A_350 : memref<1x50x64xf32, #tpu.memory_space<hbm>> -> memref<50x64xf32, #tpu.memory_space<hbm>>
      %dma_wait3A_352 = arith.constant 0 : i32
      %dma_wait3A_353 = arith.constant 0 : i32
      %dma_wait3A_354 = tpu.memref_slice %arg14[%dma_wait3A_352, %dma_wait3A_353] : memref<200x64xf32, #tpu.memory_space<vmem>> -> memref<50x64xf32, #tpu.memory_space<vmem>>
      %dma_wait3A_355 = arith.constant 0 : i32
      %dma_wait3A_356 = arith.constant 0 : i32
      %dma_wait3A_357 = tpu.memref_slice %arg5[%dma_wait3A_344, %dma_wait3A_355, %dma_wait3A_356] : memref<16384x50x64xf32, #tpu.memory_space<hbm>> -> memref<1x50x64xf32, #tpu.memory_space<hbm>>
      %dma_wait3A_358 = tpu.memref_squeeze %dma_wait3A_357 : memref<1x50x64xf32, #tpu.memory_space<hbm>> -> memref<50x64xf32, #tpu.memory_space<hbm>>
      tpu.wait_dma2 semaphore(%arg20 : memref<!tpu.dma_semaphore, #tpu.memory_space<semaphore_mem>>) src(%dma_wait3A_358 : memref<50x64xf32, #tpu.memory_space<hbm>>) dst(%dma_wait3A_354 : memref<50x64xf32, #tpu.memory_space<vmem>>)
      %dma_wait3A_359 = arith.constant 0 : i32
      %dma_wait3A_360 = arith.constant 50 : i32
      %dma_wait3A_361 = arith.constant 0 : i32
      %dma_wait3A_362 = tpu.memref_slice %arg14[%dma_wait3A_360, %dma_wait3A_361] : memref<200x64xf32, #tpu.memory_space<vmem>> -> memref<50x64xf32, #tpu.memory_space<vmem>>
      %dma_wait3A_363 = arith.constant 0 : i32
      %dma_wait3A_364 = arith.constant 0 : i32
      %dma_wait3A_365 = tpu.memref_slice %arg5[%dma_wait3A_359, %dma_wait3A_363, %dma_wait3A_364] : memref<16384x50x64xf32, #tpu.memory_space<hbm>> -> memref<1x50x64xf32, #tpu.memory_space<hbm>>
      %dma_wait3A_366 = tpu.memref_squeeze %dma_wait3A_365 : memref<1x50x64xf32, #tpu.memory_space<hbm>> -> memref<50x64xf32, #tpu.memory_space<hbm>>
      %dma_wait3A_367 = arith.constant 50 : i32
      %dma_wait3A_368 = arith.constant 0 : i32
      %dma_wait3A_369 = tpu.memref_slice %arg14[%dma_wait3A_367, %dma_wait3A_368] : memref<200x64xf32, #tpu.memory_space<vmem>> -> memref<50x64xf32, #tpu.memory_space<vmem>>
      %dma_wait3A_370 = arith.constant 0 : i32
      %dma_wait3A_371 = arith.constant 0 : i32
      %dma_wait3A_372 = tpu.memref_slice %arg5[%dma_wait3A_359, %dma_wait3A_370, %dma_wait3A_371] : memref<16384x50x64xf32, #tpu.memory_space<hbm>> -> memref<1x50x64xf32, #tpu.memory_space<hbm>>
      %dma_wait3A_373 = tpu.memref_squeeze %dma_wait3A_372 : memref<1x50x64xf32, #tpu.memory_space<hbm>> -> memref<50x64xf32, #tpu.memory_space<hbm>>
      tpu.wait_dma2 semaphore(%arg20 : memref<!tpu.dma_semaphore, #tpu.memory_space<semaphore_mem>>) src(%dma_wait3A_373 : memref<50x64xf32, #tpu.memory_space<hbm>>) dst(%dma_wait3A_369 : memref<50x64xf32, #tpu.memory_space<vmem>>)
      %dma_wait3A_374 = arith.constant 0 : i32
      %dma_wait3A_375 = arith.constant 100 : i32
      %dma_wait3A_376 = arith.constant 0 : i32
      %dma_wait3A_377 = tpu.memref_slice %arg14[%dma_wait3A_375, %dma_wait3A_376] : memref<200x64xf32, #tpu.memory_space<vmem>> -> memref<50x64xf32, #tpu.memory_space<vmem>>
      %dma_wait3A_378 = arith.constant 0 : i32
      %dma_wait3A_379 = arith.constant 0 : i32
      %dma_wait3A_380 = tpu.memref_slice %arg5[%dma_wait3A_374, %dma_wait3A_378, %dma_wait3A_379] : memref<16384x50x64xf32, #tpu.memory_space<hbm>> -> memref<1x50x64xf32, #tpu.memory_space<hbm>>
      %dma_wait3A_381 = tpu.memref_squeeze %dma_wait3A_380 : memref<1x50x64xf32, #tpu.memory_space<hbm>> -> memref<50x64xf32, #tpu.memory_space<hbm>>
      %dma_wait3A_382 = arith.constant 100 : i32
      %dma_wait3A_383 = arith.constant 0 : i32
      %dma_wait3A_384 = tpu.memref_slice %arg14[%dma_wait3A_382, %dma_wait3A_383] : memref<200x64xf32, #tpu.memory_space<vmem>> -> memref<50x64xf32, #tpu.memory_space<vmem>>
      %dma_wait3A_385 = arith.constant 0 : i32
      %dma_wait3A_386 = arith.constant 0 : i32
      %dma_wait3A_387 = tpu.memref_slice %arg5[%dma_wait3A_374, %dma_wait3A_385, %dma_wait3A_386] : memref<16384x50x64xf32, #tpu.memory_space<hbm>> -> memref<1x50x64xf32, #tpu.memory_space<hbm>>
      %dma_wait3A_388 = tpu.memref_squeeze %dma_wait3A_387 : memref<1x50x64xf32, #tpu.memory_space<hbm>> -> memref<50x64xf32, #tpu.memory_space<hbm>>
      tpu.wait_dma2 semaphore(%arg20 : memref<!tpu.dma_semaphore, #tpu.memory_space<semaphore_mem>>) src(%dma_wait3A_388 : memref<50x64xf32, #tpu.memory_space<hbm>>) dst(%dma_wait3A_384 : memref<50x64xf32, #tpu.memory_space<vmem>>)
      %dma_wait3A_389 = arith.constant 0 : i32
      %dma_wait3A_390 = arith.constant 150 : i32
      %dma_wait3A_391 = arith.constant 0 : i32
      %dma_wait3A_392 = tpu.memref_slice %arg14[%dma_wait3A_390, %dma_wait3A_391] : memref<200x64xf32, #tpu.memory_space<vmem>> -> memref<50x64xf32, #tpu.memory_space<vmem>>
      %dma_wait3A_393 = arith.constant 0 : i32
      %dma_wait3A_394 = arith.constant 0 : i32
      %dma_wait3A_395 = tpu.memref_slice %arg5[%dma_wait3A_389, %dma_wait3A_393, %dma_wait3A_394] : memref<16384x50x64xf32, #tpu.memory_space<hbm>> -> memref<1x50x64xf32, #tpu.memory_space<hbm>>
      %dma_wait3A_396 = tpu.memref_squeeze %dma_wait3A_395 : memref<1x50x64xf32, #tpu.memory_space<hbm>> -> memref<50x64xf32, #tpu.memory_space<hbm>>
      %dma_wait3A_397 = arith.constant 150 : i32
      %dma_wait3A_398 = arith.constant 0 : i32
      %dma_wait3A_399 = tpu.memref_slice %arg14[%dma_wait3A_397, %dma_wait3A_398] : memref<200x64xf32, #tpu.memory_space<vmem>> -> memref<50x64xf32, #tpu.memory_space<vmem>>
      %dma_wait3A_400 = arith.constant 0 : i32
      %dma_wait3A_401 = arith.constant 0 : i32
      %dma_wait3A_402 = tpu.memref_slice %arg5[%dma_wait3A_389, %dma_wait3A_400, %dma_wait3A_401] : memref<16384x50x64xf32, #tpu.memory_space<hbm>> -> memref<1x50x64xf32, #tpu.memory_space<hbm>>
      %dma_wait3A_403 = tpu.memref_squeeze %dma_wait3A_402 : memref<1x50x64xf32, #tpu.memory_space<hbm>> -> memref<50x64xf32, #tpu.memory_space<hbm>>
      tpu.wait_dma2 semaphore(%arg20 : memref<!tpu.dma_semaphore, #tpu.memory_space<semaphore_mem>>) src(%dma_wait3A_403 : memref<50x64xf32, #tpu.memory_space<hbm>>) dst(%dma_wait3A_399 : memref<50x64xf32, #tpu.memory_space<vmem>>)
      %parallel_loop3A_404 = arith.constant 0 : i32
      %parallel_loop3A_405 = arith.constant 200 : i32
      %parallel_loop3A_406 = arith.constant 1 : i32
      scf.for %parallel_loop3A_623 = %parallel_loop3A_404 to %parallel_loop3A_405 step %parallel_loop3A_406  : i32 {
        %parallel_loop3A_624 = arith.index_cast %parallel_loop3A_623 : i32 to index
        %parallel_loop3A_625 = arith.constant 0 : index
        %parallel_loop3A_626 = tpu.vector_load %arg12[%parallel_loop3A_624, %parallel_loop3A_625] {strides = array<i32>} : memref<200x128xf32, #tpu.memory_space<vmem>>, vector<16xf32>,
        %parallel_loop3A_627 = arith.index_cast %parallel_loop3A_623 : i32 to index
        %parallel_loop3A_628 = arith.constant 16 : index
        %parallel_loop3A_629 = tpu.vector_load %arg12[%parallel_loop3A_627, %parallel_loop3A_628] {strides = array<i32>} : memref<200x128xf32, #tpu.memory_space<vmem>>, vector<16xf32>,
        %parallel_loop3A_630 = arith.index_cast %parallel_loop3A_623 : i32 to index
        %parallel_loop3A_631 = arith.constant 32 : index
        %parallel_loop3A_632 = tpu.vector_load %arg12[%parallel_loop3A_630, %parallel_loop3A_631] {strides = array<i32>} : memref<200x128xf32, #tpu.memory_space<vmem>>, vector<16xf32>,
        %parallel_loop3A_633 = arith.index_cast %parallel_loop3A_623 : i32 to index
        %parallel_loop3A_634 = arith.constant 48 : index
        %parallel_loop3A_635 = tpu.vector_load %arg12[%parallel_loop3A_633, %parallel_loop3A_634] {strides = array<i32>} : memref<200x128xf32, #tpu.memory_space<vmem>>, vector<16xf32>,
        %parallel_loop3A_636 = arith.addf %parallel_loop3A_626, %parallel_loop3A_629 : vector<16xf32>
        %parallel_loop3A_637 = arith.addf %parallel_loop3A_632, %parallel_loop3A_635 : vector<16xf32>
        %parallel_loop3A_638 = arith.addf %parallel_loop3A_636, %parallel_loop3A_637 : vector<16xf32>
        %parallel_loop3A_639 = arith.mulf %parallel_loop3A_626, %parallel_loop3A_626 : vector<16xf32>
        %parallel_loop3A_640 = arith.mulf %parallel_loop3A_629, %parallel_loop3A_629 : vector<16xf32>
        %parallel_loop3A_641 = arith.addf %parallel_loop3A_639, %parallel_loop3A_640 : vector<16xf32>
        %parallel_loop3A_642 = arith.mulf %parallel_loop3A_632, %parallel_loop3A_632 : vector<16xf32>
        %parallel_loop3A_643 = arith.mulf %parallel_loop3A_635, %parallel_loop3A_635 : vector<16xf32>
        %parallel_loop3A_644 = arith.addf %parallel_loop3A_642, %parallel_loop3A_643 : vector<16xf32>
        %parallel_loop3A_645 = arith.addf %parallel_loop3A_641, %parallel_loop3A_644 : vector<16xf32>
        %parallel_loop3A_646 = tpu.iota {dimensions = array<i32: 0>} : vector<16xi32>
        %parallel_loop3A_647 = arith.constant 8 : i32
        %parallel_loop3A_648 = vector.broadcast %parallel_loop3A_647 : i32 to vector<16xi32>
        %parallel_loop3A_649 = arith.xori %parallel_loop3A_646, %parallel_loop3A_648 : vector<16xi32>
        %parallel_loop3A_650 = vector.shape_cast %parallel_loop3A_649 : vector<16xi32> to vector<16x1xi32>
        %parallel_loop3A_651 = vector.shape_cast %parallel_loop3A_650 : vector<16x1xi32> to vector<16xi32>
        %parallel_loop3A_652 = tpu.dynamic_gather %parallel_loop3A_638[%parallel_loop3A_651] in [0] : vector<16xf32>, vector<16xi32> -> vector<16xf32>
        %parallel_loop3A_653 = arith.addf %parallel_loop3A_638, %parallel_loop3A_652 : vector<16xf32>
        %parallel_loop3A_654 = arith.constant 4 : i32
        %parallel_loop3A_655 = vector.broadcast %parallel_loop3A_654 : i32 to vector<16xi32>
        %parallel_loop3A_656 = arith.xori %parallel_loop3A_646, %parallel_loop3A_655 : vector<16xi32>
        %parallel_loop3A_657 = vector.shape_cast %parallel_loop3A_656 : vector<16xi32> to vector<16x1xi32>
        %parallel_loop3A_658 = vector.shape_cast %parallel_loop3A_657 : vector<16x1xi32> to vector<16xi32>
        %parallel_loop3A_659 = tpu.dynamic_gather %parallel_loop3A_653[%parallel_loop3A_658] in [0] : vector<16xf32>, vector<16xi32> -> vector<16xf32>
        %parallel_loop3A_660 = arith.addf %parallel_loop3A_653, %parallel_loop3A_659 : vector<16xf32>
        %parallel_loop3A_661 = arith.constant 2 : i32
        %parallel_loop3A_662 = vector.broadcast %parallel_loop3A_661 : i32 to vector<16xi32>
        %parallel_loop3A_663 = arith.xori %parallel_loop3A_646, %parallel_loop3A_662 : vector<16xi32>
        %parallel_loop3A_664 = vector.shape_cast %parallel_loop3A_663 : vector<16xi32> to vector<16x1xi32>
        %parallel_loop3A_665 = vector.shape_cast %parallel_loop3A_664 : vector<16x1xi32> to vector<16xi32>
        %parallel_loop3A_666 = tpu.dynamic_gather %parallel_loop3A_660[%parallel_loop3A_665] in [0] : vector<16xf32>, vector<16xi32> -> vector<16xf32>
        %parallel_loop3A_667 = arith.addf %parallel_loop3A_660, %parallel_loop3A_666 : vector<16xf32>
        %parallel_loop3A_668 = arith.constant 1 : i32
        %parallel_loop3A_669 = vector.broadcast %parallel_loop3A_668 : i32 to vector<16xi32>
        %parallel_loop3A_670 = arith.xori %parallel_loop3A_646, %parallel_loop3A_669 : vector<16xi32>
        %parallel_loop3A_671 = vector.shape_cast %parallel_loop3A_670 : vector<16xi32> to vector<16x1xi32>
        %parallel_loop3A_672 = vector.shape_cast %parallel_loop3A_671 : vector<16x1xi32> to vector<16xi32>
        %parallel_loop3A_673 = tpu.dynamic_gather %parallel_loop3A_667[%parallel_loop3A_672] in [0] : vector<16xf32>, vector<16xi32> -> vector<16xf32>
        %parallel_loop3A_674 = arith.addf %parallel_loop3A_667, %parallel_loop3A_673 : vector<16xf32>
        %parallel_loop3A_675 = arith.constant 1.562500e-02 : f32
        %parallel_loop3A_676 = vector.broadcast %parallel_loop3A_675 : f32 to vector<16xf32>
        %parallel_loop3A_677 = arith.mulf %parallel_loop3A_674, %parallel_loop3A_676 : vector<16xf32>
        %parallel_loop3A_678 = tpu.iota {dimensions = array<i32: 0>} : vector<16xi32>
        %parallel_loop3A_679 = arith.constant 8 : i32
        %parallel_loop3A_680 = vector.broadcast %parallel_loop3A_679 : i32 to vector<16xi32>
        %parallel_loop3A_681 = arith.xori %parallel_loop3A_678, %parallel_loop3A_680 : vector<16xi32>
        %parallel_loop3A_682 = vector.shape_cast %parallel_loop3A_681 : vector<16xi32> to vector<16x1xi32>
        %parallel_loop3A_683 = vector.shape_cast %parallel_loop3A_682 : vector<16x1xi32> to vector<16xi32>
        %parallel_loop3A_684 = tpu.dynamic_gather %parallel_loop3A_645[%parallel_loop3A_683] in [0] : vector<16xf32>, vector<16xi32> -> vector<16xf32>
        %parallel_loop3A_685 = arith.addf %parallel_loop3A_645, %parallel_loop3A_684 : vector<16xf32>
        %parallel_loop3A_686 = arith.constant 4 : i32
        %parallel_loop3A_687 = vector.broadcast %parallel_loop3A_686 : i32 to vector<16xi32>
        %parallel_loop3A_688 = arith.xori %parallel_loop3A_678, %parallel_loop3A_687 : vector<16xi32>
        %parallel_loop3A_689 = vector.shape_cast %parallel_loop3A_688 : vector<16xi32> to vector<16x1xi32>
        %parallel_loop3A_690 = vector.shape_cast %parallel_loop3A_689 : vector<16x1xi32> to vector<16xi32>
        %parallel_loop3A_691 = tpu.dynamic_gather %parallel_loop3A_685[%parallel_loop3A_690] in [0] : vector<16xf32>, vector<16xi32> -> vector<16xf32>
        %parallel_loop3A_692 = arith.addf %parallel_loop3A_685, %parallel_loop3A_691 : vector<16xf32>
        %parallel_loop3A_693 = arith.constant 2 : i32
        %parallel_loop3A_694 = vector.broadcast %parallel_loop3A_693 : i32 to vector<16xi32>
        %parallel_loop3A_695 = arith.xori %parallel_loop3A_678, %parallel_loop3A_694 : vector<16xi32>
        %parallel_loop3A_696 = vector.shape_cast %parallel_loop3A_695 : vector<16xi32> to vector<16x1xi32>
        %parallel_loop3A_697 = vector.shape_cast %parallel_loop3A_696 : vector<16x1xi32> to vector<16xi32>
        %parallel_loop3A_698 = tpu.dynamic_gather %parallel_loop3A_692[%parallel_loop3A_697] in [0] : vector<16xf32>, vector<16xi32> -> vector<16xf32>
        %parallel_loop3A_699 = arith.addf %parallel_loop3A_692, %parallel_loop3A_698 : vector<16xf32>
        %parallel_loop3A_700 = arith.constant 1 : i32
        %parallel_loop3A_701 = vector.broadcast %parallel_loop3A_700 : i32 to vector<16xi32>
        %parallel_loop3A_702 = arith.xori %parallel_loop3A_678, %parallel_loop3A_701 : vector<16xi32>
        %parallel_loop3A_703 = vector.shape_cast %parallel_loop3A_702 : vector<16xi32> to vector<16x1xi32>
        %parallel_loop3A_704 = vector.shape_cast %parallel_loop3A_703 : vector<16x1xi32> to vector<16xi32>
        %parallel_loop3A_705 = tpu.dynamic_gather %parallel_loop3A_699[%parallel_loop3A_704] in [0] : vector<16xf32>, vector<16xi32> -> vector<16xf32>
        %parallel_loop3A_706 = arith.addf %parallel_loop3A_699, %parallel_loop3A_705 : vector<16xf32>
        %parallel_loop3A_707 = arith.constant 1.562500e-02 : f32
        %parallel_loop3A_708 = vector.broadcast %parallel_loop3A_707 : f32 to vector<16xf32>
        %parallel_loop3A_709 = arith.mulf %parallel_loop3A_706, %parallel_loop3A_708 : vector<16xf32>
        %parallel_loop3A_710 = arith.mulf %parallel_loop3A_677, %parallel_loop3A_677 : vector<16xf32>
        %parallel_loop3A_711 = arith.subf %parallel_loop3A_709, %parallel_loop3A_710 : vector<16xf32>
        %parallel_loop3A_712 = arith.constant 9.99999974E-6 : f32
        %parallel_loop3A_713 = vector.broadcast %parallel_loop3A_712 : f32 to vector<16xf32>
        %parallel_loop3A_714 = arith.addf %parallel_loop3A_711, %parallel_loop3A_713 : vector<16xf32>
        %parallel_loop3A_715 = vector.bitcast %parallel_loop3A_714 : vector<16xf32> to vector<16xi32>
        %parallel_loop3A_716 = arith.constant 1 : i32
        %parallel_loop3A_717 = vector.broadcast %parallel_loop3A_716 : i32 to vector<16xi32>
        %parallel_loop3A_718 = arith.shrui %parallel_loop3A_715, %parallel_loop3A_717 : vector<16xi32>
        %parallel_loop3A_719 = arith.constant 1597463007 : i32
        %parallel_loop3A_720 = vector.broadcast %parallel_loop3A_719 : i32 to vector<16xi32>
        %parallel_loop3A_721 = arith.subi %parallel_loop3A_720, %parallel_loop3A_718 : vector<16xi32>
        %parallel_loop3A_722 = vector.bitcast %parallel_loop3A_721 : vector<16xi32> to vector<16xf32>
        %parallel_loop3A_723 = arith.constant 5.000000e-01 : f32
        %parallel_loop3A_724 = vector.broadcast %parallel_loop3A_723 : f32 to vector<16xf32>
        %parallel_loop3A_725 = arith.mulf %parallel_loop3A_724, %parallel_loop3A_714 : vector<16xf32>
        %parallel_loop3A_726 = arith.mulf %parallel_loop3A_725, %parallel_loop3A_722 : vector<16xf32>
        %parallel_loop3A_727 = arith.mulf %parallel_loop3A_726, %parallel_loop3A_722 : vector<16xf32>
        %parallel_loop3A_728 = arith.constant 1.500000e+00 : f32
        %parallel_loop3A_729 = vector.broadcast %parallel_loop3A_728 : f32 to vector<16xf32>
        %parallel_loop3A_730 = arith.subf %parallel_loop3A_729, %parallel_loop3A_727 : vector<16xf32>
        %parallel_loop3A_731 = arith.mulf %parallel_loop3A_722, %parallel_loop3A_730 : vector<16xf32>
        %parallel_loop3A_732 = arith.constant 5.000000e-01 : f32
        %parallel_loop3A_733 = vector.broadcast %parallel_loop3A_732 : f32 to vector<16xf32>
        %parallel_loop3A_734 = arith.mulf %parallel_loop3A_733, %parallel_loop3A_714 : vector<16xf32>
        %parallel_loop3A_735 = arith.mulf %parallel_loop3A_734, %parallel_loop3A_731 : vector<16xf32>
        %parallel_loop3A_736 = arith.mulf %parallel_loop3A_735, %parallel_loop3A_731 : vector<16xf32>
        %parallel_loop3A_737 = arith.constant 1.500000e+00 : f32
        %parallel_loop3A_738 = vector.broadcast %parallel_loop3A_737 : f32 to vector<16xf32>
        %parallel_loop3A_739 = arith.subf %parallel_loop3A_738, %parallel_loop3A_736 : vector<16xf32>
        %parallel_loop3A_740 = arith.mulf %parallel_loop3A_731, %parallel_loop3A_739 : vector<16xf32>
        %parallel_loop3A_741 = arith.subf %parallel_loop3A_626, %parallel_loop3A_677 : vector<16xf32>
        %parallel_loop3A_742 = arith.mulf %parallel_loop3A_741, %parallel_loop3A_740 : vector<16xf32>
        %parallel_loop3A_743 = arith.mulf %parallel_loop3A_742, %get3A_3 : vector<16xf32>
        %parallel_loop3A_744 = arith.addf %parallel_loop3A_743, %get3A_11 : vector<16xf32>
        %parallel_loop3A_745 = arith.index_cast %parallel_loop3A_623 : i32 to index
        %parallel_loop3A_746 = arith.constant 0 : index
        %parallel_loop3A_747 = tpu.vector_load %arg14[%parallel_loop3A_745, %parallel_loop3A_746] {strides = array<i32>} : memref<200x64xf32, #tpu.memory_space<vmem>>, vector<16xf32>,
        tpu.vector_store %arg14[%parallel_loop3A_745, %parallel_loop3A_746], %parallel_loop3A_744 {strides = array<i32>} : memref<200x64xf32, #tpu.memory_space<vmem>>, vector<16xf32>,
        %parallel_loop3A_748 = arith.subf %parallel_loop3A_629, %parallel_loop3A_677 : vector<16xf32>
        %parallel_loop3A_749 = arith.mulf %parallel_loop3A_748, %parallel_loop3A_740 : vector<16xf32>
        %parallel_loop3A_750 = arith.mulf %parallel_loop3A_749, %get3A_5 : vector<16xf32>
        %parallel_loop3A_751 = arith.addf %parallel_loop3A_750, %get3A_13 : vector<16xf32>
        %parallel_loop3A_752 = arith.index_cast %parallel_loop3A_623 : i32 to index
        %parallel_loop3A_753 = arith.constant 16 : index
        %parallel_loop3A_754 = tpu.vector_load %arg14[%parallel_loop3A_752, %parallel_loop3A_753] {strides = array<i32>} : memref<200x64xf32, #tpu.memory_space<vmem>>, vector<16xf32>,
        tpu.vector_store %arg14[%parallel_loop3A_752, %parallel_loop3A_753], %parallel_loop3A_751 {strides = array<i32>} : memref<200x64xf32, #tpu.memory_space<vmem>>, vector<16xf32>,
        %parallel_loop3A_755 = arith.subf %parallel_loop3A_632, %parallel_loop3A_677 : vector<16xf32>
        %parallel_loop3A_756 = arith.mulf %parallel_loop3A_755, %parallel_loop3A_740 : vector<16xf32>
        %parallel_loop3A_757 = arith.mulf %parallel_loop3A_756, %get3A_7 : vector<16xf32>
        %parallel_loop3A_758 = arith.addf %parallel_loop3A_757, %get3A_15 : vector<16xf32>
        %parallel_loop3A_759 = arith.index_cast %parallel_loop3A_623 : i32 to index
        %parallel_loop3A_760 = arith.constant 32 : index
        %parallel_loop3A_761 = tpu.vector_load %arg14[%parallel_loop3A_759, %parallel_loop3A_760] {strides = array<i32>} : memref<200x64xf32, #tpu.memory_space<vmem>>, vector<16xf32>,
        tpu.vector_store %arg14[%parallel_loop3A_759, %parallel_loop3A_760], %parallel_loop3A_758 {strides = array<i32>} : memref<200x64xf32, #tpu.memory_space<vmem>>, vector<16xf32>,
        %parallel_loop3A_762 = arith.subf %parallel_loop3A_635, %parallel_loop3A_677 : vector<16xf32>
        %parallel_loop3A_763 = arith.mulf %parallel_loop3A_762, %parallel_loop3A_740 : vector<16xf32>
        %parallel_loop3A_764 = arith.mulf %parallel_loop3A_763, %get3A_9 : vector<16xf32>
        %parallel_loop3A_765 = arith.addf %parallel_loop3A_764, %get3A_17 : vector<16xf32>
        %parallel_loop3A_766 = arith.index_cast %parallel_loop3A_623 : i32 to index
        %parallel_loop3A_767 = arith.constant 48 : index
        %parallel_loop3A_768 = tpu.vector_load %arg14[%parallel_loop3A_766, %parallel_loop3A_767] {strides = array<i32>} : memref<200x64xf32, #tpu.memory_space<vmem>>, vector<16xf32>,
        tpu.vector_store %arg14[%parallel_loop3A_766, %parallel_loop3A_767], %parallel_loop3A_765 {strides = array<i32>} : memref<200x64xf32, #tpu.memory_space<vmem>>, vector<16xf32>,
      } {sc.loop_unroll_factor = 8 : i64, sc.parallel_access}
      %mul3A_407 = arith.constant 4 : i32
      %mul3A_408 = arith.muli %add3A_340, %mul3A_407 : i32
      %add3A_409 = arith.addi %mul3A_2, %mul3A_408 : i32
      %multiple_of3A_410 = tpu.assume_multiple %add3A_409, 4 : i32
      %add3A_411 = arith.constant 0 : i32
      %add3A_412 = arith.addi %multiple_of3A_410, %add3A_411 : i32
      %dma_start3A_413 = arith.constant 0 : i32
      %dma_start3A_414 = arith.constant 0 : i32
      %dma_start3A_415 = tpu.memref_slice %arg14[%dma_start3A_413, %dma_start3A_414] : memref<200x64xf32, #tpu.memory_space<vmem>> -> memref<50x64xf32, #tpu.memory_space<vmem>>
      %dma_start3A_416 = arith.constant 0 : i32
      %dma_start3A_417 = arith.constant 0 : i32
      %dma_start3A_418 = tpu.memref_slice %arg5[%add3A_412, %dma_start3A_416, %dma_start3A_417] : memref<16384x50x64xf32, #tpu.memory_space<hbm>> -> memref<1x50x64xf32, #tpu.memory_space<hbm>>
      %dma_start3A_419 = tpu.memref_squeeze %dma_start3A_418 : memref<1x50x64xf32, #tpu.memory_space<hbm>> -> memref<50x64xf32, #tpu.memory_space<hbm>>
      %dma_start3A_420 = arith.constant 0 : i32
      %dma_start3A_421 = arith.constant 0 : i32
      %dma_start3A_422 = tpu.memref_slice %arg5[%add3A_412, %dma_start3A_420, %dma_start3A_421] : memref<16384x50x64xf32, #tpu.memory_space<hbm>> -> memref<1x50x64xf32, #tpu.memory_space<hbm>>
      %dma_start3A_423 = tpu.memref_squeeze %dma_start3A_422 : memref<1x50x64xf32, #tpu.memory_space<hbm>> -> memref<50x64xf32, #tpu.memory_space<hbm>>
      %dma_start3A_424 = arith.constant 0 : i32
      %dma_start3A_425 = arith.constant 0 : i32
      %dma_start3A_426 = tpu.memref_slice %arg14[%dma_start3A_424, %dma_start3A_425] : memref<200x64xf32, #tpu.memory_space<vmem>> -> memref<50x64xf32, #tpu.memory_space<vmem>>
      tpu.enqueue_dma source(%dma_start3A_426 : memref<50x64xf32, #tpu.memory_space<vmem>>) target(%dma_start3A_423 : memref<50x64xf32, #tpu.memory_space<hbm>>) target_semaphore(%arg20 : memref<!tpu.dma_semaphore, #tpu.memory_space<semaphore_mem>>)
      %add3A_427 = arith.constant 1 : i32
      %add3A_428 = arith.addi %multiple_of3A_410, %add3A_427 : i32
      %dma_start3A_429 = arith.constant 50 : i32
      %dma_start3A_430 = arith.constant 0 : i32
      %dma_start3A_431 = tpu.memref_slice %arg14[%dma_start3A_429, %dma_start3A_430] : memref<200x64xf32, #tpu.memory_space<vmem>> -> memref<50x64xf32, #tpu.memory_space<vmem>>
      %dma_start3A_432 = arith.constant 0 : i32
      %dma_start3A_433 = arith.constant 0 : i32
      %dma_start3A_434 = tpu.memref_slice %arg5[%add3A_428, %dma_start3A_432, %dma_start3A_433] : memref<16384x50x64xf32, #tpu.memory_space<hbm>> -> memref<1x50x64xf32, #tpu.memory_space<hbm>>
      %dma_start3A_435 = tpu.memref_squeeze %dma_start3A_434 : memref<1x50x64xf32, #tpu.memory_space<hbm>> -> memref<50x64xf32, #tpu.memory_space<hbm>>
      %dma_start3A_436 = arith.constant 0 : i32
      %dma_start3A_437 = arith.constant 0 : i32
      %dma_start3A_438 = tpu.memref_slice %arg5[%add3A_428, %dma_start3A_436, %dma_start3A_437] : memref<16384x50x64xf32, #tpu.memory_space<hbm>> -> memref<1x50x64xf32, #tpu.memory_space<hbm>>
      %dma_start3A_439 = tpu.memref_squeeze %dma_start3A_438 : memref<1x50x64xf32, #tpu.memory_space<hbm>> -> memref<50x64xf32, #tpu.memory_space<hbm>>
      %dma_start3A_440 = arith.constant 50 : i32
      %dma_start3A_441 = arith.constant 0 : i32
      %dma_start3A_442 = tpu.memref_slice %arg14[%dma_start3A_440, %dma_start3A_441] : memref<200x64xf32, #tpu.memory_space<vmem>> -> memref<50x64xf32, #tpu.memory_space<vmem>>
      tpu.enqueue_dma source(%dma_start3A_442 : memref<50x64xf32, #tpu.memory_space<vmem>>) target(%dma_start3A_439 : memref<50x64xf32, #tpu.memory_space<hbm>>) target_semaphore(%arg20 : memref<!tpu.dma_semaphore, #tpu.memory_space<semaphore_mem>>)
      %add3A_443 = arith.constant 2 : i32
      %add3A_444 = arith.addi %multiple_of3A_410, %add3A_443 : i32
      %dma_start3A_445 = arith.constant 100 : i32
      %dma_start3A_446 = arith.constant 0 : i32
      %dma_start3A_447 = tpu.memref_slice %arg14[%dma_start3A_445, %dma_start3A_446] : memref<200x64xf32, #tpu.memory_space<vmem>> -> memref<50x64xf32, #tpu.memory_space<vmem>>
      %dma_start3A_448 = arith.constant 0 : i32
      %dma_start3A_449 = arith.constant 0 : i32
      %dma_start3A_450 = tpu.memref_slice %arg5[%add3A_444, %dma_start3A_448, %dma_start3A_449] : memref<16384x50x64xf32, #tpu.memory_space<hbm>> -> memref<1x50x64xf32, #tpu.memory_space<hbm>>
      %dma_start3A_451 = tpu.memref_squeeze %dma_start3A_450 : memref<1x50x64xf32, #tpu.memory_space<hbm>> -> memref<50x64xf32, #tpu.memory_space<hbm>>
      %dma_start3A_452 = arith.constant 0 : i32
      %dma_start3A_453 = arith.constant 0 : i32
      %dma_start3A_454 = tpu.memref_slice %arg5[%add3A_444, %dma_start3A_452, %dma_start3A_453] : memref<16384x50x64xf32, #tpu.memory_space<hbm>> -> memref<1x50x64xf32, #tpu.memory_space<hbm>>
      %dma_start3A_455 = tpu.memref_squeeze %dma_start3A_454 : memref<1x50x64xf32, #tpu.memory_space<hbm>> -> memref<50x64xf32, #tpu.memory_space<hbm>>
      %dma_start3A_456 = arith.constant 100 : i32
      %dma_start3A_457 = arith.constant 0 : i32
      %dma_start3A_458 = tpu.memref_slice %arg14[%dma_start3A_456, %dma_start3A_457] : memref<200x64xf32, #tpu.memory_space<vmem>> -> memref<50x64xf32, #tpu.memory_space<vmem>>
      tpu.enqueue_dma source(%dma_start3A_458 : memref<50x64xf32, #tpu.memory_space<vmem>>) target(%dma_start3A_455 : memref<50x64xf32, #tpu.memory_space<hbm>>) target_semaphore(%arg20 : memref<!tpu.dma_semaphore, #tpu.memory_space<semaphore_mem>>)
      %add3A_459 = arith.constant 3 : i32
      %add3A_460 = arith.addi %multiple_of3A_410, %add3A_459 : i32
      %dma_start3A_461 = arith.constant 150 : i32
      %dma_start3A_462 = arith.constant 0 : i32
      %dma_start3A_463 = tpu.memref_slice %arg14[%dma_start3A_461, %dma_start3A_462] : memref<200x64xf32, #tpu.memory_space<vmem>> -> memref<50x64xf32, #tpu.memory_space<vmem>>
      %dma_start3A_464 = arith.constant 0 : i32
      %dma_start3A_465 = arith.constant 0 : i32
      %dma_start3A_466 = tpu.memref_slice %arg5[%add3A_460, %dma_start3A_464, %dma_start3A_465] : memref<16384x50x64xf32, #tpu.memory_space<hbm>> -> memref<1x50x64xf32, #tpu.memory_space<hbm>>
      %dma_start3A_467 = tpu.memref_squeeze %dma_start3A_466 : memref<1x50x64xf32, #tpu.memory_space<hbm>> -> memref<50x64xf32, #tpu.memory_space<hbm>>
      %dma_start3A_468 = arith.constant 0 : i32
      %dma_start3A_469 = arith.constant 0 : i32
      %dma_start3A_470 = tpu.memref_slice %arg5[%add3A_460, %dma_start3A_468, %dma_start3A_469] : memref<16384x50x64xf32, #tpu.memory_space<hbm>> -> memref<1x50x64xf32, #tpu.memory_space<hbm>>
      %dma_start3A_471 = tpu.memref_squeeze %dma_start3A_470 : memref<1x50x64xf32, #tpu.memory_space<hbm>> -> memref<50x64xf32, #tpu.memory_space<hbm>>
      %dma_start3A_472 = arith.constant 150 : i32
      %dma_start3A_473 = arith.constant 0 : i32
      %dma_start3A_474 = tpu.memref_slice %arg14[%dma_start3A_472, %dma_start3A_473] : memref<200x64xf32, #tpu.memory_space<vmem>> -> memref<50x64xf32, #tpu.memory_space<vmem>>
      tpu.enqueue_dma source(%dma_start3A_474 : memref<50x64xf32, #tpu.memory_space<vmem>>) target(%dma_start3A_471 : memref<50x64xf32, #tpu.memory_space<hbm>>) target_semaphore(%arg20 : memref<!tpu.dma_semaphore, #tpu.memory_space<semaphore_mem>>)
      %lt3A_475 = arith.constant 31 : i32
      %lt3A_476 = arith.cmpi slt, %scan3A_104, %lt3A_475 : i32
      %convert_element_type3A_477 = arith.extui %lt3A_476 : i1 to i32
      %cond3A_478 = arith.constant 0 : i32
      %cond3A_479 = arith.cmpi ne, %convert_element_type3A_477, %cond3A_478 : i32
      scf.if %cond3A_479 {
        %add3A_623 = arith.constant 3 : i32
        %add3A_624 = arith.addi %add3A_340, %add3A_623 : i32
        %mul3A_625 = arith.constant 4 : i32
        %mul3A_626 = arith.muli %add3A_624, %mul3A_625 : i32
        %add3A_627 = arith.addi %mul3A_2, %mul3A_626 : i32
        %mul3A_628 = arith.constant 50 : i32
        %mul3A_629 = arith.muli %add3A_627, %mul3A_628 : i32
        %multiple_of3A_630 = tpu.assume_multiple %mul3A_629, 8 : i32
        "tpu.region"() ({
          %run_scoped3A = tpu.sem_alloc : memref<!tpu.dma_semaphore, #tpu.memory_space<semaphore_mem>>
          %dma_start3A_634 = tpu.memref_slice %arg2[%multiple_of3A_630] : memref<819200xi32, #tpu.memory_space<hbm>> -> memref<200xi32, #tpu.memory_space<hbm>>
          %dma_start3A_635 = tpu.memref_slice %arg2[%multiple_of3A_630] : memref<819200xi32, #tpu.memory_space<hbm>> -> memref<200xi32, #tpu.memory_space<hbm>>
          tpu.enqueue_dma source(%dma_start3A_635 : memref<200xi32, #tpu.memory_space<hbm>>) target(%arg7 : memref<200xi32, #tpu.memory_space<vmem>>) target_semaphore(%run_scoped3A : memref<!tpu.dma_semaphore, #tpu.memory_space<semaphore_mem>>)
          %dma_wait3A_636 = tpu.memref_slice %arg2[%multiple_of3A_630] : memref<819200xi32, #tpu.memory_space<hbm>> -> memref<200xi32, #tpu.memory_space<hbm>>
          %dma_wait3A_637 = tpu.memref_slice %arg2[%multiple_of3A_630] : memref<819200xi32, #tpu.memory_space<hbm>> -> memref<200xi32, #tpu.memory_space<hbm>>
          tpu.wait_dma2 semaphore(%run_scoped3A : memref<!tpu.dma_semaphore, #tpu.memory_space<semaphore_mem>>) src(%dma_wait3A_637 : memref<200xi32, #tpu.memory_space<hbm>>) dst(%arg7 : memref<200xi32, #tpu.memory_space<vmem>>)
          tpu.yield
        }) : () -> ()
        %dma_start3A_631 = arith.constant 0 : i32
        %dma_start3A_632 = arith.constant 0 : i32
        %dma_start3A_633 = tpu.memref_slice %arg3[%dma_start3A_631, %dma_start3A_632] : memref<1000000x128xf32, #tpu.memory_space<hbm>> -> memref<1000000x128xf32, #tpu.memory_space<hbm>>
        tpu.enqueue_indirect_dma source(%dma_start3A_633 : memref<1000000x128xf32, #tpu.memory_space<hbm>>) target(%arg11 : memref<200x128xf32, #tpu.memory_space<vmem>>) offsets(%arg7 : memref<200xi32, #tpu.memory_space<vmem>>) semaphore(%arg17 : memref<!tpu.dma_semaphore, #tpu.memory_space<semaphore_mem>>)
      } else {
      }
      %mul3A_480 = arith.constant 4 : i32
      %mul3A_481 = arith.muli %mul3A_480, %scan3A_104 : i32
      %add3A_482 = arith.constant 3 : i32
      %add3A_483 = arith.addi %mul3A_481, %add3A_482 : i32
      %dma_wait3A_484 = arith.constant 0 : i32
      %dma_wait3A_485 = arith.constant 0 : i32
      %dma_wait3A_486 = tpu.memref_slice %arg3[%dma_wait3A_484, %dma_wait3A_485] : memref<1000000x128xf32, #tpu.memory_space<hbm>> -> memref<1000000x128xf32, #tpu.memory_space<hbm>>
      tpu.wait_indirect_dma semaphore(%arg19 : memref<!tpu.dma_semaphore, #tpu.memory_space<semaphore_mem>>) src(%dma_wait3A_486 : memref<1000000x128xf32, #tpu.memory_space<hbm>>) dst(%arg13 : memref<200x128xf32, #tpu.memory_space<vmem>>)
      %dma_wait3A_487 = arith.constant 0 : i32
      %dma_wait3A_488 = arith.constant 0 : i32
      %dma_wait3A_489 = arith.constant 0 : i32
      %dma_wait3A_490 = tpu.memref_slice %arg14[%dma_wait3A_488, %dma_wait3A_489] : memref<200x64xf32, #tpu.memory_space<vmem>> -> memref<50x64xf32, #tpu.memory_space<vmem>>
      %dma_wait3A_491 = arith.constant 0 : i32
      %dma_wait3A_492 = arith.constant 0 : i32
      %dma_wait3A_493 = tpu.memref_slice %arg5[%dma_wait3A_487, %dma_wait3A_491, %dma_wait3A_492] : memref<16384x50x64xf32, #tpu.memory_space<hbm>> -> memref<1x50x64xf32, #tpu.memory_space<hbm>>
      %dma_wait3A_494 = tpu.memref_squeeze %dma_wait3A_493 : memref<1x50x64xf32, #tpu.memory_space<hbm>> -> memref<50x64xf32, #tpu.memory_space<hbm>>
      %dma_wait3A_495 = arith.constant 0 : i32
      %dma_wait3A_496 = arith.constant 0 : i32
      %dma_wait3A_497 = tpu.memref_slice %arg14[%dma_wait3A_495, %dma_wait3A_496] : memref<200x64xf32, #tpu.memory_space<vmem>> -> memref<50x64xf32, #tpu.memory_space<vmem>>
      %dma_wait3A_498 = arith.constant 0 : i32
      %dma_wait3A_499 = arith.constant 0 : i32
      %dma_wait3A_500 = tpu.memref_slice %arg5[%dma_wait3A_487, %dma_wait3A_498, %dma_wait3A_499] : memref<16384x50x64xf32, #tpu.memory_space<hbm>> -> memref<1x50x64xf32, #tpu.memory_space<hbm>>
      %dma_wait3A_501 = tpu.memref_squeeze %dma_wait3A_500 : memref<1x50x64xf32, #tpu.memory_space<hbm>> -> memref<50x64xf32, #tpu.memory_space<hbm>>
      tpu.wait_dma2 semaphore(%arg20 : memref<!tpu.dma_semaphore, #tpu.memory_space<semaphore_mem>>) src(%dma_wait3A_501 : memref<50x64xf32, #tpu.memory_space<hbm>>) dst(%dma_wait3A_497 : memref<50x64xf32, #tpu.memory_space<vmem>>)
      %dma_wait3A_502 = arith.constant 0 : i32
      %dma_wait3A_503 = arith.constant 50 : i32
      %dma_wait3A_504 = arith.constant 0 : i32
      %dma_wait3A_505 = tpu.memref_slice %arg14[%dma_wait3A_503, %dma_wait3A_504] : memref<200x64xf32, #tpu.memory_space<vmem>> -> memref<50x64xf32, #tpu.memory_space<vmem>>
      %dma_wait3A_506 = arith.constant 0 : i32
      %dma_wait3A_507 = arith.constant 0 : i32
      %dma_wait3A_508 = tpu.memref_slice %arg5[%dma_wait3A_502, %dma_wait3A_506, %dma_wait3A_507] : memref<16384x50x64xf32, #tpu.memory_space<hbm>> -> memref<1x50x64xf32, #tpu.memory_space<hbm>>
      %dma_wait3A_509 = tpu.memref_squeeze %dma_wait3A_508 : memref<1x50x64xf32, #tpu.memory_space<hbm>> -> memref<50x64xf32, #tpu.memory_space<hbm>>
      %dma_wait3A_510 = arith.constant 50 : i32
      %dma_wait3A_511 = arith.constant 0 : i32
      %dma_wait3A_512 = tpu.memref_slice %arg14[%dma_wait3A_510, %dma_wait3A_511] : memref<200x64xf32, #tpu.memory_space<vmem>> -> memref<50x64xf32, #tpu.memory_space<vmem>>
      %dma_wait3A_513 = arith.constant 0 : i32
      %dma_wait3A_514 = arith.constant 0 : i32
      %dma_wait3A_515 = tpu.memref_slice %arg5[%dma_wait3A_502, %dma_wait3A_513, %dma_wait3A_514] : memref<16384x50x64xf32, #tpu.memory_space<hbm>> -> memref<1x50x64xf32, #tpu.memory_space<hbm>>
      %dma_wait3A_516 = tpu.memref_squeeze %dma_wait3A_515 : memref<1x50x64xf32, #tpu.memory_space<hbm>> -> memref<50x64xf32, #tpu.memory_space<hbm>>
      tpu.wait_dma2 semaphore(%arg20 : memref<!tpu.dma_semaphore, #tpu.memory_space<semaphore_mem>>) src(%dma_wait3A_516 : memref<50x64xf32, #tpu.memory_space<hbm>>) dst(%dma_wait3A_512 : memref<50x64xf32, #tpu.memory_space<vmem>>)
      %dma_wait3A_517 = arith.constant 0 : i32
      %dma_wait3A_518 = arith.constant 100 : i32
      %dma_wait3A_519 = arith.constant 0 : i32
      %dma_wait3A_520 = tpu.memref_slice %arg14[%dma_wait3A_518, %dma_wait3A_519] : memref<200x64xf32, #tpu.memory_space<vmem>> -> memref<50x64xf32, #tpu.memory_space<vmem>>
      %dma_wait3A_521 = arith.constant 0 : i32
      %dma_wait3A_522 = arith.constant 0 : i32
      %dma_wait3A_523 = tpu.memref_slice %arg5[%dma_wait3A_517, %dma_wait3A_521, %dma_wait3A_522] : memref<16384x50x64xf32, #tpu.memory_space<hbm>> -> memref<1x50x64xf32, #tpu.memory_space<hbm>>
      %dma_wait3A_524 = tpu.memref_squeeze %dma_wait3A_523 : memref<1x50x64xf32, #tpu.memory_space<hbm>> -> memref<50x64xf32, #tpu.memory_space<hbm>>
      %dma_wait3A_525 = arith.constant 100 : i32
      %dma_wait3A_526 = arith.constant 0 : i32
      %dma_wait3A_527 = tpu.memref_slice %arg14[%dma_wait3A_525, %dma_wait3A_526] : memref<200x64xf32, #tpu.memory_space<vmem>> -> memref<50x64xf32, #tpu.memory_space<vmem>>
      %dma_wait3A_528 = arith.constant 0 : i32
      %dma_wait3A_529 = arith.constant 0 : i32
      %dma_wait3A_530 = tpu.memref_slice %arg5[%dma_wait3A_517, %dma_wait3A_528, %dma_wait3A_529] : memref<16384x50x64xf32, #tpu.memory_space<hbm>> -> memref<1x50x64xf32, #tpu.memory_space<hbm>>
      %dma_wait3A_531 = tpu.memref_squeeze %dma_wait3A_530 : memref<1x50x64xf32, #tpu.memory_space<hbm>> -> memref<50x64xf32, #tpu.memory_space<hbm>>
      tpu.wait_dma2 semaphore(%arg20 : memref<!tpu.dma_semaphore, #tpu.memory_space<semaphore_mem>>) src(%dma_wait3A_531 : memref<50x64xf32, #tpu.memory_space<hbm>>) dst(%dma_wait3A_527 : memref<50x64xf32, #tpu.memory_space<vmem>>)
      %dma_wait3A_532 = arith.constant 0 : i32
      %dma_wait3A_533 = arith.constant 150 : i32
      %dma_wait3A_534 = arith.constant 0 : i32
      %dma_wait3A_535 = tpu.memref_slice %arg14[%dma_wait3A_533, %dma_wait3A_534] : memref<200x64xf32, #tpu.memory_space<vmem>> -> memref<50x64xf32, #tpu.memory_space<vmem>>
      %dma_wait3A_536 = arith.constant 0 : i32
      %dma_wait3A_537 = arith.constant 0 : i32
      %dma_wait3A_538 = tpu.memref_slice %arg5[%dma_wait3A_532, %dma_wait3A_536, %dma_wait3A_537] : memref<16384x50x64xf32, #tpu.memory_space<hbm>> -> memref<1x50x64xf32, #tpu.memory_space<hbm>>
      %dma_wait3A_539 = tpu.memref_squeeze %dma_wait3A_538 : memref<1x50x64xf32, #tpu.memory_space<hbm>> -> memref<50x64xf32, #tpu.memory_space<hbm>>
      %dma_wait3A_540 = arith.constant 150 : i32
      %dma_wait3A_541 = arith.constant 0 : i32
      %dma_wait3A_542 = tpu.memref_slice %arg14[%dma_wait3A_540, %dma_wait3A_541] : memref<200x64xf32, #tpu.memory_space<vmem>> -> memref<50x64xf32, #tpu.memory_space<vmem>>
      %dma_wait3A_543 = arith.constant 0 : i32
      %dma_wait3A_544 = arith.constant 0 : i32
      %dma_wait3A_545 = tpu.memref_slice %arg5[%dma_wait3A_532, %dma_wait3A_543, %dma_wait3A_544] : memref<16384x50x64xf32, #tpu.memory_space<hbm>> -> memref<1x50x64xf32, #tpu.memory_space<hbm>>
      %dma_wait3A_546 = tpu.memref_squeeze %dma_wait3A_545 : memref<1x50x64xf32, #tpu.memory_space<hbm>> -> memref<50x64xf32, #tpu.memory_space<hbm>>
      tpu.wait_dma2 semaphore(%arg20 : memref<!tpu.dma_semaphore, #tpu.memory_space<semaphore_mem>>) src(%dma_wait3A_546 : memref<50x64xf32, #tpu.memory_space<hbm>>) dst(%dma_wait3A_542 : memref<50x64xf32, #tpu.memory_space<vmem>>)
      %parallel_loop3A_547 = arith.constant 0 : i32
      %parallel_loop3A_548 = arith.constant 200 : i32
      %parallel_loop3A_549 = arith.constant 1 : i32
      scf.for %parallel_loop3A_623 = %parallel_loop3A_547 to %parallel_loop3A_548 step %parallel_loop3A_549  : i32 {
        %parallel_loop3A_624 = arith.index_cast %parallel_loop3A_623 : i32 to index
        %parallel_loop3A_625 = arith.constant 0 : index
        %parallel_loop3A_626 = tpu.vector_load %arg13[%parallel_loop3A_624, %parallel_loop3A_625] {strides = array<i32>} : memref<200x128xf32, #tpu.memory_space<vmem>>, vector<16xf32>,
        %parallel_loop3A_627 = arith.index_cast %parallel_loop3A_623 : i32 to index
        %parallel_loop3A_628 = arith.constant 16 : index
        %parallel_loop3A_629 = tpu.vector_load %arg13[%parallel_loop3A_627, %parallel_loop3A_628] {strides = array<i32>} : memref<200x128xf32, #tpu.memory_space<vmem>>, vector<16xf32>,
        %parallel_loop3A_630 = arith.index_cast %parallel_loop3A_623 : i32 to index
        %parallel_loop3A_631 = arith.constant 32 : index
        %parallel_loop3A_632 = tpu.vector_load %arg13[%parallel_loop3A_630, %parallel_loop3A_631] {strides = array<i32>} : memref<200x128xf32, #tpu.memory_space<vmem>>, vector<16xf32>,
        %parallel_loop3A_633 = arith.index_cast %parallel_loop3A_623 : i32 to index
        %parallel_loop3A_634 = arith.constant 48 : index
        %parallel_loop3A_635 = tpu.vector_load %arg13[%parallel_loop3A_633, %parallel_loop3A_634] {strides = array<i32>} : memref<200x128xf32, #tpu.memory_space<vmem>>, vector<16xf32>,
        %parallel_loop3A_636 = arith.addf %parallel_loop3A_626, %parallel_loop3A_629 : vector<16xf32>
        %parallel_loop3A_637 = arith.addf %parallel_loop3A_632, %parallel_loop3A_635 : vector<16xf32>
        %parallel_loop3A_638 = arith.addf %parallel_loop3A_636, %parallel_loop3A_637 : vector<16xf32>
        %parallel_loop3A_639 = arith.mulf %parallel_loop3A_626, %parallel_loop3A_626 : vector<16xf32>
        %parallel_loop3A_640 = arith.mulf %parallel_loop3A_629, %parallel_loop3A_629 : vector<16xf32>
        %parallel_loop3A_641 = arith.addf %parallel_loop3A_639, %parallel_loop3A_640 : vector<16xf32>
        %parallel_loop3A_642 = arith.mulf %parallel_loop3A_632, %parallel_loop3A_632 : vector<16xf32>
        %parallel_loop3A_643 = arith.mulf %parallel_loop3A_635, %parallel_loop3A_635 : vector<16xf32>
        %parallel_loop3A_644 = arith.addf %parallel_loop3A_642, %parallel_loop3A_643 : vector<16xf32>
        %parallel_loop3A_645 = arith.addf %parallel_loop3A_641, %parallel_loop3A_644 : vector<16xf32>
        %parallel_loop3A_646 = tpu.iota {dimensions = array<i32: 0>} : vector<16xi32>
        %parallel_loop3A_647 = arith.constant 8 : i32
        %parallel_loop3A_648 = vector.broadcast %parallel_loop3A_647 : i32 to vector<16xi32>
        %parallel_loop3A_649 = arith.xori %parallel_loop3A_646, %parallel_loop3A_648 : vector<16xi32>
        %parallel_loop3A_650 = vector.shape_cast %parallel_loop3A_649 : vector<16xi32> to vector<16x1xi32>
        %parallel_loop3A_651 = vector.shape_cast %parallel_loop3A_650 : vector<16x1xi32> to vector<16xi32>
        %parallel_loop3A_652 = tpu.dynamic_gather %parallel_loop3A_638[%parallel_loop3A_651] in [0] : vector<16xf32>, vector<16xi32> -> vector<16xf32>
        %parallel_loop3A_653 = arith.addf %parallel_loop3A_638, %parallel_loop3A_652 : vector<16xf32>
        %parallel_loop3A_654 = arith.constant 4 : i32
        %parallel_loop3A_655 = vector.broadcast %parallel_loop3A_654 : i32 to vector<16xi32>
        %parallel_loop3A_656 = arith.xori %parallel_loop3A_646, %parallel_loop3A_655 : vector<16xi32>
        %parallel_loop3A_657 = vector.shape_cast %parallel_loop3A_656 : vector<16xi32> to vector<16x1xi32>
        %parallel_loop3A_658 = vector.shape_cast %parallel_loop3A_657 : vector<16x1xi32> to vector<16xi32>
        %parallel_loop3A_659 = tpu.dynamic_gather %parallel_loop3A_653[%parallel_loop3A_658] in [0] : vector<16xf32>, vector<16xi32> -> vector<16xf32>
        %parallel_loop3A_660 = arith.addf %parallel_loop3A_653, %parallel_loop3A_659 : vector<16xf32>
        %parallel_loop3A_661 = arith.constant 2 : i32
        %parallel_loop3A_662 = vector.broadcast %parallel_loop3A_661 : i32 to vector<16xi32>
        %parallel_loop3A_663 = arith.xori %parallel_loop3A_646, %parallel_loop3A_662 : vector<16xi32>
        %parallel_loop3A_664 = vector.shape_cast %parallel_loop3A_663 : vector<16xi32> to vector<16x1xi32>
        %parallel_loop3A_665 = vector.shape_cast %parallel_loop3A_664 : vector<16x1xi32> to vector<16xi32>
        %parallel_loop3A_666 = tpu.dynamic_gather %parallel_loop3A_660[%parallel_loop3A_665] in [0] : vector<16xf32>, vector<16xi32> -> vector<16xf32>
        %parallel_loop3A_667 = arith.addf %parallel_loop3A_660, %parallel_loop3A_666 : vector<16xf32>
        %parallel_loop3A_668 = arith.constant 1 : i32
        %parallel_loop3A_669 = vector.broadcast %parallel_loop3A_668 : i32 to vector<16xi32>
        %parallel_loop3A_670 = arith.xori %parallel_loop3A_646, %parallel_loop3A_669 : vector<16xi32>
        %parallel_loop3A_671 = vector.shape_cast %parallel_loop3A_670 : vector<16xi32> to vector<16x1xi32>
        %parallel_loop3A_672 = vector.shape_cast %parallel_loop3A_671 : vector<16x1xi32> to vector<16xi32>
        %parallel_loop3A_673 = tpu.dynamic_gather %parallel_loop3A_667[%parallel_loop3A_672] in [0] : vector<16xf32>, vector<16xi32> -> vector<16xf32>
        %parallel_loop3A_674 = arith.addf %parallel_loop3A_667, %parallel_loop3A_673 : vector<16xf32>
        %parallel_loop3A_675 = arith.constant 1.562500e-02 : f32
        %parallel_loop3A_676 = vector.broadcast %parallel_loop3A_675 : f32 to vector<16xf32>
        %parallel_loop3A_677 = arith.mulf %parallel_loop3A_674, %parallel_loop3A_676 : vector<16xf32>
        %parallel_loop3A_678 = tpu.iota {dimensions = array<i32: 0>} : vector<16xi32>
        %parallel_loop3A_679 = arith.constant 8 : i32
        %parallel_loop3A_680 = vector.broadcast %parallel_loop3A_679 : i32 to vector<16xi32>
        %parallel_loop3A_681 = arith.xori %parallel_loop3A_678, %parallel_loop3A_680 : vector<16xi32>
        %parallel_loop3A_682 = vector.shape_cast %parallel_loop3A_681 : vector<16xi32> to vector<16x1xi32>
        %parallel_loop3A_683 = vector.shape_cast %parallel_loop3A_682 : vector<16x1xi32> to vector<16xi32>
        %parallel_loop3A_684 = tpu.dynamic_gather %parallel_loop3A_645[%parallel_loop3A_683] in [0] : vector<16xf32>, vector<16xi32> -> vector<16xf32>
        %parallel_loop3A_685 = arith.addf %parallel_loop3A_645, %parallel_loop3A_684 : vector<16xf32>
        %parallel_loop3A_686 = arith.constant 4 : i32
        %parallel_loop3A_687 = vector.broadcast %parallel_loop3A_686 : i32 to vector<16xi32>
        %parallel_loop3A_688 = arith.xori %parallel_loop3A_678, %parallel_loop3A_687 : vector<16xi32>
        %parallel_loop3A_689 = vector.shape_cast %parallel_loop3A_688 : vector<16xi32> to vector<16x1xi32>
        %parallel_loop3A_690 = vector.shape_cast %parallel_loop3A_689 : vector<16x1xi32> to vector<16xi32>
        %parallel_loop3A_691 = tpu.dynamic_gather %parallel_loop3A_685[%parallel_loop3A_690] in [0] : vector<16xf32>, vector<16xi32> -> vector<16xf32>
        %parallel_loop3A_692 = arith.addf %parallel_loop3A_685, %parallel_loop3A_691 : vector<16xf32>
        %parallel_loop3A_693 = arith.constant 2 : i32
        %parallel_loop3A_694 = vector.broadcast %parallel_loop3A_693 : i32 to vector<16xi32>
        %parallel_loop3A_695 = arith.xori %parallel_loop3A_678, %parallel_loop3A_694 : vector<16xi32>
        %parallel_loop3A_696 = vector.shape_cast %parallel_loop3A_695 : vector<16xi32> to vector<16x1xi32>
        %parallel_loop3A_697 = vector.shape_cast %parallel_loop3A_696 : vector<16x1xi32> to vector<16xi32>
        %parallel_loop3A_698 = tpu.dynamic_gather %parallel_loop3A_692[%parallel_loop3A_697] in [0] : vector<16xf32>, vector<16xi32> -> vector<16xf32>
        %parallel_loop3A_699 = arith.addf %parallel_loop3A_692, %parallel_loop3A_698 : vector<16xf32>
        %parallel_loop3A_700 = arith.constant 1 : i32
        %parallel_loop3A_701 = vector.broadcast %parallel_loop3A_700 : i32 to vector<16xi32>
        %parallel_loop3A_702 = arith.xori %parallel_loop3A_678, %parallel_loop3A_701 : vector<16xi32>
        %parallel_loop3A_703 = vector.shape_cast %parallel_loop3A_702 : vector<16xi32> to vector<16x1xi32>
        %parallel_loop3A_704 = vector.shape_cast %parallel_loop3A_703 : vector<16x1xi32> to vector<16xi32>
        %parallel_loop3A_705 = tpu.dynamic_gather %parallel_loop3A_699[%parallel_loop3A_704] in [0] : vector<16xf32>, vector<16xi32> -> vector<16xf32>
        %parallel_loop3A_706 = arith.addf %parallel_loop3A_699, %parallel_loop3A_705 : vector<16xf32>
        %parallel_loop3A_707 = arith.constant 1.562500e-02 : f32
        %parallel_loop3A_708 = vector.broadcast %parallel_loop3A_707 : f32 to vector<16xf32>
        %parallel_loop3A_709 = arith.mulf %parallel_loop3A_706, %parallel_loop3A_708 : vector<16xf32>
        %parallel_loop3A_710 = arith.mulf %parallel_loop3A_677, %parallel_loop3A_677 : vector<16xf32>
        %parallel_loop3A_711 = arith.subf %parallel_loop3A_709, %parallel_loop3A_710 : vector<16xf32>
        %parallel_loop3A_712 = arith.constant 9.99999974E-6 : f32
        %parallel_loop3A_713 = vector.broadcast %parallel_loop3A_712 : f32 to vector<16xf32>
        %parallel_loop3A_714 = arith.addf %parallel_loop3A_711, %parallel_loop3A_713 : vector<16xf32>
        %parallel_loop3A_715 = vector.bitcast %parallel_loop3A_714 : vector<16xf32> to vector<16xi32>
        %parallel_loop3A_716 = arith.constant 1 : i32
        %parallel_loop3A_717 = vector.broadcast %parallel_loop3A_716 : i32 to vector<16xi32>
        %parallel_loop3A_718 = arith.shrui %parallel_loop3A_715, %parallel_loop3A_717 : vector<16xi32>
        %parallel_loop3A_719 = arith.constant 1597463007 : i32
        %parallel_loop3A_720 = vector.broadcast %parallel_loop3A_719 : i32 to vector<16xi32>
        %parallel_loop3A_721 = arith.subi %parallel_loop3A_720, %parallel_loop3A_718 : vector<16xi32>
        %parallel_loop3A_722 = vector.bitcast %parallel_loop3A_721 : vector<16xi32> to vector<16xf32>
        %parallel_loop3A_723 = arith.constant 5.000000e-01 : f32
        %parallel_loop3A_724 = vector.broadcast %parallel_loop3A_723 : f32 to vector<16xf32>
        %parallel_loop3A_725 = arith.mulf %parallel_loop3A_724, %parallel_loop3A_714 : vector<16xf32>
        %parallel_loop3A_726 = arith.mulf %parallel_loop3A_725, %parallel_loop3A_722 : vector<16xf32>
        %parallel_loop3A_727 = arith.mulf %parallel_loop3A_726, %parallel_loop3A_722 : vector<16xf32>
        %parallel_loop3A_728 = arith.constant 1.500000e+00 : f32
        %parallel_loop3A_729 = vector.broadcast %parallel_loop3A_728 : f32 to vector<16xf32>
        %parallel_loop3A_730 = arith.subf %parallel_loop3A_729, %parallel_loop3A_727 : vector<16xf32>
        %parallel_loop3A_731 = arith.mulf %parallel_loop3A_722, %parallel_loop3A_730 : vector<16xf32>
        %parallel_loop3A_732 = arith.constant 5.000000e-01 : f32
        %parallel_loop3A_733 = vector.broadcast %parallel_loop3A_732 : f32 to vector<16xf32>
        %parallel_loop3A_734 = arith.mulf %parallel_loop3A_733, %parallel_loop3A_714 : vector<16xf32>
        %parallel_loop3A_735 = arith.mulf %parallel_loop3A_734, %parallel_loop3A_731 : vector<16xf32>
        %parallel_loop3A_736 = arith.mulf %parallel_loop3A_735, %parallel_loop3A_731 : vector<16xf32>
        %parallel_loop3A_737 = arith.constant 1.500000e+00 : f32
        %parallel_loop3A_738 = vector.broadcast %parallel_loop3A_737 : f32 to vector<16xf32>
        %parallel_loop3A_739 = arith.subf %parallel_loop3A_738, %parallel_loop3A_736 : vector<16xf32>
        %parallel_loop3A_740 = arith.mulf %parallel_loop3A_731, %parallel_loop3A_739 : vector<16xf32>
        %parallel_loop3A_741 = arith.subf %parallel_loop3A_626, %parallel_loop3A_677 : vector<16xf32>
        %parallel_loop3A_742 = arith.mulf %parallel_loop3A_741, %parallel_loop3A_740 : vector<16xf32>
        %parallel_loop3A_743 = arith.mulf %parallel_loop3A_742, %get3A_3 : vector<16xf32>
        %parallel_loop3A_744 = arith.addf %parallel_loop3A_743, %get3A_11 : vector<16xf32>
        %parallel_loop3A_745 = arith.index_cast %parallel_loop3A_623 : i32 to index
        %parallel_loop3A_746 = arith.constant 0 : index
        %parallel_loop3A_747 = tpu.vector_load %arg14[%parallel_loop3A_745, %parallel_loop3A_746] {strides = array<i32>} : memref<200x64xf32, #tpu.memory_space<vmem>>, vector<16xf32>,
        tpu.vector_store %arg14[%parallel_loop3A_745, %parallel_loop3A_746], %parallel_loop3A_744 {strides = array<i32>} : memref<200x64xf32, #tpu.memory_space<vmem>>, vector<16xf32>,
        %parallel_loop3A_748 = arith.subf %parallel_loop3A_629, %parallel_loop3A_677 : vector<16xf32>
        %parallel_loop3A_749 = arith.mulf %parallel_loop3A_748, %parallel_loop3A_740 : vector<16xf32>
        %parallel_loop3A_750 = arith.mulf %parallel_loop3A_749, %get3A_5 : vector<16xf32>
        %parallel_loop3A_751 = arith.addf %parallel_loop3A_750, %get3A_13 : vector<16xf32>
        %parallel_loop3A_752 = arith.index_cast %parallel_loop3A_623 : i32 to index
        %parallel_loop3A_753 = arith.constant 16 : index
        %parallel_loop3A_754 = tpu.vector_load %arg14[%parallel_loop3A_752, %parallel_loop3A_753] {strides = array<i32>} : memref<200x64xf32, #tpu.memory_space<vmem>>, vector<16xf32>,
        tpu.vector_store %arg14[%parallel_loop3A_752, %parallel_loop3A_753], %parallel_loop3A_751 {strides = array<i32>} : memref<200x64xf32, #tpu.memory_space<vmem>>, vector<16xf32>,
        %parallel_loop3A_755 = arith.subf %parallel_loop3A_632, %parallel_loop3A_677 : vector<16xf32>
        %parallel_loop3A_756 = arith.mulf %parallel_loop3A_755, %parallel_loop3A_740 : vector<16xf32>
        %parallel_loop3A_757 = arith.mulf %parallel_loop3A_756, %get3A_7 : vector<16xf32>
        %parallel_loop3A_758 = arith.addf %parallel_loop3A_757, %get3A_15 : vector<16xf32>
        %parallel_loop3A_759 = arith.index_cast %parallel_loop3A_623 : i32 to index
        %parallel_loop3A_760 = arith.constant 32 : index
        %parallel_loop3A_761 = tpu.vector_load %arg14[%parallel_loop3A_759, %parallel_loop3A_760] {strides = array<i32>} : memref<200x64xf32, #tpu.memory_space<vmem>>, vector<16xf32>,
        tpu.vector_store %arg14[%parallel_loop3A_759, %parallel_loop3A_760], %parallel_loop3A_758 {strides = array<i32>} : memref<200x64xf32, #tpu.memory_space<vmem>>, vector<16xf32>,
        %parallel_loop3A_762 = arith.subf %parallel_loop3A_635, %parallel_loop3A_677 : vector<16xf32>
        %parallel_loop3A_763 = arith.mulf %parallel_loop3A_762, %parallel_loop3A_740 : vector<16xf32>
        %parallel_loop3A_764 = arith.mulf %parallel_loop3A_763, %get3A_9 : vector<16xf32>
        %parallel_loop3A_765 = arith.addf %parallel_loop3A_764, %get3A_17 : vector<16xf32>
        %parallel_loop3A_766 = arith.index_cast %parallel_loop3A_623 : i32 to index
        %parallel_loop3A_767 = arith.constant 48 : index
        %parallel_loop3A_768 = tpu.vector_load %arg14[%parallel_loop3A_766, %parallel_loop3A_767] {strides = array<i32>} : memref<200x64xf32, #tpu.memory_space<vmem>>, vector<16xf32>,
        tpu.vector_store %arg14[%parallel_loop3A_766, %parallel_loop3A_767], %parallel_loop3A_765 {strides = array<i32>} : memref<200x64xf32, #tpu.memory_space<vmem>>, vector<16xf32>,
      } {sc.loop_unroll_factor = 8 : i64, sc.parallel_access}
      %mul3A_550 = arith.constant 4 : i32
      %mul3A_551 = arith.muli %add3A_483, %mul3A_550 : i32
      %add3A_552 = arith.addi %mul3A_2, %mul3A_551 : i32
      %multiple_of3A_553 = tpu.assume_multiple %add3A_552, 4 : i32
      %add3A_554 = arith.constant 0 : i32
      %add3A_555 = arith.addi %multiple_of3A_553, %add3A_554 : i32
      %dma_start3A_556 = arith.constant 0 : i32
      %dma_start3A_557 = arith.constant 0 : i32
      %dma_start3A_558 = tpu.memref_slice %arg14[%dma_start3A_556, %dma_start3A_557] : memref<200x64xf32, #tpu.memory_space<vmem>> -> memref<50x64xf32, #tpu.memory_space<vmem>>
      %dma_start3A_559 = arith.constant 0 : i32
      %dma_start3A_560 = arith.constant 0 : i32
      %dma_start3A_561 = tpu.memref_slice %arg5[%add3A_555, %dma_start3A_559, %dma_start3A_560] : memref<16384x50x64xf32, #tpu.memory_space<hbm>> -> memref<1x50x64xf32, #tpu.memory_space<hbm>>
      %dma_start3A_562 = tpu.memref_squeeze %dma_start3A_561 : memref<1x50x64xf32, #tpu.memory_space<hbm>> -> memref<50x64xf32, #tpu.memory_space<hbm>>
      %dma_start3A_563 = arith.constant 0 : i32
      %dma_start3A_564 = arith.constant 0 : i32
      %dma_start3A_565 = tpu.memref_slice %arg5[%add3A_555, %dma_start3A_563, %dma_start3A_564] : memref<16384x50x64xf32, #tpu.memory_space<hbm>> -> memref<1x50x64xf32, #tpu.memory_space<hbm>>
      %dma_start3A_566 = tpu.memref_squeeze %dma_start3A_565 : memref<1x50x64xf32, #tpu.memory_space<hbm>> -> memref<50x64xf32, #tpu.memory_space<hbm>>
      %dma_start3A_567 = arith.constant 0 : i32
      %dma_start3A_568 = arith.constant 0 : i32
      %dma_start3A_569 = tpu.memref_slice %arg14[%dma_start3A_567, %dma_start3A_568] : memref<200x64xf32, #tpu.memory_space<vmem>> -> memref<50x64xf32, #tpu.memory_space<vmem>>
      tpu.enqueue_dma source(%dma_start3A_569 : memref<50x64xf32, #tpu.memory_space<vmem>>) target(%dma_start3A_566 : memref<50x64xf32, #tpu.memory_space<hbm>>) target_semaphore(%arg20 : memref<!tpu.dma_semaphore, #tpu.memory_space<semaphore_mem>>)
      %add3A_570 = arith.constant 1 : i32
      %add3A_571 = arith.addi %multiple_of3A_553, %add3A_570 : i32
      %dma_start3A_572 = arith.constant 50 : i32
      %dma_start3A_573 = arith.constant 0 : i32
      %dma_start3A_574 = tpu.memref_slice %arg14[%dma_start3A_572, %dma_start3A_573] : memref<200x64xf32, #tpu.memory_space<vmem>> -> memref<50x64xf32, #tpu.memory_space<vmem>>
      %dma_start3A_575 = arith.constant 0 : i32
      %dma_start3A_576 = arith.constant 0 : i32
      %dma_start3A_577 = tpu.memref_slice %arg5[%add3A_571, %dma_start3A_575, %dma_start3A_576] : memref<16384x50x64xf32, #tpu.memory_space<hbm>> -> memref<1x50x64xf32, #tpu.memory_space<hbm>>
      %dma_start3A_578 = tpu.memref_squeeze %dma_start3A_577 : memref<1x50x64xf32, #tpu.memory_space<hbm>> -> memref<50x64xf32, #tpu.memory_space<hbm>>
      %dma_start3A_579 = arith.constant 0 : i32
      %dma_start3A_580 = arith.constant 0 : i32
      %dma_start3A_581 = tpu.memref_slice %arg5[%add3A_571, %dma_start3A_579, %dma_start3A_580] : memref<16384x50x64xf32, #tpu.memory_space<hbm>> -> memref<1x50x64xf32, #tpu.memory_space<hbm>>
      %dma_start3A_582 = tpu.memref_squeeze %dma_start3A_581 : memref<1x50x64xf32, #tpu.memory_space<hbm>> -> memref<50x64xf32, #tpu.memory_space<hbm>>
      %dma_start3A_583 = arith.constant 50 : i32
      %dma_start3A_584 = arith.constant 0 : i32
      %dma_start3A_585 = tpu.memref_slice %arg14[%dma_start3A_583, %dma_start3A_584] : memref<200x64xf32, #tpu.memory_space<vmem>> -> memref<50x64xf32, #tpu.memory_space<vmem>>
      tpu.enqueue_dma source(%dma_start3A_585 : memref<50x64xf32, #tpu.memory_space<vmem>>) target(%dma_start3A_582 : memref<50x64xf32, #tpu.memory_space<hbm>>) target_semaphore(%arg20 : memref<!tpu.dma_semaphore, #tpu.memory_space<semaphore_mem>>)
      %add3A_586 = arith.constant 2 : i32
      %add3A_587 = arith.addi %multiple_of3A_553, %add3A_586 : i32
      %dma_start3A_588 = arith.constant 100 : i32
      %dma_start3A_589 = arith.constant 0 : i32
      %dma_start3A_590 = tpu.memref_slice %arg14[%dma_start3A_588, %dma_start3A_589] : memref<200x64xf32, #tpu.memory_space<vmem>> -> memref<50x64xf32, #tpu.memory_space<vmem>>
      %dma_start3A_591 = arith.constant 0 : i32
      %dma_start3A_592 = arith.constant 0 : i32
      %dma_start3A_593 = tpu.memref_slice %arg5[%add3A_587, %dma_start3A_591, %dma_start3A_592] : memref<16384x50x64xf32, #tpu.memory_space<hbm>> -> memref<1x50x64xf32, #tpu.memory_space<hbm>>
      %dma_start3A_594 = tpu.memref_squeeze %dma_start3A_593 : memref<1x50x64xf32, #tpu.memory_space<hbm>> -> memref<50x64xf32, #tpu.memory_space<hbm>>
      %dma_start3A_595 = arith.constant 0 : i32
      %dma_start3A_596 = arith.constant 0 : i32
      %dma_start3A_597 = tpu.memref_slice %arg5[%add3A_587, %dma_start3A_595, %dma_start3A_596] : memref<16384x50x64xf32, #tpu.memory_space<hbm>> -> memref<1x50x64xf32, #tpu.memory_space<hbm>>
      %dma_start3A_598 = tpu.memref_squeeze %dma_start3A_597 : memref<1x50x64xf32, #tpu.memory_space<hbm>> -> memref<50x64xf32, #tpu.memory_space<hbm>>
      %dma_start3A_599 = arith.constant 100 : i32
      %dma_start3A_600 = arith.constant 0 : i32
      %dma_start3A_601 = tpu.memref_slice %arg14[%dma_start3A_599, %dma_start3A_600] : memref<200x64xf32, #tpu.memory_space<vmem>> -> memref<50x64xf32, #tpu.memory_space<vmem>>
      tpu.enqueue_dma source(%dma_start3A_601 : memref<50x64xf32, #tpu.memory_space<vmem>>) target(%dma_start3A_598 : memref<50x64xf32, #tpu.memory_space<hbm>>) target_semaphore(%arg20 : memref<!tpu.dma_semaphore, #tpu.memory_space<semaphore_mem>>)
      %add3A_602 = arith.constant 3 : i32
      %add3A_603 = arith.addi %multiple_of3A_553, %add3A_602 : i32
      %dma_start3A_604 = arith.constant 150 : i32
      %dma_start3A_605 = arith.constant 0 : i32
      %dma_start3A_606 = tpu.memref_slice %arg14[%dma_start3A_604, %dma_start3A_605] : memref<200x64xf32, #tpu.memory_space<vmem>> -> memref<50x64xf32, #tpu.memory_space<vmem>>
      %dma_start3A_607 = arith.constant 0 : i32
      %dma_start3A_608 = arith.constant 0 : i32
      %dma_start3A_609 = tpu.memref_slice %arg5[%add3A_603, %dma_start3A_607, %dma_start3A_608] : memref<16384x50x64xf32, #tpu.memory_space<hbm>> -> memref<1x50x64xf32, #tpu.memory_space<hbm>>
      %dma_start3A_610 = tpu.memref_squeeze %dma_start3A_609 : memref<1x50x64xf32, #tpu.memory_space<hbm>> -> memref<50x64xf32, #tpu.memory_space<hbm>>
      %dma_start3A_611 = arith.constant 0 : i32
      %dma_start3A_612 = arith.constant 0 : i32
      %dma_start3A_613 = tpu.memref_slice %arg5[%add3A_603, %dma_start3A_611, %dma_start3A_612] : memref<16384x50x64xf32, #tpu.memory_space<hbm>> -> memref<1x50x64xf32, #tpu.memory_space<hbm>>
      %dma_start3A_614 = tpu.memref_squeeze %dma_start3A_613 : memref<1x50x64xf32, #tpu.memory_space<hbm>> -> memref<50x64xf32, #tpu.memory_space<hbm>>
      %dma_start3A_615 = arith.constant 150 : i32
      %dma_start3A_616 = arith.constant 0 : i32
      %dma_start3A_617 = tpu.memref_slice %arg14[%dma_start3A_615, %dma_start3A_616] : memref<200x64xf32, #tpu.memory_space<vmem>> -> memref<50x64xf32, #tpu.memory_space<vmem>>
      tpu.enqueue_dma source(%dma_start3A_617 : memref<50x64xf32, #tpu.memory_space<vmem>>) target(%dma_start3A_614 : memref<50x64xf32, #tpu.memory_space<hbm>>) target_semaphore(%arg20 : memref<!tpu.dma_semaphore, #tpu.memory_space<semaphore_mem>>)
      %lt3A_618 = arith.constant 31 : i32
      %lt3A_619 = arith.cmpi slt, %scan3A_104, %lt3A_618 : i32
      %convert_element_type3A_620 = arith.extui %lt3A_619 : i1 to i32
      %cond3A_621 = arith.constant 0 : i32
      %cond3A_622 = arith.cmpi ne, %convert_element_type3A_620, %cond3A_621 : i32
      scf.if %cond3A_622 {
        %add3A_623 = arith.constant 3 : i32
        %add3A_624 = arith.addi %add3A_483, %add3A_623 : i32
        %mul3A_625 = arith.constant 4 : i32
        %mul3A_626 = arith.muli %add3A_624, %mul3A_625 : i32
        %add3A_627 = arith.addi %mul3A_2, %mul3A_626 : i32
        %mul3A_628 = arith.constant 50 : i32
        %mul3A_629 = arith.muli %add3A_627, %mul3A_628 : i32
        %multiple_of3A_630 = tpu.assume_multiple %mul3A_629, 8 : i32
        "tpu.region"() ({
          %run_scoped3A = tpu.sem_alloc : memref<!tpu.dma_semaphore, #tpu.memory_space<semaphore_mem>>
          %dma_start3A_634 = tpu.memref_slice %arg2[%multiple_of3A_630] : memref<819200xi32, #tpu.memory_space<hbm>> -> memref<200xi32, #tpu.memory_space<hbm>>
          %dma_start3A_635 = tpu.memref_slice %arg2[%multiple_of3A_630] : memref<819200xi32, #tpu.memory_space<hbm>> -> memref<200xi32, #tpu.memory_space<hbm>>
          tpu.enqueue_dma source(%dma_start3A_635 : memref<200xi32, #tpu.memory_space<hbm>>) target(%arg8 : memref<200xi32, #tpu.memory_space<vmem>>) target_semaphore(%run_scoped3A : memref<!tpu.dma_semaphore, #tpu.memory_space<semaphore_mem>>)
          %dma_wait3A_636 = tpu.memref_slice %arg2[%multiple_of3A_630] : memref<819200xi32, #tpu.memory_space<hbm>> -> memref<200xi32, #tpu.memory_space<hbm>>
          %dma_wait3A_637 = tpu.memref_slice %arg2[%multiple_of3A_630] : memref<819200xi32, #tpu.memory_space<hbm>> -> memref<200xi32, #tpu.memory_space<hbm>>
          tpu.wait_dma2 semaphore(%run_scoped3A : memref<!tpu.dma_semaphore, #tpu.memory_space<semaphore_mem>>) src(%dma_wait3A_637 : memref<200xi32, #tpu.memory_space<hbm>>) dst(%arg8 : memref<200xi32, #tpu.memory_space<vmem>>)
          tpu.yield
        }) : () -> ()
        %dma_start3A_631 = arith.constant 0 : i32
        %dma_start3A_632 = arith.constant 0 : i32
        %dma_start3A_633 = tpu.memref_slice %arg3[%dma_start3A_631, %dma_start3A_632] : memref<1000000x128xf32, #tpu.memory_space<hbm>> -> memref<1000000x128xf32, #tpu.memory_space<hbm>>
        tpu.enqueue_indirect_dma source(%dma_start3A_633 : memref<1000000x128xf32, #tpu.memory_space<hbm>>) target(%arg12 : memref<200x128xf32, #tpu.memory_space<vmem>>) offsets(%arg8 : memref<200xi32, #tpu.memory_space<vmem>>) semaphore(%arg18 : memref<!tpu.dma_semaphore, #tpu.memory_space<semaphore_mem>>)
      } else {
      }
    }
    %scan3A_44 = arith.constant 32 : i32
    %dma_wait3A = arith.constant 0 : i32
    %dma_wait3A_45 = arith.constant 0 : i32
    %dma_wait3A_46 = arith.constant 0 : i32
    %dma_wait3A_47 = tpu.memref_slice %arg14[%dma_wait3A_45, %dma_wait3A_46] : memref<200x64xf32, #tpu.memory_space<vmem>> -> memref<50x64xf32, #tpu.memory_space<vmem>>
    %dma_wait3A_48 = arith.constant 0 : i32
    %dma_wait3A_49 = arith.constant 0 : i32
    %dma_wait3A_50 = tpu.memref_slice %arg5[%dma_wait3A, %dma_wait3A_48, %dma_wait3A_49] : memref<16384x50x64xf32, #tpu.memory_space<hbm>> -> memref<1x50x64xf32, #tpu.memory_space<hbm>>
    %dma_wait3A_51 = tpu.memref_squeeze %dma_wait3A_50 : memref<1x50x64xf32, #tpu.memory_space<hbm>> -> memref<50x64xf32, #tpu.memory_space<hbm>>
    %dma_wait3A_52 = arith.constant 0 : i32
    %dma_wait3A_53 = arith.constant 0 : i32
    %dma_wait3A_54 = tpu.memref_slice %arg14[%dma_wait3A_52, %dma_wait3A_53] : memref<200x64xf32, #tpu.memory_space<vmem>> -> memref<50x64xf32, #tpu.memory_space<vmem>>
    %dma_wait3A_55 = arith.constant 0 : i32
    %dma_wait3A_56 = arith.constant 0 : i32
    %dma_wait3A_57 = tpu.memref_slice %arg5[%dma_wait3A, %dma_wait3A_55, %dma_wait3A_56] : memref<16384x50x64xf32, #tpu.memory_space<hbm>> -> memref<1x50x64xf32, #tpu.memory_space<hbm>>
    %dma_wait3A_58 = tpu.memref_squeeze %dma_wait3A_57 : memref<1x50x64xf32, #tpu.memory_space<hbm>> -> memref<50x64xf32, #tpu.memory_space<hbm>>
    tpu.wait_dma2 semaphore(%arg20 : memref<!tpu.dma_semaphore, #tpu.memory_space<semaphore_mem>>) src(%dma_wait3A_58 : memref<50x64xf32, #tpu.memory_space<hbm>>) dst(%dma_wait3A_54 : memref<50x64xf32, #tpu.memory_space<vmem>>)
    %dma_wait3A_59 = arith.constant 0 : i32
    %dma_wait3A_60 = arith.constant 50 : i32
    %dma_wait3A_61 = arith.constant 0 : i32
    %dma_wait3A_62 = tpu.memref_slice %arg14[%dma_wait3A_60, %dma_wait3A_61] : memref<200x64xf32, #tpu.memory_space<vmem>> -> memref<50x64xf32, #tpu.memory_space<vmem>>
    %dma_wait3A_63 = arith.constant 0 : i32
    %dma_wait3A_64 = arith.constant 0 : i32
    %dma_wait3A_65 = tpu.memref_slice %arg5[%dma_wait3A_59, %dma_wait3A_63, %dma_wait3A_64] : memref<16384x50x64xf32, #tpu.memory_space<hbm>> -> memref<1x50x64xf32, #tpu.memory_space<hbm>>
    %dma_wait3A_66 = tpu.memref_squeeze %dma_wait3A_65 : memref<1x50x64xf32, #tpu.memory_space<hbm>> -> memref<50x64xf32, #tpu.memory_space<hbm>>
    %dma_wait3A_67 = arith.constant 50 : i32
    %dma_wait3A_68 = arith.constant 0 : i32
    %dma_wait3A_69 = tpu.memref_slice %arg14[%dma_wait3A_67, %dma_wait3A_68] : memref<200x64xf32, #tpu.memory_space<vmem>> -> memref<50x64xf32, #tpu.memory_space<vmem>>
    %dma_wait3A_70 = arith.constant 0 : i32
    %dma_wait3A_71 = arith.constant 0 : i32
    %dma_wait3A_72 = tpu.memref_slice %arg5[%dma_wait3A_59, %dma_wait3A_70, %dma_wait3A_71] : memref<16384x50x64xf32, #tpu.memory_space<hbm>> -> memref<1x50x64xf32, #tpu.memory_space<hbm>>
    %dma_wait3A_73 = tpu.memref_squeeze %dma_wait3A_72 : memref<1x50x64xf32, #tpu.memory_space<hbm>> -> memref<50x64xf32, #tpu.memory_space<hbm>>
    tpu.wait_dma2 semaphore(%arg20 : memref<!tpu.dma_semaphore, #tpu.memory_space<semaphore_mem>>) src(%dma_wait3A_73 : memref<50x64xf32, #tpu.memory_space<hbm>>) dst(%dma_wait3A_69 : memref<50x64xf32, #tpu.memory_space<vmem>>)
    %dma_wait3A_74 = arith.constant 0 : i32
    %dma_wait3A_75 = arith.constant 100 : i32
    %dma_wait3A_76 = arith.constant 0 : i32
    %dma_wait3A_77 = tpu.memref_slice %arg14[%dma_wait3A_75, %dma_wait3A_76] : memref<200x64xf32, #tpu.memory_space<vmem>> -> memref<50x64xf32, #tpu.memory_space<vmem>>
    %dma_wait3A_78 = arith.constant 0 : i32
    %dma_wait3A_79 = arith.constant 0 : i32
    %dma_wait3A_80 = tpu.memref_slice %arg5[%dma_wait3A_74, %dma_wait3A_78, %dma_wait3A_79] : memref<16384x50x64xf32, #tpu.memory_space<hbm>> -> memref<1x50x64xf32, #tpu.memory_space<hbm>>
    %dma_wait3A_81 = tpu.memref_squeeze %dma_wait3A_80 : memref<1x50x64xf32, #tpu.memory_space<hbm>> -> memref<50x64xf32, #tpu.memory_space<hbm>>
    %dma_wait3A_82 = arith.constant 100 : i32
    %dma_wait3A_83 = arith.constant 0 : i32
    %dma_wait3A_84 = tpu.memref_slice %arg14[%dma_wait3A_82, %dma_wait3A_83] : memref<200x64xf32, #tpu.memory_space<vmem>> -> memref<50x64xf32, #tpu.memory_space<vmem>>
    %dma_wait3A_85 = arith.constant 0 : i32
    %dma_wait3A_86 = arith.constant 0 : i32
    %dma_wait3A_87 = tpu.memref_slice %arg5[%dma_wait3A_74, %dma_wait3A_85, %dma_wait3A_86] : memref<16384x50x64xf32, #tpu.memory_space<hbm>> -> memref<1x50x64xf32, #tpu.memory_space<hbm>>
    %dma_wait3A_88 = tpu.memref_squeeze %dma_wait3A_87 : memref<1x50x64xf32, #tpu.memory_space<hbm>> -> memref<50x64xf32, #tpu.memory_space<hbm>>
    tpu.wait_dma2 semaphore(%arg20 : memref<!tpu.dma_semaphore, #tpu.memory_space<semaphore_mem>>) src(%dma_wait3A_88 : memref<50x64xf32, #tpu.memory_space<hbm>>) dst(%dma_wait3A_84 : memref<50x64xf32, #tpu.memory_space<vmem>>)
    %dma_wait3A_89 = arith.constant 0 : i32
    %dma_wait3A_90 = arith.constant 150 : i32
    %dma_wait3A_91 = arith.constant 0 : i32
    %dma_wait3A_92 = tpu.memref_slice %arg14[%dma_wait3A_90, %dma_wait3A_91] : memref<200x64xf32, #tpu.memory_space<vmem>> -> memref<50x64xf32, #tpu.memory_space<vmem>>
    %dma_wait3A_93 = arith.constant 0 : i32
    %dma_wait3A_94 = arith.constant 0 : i32
    %dma_wait3A_95 = tpu.memref_slice %arg5[%dma_wait3A_89, %dma_wait3A_93, %dma_wait3A_94] : memref<16384x50x64xf32, #tpu.memory_space<hbm>> -> memref<1x50x64xf32, #tpu.memory_space<hbm>>
    %dma_wait3A_96 = tpu.memref_squeeze %dma_wait3A_95 : memref<1x50x64xf32, #tpu.memory_space<hbm>> -> memref<50x64xf32, #tpu.memory_space<hbm>>
    %dma_wait3A_97 = arith.constant 150 : i32
    %dma_wait3A_98 = arith.constant 0 : i32
    %dma_wait3A_99 = tpu.memref_slice %arg14[%dma_wait3A_97, %dma_wait3A_98] : memref<200x64xf32, #tpu.memory_space<vmem>> -> memref<50x64xf32, #tpu.memory_space<vmem>>
    %dma_wait3A_100 = arith.constant 0 : i32
    %dma_wait3A_101 = arith.constant 0 : i32
    %dma_wait3A_102 = tpu.memref_slice %arg5[%dma_wait3A_89, %dma_wait3A_100, %dma_wait3A_101] : memref<16384x50x64xf32, #tpu.memory_space<hbm>> -> memref<1x50x64xf32, #tpu.memory_space<hbm>>
    %dma_wait3A_103 = tpu.memref_squeeze %dma_wait3A_102 : memref<1x50x64xf32, #tpu.memory_space<hbm>> -> memref<50x64xf32, #tpu.memory_space<hbm>>
    tpu.wait_dma2 semaphore(%arg20 : memref<!tpu.dma_semaphore, #tpu.memory_space<semaphore_mem>>) src(%dma_wait3A_103 : memref<50x64xf32, #tpu.memory_space<hbm>>) dst(%dma_wait3A_99 : memref<50x64xf32, #tpu.memory_space<vmem>>)
    return
  }
}

</mosaic_0001>

<sc_bundles>
// kernel: kernel.3.cloned.1.call-start
scs
__scs_entry_jumppad:
0x0: {  	(pc) =	sbr.rel $0x88, $3  }
0x1: {  	(tag) =	ssettag $0x0;
	lr =	simm.s32 $0x1  }
0x2: {  	[smem:$0x3F9D] =	sst lr;
	_ =	strace $0xD0000000  }
0x3: {  	_ = 	snop  }
0x4: {  	_ = 	snop  }
0x5: {  	_ = 	snop  }
0x6: {  	_ = 	snop  }
0x7: {  	_ = 	snop  }
__scs_overlays_trampoline_lowered:
0x8: {  	[smem:$0x3FAC] =	sst s0  }
0x9: {  	[smem:$0x3FAD] =	sst s1  }
0xa: {  	[smem:$0x3FAE] =	sst s2  }
0xb: {  	[smem:$0x3FAF] =	sst s3  }
0xc: {  	[smem:$0x3FB0] =	sst s4  }
0xd: {  	[smem:$0x3FB1] =	sst s5  }
0xe: {  	[smem:$0x3FB2] =	sst s6  }
0xf: {  	[smem:$0x3FB3] =	sst s7  }
0x10: {  	[smem:$0x3FB4] =	sst s8  }
0x11: {  	[smem:$0x3FB5] =	sst s9;
	s0 =	simm.s32 @!p0 $0x0  }
0x12: {  	s1 =	sld [smem:$0x3F9B];
	s0 =	simm.s32 @p0 $0x1  }
0x13: {  	[smem:$0x3FB6] =	sst s0;
	s0 =	simm.s32 @!p1 $0x0  }
0x14: {  	s2 =	sld [smem:$0x3F9A];
	s0 =	simm.s32 @p1 $0x1  }
0x15: {  	[smem:$0x3FB7] =	sst s0;
	s0 =	simm.s32 @!p2 $0x0  }
0x16: {  	s3 =	sld [smem:$0x3FDB];
	s0 =	simm.s32 @p2 $0x1  }
0x17: {  	s4 =	simm.s32 $0x1BF5;
	[smem:$0x3FB9] =	sst s0  }
0x18: {  	s0 =	sld [smem:$0x3F9C];
	_ =	swait.ge [sflag:s4], $0x0  }
0x19: {  	s7 =	sld [smem:$0x3F9D]  }
0x1a: {  	s8 =	sadd.s32 $0xFFFFE003, lr  }
0x1b: {  	s9 =	sadd.s32 $0xFFFFFEF7, lr;
	s5 =	simm.s32 $0xFFFFFFFF;
	p2 =	slt.u32 s8, $0xFFFFF086  }
0x1c: {  	p1 =	slt.u32 s9, $0xF7A;
	s5 =	simm.s32 @!p2 $0x0  }
0x1d: {  	s5 =	simm.s32 @p1 $0x1;
	p0 =	seq.s32 s7, s2  }
0x1e: {  	s7 =	smul.u32 @!p0 $0xF7A, s2;
	p2 =	seq.s32 @!p0 s5, $0x0  }
0x1f: {  	s9 =	smul.u32 $0xF7A, s1;
	s8 =	simm.s32 @!p0 $0x1BF5;
	p2 =	por !p2, p0  }
0x20: {  	[sflag:s8] =	ssyncset.s32 @!p0 $0xFFFFF086;
	s6 =	sadd.s32 @!p0 s3, s7;
	s7 =	simm.s32 @!p0 $0x108  }
0x21: {  	s3 =	sadd.s32 s3, s9;
	s6 =	sadd.s32 @!p0 $0x88, s6;
	s7 =	simm.s32 @p2 $0x1082  }
0x22: {  	[simem:s7], [sflag:s8] =	dma.local @!p0 [hbm:s6], $0xF7A  }
0x23: {  	s9 =	sor.u32 $0xD0000000, s2;
	s6 =	simm.s32 $0x108;
	_ =	swait.ge @!p0 [sflag:s8], $0x0  }
0x24: {  	s3 =	sadd.s32 $0x88, s3;
	s6 =	simm.s32 @!p1 $0x1082;
	[sflag:s4] =	ssyncset.s32 $0xFFFFF086  }
0x25: {  	[simem:s6], [sflag:s4] =	dma.local [hbm:s3], $0xF7A  }
0x26: {  	[smem:$0x3F9D] =	sst s1;
	(tag) =	ssettag s2;
	_ =	strace s9  }
0x27: {  	s1 =	sld [smem:$0x3FAD]  }
0x28: {  	s2 =	sld [smem:$0x3FAE]  }
0x29: {  	s4 =	sld [smem:$0x3FB0]  }
0x2a: {  	p0 =	seq.s32 s5, $0x0;
	s5 =	sld [smem:$0x3FB1]  }
0x2b: {  	s6 =	sld [smem:$0x3FB2]  }
0x2c: {  	s7 =	sld [smem:$0x3FB3]  }
0x2d: {  	s3 =	simm.s32 $0x108;
	s8 =	sld [smem:$0x3FB4]  }
0x2e: {  	s3 =	simm.s32 @!p0 $0x1082;
	s9 =	sld [smem:$0x3FB5]  }
0x2f: {  	lr =	sadd.s32 s0, s3;
	s0 =	sld [smem:$0x3FAC]  }
0x30: {  	s3 =	sld [smem:$0x3FAF]  }
0x31: {  	[smem:$0x3FB8] =	sst s10  }
0x32: {  	s10 =	sld [smem:$0x3FB6];
	_ =	sdelay $0x3  }
0x33: {  	p0 =	seq.s32 s10, $0x1;
	s10 =	sld [smem:$0x3FB8];
	_ =	sdelay $0x3  }
0x34: {  	[smem:$0x3FB8] =	sst s10  }
0x35: {  	s10 =	sld [smem:$0x3FB7];
	_ =	sdelay $0x3  }
0x36: {  	p1 =	seq.s32 s10, $0x1;
	s10 =	sld [smem:$0x3FB8];
	_ =	sdelay $0x3  }
0x37: {  	[smem:$0x3FB8] =	sst s10  }
0x38: {  	s10 =	sld [smem:$0x3FB9]  }
0x39: {  	_ = 	snop;
	(pc) =	sbr.ind lr, $3  }
0x3a: {  	_ = 	snop  }
0x3b: {  	_ = 	snop  }
0x3c: {  	p2 =	seq.s32 s10, $0x1;
	s10 =	sld [smem:$0x3FB8]  }
0x3d: {  	_ =	shalt  }
0x3e: {  	_ =	shalt  }
0x3f: {  	_ =	shalt  }
0x40: {  	_ =	shalt  }
0x41: {  	_ =	shalt  }
0x42: {  	_ =	shalt  }
0x43: {  	_ =	shalt  }
0x44: {  	_ =	shalt  }
0x45: {  	_ =	shalt  }
0x46: {  	_ =	shalt  }
0x47: {  	_ =	shalt  }
0x48: {  	_ =	shalt  }
0x49: {  	_ =	shalt  }
0x4a: {  	_ =	shalt  }
0x4b: {  	_ =	shalt  }
0x4c: {  	_ =	shalt  }
0x4d: {  	_ =	shalt  }
0x4e: {  	_ =	shalt  }
0x4f: {  	_ =	shalt  }
0x50: {  	_ =	shalt  }
0x51: {  	_ =	shalt  }
0x52: {  	_ =	shalt  }
0x53: {  	_ =	shalt  }
0x54: {  	_ =	shalt  }
0x55: {  	_ =	shalt  }
0x56: {  	_ =	shalt  }
0x57: {  	_ =	shalt  }
0x58: {  	_ =	shalt  }
0x59: {  	_ =	shalt  }
0x5a: {  	_ =	shalt  }
0x5b: {  	_ =	shalt  }
0x5c: {  	_ =	shalt  }
0x5d: {  	_ =	shalt  }
0x5e: {  	_ =	shalt  }
0x5f: {  	_ =	shalt  }
0x60: {  	_ =	shalt  }
0x61: {  	_ =	shalt  }
0x62: {  	_ =	shalt  }
0x63: {  	_ =	shalt  }
0x64: {  	_ =	shalt  }
0x65: {  	_ =	shalt  }
0x66: {  	_ =	shalt  }
0x67: {  	_ =	shalt  }
0x68: {  	_ =	shalt  }
0x69: {  	_ =	shalt  }
0x6a: {  	_ =	shalt  }
0x6b: {  	_ =	shalt  }
0x6c: {  	_ =	shalt  }
0x6d: {  	_ =	shalt  }
0x6e: {  	_ =	shalt  }
0x6f: {  	_ =	shalt  }
0x70: {  	_ =	shalt  }
0x71: {  	_ =	shalt  }
0x72: {  	_ =	shalt  }
0x73: {  	_ =	shalt  }
0x74: {  	_ =	shalt  }
0x75: {  	_ =	shalt  }
0x76: {  	_ =	shalt  }
0x77: {  	_ =	shalt  }
0x78: {  	_ =	shalt  }
0x79: {  	_ =	shalt  }
0x7a: {  	_ =	shalt  }
0x7b: {  	_ =	shalt  }
0x7c: {  	_ =	shalt  }
0x7d: {  	_ =	shalt  }
0x7e: {  	_ =	shalt  }
0x7f: {  	_ =	shalt  }
0x80: {  	_ =	shalt  }
0x81: {  	_ =	shalt  }
0x82: {  	_ =	shalt  }
0x83: {  	_ =	shalt  }
0x84: {  	_ =	shalt  }
0x85: {  	_ =	shalt  }
0x86: {  	_ =	shalt  }
0x87: {  	_ =	shalt  }
.Lfunc_end0:
.L_simem_size_0:
called_computation_lowered:
.L_overlay_start_0:
0x88: {  	s2 =	sld [smem:$0x3FD9]  }
0x89: {  	s3 =	sld [smem:$0x3FFE];
	_ =	sdelay $0x1  }
0x8a: {  	s1 =	srdreg.scid  }
0x8b: {  	s0 =	sand.u32 $0x1, s1  }
0x8c: {  	s17 =	sshll.u32 s0, $0xA;
	s2 =	sadd.s32 s3, s2  }
0x8d: {  	s2 =	sadd.s32 s2, s17  }
0x8e: {  	[smem:$0x3FC4] =	sst s2  }
0x8f: {  	_ = 	snop  }
0x90: {  	s2 =	sld [smem:$0x3FD0];
	(tm) =	ssettm $0x1  }
0x91: {  	s18 =	sld [smem:$0x3FFB];
	_ =	sdelay $0x3  }
0x92: {  	_ =	strace s18  }
0x93: {  	s3 =	sld [smem:$0x3FFC];
	_ =	sdelay $0x3  }
0x94: {  	_ =	strace s3  }
0x95: {  	s3 =	sld [smem:$0x3FFD];
	_ =	sdelay $0x3  }
0x96: {  	_ =	strace s3  }
0x97: {  	_ =	strace $0x8FFFFFFF  }
0x98: {  	s19 =	sld [smem:$0x3FDB];
	_ =	sdelay $0x1  }
0x99: {  	s4 =	simm.s32 $_scs_section_size  }
0x9a: {  	s5 =	simm.s32 $_size__tile_overlayer_lowered;
	s6 =	simm.s32 $_tile_overlayer_lowered  }
0x9b: {  	s22 =	simm.s32 $0x1BFF;
	s21 =	sshll.u32 s6, $0x1;
	s3 =	sadd.s32 s4, s19  }
0x9c: {  	s7 =	simm.s32 $0x0;
	s20 =	sshll.u32 s5, $0x1;
	s5 =	sadd.s32 s21, s3  }
0x9d: {  	[timem:s7], [sflag:s22] =	dma.local [hbm:s5], s20  }
0x9e: {  	_ =	swait.ge [sflag:s22], s20  }
0x9f: {  	s4 =	ssub.s32 $0x0, s20;
	[sflag:s22] =	ssyncset.done $0x0  }
0xa0: {  	[sflag:s22] =	ssyncadd.s32 s4;
	_ =	sdelay $0x1  }
0xa1: {  	s23 =	simm.s32 $0x1B8B  }
0xa2: {  	_ =	swait.ge [sflag:s23], $0x1  }
0xa3: {  	[sflag:s23] =	ssyncset.done $0x0  }
0xa4: {  	s25 =	simm.s32 $0x1B8E;
	s24 =	sld [smem:$0x3FFE];
	[sflag:s23] =	ssyncadd.s32 $0xFFFFFFFF  }
0xa5: {  	s26 =	simm.s32 $execute0_lowered;
	[smem:$0x3FD2] =	sst s25  }
0xa6: {  	s5 =	sshll.u32 s26, $0x1;
	_ =	strace $0x80000046;
	[dreg:$0x1] =	wrdreg $0xFFFFFFFF  }
0xa7: {  	s28 =	simm.s32 $_size_execute0_lowered;
	s3 =	sadd.s32 s3, s5;
	[dreg:$0x0] =	wrdreg $0x0  }
0xa8: {  	s5 =	sshll.u32 s28, $0x1;
	[dreg:$0x2] =	wrdreg s3  }
0xa9: {  	[dreg:$0x3] =	wrdreg s5  }
0xaa: {  	[dreg:$0x4] =	wrdreg $0xC0  }
0xab: {  	_ =	task [dreg:s7], $0x5FFFF  }
0xac: {  	[dreg:$0x1] =	wrdreg $0xFFFFFFFF  }
0xad: {  	[dreg:$0x0] =	wrdreg $0x60  }
0xae: {  	[dreg:$0x2] =	wrdreg s2  }
0xaf: {  	[dreg:$0x3] =	wrdreg s24  }
0xb0: {  	[dreg:$0x4] =	wrdreg $0x9  }
0xb1: {  	_ =	task.clear_ibuf [dreg:s7], $0x5FFFF;
	_ =	strace $0x90000046  }
0xb2: {  	s29 =	simm.s32 $0x9;
	_ =	strace $0x80000048  }
0xb3: {  	_ =	swait.ge [sflag:s29], $0x1  }
0xb4: {  	[sflag:s29] =	ssyncadd.s32 $0xFFFFFFFF  }
0xb5: {  	_ =	strace $0x90000048  }
0xb6: {  	_ =	sfence  }
0xb7: {  	s30 =	sld [smem:$0x0];
	_ =	sdelay $0x2  }
0xb8: {  	s31 =	sshll.u32 s1, $0xD;
	s1 =	sshrl.u32 s1, $0x2  }
0xb9: {  	s3 =	sand.u32 $0x4000, s31;
	s1 =	sadd.s32 s1, s30  }
0xba: {  	s0 =	sor.u32 s3, s0;
	s1 =	sshll.u32 s1, $0x11  }
0xbb: {  	s0 =	sor.u32 s1, s0  }
0xbc: {  	s0 =	sadd.s32 $0x8F2B, s0  }
0xbd: {  	[sflag:s0] =	ssyncadd.remote.s32 $0x1  }
0xbe: {  	_ =	sfence.sel $0xFFFF  }
0xbf: {  	[dreg:$0x0] =	wrdreg $0xFFFFFFFF;
	(pc) =	sbr.abs _section_cstart, $3  }
0xc0: {  	[dreg:$0x1] =	wrdreg $0xFFFFFFFF  }
0xc1: {  	_ =	task.clear_ibuf [dreg:s7], $0x2FFFF;
	_ =	strace $0x9FFFFFFF  }
0xc2: {  	(tm) =	ssettm $0x7FFFFFFF  }
0xc3: {  	_ =	shalt  }
tec
execute0_lowered:
.L_overlay_start_1:
0x0: {  	(tag) =	ssettag $0x1  }
0x1: {  	s2 =	rddreg [dreg:$0x0]  }
0x2: {  	s0 =	rddreg [dreg:$0x1];
	v0 =	vimm.s32 $0xFEDCBA98;
	v1 =	vimm.s32 $0x76543210  }
0x3: {  	s1 =	srdreg.scid;
	s4 =	stileid.u32;
	s3 =	simm.s32 $0x0;
	v2 =	vimm.s32 $0xBA98FEDC;
	v3 =	vimm.s32 $0x32107654;
	v4 =	vimm.s32 $0xDCFE98BA  }
0x4: {  	v5 =	vimm.s32 $0x54761032;
	v6 =	vimm.s32 $0xEFCDAB89;
	s18 =	simm.s32 $0x6;
	s19 =	simm.s32 $0xC8;
	s28 =	simm.s32 $0x1AD00  }
0x5: {  	v7 =	vimm.s32 $0x67452301;
	s29 =	simm.s32 $0x1C600;
	s30 =	simm.s32 $0x1DF00;
	s31 =	simm.s32 $0x300  }
0x6: {  	s17 =	simm.s32 $0x5;
	s20 =	simm.s32 $0x3;
	s22 =	simm.s32 $0x4;
	v0 =	vunpack.c.l.s4.s8 v0;
	v1 =	vunpack.c.l.s4.s8 v1;
	v2 =	vunpack.c.l.s4.s8 v2  }
0x7: {  	s1 =	sand.u32 $0x1, s1;
	s4 =	sshll.u32 s4, $0x1;
	[smem:$0x7FF] =	sst s3;
	v3 =	vunpack.c.l.s4.s8 v3;
	v4 =	vunpack.c.l.s4.s8 v4;
	v5 =	vunpack.c.l.s4.s8 v5  }
0x8: {  	s6 =	sadd.s32 $0xA00, s0;
	s11 =	sadd.s32 $0xF80, s0;
	s12 =	sadd.s32 $0x1300, s0;
	v6 =	vunpack.c.l.s4.s8 v6;
	v7 =	vunpack.c.l.s4.s8 v7;
	v0 =	vunpack.c.0.s8.s32 v0  }
0x9: {  	s5 =	sor.u32 s1, s4;
	_ =	strace $0x80000047;
	s4 =	sadd.s32 $0xF42E00, s0;
	v2 =	vunpack.c.0.s8.s32 v2;
	v3 =	vunpack.c.0.s8.s32 v3;
	v4 =	vunpack.c.0.s8.s32 v4  }
0xa: {  	[dreg:$0x3] =	wrdreg s6;
	s6 =	sadd.s32 $0xC00, s0;
	s1 =	ssub.s32 $0x2, s1;
	v5 =	vunpack.c.0.s8.s32 v5;
	v6 =	vunpack.c.0.s8.s32 v6;
	v1 =	vunpack.c.0.s8.s32 v1  }
0xb: {  	s7 =	smul.u32 $0xC80, s5;
	s8 =	sshll.u32 s5, $0x9;
	s25 =	sshrl.u32 s1, $0x1;
	v7 =	vunpack.c.0.s8.s32 v7;
	v2 =	vcombine.low v3, v2;
	v0 =	vand.u32 $0xF, v0  }
0xc: {  	s5 =	simm.s32 $0x0;
	s13 =	sor.u32 $0x14, s8;
	s26 =	ssub.s32 s1, s25;
	v3 =	vcombine.low v5, v4;
	v0 =	vcombine.low v0, v1  }
.Ltmp0:
0xd: {  	s14 =	sor.u32 $0x10, s8;
	s7 =	sadd.s32 s2, s7;
	v4 =	vcombine.low v7, v6;
	(pc) =	sbr.rel .LBB2_1-.Ltmp0, $4  }
0xe: {  	s15 =	sor.u32 $0x18, s8;
	s0 =	smax.u32 s26, $0x1;
	[dreg:$0x4] =	wrdreg s7;
	v63 =	vand.u32 $0xF, v3;
	[tilespmem:$0x1FFC0] =	vst v0  }
0xf: {  	s25 =	simm.s32 $0x1;
	s23 =	sadd.s32 $0x19, s7;
	[dreg:$0x7] =	wrdreg s0;
	v6 =	vand.u32 $0xF, v4;
	[tilespmem:$0x1FFD0] =	vst v63  }
0x10: {  	s1 =	simm.s32 $0x2;
	s24 =	sadd.s32 $0x32, s7;
	[dreg:$0x5] =	wrdreg s23;
	v0 =	vand.u32 $0xF, v2;
	[tilespmem:$0x1FFF0] =	vst v6  }
0x11: {  	s26 =	simm.s32 $0x19400;
	[dreg:$0x6] =	wrdreg s24;
	s23 =	simm.s32 $0x200;
	[tilespmem:$0x1FFE0] =	vst v0  }
.LBB2_12:
0x12: {  	_ =	swait.ge [sflag:s17], $0x1900  }
0x13: {  	[sflag:s17] =	ssyncset.done $0x0  }
0x14: {  	[sflag:s17] =	ssyncadd.s32 $0xFFFFE700  }
0x15: {  	_ =	swait.ge [sflag:s17], $0x1900  }
0x16: {  	[sflag:s17] =	ssyncset.done $0x0  }
0x17: {  	[sflag:s17] =	ssyncadd.s32 $0xFFFFE700  }
0x18: {  	_ =	swait.ge [sflag:s17], $0x1900  }
0x19: {  	[sflag:s17] =	ssyncset.done $0x0  }
0x1a: {  	[sflag:s17] =	ssyncadd.s32 $0xFFFFE700  }
0x1b: {  	_ =	swait.ge [sflag:s17], $0x1900  }
0x1c: {  	s5 =	rddreg [dreg:$0x8]  }
0x1d: {  	s0 =	rddreg [dreg:$0x7];
	s5 =	sadd.s32 $0x1, s5  }
0x1e: {  	p0 =	sne.s32 s5, s0  }
.Ltmp1:
0x1f: {  	_ = 	snop;
	(pc) =	sbr.rel @!p0 .LBB2_13-.Ltmp1, $3  }
0x20: {  	_ =	sdelay $0x1  }
0x21: {  	[sflag:s17] =	ssyncset.done $0x0  }
0x22: {  	v0 =	vmov v5;
	[sflag:s17] =	ssyncadd.s32 $0xFFFFE700  }
.LBB2_1:
0x23: {  	[dreg:$0x8] =	wrdreg s5  }
0x24: {  	s0 =	rddreg [dreg:$0x3];
	s24 =	simm.s32 $0x1F800  }
0x25: {  	[tilespmem:s24], [sflag:$0x6] =	stream.linear.gather [hbm4b:s0+s3], $0x80, $0x38;
	[tilespmem:$0x1F880] =	vst v63  }
0x26: {  	_ =	swait.ge [sflag:s18], $0x80  }
0x27: {  	[sflag:s18] =	ssyncset.done $0x0  }
0x28: {  	[sflag:s18] =	ssyncadd.s32 $0xFFFFFF80  }
0x29: {  	v2 =	vld [tilespmem:$0x1F800];
	_ =	sdelay $0x4  }
0x2a: {  	[tilespmem:$0x1FF40] =	vst v2;
	v2 =	vld [tilespmem:$0x1F810];
	_ =	sdelay $0x4  }
0x2b: {  	[tilespmem:$0x1FF50] =	vst v2;
	v2 =	vld [tilespmem:$0x1F840];
	_ =	sdelay $0x4  }
0x2c: {  	[tilespmem:$0x1FF60] =	vst v2;
	v2 =	vld [tilespmem:$0x1F850]  }
0x2d: {  	v7 =	vld [tilespmem:$0x1F820]  }
0x2e: {  	v8 =	vld [tilespmem:$0x1F830]  }
0x2f: {  	s5 =	rddreg [dreg:$0x4];
	v10 =	vld [tilespmem:$0x1F860]  }
0x30: {  	v9 =	vld [tilespmem:$0x1F870];
	[tilespmem:s3], [sflag:$0x6] =	stream.linear.gather [hbm4b:s5+s3], $0xC8, $0x38  }
0x31: {  	[tilespmem:$0x1FF70] =	vst v2  }
0x32: {  	_ =	swait.ge [sflag:s18], $0xC8  }
0x33: {  	[sflag:s18] =	ssyncset.done $0x0  }
0x34: {  	s7 =	simm.s32 $0x400;
	[sflag:s18] =	ssyncadd.s32 $0xFFFFFF38  }
0x35: {  	[tilespmem:s7], [sflag:$0x1] =	stream.indirect.gather [hbm4b:s4+s19], $0x80, s3, s19, $0xb8;
	[tilespmem:$0x1F880] =	vst v63  }
0x36: {  	s10 =	simm.s32 $0x100;
	s9 =	rddreg [dreg:$0x5]  }
0x37: {  	[tilespmem:s10], [sflag:$0x6] =	stream.linear.gather [hbm4b:s9+s3], $0xC8, $0x38;
	[tilespmem:$0x1F880] =	vst v63  }
0x38: {  	_ =	swait.ge [sflag:s18], $0xC8  }
0x39: {  	[sflag:s18] =	ssyncset.done $0x0  }
0x3a: {  	s16 =	simm.s32 $0x6800;
	[sflag:s18] =	ssyncadd.s32 $0xFFFFFF38  }
0x3b: {  	[tilespmem:s16], [sflag:$0x2] =	stream.indirect.gather [hbm4b:s4+s19], $0x80, s10, s19, $0xb8;
	[tilespmem:$0x1F880] =	vst v63  }
0x3c: {  	s21 =	rddreg [dreg:$0x6]  }
0x3d: {  	[tilespmem:s23], [sflag:$0x6] =	stream.linear.gather [hbm4b:s21+s3], $0xC8, $0x38;
	[tilespmem:$0x1F880] =	vst v63  }
0x3e: {  	_ =	swait.ge [sflag:s18], $0xC8  }
0x3f: {  	[tilespmem:$0x1FF80] =	vst v7  }
0x40: {  	[tilespmem:$0x1FF90] =	vst v8  }
0x41: {  	[sflag:s18] =	ssyncset.done $0x0;
	[tilespmem:$0x1FFA0] =	vst v10  }
0x42: {  	s24 =	simm.s32 $0xCC00;
	s5 =	simm.s32 $0x0;
	[tilespmem:$0x1FFB0] =	vst v9;
	[sflag:s18] =	ssyncadd.s32 $0xFFFFFF38  }
0x43: {  	[tilespmem:s24], [sflag:$0x3] =	stream.indirect.gather [hbm4b:s4+s19], $0x80, s23, s19, $0xb8;
	[tilespmem:$0x1F880] =	vst v63  }
.LBB2_2:
0x44: {  	v1 =	vld [tilespmem:$0x1FFC0];
	_ =	swait.ge [sflag:s25], $0x6400  }
0x45: {  	p0 =	seq.s32 s5, $0x0;
	[sflag:s25] =	ssyncset.done $0x0  }
0x46: {  	s0 =	simm.s32 @!p0 $0x5;
	[sflag:s25] =	ssyncadd.s32 $0xFFFF9C00  }
0x47: {  	_ =	swait.ge @!p0 [sflag:s0], $0x1900  }
0x48: {  	[sflag:s0] =	ssyncset.done @!p0 $0x0  }
0x49: {  	[sflag:s0] =	ssyncadd.s32 @!p0 $0xFFFFE700  }
0x4a: {  	_ =	swait.ge @!p0 [sflag:s0], $0x1900  }
0x4b: {  	[sflag:s0] =	ssyncset.done @!p0 $0x0  }
0x4c: {  	[sflag:s0] =	ssyncadd.s32 @!p0 $0xFFFFE700  }
0x4d: {  	_ =	swait.ge @!p0 [sflag:s0], $0x1900  }
0x4e: {  	[sflag:s0] =	ssyncset.done @!p0 $0x0  }
0x4f: {  	[sflag:s0] =	ssyncadd.s32 @!p0 $0xFFFFE700  }
0x50: {  	_ =	swait.ge @!p0 [sflag:s0], $0x1900  }
0x51: {  	[sflag:s0] =	ssyncset.done @!p0 $0x0  }
0x52: {  	s24 =	simm.s32 $0x600;
	[sflag:s0] =	ssyncadd.s32 @!p0 $0xFFFFE700  }
0x53: {  	v5 =	vld [tilespmem:s24+$0x180]  }
0x54: {  	v4 =	vld [tilespmem:s24+$0x190]  }
0x55: {  	v3 =	vld [tilespmem:s24+$0x1A0]  }
0x56: {  	v11 =	vld [tilespmem:s24+$0x1B0]  }
0x57: {  	v30 =	vld [tilespmem:s24+$0xFFFFFE20]  }
0x58: {  	v31 =	vld [tilespmem:s24+$0xFFFFFE30]  }
0x59: {  	v24 =	vld [tilespmem:s24+$0xFFFFFE80]  }
0x5a: {  	v23 =	vld [tilespmem:s24+$0xFFFFFE90]  }
0x5b: {  	v25 =	vld [tilespmem:s24+$0xFFFFFEA0]  }
0x5c: {  	v26 =	vld [tilespmem:s24+$0xFFFFFEB0]  }
0x5d: {  	v2 =	vld [tilespmem:s24+$0xFFFFFF00];
	v16 =	vadd.f32 v4, v5;
	v18 =	vmul.f32 v5, v5;
	v19 =	vmul.f32 v4, v4  }
0x5e: {  	v12 =	vld [tilespmem:s24+$0xFFFFFF10];
	v17 =	vadd.f32 v11, v3;
	v20 =	vmul.f32 v3, v3;
	v21 =	vmul.f32 v11, v11  }
0x5f: {  	v27 =	vmul.f32 v31, v31;
	v46 =	vadd.f32 v31, v30;
	v28 =	vmul.f32 v24, v24  }
0x60: {  	v13 =	vld [tilespmem:s24+$0xFFFFFF20];
	v34 =	vadd.f32 v23, v24;
	v35 =	vmul.f32 v25, v25;
	v22 =	vadd.f32 v17, v16  }
0x61: {  	v14 =	vld [tilespmem:s24+$0xFFFFFF80];
	v38 =	vmul.f32 v26, v26;
	v19 =	vadd.f32 v19, v18;
	v20 =	vadd.f32 v21, v20  }
0x62: {  	v29 =	vld [tilespmem:s24+$0xFFFFFE10];
	v37 =	vadd.f32 v26, v25;
	v39 =	vmul.f32 v2, v2;
	v21 =	vmul.f32 v30, v30  }
0x63: {  	v41 =	vadd.f32 v12, v2;
	v32 =	vadd.f32 v20, v19;
	v33 =	vperm.xlane v22, v1;
	v20 =	vld [tilespmem:s24+$0xFFFFFF30]  }
0x64: {  	v59 =	vmul.f32 v12, v12;
	v47 =	vadd.f32 v27, v21;
	v27 =	vmul.f32 v23, v23;
	v21 =	vld [tilespmem:s24+$0xFFFFFF90]  }
0x65: {  	v42 =	vmul.f32 v13, v13;
	v33 =	vadd.f32 v22, v33;
	v36 =	vperm.xlane v32, v1;
	v22 =	vld [tilespmem:s24+$0xFFFFFFA0];
	[tilespmem:$0x1FF00] =	vst v2  }
0x66: {  	v51 =	vmul.f32 v14, v14;
	v49 =	vadd.f32 v37, v34;
	v48 =	vadd.f32 v27, v28;
	v27 =	vld [tilespmem:s24+$0xFFFFFFB0];
	[tilespmem:$0x1FF10] =	vst v12  }
0x67: {  	v50 =	vadd.f32 v38, v35;
	v40 =	vperm.xlane v33, v0;
	v36 =	vadd.f32 v36, v32;
	v28 =	vld [tilespmem:s24+$0x0];
	[tilespmem:$0x1FF20] =	vst v13  }
0x68: {  	v56 =	vadd.f32 v59, v39;
	v32 =	vld [tilespmem:s24+$0x10];
	v43 =	vadd.f32 v20, v13;
	v62 =	vmul.f32 v20, v20  }
0x69: {  	v52 =	vadd.f32 v21, v14;
	v60 =	vadd.f32 v33, v40;
	v61 =	vperm.xlane v36, v0;
	v33 =	vld [tilespmem:s24+$0x20];
	[tilespmem:$0x1FF30] =	vst v14  }
0x6a: {  	v35 =	vld [tilespmem:s24+$0x30];
	v53 =	vadd.f32 v43, v41;
	v43 =	vmul.f32 v21, v21;
	v54 =	vmul.f32 v22, v22  }
0x6b: {  	v37 =	vld [tilespmem:s24+$0x90];
	v44 =	vperm.xlane v60, v63;
	v40 =	vadd.f32 v61, v36;
	v55 =	vadd.f32 v27, v22  }
0x6c: {  	v57 =	vmul.f32 v27, v27;
	v58 =	vmul.f32 v28, v28;
	v19 =	vadd.f32 v43, v51  }
0x6d: {  	v36 =	vld [tilespmem:s24+$0x80];
	v41 =	vadd.f32 v60, v44;
	v1 =	vperm.xlane v40, v63;
	v59 =	vadd.f32 v32, v28  }
0x6e: {  	v39 =	vld [tilespmem:s24+$0xA0];
	v60 =	vadd.f32 v62, v42;
	v61 =	vmul.f32 v32, v32;
	v52 =	vadd.f32 v55, v52  }
0x6f: {  	v38 =	vld [tilespmem:s24+$0x100];
	v62 =	vmul.f32 v33, v33;
	v2 =	vperm.xlane v41, v6;
	v44 =	vadd.f32 v1, v40  }
0x70: {  	v54 =	vadd.f32 v57, v54;
	v40 =	vld [tilespmem:s24+$0xB0];
	v55 =	vmul.f32 v35, v35;
	v43 =	vmul.f32 v37, v37  }
0x71: {  	v58 =	vadd.f32 v61, v58;
	v34 =	vadd.f32 v41, v2;
	v42 =	vperm.xlane v44, v6;
	v41 =	vld [tilespmem:s24+$0x110]  }
0x72: {  	v19 =	vadd.f32 v54, v19;
	v18 =	vmul.f32 v36, v36;
	v16 =	vadd.f32 v37, v36  }
0x73: {  	v55 =	vadd.f32 v55, v62;
	v34 =	vmul.f32 $1.562500000e-02, v34;
	v42 =	vadd.f32 v42, v44;
	v44 =	vld [tilespmem:s24+$0xFFFFFE00]  }
0x74: {  	v51 =	vld [tilespmem:s24+$0x120];
	v1 =	vmov v63;
	v63 =	vadd.f32 v35, v33;
	v18 =	vadd.f32 v43, v18  }
0x75: {  	v55 =	vadd.f32 v55, v58;
	v13 =	vmul.f32 $1.562500000e-02, v42;
	v12 =	vmul.f32 v34, v34;
	v42 =	vld [tilespmem:s24+$0x130]  }
0x76: {  	v14 =	vadd.f32 v40, v39;
	v57 =	vadd.f32 v41, v38;
	v62 =	vmul.f32 v41, v41  }
0x77: {  	v12 =	vsub.f32 v13, v12;
	v13 =	vadd.f32 v63, v59;
	v59 =	vmul.f32 v38, v38  }
0x78: {  	v45 =	vmul.f32 v29, v29;
	v14 =	vadd.f32 v14, v16;
	v61 =	vadd.f32 v29, v44  }
0x79: {  	v54 =	vld [tilespmem:$0x1FFC0];
	v2 =	vmovc v0;
	v0 =	vmul.f32 v44, v44;
	v12 =	vadd.f32 $9.999999740e-06, v12;
	v59 =	vadd.f32 v62, v59  }
0x7a: {  	v17 =	vmul.f32 v39, v39;
	v58 =	vld [tilespmem:$0x1FFC0];
	v16 =	vadd.f32 v46, v61;
	v61 =	vadd.f32 v42, v51  }
0x7b: {  	v62 =	vld [tilespmem:$0x1FFC0];
	v46 =	vmul.f32 v51, v51;
	v45 =	vadd.f32 v45, v0;
	v43 =	vmul.f32 v42, v42  }
0x7c: {  	v15 =	vmul.f32 v40, v40;
	v0 =	vshrl.u32 v12, $0x1;
	v57 =	vadd.f32 v61, v57;
	v61 =	vld [tilespmem:$0x1FFC0]  }
0x7d: {  	v12 =	vmul.f32 $5.000000000e-01, v12;
	v45 =	vadd.f32 v47, v45;
	v43 =	vadd.f32 v43, v46;
	v46 =	vld [tilespmem:$0x1FFC0]  }
0x7e: {  	v63 =	vsub.s32 $0x5F3759DF, v0;
	v47 =	vadd.f32 v50, v48;
	v50 =	vadd.f32 v60, v56;
	v60 =	vld [tilespmem:$0x1FFC0]  }
0x7f: {  	v54 =	vperm.xlane v52, v54;
	v15 =	vadd.f32 v15, v17;
	v17 =	vmul.f32 v63, v12  }
0x80: {  	v48 =	vperm.xlane v49, v62  }
0x81: {  	v52 =	vadd.f32 v52, v54;
	v15 =	vadd.f32 v15, v18;
	v62 =	vld [tilespmem:$0x1FFC0];
	v17 =	vmul.f32 v63, v17  }
0x82: {  	v58 =	vperm.xlane v13, v58;
	v48 =	vadd.f32 v49, v48;
	v49 =	vld [tilespmem:$0x1FFC0];
	v61 =	vperm.xlane v16, v61  }
0x83: {  	v56 =	vperm.xlane v53, v46;
	v17 =	vsub.f32 $1.500000000e+00, v17;
	v18 =	vperm.xlane v14, v60;
	v60 =	vld [tilespmem:$0x1FFC0]  }
0x84: {  	v0 =	vperm.xlane v52, v2;
	v16 =	vadd.f32 v16, v61;
	v61 =	vld [tilespmem:$0x1FFC0]  }
0x85: {  	v13 =	vadd.f32 v13, v58;
	v46 =	vmul.f32 v63, v17;
	v53 =	vadd.f32 v53, v56;
	v56 =	vld [tilespmem:$0x1FFC0]  }
0x86: {  	v52 =	vadd.f32 v52, v0;
	v17 =	vadd.f32 v43, v59;
	v63 =	vperm.xlane v45, v62;
	v62 =	vld [tilespmem:$0x1FFC0]  }
0x87: {  	v14 =	vadd.f32 v14, v18;
	v12 =	vmul.f32 v46, v12;
	v49 =	vperm.xlane v47, v49  }
0x88: {  	v45 =	vadd.f32 v63, v45;
	v63 =	vld [tilespmem:$0x1FFC0];
	v54 =	vperm.xlane v19, v60;
	v60 =	vperm.xlane v48, v2  }
0x89: {  	v12 =	vmul.f32 v12, v46;
	v47 =	vadd.f32 v49, v47;
	v49 =	vperm.xlane v53, v2  }
0x8a: {  	v43 =	vperm.xlane v57, v61;
	v56 =	vperm.xlane v50, v56;
	v19 =	vadd.f32 v54, v19  }
0x8b: {  	v18 =	vperm.xlane v15, v62;
	v48 =	vadd.f32 v48, v60;
	v12 =	vsub.f32 $1.500000000e+00, v12  }
0x8c: {  	v62 =	vperm.xlane v14, v2;
	v49 =	vadd.f32 v53, v49;
	v43 =	vadd.f32 v57, v43  }
0x8d: {  	v57 =	vperm.xlane v16, v2;
	v59 =	vperm.xlane v17, v63;
	v50 =	vadd.f32 v56, v50  }
0x8e: {  	v61 =	vld [tilespmem:$0x1FFC0];
	v15 =	vadd.f32 v18, v15;
	v63 =	vperm.xlane v45, v2;
	v56 =	vperm.xlane v19, v2  }
0x8f: {  	v14 =	vadd.f32 v14, v62;
	v60 =	vperm.xlane v48, v1;
	v46 =	vmul.f32 v12, v46  }
0x90: {  	v18 =	vperm.xlane v43, v2;
	v16 =	vadd.f32 v16, v57;
	v17 =	vadd.f32 v59, v17  }
0x91: {  	v59 =	vperm.xlane v47, v2;
	v53 =	vperm.xlane v50, v2;
	v45 =	vadd.f32 v63, v45  }
0x92: {  	v19 =	vadd.f32 v56, v19;
	v63 =	vperm.xlane v14, v1;
	v48 =	vadd.f32 v48, v60  }
0x93: {  	v58 =	vperm.xlane v55, v61;
	v61 =	vperm.xlane v13, v2;
	v18 =	vadd.f32 v43, v18  }
0x94: {  	v43 =	vperm.xlane v16, v1;
	v0 =	vperm.xlane v17, v2;
	v47 =	vadd.f32 v59, v47  }
0x95: {  	v50 =	vadd.f32 v53, v50;
	v53 =	vperm.xlane v19, v1;
	v14 =	vadd.f32 v14, v63  }
0x96: {  	v55 =	vadd.f32 v58, v55;
	v13 =	vadd.f32 v13, v61;
	v58 =	vperm.xlane v15, v2  }
0x97: {  	v61 =	vperm.xlane v52, v1;
	v16 =	vadd.f32 v16, v43;
	v43 =	vperm.xlane v45, v1  }
0x98: {  	v17 =	vadd.f32 v0, v17;
	v57 =	vperm.xlane v47, v1;
	v59 =	vperm.xlane v50, v1  }
0x99: {  	v54 =	vperm.xlane v55, v2;
	v2 =	vperm.xlane v49, v1;
	v15 =	vadd.f32 v58, v15  }
0x9a: {  	v62 =	vperm.xlane v13, v1;
	v52 =	vadd.f32 v52, v61;
	v43 =	vadd.f32 v43, v45  }
0x9b: {  	v58 =	vperm.xlane v18, v1;
	v47 =	vadd.f32 v57, v47;
	v50 =	vadd.f32 v59, v50  }
0x9c: {  	v45 =	vperm.xlane v48, v6;
	v54 =	vadd.f32 v54, v55;
	v49 =	vadd.f32 v49, v2  }
0x9d: {  	v13 =	vadd.f32 v13, v62;
	v55 =	vperm.xlane v15, v1;
	v2 =	vperm.xlane v16, v6  }
0x9e: {  	v18 =	vadd.f32 v18, v58;
	v58 =	vperm.xlane v17, v1;
	v59 =	vperm.xlane v52, v6  }
0x9f: {  	v19 =	vadd.f32 v53, v19;
	v63 =	vperm.xlane v47, v6;
	v0 =	vperm.xlane v54, v1  }
0xa0: {  	v45 =	vadd.f32 v48, v45;
	v57 =	vperm.xlane v49, v6;
	v53 =	vperm.xlane v13, v6  }
0xa1: {  	v15 =	vadd.f32 v55, v15;
	v1 =	vperm.xlane v18, v6;
	v16 =	vadd.f32 v16, v2  }
0xa2: {  	v2 =	vperm.xlane v43, v6;
	v17 =	vadd.f32 v58, v17;
	v52 =	vadd.f32 v52, v59  }
0xa3: {  	v58 =	vperm.xlane v19, v6;
	v59 =	vmul.f32 $1.562500000e-02, v45;
	v54 =	vadd.f32 v0, v54  }
0xa4: {  	v0 =	vperm.xlane v14, v6;
	v49 =	vadd.f32 v49, v57;
	v57 =	vperm.xlane v50, v6  }
0xa5: {  	v13 =	vadd.f32 v13, v53;
	v18 =	vadd.f32 v18, v1;
	v1 =	vperm.xlane v17, v6  }
0xa6: {  	v16 =	vmul.f32 $1.562500000e-02, v16;
	v43 =	vadd.f32 v2, v43;
	v2 =	vadd.f32 v63, v47  }
0xa7: {  	v19 =	vadd.f32 v58, v19;
	v63 =	vmul.f32 v59, v59;
	v24 =	vsub.f32 v24, v59  }
0xa8: {  	v23 =	vsub.f32 v23, v59;
	v25 =	vsub.f32 v25, v59;
	v53 =	vperm.xlane v54, v6  }
0xa9: {  	v14 =	vadd.f32 v14, v0;
	v0 =	vperm.xlane v15, v6;
	v61 =	vmul.f32 $1.562500000e-02, v49  }
0xaa: {  	v26 =	vsub.f32 v26, v59;
	v49 =	vmul.f32 $1.562500000e-02, v52;
	v48 =	vmul.f32 $1.562500000e-02, v13  }
0xab: {  	v50 =	vadd.f32 v57, v50;
	v45 =	vmul.f32 $1.562500000e-02, v18;
	v18 =	vmul.f32 v16, v16  }
0xac: {  	v62 =	vmul.f32 $1.562500000e-02, v2;
	v17 =	vadd.f32 v1, v17;
	v19 =	vmul.f32 $1.562500000e-02, v19  }
0xad: {  	v44 =	vsub.f32 v44, v16;
	v29 =	vsub.f32 v29, v16;
	v47 =	vmul.f32 $1.562500000e-02, v14  }
0xae: {  	v13 =	vadd.f32 v53, v54;
	v14 =	vmul.f32 $1.562500000e-02, v43;
	v50 =	vmul.f32 $1.562500000e-02, v50  }
0xaf: {  	v15 =	vadd.f32 v0, v15;
	v0 =	vmul.f32 v49, v49;
	v1 =	vmul.f32 v48, v48  }
0xb0: {  	v43 =	vsub.f32 v62, v63;
	v17 =	vmul.f32 $1.562500000e-02, v17;
	v56 =	vmul.f32 v45, v45  }
0xb1: {  	v14 =	vsub.f32 v14, v18;
	v18 =	vmul.f32 v61, v61;
	v13 =	vmul.f32 $1.562500000e-02, v13  }
0xb2: {  	v15 =	vmul.f32 $1.562500000e-02, v15;
	v19 =	vsub.f32 v19, v0;
	v12 =	vadd.f32 $9.999999740e-06, v43  }
0xb3: {  	v2 =	vmul.f32 v47, v47;
	v17 =	vsub.f32 v17, v56;
	v18 =	vsub.f32 v50, v18  }
0xb4: {  	v14 =	vadd.f32 $9.999999740e-06, v14;
	v13 =	vsub.f32 v13, v1  }
0xb5: {  	v15 =	vsub.f32 v15, v2;
	v19 =	vadd.f32 $9.999999740e-06, v19  }
0xb6: {  	v58 =	vshrl.u32 v12, $0x1;
	v17 =	vadd.f32 $9.999999740e-06, v17;
	v12 =	vmul.f32 $5.000000000e-01, v12  }
0xb7: {  	v50 =	vsub.s32 $0x5F3759DF, v58;
	v57 =	vshrl.u32 v14, $0x1;
	v18 =	vadd.f32 $9.999999740e-06, v18  }
0xb8: {  	v14 =	vmul.f32 $5.000000000e-01, v14;
	v13 =	vadd.f32 $9.999999740e-06, v13;
	v15 =	vadd.f32 $9.999999740e-06, v15  }
0xb9: {  	v60 =	vshrl.u32 v19, $0x1;
	v19 =	vmul.f32 $5.000000000e-01, v19;
	v1 =	vmul.f32 v50, v12  }
0xba: {  	v2 =	vshrl.u32 v17, $0x1;
	v17 =	vmul.f32 $5.000000000e-01, v17;
	v43 =	vsub.s32 $0x5F3759DF, v57  }
0xbb: {  	v53 =	vsub.s32 $0x5F3759DF, v60;
	v52 =	vshrl.u32 v18, $0x1;
	v18 =	vmul.f32 $5.000000000e-01, v18  }
0xbc: {  	v62 =	vshrl.u32 v13, $0x1;
	v63 =	vmul.f32 v43, v14;
	v13 =	vmul.f32 $5.000000000e-01, v13  }
0xbd: {  	v0 =	vshrl.u32 v15, $0x1;
	v15 =	vmul.f32 $5.000000000e-01, v15;
	v57 =	vmul.f32 v50, v1  }
0xbe: {  	v52 =	vsub.s32 $0x5F3759DF, v52;
	v54 =	vsub.s32 $0x5F3759DF, v62;
	v62 =	vmul.f32 v53, v19  }
0xbf: {  	v56 =	vsub.s32 $0x5F3759DF, v0;
	v0 =	vsub.s32 $0x5F3759DF, v2;
	v55 =	vmul.f32 v43, v63  }
0xc0: {  	v60 =	vmul.f32 v52, v18;
	v57 =	vsub.f32 $1.500000000e+00, v57;
	v63 =	vmul.f32 v54, v13  }
0xc1: {  	v30 =	vsub.f32 v30, v16;
	v1 =	vmul.f32 v56, v15;
	v2 =	vmul.f32 v0, v17  }
0xc2: {  	v16 =	vsub.f32 v31, v16;
	v62 =	vmul.f32 v53, v62;
	v50 =	vmul.f32 v50, v57  }
0xc3: {  	v55 =	vsub.f32 $1.500000000e+00, v55;
	v60 =	vmul.f32 v52, v60;
	v63 =	vmul.f32 v54, v63  }
0xc4: {  	v58 =	vmul.f32 v56, v1;
	v57 =	vmul.f32 v0, v2;
	v62 =	vsub.f32 $1.500000000e+00, v62  }
0xc5: {  	v43 =	vmul.f32 v43, v55;
	v60 =	vsub.f32 $1.500000000e+00, v60;
	v63 =	vsub.f32 $1.500000000e+00, v63  }
0xc6: {  	v58 =	vsub.f32 $1.500000000e+00, v58;
	v12 =	vmul.f32 v50, v12;
	v53 =	vmul.f32 v53, v62  }
0xc7: {  	v59 =	vld [tilespmem:$0x1FF00];
	v57 =	vsub.f32 $1.500000000e+00, v57;
	v14 =	vmul.f32 v43, v14;
	v52 =	vmul.f32 v52, v60  }
0xc8: {  	v20 =	vsub.f32 v20, v61;
	v54 =	vmul.f32 v54, v63;
	v56 =	vmul.f32 v56, v58  }
0xc9: {  	v21 =	vsub.f32 v21, v49;
	v55 =	vmul.f32 v0, v57;
	v12 =	vmul.f32 v12, v50  }
0xca: {  	v22 =	vsub.f32 v22, v49;
	v19 =	vmul.f32 v53, v19;
	v14 =	vmul.f32 v14, v43  }
0xcb: {  	v27 =	vsub.f32 v27, v49;
	v18 =	vmul.f32 v52, v18;
	v13 =	vmul.f32 v54, v13  }
0xcc: {  	v31 =	vsub.f32 v59, v61;
	v15 =	vmul.f32 v56, v15;
	v17 =	vmul.f32 v55, v17  }
0xcd: {  	v12 =	vsub.f32 $1.500000000e+00, v12;
	v19 =	vmul.f32 v19, v53;
	v18 =	vmul.f32 v18, v52  }
0xce: {  	v14 =	vsub.f32 $1.500000000e+00, v14;
	v13 =	vmul.f32 v13, v54;
	v15 =	vmul.f32 v15, v56  }
0xcf: {  	v57 =	vld [tilespmem:$0x1FF20];
	v63 =	vsub.f32 v37, v47;
	v17 =	vmul.f32 v17, v55;
	v12 =	vmul.f32 v12, v50  }
0xd0: {  	v19 =	vsub.f32 $1.500000000e+00, v19;
	v14 =	vmul.f32 v14, v43;
	v18 =	vsub.f32 $1.500000000e+00, v18  }
0xd1: {  	v13 =	vsub.f32 $1.500000000e+00, v13;
	v24 =	vmul.f32 v12, v24;
	v23 =	vmul.f32 v12, v23  }
0xd2: {  	v62 =	vld [tilespmem:$0x1FF30];
	v15 =	vsub.f32 $1.500000000e+00, v15;
	v25 =	vmul.f32 v12, v25;
	v12 =	vmul.f32 v12, v26  }
0xd3: {  	v17 =	vsub.f32 $1.500000000e+00, v17;
	v19 =	vmul.f32 v19, v53;
	v18 =	vmul.f32 v18, v52  }
0xd4: {  	v58 =	vsub.f32 v57, v61;
	v13 =	vmul.f32 v13, v54;
	v15 =	vmul.f32 v15, v56  }
0xd5: {  	v26 =	vsub.f32 v28, v48;
	v60 =	vmul.f32 v17, v55;
	v44 =	vmul.f32 v14, v44  }
0xd6: {  	v28 =	vsub.f32 v32, v48;
	v56 =	vld [tilespmem:$0x1FF10];
	v59 =	vmul.f32 v14, v29;
	v30 =	vmul.f32 v14, v30  }
0xd7: {  	v14 =	vmul.f32 v14, v16;
	v16 =	vsub.f32 v62, v49;
	v29 =	vsub.f32 v33, v48  }
0xd8: {  	v0 =	vmul.f32 v19, v21;
	v1 =	vmul.f32 v19, v22;
	v22 =	vsub.f32 v40, v47  }
0xd9: {  	v2 =	vmul.f32 v19, v27;
	v27 =	vsub.f32 v11, v34;
	v31 =	vmul.f32 v18, v31  }
0xda: {  	v33 =	vmul.f32 v18, v58;
	v37 =	vmul.f32 v19, v16;
	v16 =	vsub.f32 v39, v47  }
0xdb: {  	v53 =	vmul.f32 v13, v26;
	v54 =	vmul.f32 v13, v28;
	v17 =	vsub.f32 v56, v61  }
0xdc: {  	v55 =	vmul.f32 v13, v29;
	v29 =	vsub.f32 v51, v45;
	v19 =	vmul.f32 v15, v63  }
0xdd: {  	v26 =	vmul.f32 v15, v16;
	v56 =	vsub.f32 v42, v45;
	v32 =	vmul.f32 v18, v17  }
0xde: {  	v17 =	vsub.f32 v35, v48;
	v35 =	vmul.f32 v18, v20;
	v18 =	vsub.f32 v36, v47  }
0xdf: {  	v28 =	vsub.f32 v41, v45;
	v29 =	vmul.f32 v60, v29;
	v16 =	vmul.f32 v60, v56  }
0xe0: {  	v20 =	vmul.f32 v13, v17;
	v13 =	vsub.f32 v38, v45;
	v21 =	vmul.f32 v15, v18  }
0xe1: {  	v17 =	vmul.f32 v15, v22;
	v22 =	vmul.f32 v46, v27  }
0xe2: {  	v15 =	vmul.f32 v60, v28;
	v18 =	vmul.f32 v60, v13;
	v60 =	vld [tilespmem:$0x1FF40];
	_ =	sdelay $0x1  }
0xe3: {  	v22 =	vmul.f32 v22, v8  }
0xe4: {  	v61 =	vld [tilespmem:$0x1FF50]  }
0xe5: {  	v30 =	vmul.f32 v30, v7;
	v22 =	vadd.f32 v22, v9  }
0xe6: {  	s10 =	simm.s32 $0x19600;
	v14 =	vmul.f32 v14, v8;
	v58 =	vmul.f32 v44, v60;
	v44 =	vld [tilespmem:$0x1FF60]  }
0xe7: {  	v57 =	vsub.f32 v4, v34;
	v25 =	vmul.f32 v25, v7;
	v63 =	vmul.f32 v12, v8;
	[tilespmem:s10+$0x1B0] =	vst v22  }
0xe8: {  	v30 =	vadd.f32 v30, v10;
	v12 =	vadd.f32 v14, v9;
	v36 =	vmul.f32 v33, v7;
	v45 =	vld [tilespmem:$0x1FF70]  }
0xe9: {  	v27 =	vsub.f32 v5, v34;
	v35 =	vmul.f32 v35, v8;
	v59 =	vmul.f32 v59, v61  }
0xea: {  	v28 =	vsub.f32 v3, v34;
	v62 =	vmul.f32 v23, v61;
	v24 =	vmul.f32 v24, v60  }
0xeb: {  	v13 =	vmul.f32 v46, v27;
	v27 =	vmul.f32 v46, v57;
	[tilespmem:s10+$0xFFFFFE20] =	vst v30;
	v34 =	vadd.f32 v58, v44  }
0xec: {  	v28 =	vmul.f32 v46, v28;
	v23 =	vmul.f32 v31, v60;
	[tilespmem:s10+$0xFFFFFE30] =	vst v12;
	v24 =	vadd.f32 v24, v44  }
0xed: {  	v14 =	vmul.f32 v37, v60;
	v31 =	vmul.f32 v1, v7;
	v22 =	vadd.f32 v59, v45;
	[tilespmem:s10+$0xFFFFFE00] =	vst v34  }
0xee: {  	v33 =	vmul.f32 v53, v60;
	v12 =	vmul.f32 v0, v61;
	v30 =	vadd.f32 v62, v45;
	[tilespmem:s10+$0xFFFFFE80] =	vst v24  }
0xef: {  	s9 =	sshll.u32 s5, $0x4;
	v25 =	vadd.f32 v25, v10;
	v34 =	vmul.f32 v2, v8;
	[tilespmem:s10+$0xFFFFFE10] =	vst v22;
	v22 =	vmul.f32 v32, v61  }
0xf0: {  	s16 =	simm.s32 $0x0;
	s21 =	simm.s32 $0xA00;
	s7 =	simm.s32 $0x19600;
	v37 =	vadd.f32 v63, v9;
	[tilespmem:s10+$0xFFFFFE90] =	vst v30;
	v30 =	vmul.f32 v54, v61;
	v32 =	vmul.f32 v55, v7  }
.LBB2_3:
0xf1: {  	_ = 	snop  }
0xf2: {  	v49 =	vmul.f32 v21, v60;
	[tilespmem:s10+$0xFFFFFEA0] =	vst v25  }
0xf3: {  	v1 =	vld [tilespmem:s21+$0x180];
	v51 =	vmul.f32 v19, v61;
	[tilespmem:s10+$0xFFFFFEB0] =	vst v37  }
0xf4: {  	v2 =	vld [tilespmem:s21+$0x190];
	v52 =	vmul.f32 v26, v7;
	[tilespmem:$0x1FE50] =	vst v49  }
0xf5: {  	v38 =	vadd.f32 v23, v44;
	v3 =	vld [tilespmem:s21+$0x1A0];
	[tilespmem:$0x1FE60] =	vst v51  }
0xf6: {  	v50 =	vadd.f32 v22, v45;
	v56 =	vld [tilespmem:s21+$0x1B0];
	[tilespmem:$0x1FE70] =	vst v52  }
0xf7: {  	v57 =	vmul.f32 v29, v7;
	v29 =	vadd.f32 v14, v44;
	v40 =	vld [tilespmem:s21+$0xFFFFFE20];
	[tilespmem:s10+$0xFFFFFF00] =	vst v38  }
0xf8: {  	v54 =	vmul.f32 v18, v60;
	v59 =	vmul.f32 v13, v60;
	v42 =	vld [tilespmem:s21+$0xFFFFFE30];
	v35 =	vadd.f32 v35, v9;
	[tilespmem:s10+$0xFFFFFF10] =	vst v50  }
0xf9: {  	v62 =	vmul.f32 v28, v7;
	v60 =	vadd.f32 v12, v45;
	v28 =	vadd.f32 v34, v9;
	[tilespmem:s10+$0xFFFFFF80] =	vst v29;
	v45 =	vld [tilespmem:s21+$0xFFFFFE80]  }
0xfa: {  	v46 =	vld [tilespmem:s21+$0xFFFFFE90];
	[tilespmem:s10+$0xFFFFFF30] =	vst v35  }
0xfb: {  	v55 =	vmul.f32 v15, v61;
	v49 =	vld [tilespmem:$0x1FF70];
	[tilespmem:s10+$0xFFFFFFB0] =	vst v28  }
0xfc: {  	v61 =	vmul.f32 v27, v61;
	v47 =	vld [tilespmem:s21+$0xFFFFFEA0];
	v53 =	vmul.f32 v17, v8;
	[tilespmem:$0x1FE10] =	vst v1  }
0xfd: {  	v27 =	vadd.f32 v31, v10;
	[tilespmem:$0x1FE20] =	vst v2;
	v29 =	vadd.f32 v2, v1;
	v41 =	vmul.f32 v1, v1;
	v1 =	vld [tilespmem:$0x1FFE0]  }
0xfe: {  	v36 =	vadd.f32 v36, v10;
	v63 =	vadd.f32 v56, v3;
	v43 =	vmul.f32 v2, v2;
	[tilespmem:$0x1FE80] =	vst v53;
	v53 =	vld [tilespmem:$0x1FFC0]  }
0xff: {  	v31 =	vadd.f32 v33, v44;
	v48 =	vmul.f32 v56, v56;
	v2 =	vld [tilespmem:$0x1FFD0];
	[tilespmem:s10+$0xFFFFFFA0] =	vst v27;
	v27 =	vmul.f32 v3, v3  }
0x100: {  	[tilespmem:s10+$0xFFFFFF20] =	vst v36;
	v28 =	vadd.f32 v30, v49;
	v30 =	vld [tilespmem:s21+$0xFFFFFEB0];
	v29 =	vadd.f32 v63, v29  }
0x101: {  	[tilespmem:s10+$0x0] =	vst v31;
	v31 =	vld [tilespmem:s21+$0xFFFFFF00];
	v52 =	vadd.f32 v43, v41;
	v27 =	vadd.f32 v48, v27  }
0x102: {  	[tilespmem:$0x1FEB0] =	vst v57;
	v0 =	vmul.f32 v20, v8;
	v58 =	vmul.f32 v16, v8;
	v32 =	vadd.f32 v32, v10;
	v34 =	vld [tilespmem:s21+$0xFFFFFF10]  }
0x103: {  	[tilespmem:$0x1FED0] =	vst v59;
	v50 =	vmul.f32 v40, v40;
	v35 =	vld [tilespmem:s21+$0xFFFFFF20];
	v38 =	vadd.f32 v27, v52;
	v27 =	vperm.xlane v29, v53  }
0x104: {  	[tilespmem:s10+$0xFFFFFF90] =	vst v60;
	v51 =	vmul.f32 v42, v42;
	v59 =	vadd.f32 v42, v40;
	v57 =	vmul.f32 v46, v46;
	v39 =	vld [tilespmem:s21+$0xFFFFFF30]  }
0x105: {  	v36 =	vld [tilespmem:s21+$0xFFFFFF80];
	[tilespmem:s10+$0x10] =	vst v28;
	v28 =	vmul.f32 v45, v45;
	v44 =	vadd.f32 v29, v27;
	v29 =	vperm.xlane v38, v53  }
0x106: {  	[tilespmem:$0x1FEE0] =	vst v61;
	v43 =	vadd.f32 v46, v45;
	v60 =	vadd.f32 v51, v50;
	v37 =	vmul.f32 v47, v47;
	v41 =	vld [tilespmem:s21+$0xFFFFFF90]  }
0x107: {  	v5 =	vld [tilespmem:$0x1FFF0];
	[tilespmem:$0x1FEC0] =	vst v58;
	v61 =	vadd.f32 v57, v28;
	v50 =	vperm.xlane v44, v1;
	v38 =	vadd.f32 v29, v38  }
0x108: {  	v26 =	vld [tilespmem:s21+$0x130];
	[tilespmem:s10+$0x20] =	vst v32;
	v58 =	vadd.f32 v30, v47;
	v63 =	vmul.f32 v30, v30;
	v48 =	vmul.f32 v31, v31  }
0x109: {  	v33 =	vld [tilespmem:s21+$0x10];
	v49 =	vadd.f32 v34, v31;
	v44 =	vadd.f32 v44, v50;
	v50 =	vperm.xlane v38, v1  }
0x10a: {  	v32 =	vld [tilespmem:s21+$0x20];
	v51 =	vmul.f32 v35, v35;
	v52 =	vadd.f32 v39, v35;
	v57 =	vmul.f32 v36, v36  }
0x10b: {  	v28 =	vld [tilespmem:s21+$0x0];
	v6 =	vmul.f32 v41, v41;
	v4 =	vperm.xlane v44, v2;
	v50 =	vadd.f32 v50, v38  }
0x10c: {  	[tilespmem:$0x1FEF0] =	vst v62;
	v27 =	vld [tilespmem:s21+$0xFFFFFFA0];
	v58 =	vadd.f32 v58, v43;
	v43 =	vmul.f32 v34, v34;
	v62 =	vadd.f32 v63, v37  }
0x10d: {  	v21 =	vadd.f32 v52, v49;
	v37 =	vld [tilespmem:s21+$0x30];
	v4 =	vadd.f32 v44, v4;
	v49 =	vperm.xlane v50, v2  }
0x10e: {  	[tilespmem:$0x1FEA0] =	vst v55;
	v53 =	vmul.f32 v39, v39;
	v63 =	vadd.f32 v41, v36;
	v20 =	vadd.f32 v6, v57;
	v29 =	vld [tilespmem:s21+$0xFFFFFFB0]  }
0x10f: {  	v55 =	vld [tilespmem:s21+$0xFFFFFE10];
	[tilespmem:$0x1FE40] =	vst v0;
	v22 =	vadd.f32 v43, v48;
	v48 =	vperm.xlane v4, v5;
	v0 =	vadd.f32 v49, v50  }
0x110: {  	v57 =	vld [tilespmem:s21+$0xFFFFFE00];
	v51 =	vadd.f32 v53, v51;
	v53 =	vmul.f32 v33, v33;
	v17 =	vmul.f32 v32, v32  }
0x111: {  	v16 =	vmul.f32 v28, v28;
	v43 =	vld [tilespmem:s21+$0x90];
	v48 =	vadd.f32 v4, v48;
	v4 =	vperm.xlane v0, v5  }
0x112: {  	v11 =	vadd.f32 v33, v28;
	v13 =	vmul.f32 v27, v27;
	v38 =	vld [tilespmem:s21+$0x80];
	v14 =	vadd.f32 v37, v32  }
0x113: {  	v52 =	vadd.f32 v29, v27;
	v44 =	vld [tilespmem:s21+$0xA0];
	v48 =	vmul.f32 $1.562500000e-02, v48;
	v4 =	vadd.f32 v4, v0  }
0x114: {  	[tilespmem:$0x1FE30] =	vst v3;
	v10 =	vmul.f32 v37, v37;
	v3 =	vmul.f32 v29, v29;
	v23 =	vadd.f32 v14, v11;
	v49 =	vld [tilespmem:s21+$0xB0]  }
0x115: {  	v24 =	vadd.f32 v52, v63;
	v52 =	vld [tilespmem:s21+$0x120];
	v4 =	vmul.f32 $1.562500000e-02, v4;
	v0 =	vmul.f32 v48, v48  }
0x116: {  	v14 =	vadd.f32 v53, v16;
	v10 =	vadd.f32 v10, v17;
	v63 =	vld [tilespmem:s21+$0x110]  }
0x117: {  	[tilespmem:$0x1FE90] =	vst v54;
	v54 =	vmul.f32 v55, v55;
	v19 =	vadd.f32 v3, v13;
	v50 =	vld [tilespmem:s21+$0x100];
	v0 =	vsub.f32 v4, v0  }
0x118: {  	v9 =	vmul.f32 v43, v43;
	v3 =	vadd.f32 v55, v57;
	v8 =	vadd.f32 v43, v38  }
0x119: {  	v53 =	vmul.f32 v26, v26;
	v25 =	vadd.f32 v49, v44;
	v0 =	vadd.f32 $9.999999740e-06, v0  }
0x11a: {  	v12 =	vmul.f32 v44, v44;
	v16 =	vadd.f32 v26, v52;
	v13 =	vmul.f32 v49, v49  }
0x11b: {  	v25 =	vadd.f32 v25, v8;
	v8 =	vshrl.u32 v0, $0x1;
	v0 =	vmul.f32 $5.000000000e-01, v0  }
0x11c: {  	v7 =	vadd.f32 v63, v50;
	v4 =	vmul.f32 v57, v57;
	v8 =	vsub.s32 $0x5F3759DF, v8  }
0x11d: {  	v11 =	vmul.f32 v52, v52;
	v12 =	vadd.f32 v13, v12;
	v13 =	vmul.f32 v8, v0  }
0x11e: {  	v17 =	vld [tilespmem:$0x1FFC0];
	v18 =	vmul.f32 v38, v38;
	v4 =	vadd.f32 v54, v4;
	v54 =	vadd.f32 v16, v7  }
0x11f: {  	v7 =	vadd.f32 v53, v11;
	v11 =	vmul.f32 v8, v13;
	v13 =	vadd.f32 v62, v61;
	v62 =	vld [tilespmem:$0x1FFC0]  }
0x120: {  	v10 =	vadd.f32 v10, v14;
	v3 =	vadd.f32 v59, v3  }
0x121: {  	v9 =	vadd.f32 v9, v18;
	v6 =	vmul.f32 v63, v63;
	v15 =	vmul.f32 v50, v50  }
0x122: {  	v18 =	vadd.f32 v51, v22;
	v11 =	vsub.f32 $1.500000000e+00, v11  }
0x123: {  	v17 =	vperm.xlane v3, v17;
	v6 =	vadd.f32 v6, v15;
	v15 =	vadd.f32 v19, v20  }
0x124: {  	v9 =	vadd.f32 v12, v9;
	v8 =	vmul.f32 v8, v11;
	v16 =	vperm.xlane v58, v62  }
0x125: {  	v60 =	vadd.f32 v60, v4;
	v22 =	vperm.xlane v21, v62;
	v20 =	vperm.xlane v24, v62  }
0x126: {  	v53 =	vadd.f32 v3, v17;
	v14 =	vperm.xlane v23, v62;
	v12 =	vperm.xlane v25, v62  }
0x127: {  	v6 =	vadd.f32 v7, v6;
	v7 =	vperm.xlane v54, v62;
	v11 =	vperm.xlane v60, v62  }
0x128: {  	v17 =	vperm.xlane v13, v62;
	v0 =	vmul.f32 v8, v0;
	v16 =	vadd.f32 v58, v16  }
0x129: {  	v21 =	vadd.f32 v21, v22;
	v22 =	vperm.xlane v18, v62;
	v19 =	vadd.f32 v24, v20  }
0x12a: {  	v20 =	vperm.xlane v15, v62;
	v4 =	vadd.f32 v23, v14;
	v14 =	vperm.xlane v10, v62  }
0x12b: {  	v61 =	vadd.f32 v25, v12;
	v12 =	vperm.xlane v9, v62;
	v25 =	vadd.f32 v54, v7  }
0x12c: {  	v7 =	vperm.xlane v53, v1;
	v24 =	vadd.f32 v11, v60;
	v11 =	vperm.xlane v6, v62  }
0x12d: {  	v56 =	vsub.f32 v56, v48;
	v0 =	vmul.f32 v0, v8;
	v62 =	vperm.xlane v16, v1  }
0x12e: {  	v15 =	vadd.f32 v20, v15;
	v20 =	vperm.xlane v4, v1;
	v10 =	vadd.f32 v14, v10  }
0x12f: {  	v14 =	vperm.xlane v61, v1;
	v9 =	vadd.f32 v12, v9;
	v23 =	vadd.f32 v53, v7  }
0x130: {  	v12 =	vperm.xlane v25, v1;
	v6 =	vadd.f32 v11, v6;
	v0 =	vsub.f32 $1.500000000e+00, v0  }
0x131: {  	v7 =	vperm.xlane v24, v1;
	v11 =	vadd.f32 v16, v62;
	v4 =	vadd.f32 v4, v20  }
0x132: {  	v20 =	vperm.xlane v10, v1;
	v58 =	vadd.f32 v61, v14;
	v59 =	vperm.xlane v9, v1  }
0x133: {  	v24 =	vadd.f32 v7, v24;
	v7 =	vperm.xlane v6, v1;
	v54 =	vmul.f32 v0, v8  }
0x134: {  	v8 =	vadd.f32 v17, v13;
	v13 =	vperm.xlane v21, v1;
	v17 =	vadd.f32 v22, v18  }
0x135: {  	v18 =	vperm.xlane v19, v1;
	v14 =	vperm.xlane v11, v2;
	v10 =	vadd.f32 v20, v10  }
0x136: {  	v22 =	vld [tilespmem:$0x1FF90];
	v20 =	vperm.xlane v58, v2;
	v6 =	vadd.f32 v7, v6;
	v7 =	vperm.xlane v24, v2  }
0x137: {  	v0 =	vmul.f32 v54, v56;
	v16 =	vperm.xlane v8, v1  }
0x138: {  	v13 =	vadd.f32 v21, v13;
	v21 =	vperm.xlane v17, v1;
	v18 =	vadd.f32 v19, v18  }
0x139: {  	v19 =	vperm.xlane v15, v1;
	v11 =	vadd.f32 v11, v14;
	v8 =	vadd.f32 v16, v8  }
0x13a: {  	v16 =	vperm.xlane v13, v2;
	v17 =	vadd.f32 v21, v17;
	v21 =	vperm.xlane v18, v2  }
0x13b: {  	v15 =	vadd.f32 v19, v15;
	v19 =	vperm.xlane v4, v2;
	v0 =	vmul.f32 v0, v22;
	v22 =	vld [tilespmem:$0x1FFB0]  }
0x13c: {  	v61 =	vadd.f32 v7, v24;
	v7 =	vperm.xlane v11, v5;
	v13 =	vadd.f32 v13, v16  }
0x13d: {  	v16 =	vadd.f32 v18, v21;
	v18 =	vperm.xlane v15, v2;
	v4 =	vadd.f32 v4, v19  }
0x13e: {  	v3 =	vadd.f32 v59, v9;
	v14 =	vperm.xlane v17, v2;
	v19 =	vperm.xlane v10, v2  }
0x13f: {  	v7 =	vadd.f32 v11, v7;
	v15 =	vadd.f32 v18, v15;
	v18 =	vperm.xlane v4, v5  }
0x140: {  	v0 =	vadd.f32 v0, v22;
	v22 =	vadd.f32 v25, v12;
	v12 =	vperm.xlane v23, v2  }
0x141: {  	v14 =	vadd.f32 v14, v17;
	v17 =	vperm.xlane v16, v5;
	v7 =	vmul.f32 $1.562500000e-02, v7  }
0x142: {  	s10 =	sadd.s32 $0x400, s10;
	v4 =	vadd.f32 v4, v18;
	v9 =	vperm.xlane v22, v2;
	v60 =	vadd.f32 v23, v12  }
0x143: {  	[tilespmem:s10+$0x1B0] =	vst v0;
	v12 =	vperm.xlane v8, v2;
	v0 =	vadd.f32 v58, v20;
	v20 =	vperm.xlane v3, v2  }
0x144: {  	v10 =	vadd.f32 v19, v10;
	v59 =	vmul.f32 $1.562500000e-02, v4;
	v21 =	vperm.xlane v60, v5  }
0x145: {  	v22 =	vadd.f32 v22, v9;
	v9 =	vperm.xlane v6, v2;
	v8 =	vadd.f32 v12, v8  }
0x146: {  	v12 =	vperm.xlane v13, v5;
	v19 =	vperm.xlane v0, v5;
	v3 =	vadd.f32 v20, v3  }
0x147: {  	v20 =	vperm.xlane v22, v5;
	v1 =	vadd.f32 v60, v21;
	v21 =	vperm.xlane v61, v5  }
0x148: {  	v6 =	vadd.f32 v9, v6;
	v9 =	vperm.xlane v8, v5;
	v11 =	vadd.f32 v13, v12  }
0x149: {  	v12 =	vperm.xlane v14, v5;
	v13 =	vadd.f32 v16, v17;
	v16 =	vperm.xlane v15, v5  }
0x14a: {  	v17 =	vperm.xlane v10, v5;
	v0 =	vadd.f32 v0, v19;
	v18 =	vperm.xlane v3, v5  }
0x14b: {  	v20 =	vadd.f32 v22, v20;
	v19 =	vperm.xlane v6, v5;
	v1 =	vmul.f32 $1.562500000e-02, v1  }
0x14c: {  	v2 =	vadd.f32 v21, v61;
	v8 =	vadd.f32 v9, v8;
	v61 =	vmul.f32 $1.562500000e-02, v11  }
0x14d: {  	v9 =	vadd.f32 v12, v14;
	v60 =	vmul.f32 $1.562500000e-02, v13;
	v11 =	vadd.f32 v16, v15  }
0x14e: {  	v4 =	vadd.f32 v17, v10;
	v58 =	vmul.f32 $1.562500000e-02, v0;
	v62 =	vadd.f32 v18, v3  }
0x14f: {  	v21 =	vsub.f32 v45, v7;
	v2 =	vmul.f32 $1.562500000e-02, v2;
	v56 =	vmul.f32 $1.562500000e-02, v20  }
0x150: {  	v51 =	vadd.f32 v19, v6;
	v5 =	vmul.f32 v1, v1;
	v6 =	vmul.f32 $1.562500000e-02, v8  }
0x151: {  	v57 =	vsub.f32 v57, v1;
	v8 =	vmul.f32 v7, v7;
	v9 =	vmul.f32 $1.562500000e-02, v9  }
0x152: {  	v10 =	vmul.f32 $1.562500000e-02, v11;
	v2 =	vsub.f32 v2, v5;
	v5 =	vmul.f32 v61, v61  }
0x153: {  	v4 =	vmul.f32 $1.562500000e-02, v4;
	v6 =	vsub.f32 v6, v8;
	v8 =	vmul.f32 v60, v60  }
0x154: {  	v0 =	vmul.f32 $1.562500000e-02, v62;
	v5 =	vsub.f32 v9, v5;
	v9 =	vmul.f32 v59, v59  }
0x155: {  	v8 =	vsub.f32 v10, v8;
	v10 =	vmul.f32 v58, v58;
	v2 =	vadd.f32 $9.999999740e-06, v2  }
0x156: {  	v3 =	vmul.f32 $1.562500000e-02, v51;
	v6 =	vadd.f32 $9.999999740e-06, v6;
	v4 =	vsub.f32 v4, v9  }
0x157: {  	v9 =	vmul.f32 v56, v56;
	v0 =	vsub.f32 v0, v10;
	v10 =	vshrl.u32 v2, $0x1  }
0x158: {  	v5 =	vadd.f32 $9.999999740e-06, v5;
	v2 =	vmul.f32 $5.000000000e-01, v2;
	v8 =	vadd.f32 $9.999999740e-06, v8  }
0x159: {  	v10 =	vsub.s32 $0x5F3759DF, v10;
	v3 =	vsub.f32 v3, v9;
	v4 =	vadd.f32 $9.999999740e-06, v4  }
0x15a: {  	v9 =	vshrl.u32 v6, $0x1;
	v0 =	vadd.f32 $9.999999740e-06, v0;
	v6 =	vmul.f32 $5.000000000e-01, v6  }
0x15b: {  	v11 =	vshrl.u32 v5, $0x1;
	v5 =	vmul.f32 $5.000000000e-01, v5;
	v12 =	vshrl.u32 v8, $0x1  }
0x15c: {  	v8 =	vmul.f32 $5.000000000e-01, v8;
	v16 =	vmul.f32 v10, v2;
	v9 =	vsub.s32 $0x5F3759DF, v9  }
0x15d: {  	v11 =	vsub.s32 $0x5F3759DF, v11;
	v12 =	vsub.s32 $0x5F3759DF, v12;
	v13 =	vshrl.u32 v4, $0x1  }
0x15e: {  	v4 =	vmul.f32 $5.000000000e-01, v4;
	v14 =	vshrl.u32 v0, $0x1;
	v0 =	vmul.f32 $5.000000000e-01, v0  }
0x15f: {  	v3 =	vadd.f32 $9.999999740e-06, v3;
	v18 =	vmul.f32 v9, v6;
	v19 =	vmul.f32 v11, v5  }
0x160: {  	v20 =	vmul.f32 v12, v8;
	v16 =	vmul.f32 v10, v16;
	v13 =	vsub.s32 $0x5F3759DF, v13  }
0x161: {  	v14 =	vsub.s32 $0x5F3759DF, v14;
	v15 =	vshrl.u32 v3, $0x1;
	v3 =	vmul.f32 $5.000000000e-01, v3  }
0x162: {  	v55 =	vsub.f32 v55, v1;
	v22 =	vmul.f32 v13, v4;
	v53 =	vmul.f32 v14, v0  }
0x163: {  	v17 =	vsub.f32 v40, v1;
	v18 =	vmul.f32 v9, v18;
	v19 =	vmul.f32 v11, v19  }
0x164: {  	v16 =	vsub.f32 $1.500000000e+00, v16;
	v20 =	vmul.f32 v12, v20;
	v15 =	vsub.s32 $0x5F3759DF, v15  }
0x165: {  	v62 =	vmul.f32 v15, v3;
	v22 =	vmul.f32 v13, v22;
	v18 =	vsub.f32 $1.500000000e+00, v18  }
0x166: {  	v40 =	vmul.f32 v14, v53;
	v10 =	vmul.f32 v10, v16;
	v16 =	vsub.f32 $1.500000000e+00, v19  }
0x167: {  	v19 =	vsub.f32 $1.500000000e+00, v20;
	v45 =	vmul.f32 v15, v62;
	v9 =	vmul.f32 v9, v18  }
0x168: {  	v18 =	vsub.f32 $1.500000000e+00, v22;
	v20 =	vsub.f32 $1.500000000e+00, v40;
	v11 =	vmul.f32 v11, v16  }
0x169: {  	v1 =	vsub.f32 v42, v1;
	v12 =	vmul.f32 v12, v19;
	v2 =	vmul.f32 v10, v2  }
0x16a: {  	v42 =	vsub.f32 v46, v7;
	v13 =	vmul.f32 v13, v18;
	v14 =	vmul.f32 v14, v20  }
0x16b: {  	v16 =	vsub.f32 $1.500000000e+00, v45;
	v6 =	vmul.f32 v9, v6;
	v5 =	vmul.f32 v11, v5  }
0x16c: {  	v19 =	vsub.f32 v35, v61;
	v8 =	vmul.f32 v12, v8;
	v2 =	vmul.f32 v2, v10  }
0x16d: {  	v18 =	vsub.f32 v31, v61;
	v15 =	vmul.f32 v15, v16;
	v4 =	vmul.f32 v13, v4  }
0x16e: {  	v20 =	vsub.f32 v39, v61;
	v0 =	vmul.f32 v14, v0;
	v6 =	vmul.f32 v6, v9  }
0x16f: {  	v16 =	vsub.f32 v34, v61;
	v5 =	vmul.f32 v5, v11;
	v8 =	vmul.f32 v8, v12  }
0x170: {  	v2 =	vsub.f32 $1.500000000e+00, v2;
	v3 =	vmul.f32 v15, v3;
	v4 =	vmul.f32 v4, v13  }
0x171: {  	v0 =	vmul.f32 v0, v14;
	v6 =	vsub.f32 $1.500000000e+00, v6;
	v5 =	vsub.f32 $1.500000000e+00, v5  }
0x172: {  	v2 =	vmul.f32 v2, v10;
	v8 =	vsub.f32 $1.500000000e+00, v8;
	v10 =	vsub.f32 v29, v60  }
0x173: {  	v29 =	vsub.f32 v49, v58;
	v3 =	vmul.f32 v3, v15;
	v4 =	vsub.f32 $1.500000000e+00, v4  }
0x174: {  	v6 =	vmul.f32 v6, v9;
	v0 =	vsub.f32 $1.500000000e+00, v0;
	v5 =	vmul.f32 v5, v11  }
0x175: {  	v8 =	vmul.f32 v8, v12;
	v9 =	vsub.f32 v27, v60;
	v11 =	vsub.f32 v28, v59  }
0x176: {  	v12 =	vsub.f32 v33, v59;
	v31 =	vmul.f32 v2, v55;
	v27 =	vsub.f32 v38, v58  }
0x177: {  	v3 =	vsub.f32 $1.500000000e+00, v3;
	v4 =	vmul.f32 v4, v13;
	v0 =	vmul.f32 v0, v14  }
0x178: {  	v14 =	vmul.f32 v2, v57;
	v13 =	vsub.f32 v32, v59;
	v32 =	vmul.f32 v2, v17  }
0x179: {  	v28 =	vsub.f32 v43, v58;
	v55 =	vmul.f32 v6, v42;
	v57 =	vmul.f32 v5, v18  }
0x17a: {  	v17 =	vsub.f32 v44, v58;
	v44 =	vld [tilespmem:$0x1FF60];
	v58 =	vmul.f32 v5, v16;
	v3 =	vmul.f32 v3, v15  }
0x17b: {  	v16 =	vld [tilespmem:$0x1FFB0];
	v15 =	vsub.f32 v37, v59;
	v59 =	vmul.f32 v5, v19;
	v5 =	vmul.f32 v5, v20  }
0x17c: {  	v18 =	vld [tilespmem:$0x1FE40];
	v11 =	vmul.f32 v4, v11;
	v42 =	vmul.f32 v4, v12  }
0x17d: {  	v43 =	vmul.f32 v4, v13;
	v20 =	vmul.f32 v4, v15;
	v4 =	vld [tilespmem:$0x1FE90]  }
0x17e: {  	v34 =	vmul.f32 v6, v21;
	v21 =	vld [tilespmem:$0x1FE10];
	_ =	sdelay $0x1  }
0x17f: {  	v46 =	vsub.f32 v47, v7;
	v7 =	vsub.f32 v30, v7  }
0x180: {  	v30 =	vsub.f32 v41, v60;
	v16 =	vadd.f32 v18, v16;
	v18 =	vld [tilespmem:$0x1FE50]  }
0x181: {  	v51 =	vsub.f32 v63, v56;
	v63 =	vld [tilespmem:$0x1FFA0];
	v4 =	vadd.f32 v4, v44  }
0x182: {  	v22 =	vsub.f32 v36, v60;
	v24 =	vsub.f32 v21, v48;
	v21 =	vld [tilespmem:$0x1FE20]  }
0x183: {  	v50 =	vsub.f32 v50, v56;
	[tilespmem:s7+$0x100] =	vst v4;
	v4 =	vld [tilespmem:$0x1FEB0]  }
0x184: {  	v47 =	vld [tilespmem:$0x1FED0];
	v23 =	vsub.f32 v26, v56;
	v62 =	vmul.f32 v8, v22;
	v30 =	vmul.f32 v8, v30  }
0x185: {  	v9 =	vmul.f32 v8, v9;
	v8 =	vmul.f32 v8, v10;
	v10 =	vld [tilespmem:$0x1FFA0];
	v18 =	vadd.f32 v18, v44  }
0x186: {  	v53 =	vsub.f32 v52, v56;
	v56 =	vmul.f32 v6, v46;
	v46 =	vld [tilespmem:$0x1FFB0];
	v19 =	vmul.f32 v0, v28  }
0x187: {  	v26 =	vmul.f32 v0, v17;
	v17 =	vmul.f32 v0, v29;
	[tilespmem:s7+$0x80] =	vst v18;
	v18 =	vld [tilespmem:$0x1FE70]  }
0x188: {  	v25 =	vsub.f32 v21, v48;
	v21 =	vmul.f32 v0, v27;
	v0 =	vadd.f32 v4, v63;
	v4 =	vld [tilespmem:$0x1FEC0]  }
0x189: {  	v45 =	vld [tilespmem:$0x1FF70]  }
0x18a: {  	v6 =	vmul.f32 v6, v7;
	v7 =	vld [tilespmem:$0x1FE30]  }
0x18b: {  	v61 =	vld [tilespmem:$0x1FF50]  }
0x18c: {  	v10 =	vadd.f32 v18, v10;
	v18 =	vmul.f32 v3, v50;
	v50 =	vld [tilespmem:$0x1FFA0]  }
0x18d: {  	v1 =	vmul.f32 v2, v1;
	v2 =	vadd.f32 v4, v46;
	v4 =	vld [tilespmem:$0x1FEF0]  }
0x18e: {  	[tilespmem:s7+$0x30] =	vst v16;
	v16 =	vld [tilespmem:$0x1FE60]  }
0x18f: {  	v7 =	vsub.f32 v7, v48;
	[tilespmem:s7+$0xA0] =	vst v10;
	v10 =	vld [tilespmem:$0x1FEA0]  }
0x190: {  	v60 =	vld [tilespmem:$0x1FF40];
	[tilespmem:s7+$0x120] =	vst v0;
	v0 =	vadd.f32 v47, v44  }
0x191: {  	v28 =	vmul.f32 v54, v7;
	v7 =	vld [tilespmem:$0x1FF80]  }
0x192: {  	v48 =	vld [tilespmem:$0x1FEE0];
	[tilespmem:s7+$0x180] =	vst v0;
	v0 =	vadd.f32 v4, v50;
	v4 =	vmul.f32 v31, v61  }
0x193: {  	v12 =	vld [tilespmem:$0x1FFB0];
	v13 =	vmul.f32 v54, v24;
	v16 =	vadd.f32 v16, v45;
	v27 =	vmul.f32 v54, v25  }
0x194: {  	v10 =	vadd.f32 v10, v45;
	v54 =	vadd.f32 v4, v45;
	v4 =	vmul.f32 v55, v61;
	v55 =	vld [tilespmem:$0x1FFA0]  }
0x195: {  	[tilespmem:s7+$0x90] =	vst v16;
	v16 =	vld [tilespmem:$0x1FE80]  }
0x196: {  	[tilespmem:s7+$0x110] =	vst v10;
	v10 =	vld [tilespmem:$0x1FF80]  }
0x197: {  	v52 =	vld [tilespmem:$0x1FF90];
	v7 =	vmul.f32 v32, v7;
	[tilespmem:s7+$0x130] =	vst v2;
	v2 =	vadd.f32 v48, v45  }
0x198: {  	v22 =	vmul.f32 v58, v61;
	v58 =	vld [tilespmem:$0x1FF90]  }
0x199: {  	v49 =	vmul.f32 v14, v60;
	[tilespmem:s7+$0x190] =	vst v2;
	v2 =	vadd.f32 v7, v55;
	v7 =	vld [tilespmem:$0x1FF80]  }
0x19a: {  	v29 =	vmul.f32 v3, v53;
	v53 =	vmul.f32 v34, v60;
	v63 =	vld [tilespmem:$0x1FF90];
	v12 =	vadd.f32 v16, v12  }
0x19b: {  	v15 =	vmul.f32 v3, v51;
	v51 =	vadd.f32 v49, v44;
	v10 =	vmul.f32 v56, v10;
	v56 =	vld [tilespmem:$0x1FFB0]  }
0x19c: {  	v16 =	vmul.f32 v3, v23;
	v23 =	vmul.f32 v57, v60;
	v57 =	vadd.f32 v53, v44;
	[tilespmem:s7+$0xB0] =	vst v12;
	v12 =	vld [tilespmem:$0x1FF90]  }
0x19d: {  	s16 =	sadd.s32 $0x8, s16;
	v14 =	vmul.f32 v62, v60;
	v62 =	vld [tilespmem:$0x1FFA0];
	[tilespmem:s10+$0xFFFFFE00] =	vst v51  }
0x19e: {  	p0 =	slt.u32 s16, $0xC0;
	v1 =	vmul.f32 v1, v52;
	[tilespmem:s10+$0xFFFFFE80] =	vst v57;
	v31 =	vmul.f32 v9, v7;
	v9 =	vld [tilespmem:$0x1FFB0]  }
.Ltmp2:
0x19f: {  	v33 =	vmul.f32 v11, v60;
	[tilespmem:s7+$0x1A0] =	vst v0;
	(pc) =	sbr.rel @p0 .LBB2_3-.Ltmp2, $4  }
0x1a0: {  	v35 =	vmul.f32 v5, v58;
	v34 =	vmul.f32 v8, v63;
	[tilespmem:s10+$0xFFFFFE10] =	vst v54;
	v0 =	vadd.f32 v1, v56  }
0x1a1: {  	v6 =	vmul.f32 v6, v12;
	[tilespmem:s10+$0xFFFFFE20] =	vst v2;
	v36 =	vmul.f32 v59, v7;
	v59 =	vadd.f32 v4, v45  }
0x1a2: {  	v8 =	vld [tilespmem:$0x1FF90];
	v12 =	vmul.f32 v30, v61;
	v30 =	vmul.f32 v42, v61;
	[tilespmem:s10+$0xFFFFFE30] =	vst v0  }
0x1a3: {  	s21 =	sadd.s32 $0x400, s21;
	s7 =	smov.u32 s10;
	v25 =	vadd.f32 v10, v62;
	v10 =	vld [tilespmem:$0x1FFA0];
	v32 =	vmul.f32 v43, v7;
	[tilespmem:s10+$0xFFFFFE90] =	vst v59;
	v37 =	vadd.f32 v6, v9  }
0x1a4: {  	_ = 	snop  }
0x1a5: {  	v0 =	vadd.f32 v23, v44;
	[tilespmem:s10+$0xFFFFFEA0] =	vst v25  }
0x1a6: {  	v1 =	vadd.f32 v22, v45;
	[tilespmem:s10+$0xFFFFFEB0] =	vst v37  }
0x1a7: {  	v50 =	vadd.f32 v35, v9;
	[tilespmem:s10+$0xFFFFFF00] =	vst v0  }
0x1a8: {  	v51 =	vadd.f32 v14, v44;
	[tilespmem:s10+$0xFFFFFF10] =	vst v1  }
0x1a9: {  	v52 =	vadd.f32 v12, v45;
	[tilespmem:s10+$0xFFFFFF30] =	vst v50  }
0x1aa: {  	v2 =	vadd.f32 v34, v9;
	[tilespmem:s10+$0xFFFFFF80] =	vst v51  }
0x1ab: {  	v54 =	vadd.f32 v33, v44;
	v3 =	vmul.f32 v21, v60;
	[tilespmem:s10+$0xFFFFFF90] =	vst v52  }
0x1ac: {  	v56 =	vadd.f32 v30, v45;
	v4 =	vmul.f32 v19, v61;
	[tilespmem:s10+$0xFFFFFFB0] =	vst v2  }
0x1ad: {  	v33 =	vmul.f32 v15, v61;
	[tilespmem:s10+$0x0] =	vst v54;
	v59 =	vadd.f32 v3, v44  }
0x1ae: {  	v38 =	vmul.f32 v13, v60;
	[tilespmem:s10+$0x10] =	vst v56;
	v63 =	vadd.f32 v4, v45  }
0x1af: {  	v40 =	vmul.f32 v27, v61;
	v37 =	vadd.f32 v33, v45;
	[tilespmem:s7+$0x80] =	vst v59  }
0x1b0: {  	v42 =	vadd.f32 v38, v44;
	[tilespmem:s7+$0x90] =	vst v63  }
0x1b1: {  	v43 =	vadd.f32 v40, v45;
	[tilespmem:s7+$0x110] =	vst v37  }
0x1b2: {  	v49 =	vadd.f32 v36, v10;
	[tilespmem:s7+$0x180] =	vst v42  }
0x1b3: {  	v58 =	vmul.f32 v26, v7;
	v53 =	vadd.f32 v31, v10;
	[tilespmem:s7+$0x190] =	vst v43  }
0x1b4: {  	v4 =	vmul.f32 v18, v60;
	v57 =	vadd.f32 v32, v10;
	[tilespmem:s10+$0xFFFFFF20] =	vst v49  }
0x1b5: {  	v35 =	vmul.f32 v29, v7;
	v32 =	vadd.f32 v58, v10;
	[tilespmem:s10+$0xFFFFFFA0] =	vst v53  }
0x1b6: {  	v55 =	vmul.f32 v20, v8;
	v36 =	vadd.f32 v4, v44;
	[tilespmem:s10+$0x20] =	vst v57  }
0x1b7: {  	v62 =	vmul.f32 v17, v8;
	v4 =	vmul.f32 v16, v8;
	v39 =	vadd.f32 v35, v10;
	[tilespmem:s7+$0xA0] =	vst v32  }
0x1b8: {  	v0 =	vadd.f32 v55, v9;
	[tilespmem:s7+$0x100] =	vst v36  }
0x1b9: {  	v34 =	vadd.f32 v62, v9;
	v41 =	vadd.f32 v4, v9;
	v4 =	vmul.f32 v28, v7;
	[tilespmem:s7+$0x120] =	vst v39  }
0x1ba: {  	s16 =	sor.u32 s8, s9;
	[tilespmem:s7+$0x30] =	vst v0  }
0x1bb: {  	s0 =	smul.u32 $0x380, s16;
	[tilespmem:s7+$0xB0] =	vst v34;
	v44 =	vadd.f32 v4, v10  }
0x1bc: {  	[tilespmem:s7+$0x130] =	vst v41  }
0x1bd: {  	s21 =	sadd.s32 s6, s0;
	s10 =	smul.u32 $0x1C00, s16;
	[tilespmem:s7+$0x1A0] =	vst v44  }
0x1be: {  	[hbm4b:s21+s3] =	stream.linear.scatter [tilespmem:s26], [sflag:$0x5], $0x1900, $0x38;
	[tilespmem:$0x1F880] =	vst v63  }
0x1bf: {  	s24 =	sadd.s32 s0, s11;
	s21 =	sshrl.u32 s10, $0x3;
	s10 =	sor.u32 $0xC, s16  }
0x1c0: {  	[hbm4b:s24+s3] =	stream.linear.scatter [tilespmem:s28], [sflag:$0x5], $0x1900, $0x38;
	[tilespmem:$0x1F880] =	vst v63  }
0x1c1: {  	s0 =	sadd.s32 s0, s12;
	s24 =	smul.u32 $0x32, s10  }
0x1c2: {  	[hbm4b:s0+s3] =	stream.linear.scatter [tilespmem:s29], [sflag:$0x5], $0x1900, $0x38;
	[tilespmem:$0x1F880] =	vst v63  }
0x1c3: {  	s0 =	sadd.s32 s6, s21  }
0x1c4: {  	s7 =	sshrl.u32 s24, $0x3;
	s0 =	sadd.s32 $0xA80, s0  }
0x1c5: {  	[hbm4b:s0+s3] =	stream.linear.scatter [tilespmem:s30], [sflag:$0x5], $0x1900, $0x38;
	[tilespmem:$0x1F880] =	vst v63  }
0x1c6: {  	s0 =	sadd.s32 s2, s7  }
0x1c7: {  	[tilespmem:s31], [sflag:$0x6] =	stream.linear.gather [hbm4b:s0+s3], $0xC8, $0x38;
	[tilespmem:$0x1F880] =	vst v63  }
0x1c8: {  	_ =	swait.ge [sflag:s18], $0xC8  }
0x1c9: {  	[sflag:s18] =	ssyncset.done $0x0  }
0x1ca: {  	s21 =	simm.s32 $0x13000;
	[sflag:s18] =	ssyncadd.s32 $0xFFFFFF38  }
0x1cb: {  	[tilespmem:s21], [sflag:$0x4] =	stream.indirect.gather [hbm4b:s4+s19], $0x80, s31, s19, $0xb8;
	[tilespmem:$0x1F880] =	vst v63  }
0x1cc: {  	_ =	swait.ge [sflag:s1], $0x6400  }
0x1cd: {  	[sflag:s1] =	ssyncset.done $0x0  }
0x1ce: {  	[sflag:s1] =	ssyncadd.s32 $0xFFFF9C00  }
0x1cf: {  	_ =	swait.ge [sflag:s17], $0x1900  }
0x1d0: {  	[sflag:s17] =	ssyncset.done $0x0  }
0x1d1: {  	[sflag:s17] =	ssyncadd.s32 $0xFFFFE700  }
0x1d2: {  	_ =	swait.ge [sflag:s17], $0x1900  }
0x1d3: {  	[sflag:s17] =	ssyncset.done $0x0  }
0x1d4: {  	[sflag:s17] =	ssyncadd.s32 $0xFFFFE700  }
0x1d5: {  	_ =	swait.ge [sflag:s17], $0x1900  }
0x1d6: {  	[sflag:s17] =	ssyncset.done $0x0  }
0x1d7: {  	[sflag:s17] =	ssyncadd.s32 $0xFFFFE700  }
0x1d8: {  	_ =	swait.ge [sflag:s17], $0x1900  }
0x1d9: {  	[sflag:s17] =	ssyncset.done $0x0  }
0x1da: {  	s24 =	simm.s32 $0x6A00;
	[sflag:s17] =	ssyncadd.s32 $0xFFFFE700  }
0x1db: {  	v45 =	vld [tilespmem:s24+$0x190];
	_ =	sdelay $0x4  }
0x1dc: {  	v14 =	vld [tilespmem:s24+$0x180];
	[tilespmem:$0x1FDF0] =	vst v45  }
0x1dd: {  	v5 =	vld [tilespmem:s24+$0x1A0];
	_ =	sdelay $0x4  }
0x1de: {  	[tilespmem:$0x1FE00] =	vst v5  }
0x1df: {  	v15 =	vld [tilespmem:s24+$0x1B0]  }
0x1e0: {  	v29 =	vld [tilespmem:s24+$0xFFFFFE10]  }
0x1e1: {  	v30 =	vld [tilespmem:s24+$0xFFFFFE20]  }
0x1e2: {  	v31 =	vld [tilespmem:s24+$0xFFFFFE30]  }
0x1e3: {  	v24 =	vld [tilespmem:s24+$0xFFFFFE80]  }
0x1e4: {  	v23 =	vld [tilespmem:s24+$0xFFFFFE90]  }
0x1e5: {  	v25 =	vld [tilespmem:s24+$0xFFFFFEA0]  }
0x1e6: {  	v26 =	vld [tilespmem:s24+$0xFFFFFEB0]  }
0x1e7: {  	v16 =	vld [tilespmem:s24+$0xFFFFFF00]  }
0x1e8: {  	v17 =	vld [tilespmem:s24+$0xFFFFFF10]  }
0x1e9: {  	v18 =	vld [tilespmem:s24+$0xFFFFFF20]  }
0x1ea: {  	v20 =	vld [tilespmem:s24+$0xFFFFFF30]  }
0x1eb: {  	v19 =	vld [tilespmem:s24+$0xFFFFFF80]  }
0x1ec: {  	v21 =	vld [tilespmem:s24+$0xFFFFFF90]  }
0x1ed: {  	v48 =	vmul.f32 v14, v14;
	v3 =	vmul.f32 v45, v45;
	v22 =	vld [tilespmem:s24+$0xFFFFFFA0]  }
0x1ee: {  	v27 =	vld [tilespmem:s24+$0xFFFFFFB0]  }
0x1ef: {  	v46 =	vadd.f32 v45, v14;
	v2 =	vadd.f32 v3, v48;
	v28 =	vld [tilespmem:s24+$0x0]  }
0x1f0: {  	v4 =	vmul.f32 v5, v5;
	v32 =	vld [tilespmem:s24+$0x10];
	v47 =	vadd.f32 v15, v5;
	v5 =	vmul.f32 v15, v15  }
0x1f1: {  	v12 =	vmul.f32 v29, v29;
	v6 =	vadd.f32 v31, v30;
	v7 =	vmul.f32 v24, v24  }
0x1f2: {  	v8 =	vadd.f32 v23, v24;
	v9 =	vmul.f32 v25, v25;
	v10 =	vadd.f32 v26, v25  }
0x1f3: {  	v13 =	vld [tilespmem:s24+$0xA0];
	v11 =	vmul.f32 v16, v16;
	v53 =	vadd.f32 v17, v16;
	v54 =	vmul.f32 v18, v18  }
0x1f4: {  	v40 =	vld [tilespmem:s24+$0xB0];
	v56 =	vadd.f32 v20, v18;
	v42 =	vmul.f32 v19, v19;
	v43 =	vadd.f32 v21, v19  }
0x1f5: {  	v58 =	vmul.f32 v21, v21;
	v59 =	vadd.f32 v27, v22;
	v48 =	vadd.f32 v32, v28  }
0x1f6: {  	v1 =	vld [tilespmem:$0x1FFC0];
	v0 =	vadd.f32 v47, v46;
	v49 =	vadd.f32 v5, v4;
	v4 =	vmul.f32 v30, v30  }
0x1f7: {  	v5 =	vmul.f32 v31, v31;
	v8 =	vadd.f32 v10, v8;
	v10 =	vmul.f32 v17, v17  }
0x1f8: {  	v3 =	vadd.f32 v56, v53;
	v46 =	vmul.f32 v22, v22;
	v53 =	vadd.f32 v59, v43  }
0x1f9: {  	v33 =	vld [tilespmem:s24+$0x20];
	v47 =	vmul.f32 v28, v28;
	v45 =	vadd.f32 v58, v42;
	v56 =	vadd.f32 v40, v13  }
0x1fa: {  	v44 =	vld [tilespmem:s24+$0xFFFFFE00];
	v58 =	vmul.f32 v13, v13;
	v59 =	vmul.f32 v40, v40;
	v2 =	vadd.f32 v49, v2  }
0x1fb: {  	v63 =	vld [tilespmem:$0x1FFE0];
	v50 =	vperm.xlane v0, v1;
	v4 =	vadd.f32 v5, v4;
	v5 =	vmul.f32 v23, v23  }
0x1fc: {  	v42 =	vld [tilespmem:s24+$0x120];
	v10 =	vadd.f32 v10, v11;
	v11 =	vmul.f32 v27, v27;
	v49 =	vmul.f32 v32, v32  }
0x1fd: {  	v58 =	vadd.f32 v59, v58;
	v0 =	vadd.f32 v0, v50;
	v51 =	vperm.xlane v2, v1  }
0x1fe: {  	v35 =	vld [tilespmem:s24+$0x30];
	v5 =	vadd.f32 v5, v7;
	v7 =	vmul.f32 v26, v26;
	v11 =	vadd.f32 v11, v46  }
0x1ff: {  	v39 =	vld [tilespmem:$0x1FFD0];
	v50 =	vmul.f32 v33, v33;
	v47 =	vadd.f32 v49, v47;
	v49 =	vadd.f32 v29, v44  }
0x200: {  	v36 =	vld [tilespmem:s24+$0x80];
	v52 =	vperm.xlane v0, v63;
	v2 =	vadd.f32 v51, v2;
	v7 =	vadd.f32 v7, v9  }
0x201: {  	v9 =	vmul.f32 v20, v20;
	v6 =	vadd.f32 v6, v49;
	v49 =	vmul.f32 v42, v42  }
0x202: {  	v11 =	vadd.f32 v11, v45;
	v0 =	vadd.f32 v0, v52;
	v55 =	vperm.xlane v2, v63  }
0x203: {  	v9 =	vadd.f32 v9, v54;
	v52 =	vadd.f32 v35, v33;
	v54 =	vmul.f32 v35, v35  }
0x204: {  	v62 =	vld [tilespmem:$0x1FFF0];
	v5 =	vadd.f32 v7, v5;
	v7 =	vperm.xlane v8, v1;
	v57 =	vperm.xlane v0, v39  }
0x205: {  	v2 =	vadd.f32 v55, v2;
	v55 =	vmul.f32 v36, v36;
	v48 =	vadd.f32 v52, v48  }
0x206: {  	v50 =	vadd.f32 v54, v50;
	v9 =	vadd.f32 v9, v10;
	v10 =	vperm.xlane v3, v1  }
0x207: {  	v7 =	vadd.f32 v8, v7;
	v0 =	vadd.f32 v0, v57;
	v38 =	vperm.xlane v2, v39  }
0x208: {  	v37 =	vld [tilespmem:s24+$0x90];
	v8 =	vperm.xlane v5, v1;
	v47 =	vadd.f32 v50, v47;
	v50 =	vperm.xlane v48, v1  }
0x209: {  	v3 =	vadd.f32 v3, v10;
	v41 =	vperm.xlane v0, v62;
	v2 =	vadd.f32 v38, v2;
	v38 =	vld [tilespmem:s24+$0x100]  }
0x20a: {  	v43 =	vld [tilespmem:s24+$0x130];
	v10 =	vperm.xlane v9, v1;
	v48 =	vadd.f32 v48, v50;
	v50 =	vperm.xlane v47, v1  }
0x20b: {  	v5 =	vadd.f32 v8, v5;
	v0 =	vadd.f32 v0, v41;
	v51 =	vperm.xlane v2, v62;
	v41 =	vld [tilespmem:s24+$0x110]  }
0x20c: {  	v8 =	vperm.xlane v3, v63;
	v9 =	vadd.f32 v10, v9;
	v47 =	vadd.f32 v50, v47  }
0x20d: {  	v34 =	vmul.f32 $1.562500000e-02, v0;
	v0 =	vadd.f32 v51, v2;
	v2 =	vadd.f32 v37, v36  }
0x20e: {  	v3 =	vadd.f32 v3, v8;
	v51 =	vmul.f32 v37, v37;
	v52 =	vmul.f32 v38, v38  }
0x20f: {  	v0 =	vmul.f32 $1.562500000e-02, v0;
	v57 =	vmul.f32 v34, v34;
	v2 =	vadd.f32 v56, v2  }
0x210: {  	v56 =	vadd.f32 v43, v42;
	v51 =	vadd.f32 v51, v55;
	v54 =	vmul.f32 v41, v41  }
0x211: {  	v46 =	vadd.f32 v41, v38;
	v0 =	vsub.f32 v0, v57;
	v57 =	vmul.f32 v44, v44  }
0x212: {  	v51 =	vadd.f32 v58, v51;
	v52 =	vadd.f32 v54, v52;
	v54 =	vperm.xlane v6, v1  }
0x213: {  	v8 =	vperm.xlane v9, v63;
	v56 =	vadd.f32 v56, v46;
	v0 =	vadd.f32 $9.999999740e-06, v0  }
0x214: {  	v55 =	vmul.f32 v43, v43;
	v12 =	vadd.f32 v12, v57;
	v6 =	vadd.f32 v6, v54  }
0x215: {  	v58 =	vperm.xlane v56, v1;
	v54 =	vperm.xlane v51, v1;
	v57 =	vshrl.u32 v0, $0x1  }
0x216: {  	v0 =	vmul.f32 $5.000000000e-01, v0;
	v12 =	vadd.f32 v4, v12;
	v4 =	vadd.f32 v55, v49  }
0x217: {  	v49 =	vperm.xlane v53, v1;
	v57 =	vsub.s32 $0x5F3759DF, v57;
	v45 =	vadd.f32 v56, v58  }
0x218: {  	v51 =	vadd.f32 v54, v51;
	v59 =	vmul.f32 v57, v0;
	v4 =	vadd.f32 v4, v52  }
0x219: {  	v49 =	vadd.f32 v53, v49;
	v53 =	vperm.xlane v11, v1;
	v58 =	vperm.xlane v45, v63  }
0x21a: {  	v8 =	vadd.f32 v8, v9;
	v50 =	vperm.xlane v51, v63;
	v55 =	vmul.f32 v57, v59  }
0x21b: {  	v52 =	vperm.xlane v4, v1;
	v10 =	vperm.xlane v49, v63;
	v11 =	vadd.f32 v53, v11  }
0x21c: {  	v53 =	vperm.xlane v48, v63;
	v45 =	vadd.f32 v45, v58;
	v50 =	vadd.f32 v50, v51  }
0x21d: {  	v59 =	vsub.f32 $1.500000000e+00, v55;
	v55 =	vperm.xlane v2, v1;
	v4 =	vadd.f32 v52, v4  }
0x21e: {  	v52 =	vperm.xlane v5, v63;
	v10 =	vadd.f32 v49, v10;
	v49 =	vperm.xlane v11, v63  }
0x21f: {  	v48 =	vadd.f32 v48, v53;
	v53 =	vperm.xlane v47, v63;
	v51 =	vperm.xlane v45, v39  }
0x220: {  	v15 =	vsub.f32 v15, v34;
	v46 =	vmul.f32 v57, v59;
	v59 =	vperm.xlane v12, v1  }
0x221: {  	v2 =	vadd.f32 v2, v55;
	v55 =	vperm.xlane v6, v63;
	v1 =	vperm.xlane v7, v63  }
0x222: {  	v5 =	vadd.f32 v52, v5;
	v9 =	vperm.xlane v10, v39;
	v11 =	vadd.f32 v49, v11  }
0x223: {  	v58 =	vperm.xlane v48, v39;
	v47 =	vadd.f32 v53, v47;
	v52 =	vperm.xlane v8, v39  }
0x224: {  	v45 =	vadd.f32 v45, v51;
	v0 =	vmul.f32 v46, v0;
	v12 =	vadd.f32 v59, v12  }
0x225: {  	v57 =	vperm.xlane v2, v63;
	v6 =	vadd.f32 v6, v55;
	v7 =	vadd.f32 v7, v1  }
0x226: {  	v55 =	vperm.xlane v5, v39;
	v9 =	vadd.f32 v10, v9;
	v10 =	vperm.xlane v11, v39  }
0x227: {  	v48 =	vadd.f32 v48, v58;
	v49 =	vperm.xlane v47, v39;
	v0 =	vmul.f32 v0, v46  }
0x228: {  	v8 =	vadd.f32 v52, v8;
	v59 =	vperm.xlane v12, v63;
	v54 =	vperm.xlane v6, v39  }
0x229: {  	v2 =	vadd.f32 v2, v57;
	v63 =	vperm.xlane v4, v63;
	v56 =	vperm.xlane v7, v39  }
0x22a: {  	v57 =	vperm.xlane v3, v39;
	v5 =	vadd.f32 v55, v5;
	v10 =	vadd.f32 v10, v11  }
0x22b: {  	v52 =	vperm.xlane v9, v62;
	v0 =	vsub.f32 $1.500000000e+00, v0;
	v1 =	vadd.f32 v59, v12  }
0x22c: {  	v11 =	vperm.xlane v48, v62;
	v4 =	vadd.f32 v63, v4;
	v6 =	vadd.f32 v6, v54  }
0x22d: {  	v59 =	vperm.xlane v2, v39;
	v7 =	vadd.f32 v7, v56;
	v3 =	vadd.f32 v3, v57  }
0x22e: {  	v63 =	vperm.xlane v50, v39;
	v57 =	vadd.f32 v49, v47;
	v9 =	vadd.f32 v9, v52  }
0x22f: {  	v52 =	vperm.xlane v10, v62;
	v11 =	vadd.f32 v48, v11;
	v54 =	vperm.xlane v1, v39  }
0x230: {  	v2 =	vadd.f32 v2, v59;
	v56 =	vperm.xlane v6, v62;
	v51 =	vperm.xlane v4, v39  }
0x231: {  	v55 =	vperm.xlane v3, v62;
	v50 =	vadd.f32 v63, v50;
	v63 =	vperm.xlane v45, v62  }
0x232: {  	v49 =	vmul.f32 $1.562500000e-02, v9;
	v9 =	vadd.f32 v52, v10;
	v48 =	vmul.f32 $1.562500000e-02, v11  }
0x233: {  	v46 =	vmul.f32 v0, v46;
	v1 =	vadd.f32 v54, v1;
	v54 =	vperm.xlane v7, v62  }
0x234: {  	v59 =	vperm.xlane v2, v62;
	v6 =	vadd.f32 v6, v56;
	v4 =	vadd.f32 v51, v4  }
0x235: {  	v51 =	vperm.xlane v5, v62;
	v3 =	vadd.f32 v3, v55;
	v55 =	vperm.xlane v57, v62  }
0x236: {  	v56 =	vperm.xlane v50, v62;
	v45 =	vadd.f32 v45, v63;
	v9 =	vmul.f32 $1.562500000e-02, v9  }
0x237: {  	v58 =	vmul.f32 v49, v49;
	v53 =	vperm.xlane v1, v62;
	v7 =	vadd.f32 v7, v54  }
0x238: {  	v54 =	vperm.xlane v8, v62;
	v2 =	vadd.f32 v2, v59;
	v63 =	vperm.xlane v4, v62  }
0x239: {  	v6 =	vmul.f32 $1.562500000e-02, v6;
	v5 =	vadd.f32 v51, v5;
	v3 =	vmul.f32 $1.562500000e-02, v3  }
0x23a: {  	v55 =	vadd.f32 v55, v57;
	v45 =	vmul.f32 $1.562500000e-02, v45;
	v10 =	vadd.f32 v56, v50  }
0x23b: {  	v9 =	vsub.f32 v9, v58;
	v1 =	vadd.f32 v53, v1;
	v7 =	vmul.f32 $1.562500000e-02, v7  }
0x23c: {  	v8 =	vadd.f32 v54, v8;
	v47 =	vmul.f32 $1.562500000e-02, v2;
	v11 =	vmul.f32 v6, v6  }
0x23d: {  	v5 =	vmul.f32 $1.562500000e-02, v5;
	v4 =	vadd.f32 v63, v4;
	v2 =	vmul.f32 $1.562500000e-02, v55  }
0x23e: {  	v10 =	vmul.f32 $1.562500000e-02, v10;
	v9 =	vadd.f32 $9.999999740e-06, v9;
	v44 =	vsub.f32 v44, v6  }
0x23f: {  	v29 =	vsub.f32 v29, v6;
	v1 =	vmul.f32 $1.562500000e-02, v1;
	v57 =	vmul.f32 v7, v7  }
0x240: {  	v8 =	vmul.f32 $1.562500000e-02, v8;
	v51 =	vshrl.u32 v9, $0x1;
	v9 =	vmul.f32 $5.000000000e-01, v9  }
0x241: {  	v51 =	vsub.s32 $0x5F3759DF, v51;
	v1 =	vsub.f32 v1, v11;
	v11 =	vmul.f32 v3, v3  }
0x242: {  	v59 =	vmul.f32 v47, v47;
	v5 =	vsub.f32 v5, v57;
	v58 =	vmul.f32 v51, v9  }
0x243: {  	v8 =	vsub.f32 v8, v11;
	v11 =	vmul.f32 v48, v48;
	v1 =	vadd.f32 $9.999999740e-06, v1  }
0x244: {  	v4 =	vmul.f32 $1.562500000e-02, v4;
	v62 =	vadd.f32 $9.999999740e-06, v5;
	v5 =	vsub.f32 v10, v59  }
0x245: {  	v58 =	vmul.f32 v51, v58;
	v2 =	vsub.f32 v2, v11;
	v11 =	vmul.f32 v45, v45  }
0x246: {  	v10 =	vshrl.u32 v1, $0x1;
	v8 =	vadd.f32 $9.999999740e-06, v8;
	v1 =	vmul.f32 $5.000000000e-01, v1  }
0x247: {  	v5 =	vadd.f32 $9.999999740e-06, v5;
	v0 =	vmul.f32 $5.000000000e-01, v62;
	v58 =	vsub.f32 $1.500000000e+00, v58  }
0x248: {  	v10 =	vsub.s32 $0x5F3759DF, v10;
	v4 =	vsub.f32 v4, v11;
	v2 =	vadd.f32 $9.999999740e-06, v2  }
0x249: {  	v11 =	vshrl.u32 v62, $0x1;
	v50 =	vshrl.u32 v8, $0x1;
	v8 =	vmul.f32 $5.000000000e-01, v8  }
0x24a: {  	v53 =	vmul.f32 v10, v1;
	v54 =	vshrl.u32 v5, $0x1;
	v5 =	vmul.f32 $5.000000000e-01, v5  }
0x24b: {  	v51 =	vmul.f32 v51, v58;
	v11 =	vsub.s32 $0x5F3759DF, v11;
	v50 =	vsub.s32 $0x5F3759DF, v50  }
0x24c: {  	v54 =	vsub.s32 $0x5F3759DF, v54;
	v52 =	vshrl.u32 v2, $0x1;
	v2 =	vmul.f32 $5.000000000e-01, v2  }
0x24d: {  	v4 =	vadd.f32 $9.999999740e-06, v4;
	v63 =	vmul.f32 v11, v0;
	v53 =	vmul.f32 v10, v53  }
0x24e: {  	v57 =	vmul.f32 v50, v8;
	v9 =	vmul.f32 v51, v9;
	v52 =	vsub.s32 $0x5F3759DF, v52  }
0x24f: {  	v62 =	vshrl.u32 v4, $0x1;
	v4 =	vmul.f32 $5.000000000e-01, v4;
	v55 =	vmul.f32 v11, v63  }
0x250: {  	v53 =	vsub.f32 $1.500000000e+00, v53;
	v59 =	vmul.f32 v52, v2;
	v63 =	vmul.f32 v54, v5  }
0x251: {  	v30 =	vsub.f32 v30, v6;
	v57 =	vmul.f32 v50, v57;
	v9 =	vmul.f32 v9, v51  }
0x252: {  	v55 =	vsub.f32 $1.500000000e+00, v55;
	v10 =	vmul.f32 v10, v53;
	v53 =	vsub.s32 $0x5F3759DF, v62  }
0x253: {  	v59 =	vmul.f32 v52, v59;
	v56 =	vmul.f32 v54, v63;
	v57 =	vsub.f32 $1.500000000e+00, v57  }
0x254: {  	v9 =	vsub.f32 $1.500000000e+00, v9;
	v62 =	vmul.f32 v53, v4;
	v11 =	vmul.f32 v11, v55  }
0x255: {  	v1 =	vmul.f32 v10, v1;
	v59 =	vsub.f32 $1.500000000e+00, v59;
	v50 =	vmul.f32 v50, v57  }
0x256: {  	v56 =	vsub.f32 $1.500000000e+00, v56;
	v9 =	vmul.f32 v9, v51;
	v55 =	vmul.f32 v53, v62  }
0x257: {  	v6 =	vsub.f32 v31, v6;
	v1 =	vmul.f32 v1, v10;
	v52 =	vmul.f32 v52, v59  }
0x258: {  	v23 =	vsub.f32 v23, v7;
	v54 =	vmul.f32 v54, v56;
	v0 =	vmul.f32 v11, v0  }
0x259: {  	v8 =	vmul.f32 v50, v8;
	v55 =	vsub.f32 $1.500000000e+00, v55;
	v2 =	vmul.f32 v52, v2  }
0x25a: {  	v1 =	vsub.f32 $1.500000000e+00, v1;
	v5 =	vmul.f32 v54, v5;
	v0 =	vmul.f32 v0, v11  }
0x25b: {  	v56 =	vsub.f32 v38, v45;
	v8 =	vmul.f32 v8, v50;
	v53 =	vmul.f32 v53, v55  }
0x25c: {  	v1 =	vmul.f32 v1, v10;
	v10 =	vsub.f32 v24, v7;
	v24 =	vsub.f32 v25, v7  }
0x25d: {  	v7 =	vsub.f32 v26, v7;
	v2 =	vmul.f32 v2, v52;
	v0 =	vsub.f32 $1.500000000e+00, v0  }
0x25e: {  	v5 =	vmul.f32 v5, v54;
	v8 =	vsub.f32 $1.500000000e+00, v8;
	v26 =	vsub.f32 v13, v47  }
0x25f: {  	v4 =	vmul.f32 v53, v4;
	v0 =	vmul.f32 v0, v11;
	v2 =	vsub.f32 $1.500000000e+00, v2  }
0x260: {  	v5 =	vsub.f32 $1.500000000e+00, v5;
	v8 =	vmul.f32 v8, v50;
	v11 =	vsub.f32 v16, v3  }
0x261: {  	v16 =	vsub.f32 v17, v3;
	v17 =	vsub.f32 v18, v3;
	v25 =	vmul.f32 v1, v44  }
0x262: {  	v3 =	vsub.f32 v20, v3;
	v31 =	vmul.f32 v1, v29;
	v30 =	vmul.f32 v1, v30  }
0x263: {  	v1 =	vmul.f32 v1, v6;
	v6 =	vsub.f32 v19, v49;
	v18 =	vsub.f32 v21, v49  }
0x264: {  	v19 =	vsub.f32 v22, v49;
	v20 =	vsub.f32 v27, v49;
	v4 =	vmul.f32 v4, v53  }
0x265: {  	v21 =	vsub.f32 v32, v48;
	v2 =	vmul.f32 v2, v52;
	v5 =	vmul.f32 v5, v54  }
0x266: {  	v27 =	vsub.f32 v42, v45;
	v11 =	vmul.f32 v8, v11;
	v63 =	vmul.f32 v8, v16  }
0x267: {  	v52 =	vmul.f32 v8, v17;
	v3 =	vmul.f32 v8, v3;
	v8 =	vsub.f32 v36, v47  }
0x268: {  	v17 =	vsub.f32 v37, v47;
	v6 =	vmul.f32 v9, v6;
	v54 =	vmul.f32 v9, v19  }
0x269: {  	v4 =	vsub.f32 $1.500000000e+00, v4;
	v55 =	vmul.f32 v2, v21;
	v21 =	vmul.f32 v5, v8  }
0x26a: {  	v16 =	vsub.f32 v35, v48;
	v19 =	vmul.f32 v5, v17;
	v26 =	vmul.f32 v5, v26  }
0x26b: {  	v4 =	vmul.f32 v4, v53;
	v53 =	vmul.f32 v9, v18;
	v18 =	vsub.f32 v40, v47  }
0x26c: {  	v9 =	vmul.f32 v9, v20;
	v20 =	vmul.f32 v2, v16;
	v16 =	vsub.f32 v41, v45  }
0x26d: {  	v8 =	vsub.f32 v43, v45;
	v17 =	vmul.f32 v5, v18;
	v5 =	vmul.f32 v46, v15  }
0x26e: {  	v18 =	vmul.f32 v4, v56;
	v15 =	vmul.f32 v4, v16  }
0x26f: {  	v29 =	vmul.f32 v4, v27;
	v16 =	vmul.f32 v4, v8;
	v4 =	vld [tilespmem:$0x1FF90]  }
0x270: {  	v12 =	vld [tilespmem:$0x1FE00];
	_ =	sdelay $0x2  }
0x271: {  	v57 =	vld [tilespmem:$0x1FDF0]  }
0x272: {  	v10 =	vmul.f32 v0, v10;
	v4 =	vmul.f32 v5, v4;
	v5 =	vld [tilespmem:$0x1FFB0]  }
0x273: {  	v12 =	vsub.f32 v12, v34;
	v44 =	vld [tilespmem:$0x1FF60];
	v22 =	vmul.f32 v0, v23;
	v23 =	vmul.f32 v0, v24  }
0x274: {  	v0 =	vmul.f32 v0, v7;
	v7 =	vsub.f32 v28, v48;
	v24 =	vsub.f32 v33, v48  }
0x275: {  	v28 =	vmul.f32 v46, v12;
	v58 =	vmul.f32 v25, v60;
	v12 =	vld [tilespmem:$0x1FF90]  }
0x276: {  	v7 =	vmul.f32 v2, v7;
	v24 =	vmul.f32 v2, v24;
	v2 =	vsub.f32 v57, v34  }
0x277: {  	v4 =	vadd.f32 v4, v5  }
0x278: {  	s7 =	simm.s32 $0x19600;
	v45 =	vld [tilespmem:$0x1FF70];
	v27 =	vmul.f32 v46, v2;
	v2 =	vadd.f32 v58, v44  }
0x279: {  	v8 =	vld [tilespmem:$0x1FF80];
	[tilespmem:s7+$0x1B0] =	vst v4  }
0x27a: {  	v1 =	vmul.f32 v1, v12;
	v12 =	vld [tilespmem:$0x1FF80];
	[tilespmem:s7+$0xFFFFFE00] =	vst v2  }
0x27b: {  	v2 =	vld [tilespmem:$0x1FFA0]  }
0x27c: {  	v5 =	vmul.f32 v31, v61;
	_ =	sdelay $0x1  }
0x27d: {  	v8 =	vmul.f32 v30, v8;
	v4 =	vadd.f32 v5, v45;
	_ =	sdelay $0x1  }
0x27e: {  	v2 =	vadd.f32 v8, v2;
	v8 =	vld [tilespmem:$0x1FF90];
	[tilespmem:s7+$0xFFFFFE10] =	vst v4  }
0x27f: {  	v4 =	vld [tilespmem:$0x1FFB0];
	_ =	sdelay $0x3  }
0x280: {  	v10 =	vmul.f32 v10, v60  }
0x281: {  	v1 =	vadd.f32 v1, v4  }
0x282: {  	v59 =	vadd.f32 v10, v44;
	v4 =	vld [tilespmem:$0x1FF80];
	[tilespmem:s7+$0xFFFFFE20] =	vst v2  }
0x283: {  	v14 =	vsub.f32 v14, v34;
	v10 =	vld [tilespmem:$0x1FFA0];
	[tilespmem:s7+$0xFFFFFE30] =	vst v1  }
0x284: {  	v5 =	vmul.f32 v22, v61;
	v22 =	vmul.f32 v63, v61;
	v63 =	vld [tilespmem:$0x1FF80];
	[tilespmem:s7+$0xFFFFFE80] =	vst v59  }
0x285: {  	v13 =	vmul.f32 v46, v14;
	v14 =	vmul.f32 v6, v60;
	v6 =	vld [tilespmem:$0x1FFB0]  }
0x286: {  	v33 =	vmul.f32 v7, v60;
	v7 =	vld [tilespmem:$0x1FF80]  }
0x287: {  	v30 =	vmul.f32 v55, v61;
	v25 =	vmul.f32 v23, v12  }
0x288: {  	v62 =	vadd.f32 v5, v45;
	v23 =	vmul.f32 v11, v60;
	v12 =	vmul.f32 v53, v61  }
0x289: {  	v0 =	vmul.f32 v0, v8;
	v35 =	vmul.f32 v3, v8  }
0x28a: {  	v34 =	vmul.f32 v9, v8;
	[tilespmem:s7+$0xFFFFFE90] =	vst v62;
	v36 =	vmul.f32 v52, v4;
	v25 =	vadd.f32 v25, v10  }
0x28b: {  	s0 =	simm.s32 $0x6E00;
	s21 =	simm.s32 $0x19600;
	s24 =	simm.s32 $0x0;
	v31 =	vmul.f32 v54, v63;
	v63 =	vmovc v39;
	v37 =	vadd.f32 v0, v6;
	v32 =	vmul.f32 v24, v7  }
.LBB2_5:
0x28c: {  	_ = 	snop  }
0x28d: {  	v2 =	vmul.f32 v19, v61;
	[tilespmem:s7+$0xFFFFFEA0] =	vst v25  }
0x28e: {  	v50 =	vmul.f32 v26, v7;
	[tilespmem:s7+$0xFFFFFEB0] =	vst v37  }
0x28f: {  	v3 =	vld [tilespmem:s0+$0x180];
	v0 =	vadd.f32 v23, v44;
	[tilespmem:$0x1FD50] =	vst v2  }
0x290: {  	v4 =	vld [tilespmem:s0+$0x190];
	v56 =	vmul.f32 v18, v60;
	[tilespmem:$0x1FD60] =	vst v50  }
0x291: {  	v49 =	vadd.f32 v22, v45;
	v5 =	vld [tilespmem:s0+$0x1A0];
	[tilespmem:s7+$0xFFFFFF00] =	vst v0  }
0x292: {  	v40 =	vld [tilespmem:s0+$0xFFFFFE20];
	v38 =	vmul.f32 v27, v61;
	[tilespmem:$0x1FD80] =	vst v56  }
0x293: {  	v62 =	vadd.f32 v14, v44;
	v42 =	vld [tilespmem:s0+$0xFFFFFE30];
	[tilespmem:s7+$0xFFFFFF10] =	vst v49  }
0x294: {  	v52 =	vld [tilespmem:$0x1FFC0];
	v57 =	vadd.f32 v35, v6;
	[tilespmem:$0x1FDD0] =	vst v38  }
0x295: {  	v37 =	vadd.f32 v12, v45;
	v56 =	vld [tilespmem:s0+$0x1B0];
	[tilespmem:s7+$0xFFFFFF80] =	vst v62  }
0x296: {  	v43 =	vadd.f32 v34, v6;
	v45 =	vld [tilespmem:s0+$0xFFFFFE80];
	[tilespmem:s7+$0xFFFFFF30] =	vst v57  }
0x297: {  	v50 =	vld [tilespmem:$0x1FF70];
	[tilespmem:s7+$0xFFFFFF90] =	vst v37  }
0x298: {  	v46 =	vld [tilespmem:s0+$0xFFFFFE90];
	[tilespmem:s7+$0xFFFFFFB0] =	vst v43  }
0x299: {  	v48 =	vmul.f32 v21, v60;
	v47 =	vld [tilespmem:s0+$0xFFFFFEA0];
	v55 =	vmul.f32 v17, v8;
	[tilespmem:$0x1FD00] =	vst v3  }
0x29a: {  	v58 =	vmul.f32 v15, v61;
	v59 =	vmul.f32 v29, v7;
	v38 =	vld [tilespmem:s0+$0x80];
	v51 =	vadd.f32 v36, v10;
	[tilespmem:$0x1FD10] =	vst v4  }
0x29b: {  	v39 =	vmul.f32 v28, v7;
	v1 =	vmul.f32 v20, v8;
	[tilespmem:$0x1FD70] =	vst v55;
	v55 =	vld [tilespmem:s0+$0xFFFFFE10]  }
0x29c: {  	v35 =	vmul.f32 v16, v8;
	v41 =	vadd.f32 v31, v10;
	[tilespmem:s7+$0xFFFFFF20] =	vst v51;
	v2 =	vadd.f32 v30, v50;
	v30 =	vld [tilespmem:s0+$0xFFFFFEB0]  }
0x29d: {  	v36 =	vmul.f32 v13, v60;
	v6 =	vmovc v3;
	v7 =	vmov v4;
	v8 =	vmov v5;
	[tilespmem:$0x1FD20] =	vst v5;
	v31 =	vld [tilespmem:s0+$0xFFFFFF00]  }
0x29e: {  	v3 =	vadd.f32 v4, v3;
	[tilespmem:s7+$0xFFFFFFA0] =	vst v41;
	v49 =	vmul.f32 v8, v8;
	v8 =	vmul.f32 v40, v40;
	v34 =	vld [tilespmem:s0+$0xFFFFFF10]  }
0x29f: {  	[tilespmem:$0x1FDC0] =	vst v36;
	v51 =	vmul.f32 v42, v42;
	v4 =	vadd.f32 v56, v5;
	v5 =	vmul.f32 v6, v6;
	v36 =	vld [tilespmem:s0+$0xFFFFFF80]  }
0x2a0: {  	[tilespmem:$0x1FD40] =	vst v48;
	v48 =	vadd.f32 v33, v44;
	v6 =	vmul.f32 v7, v7;
	v7 =	vmul.f32 v56, v56;
	v41 =	vld [tilespmem:s0+$0xFFFFFF90]  }
0x2a1: {  	v22 =	vadd.f32 v42, v40;
	v9 =	vmul.f32 v47, v47;
	v27 =	vld [tilespmem:s0+$0xFFFFFFA0];
	v13 =	vmul.f32 v38, v38  }
0x2a2: {  	v29 =	vld [tilespmem:s0+$0xFFFFFFB0];
	v23 =	vadd.f32 v51, v8;
	v8 =	vmul.f32 v46, v46;
	v3 =	vadd.f32 v4, v3  }
0x2a3: {  	[tilespmem:$0x1FDB0] =	vst v35;
	v35 =	vld [tilespmem:s0+$0xFFFFFF20];
	v4 =	vadd.f32 v6, v5;
	v0 =	vadd.f32 v7, v49;
	v5 =	vmul.f32 v45, v45  }
0x2a4: {  	[tilespmem:$0x1FDE0] =	vst v39;
	v39 =	vld [tilespmem:s0+$0xFFFFFF30];
	v6 =	vadd.f32 v32, v10;
	v7 =	vadd.f32 v46, v45;
	v54 =	vmul.f32 v55, v55  }
0x2a5: {  	[tilespmem:s7+$0x10] =	vst v2;
	v2 =	vld [tilespmem:$0x1FFE0];
	v0 =	vadd.f32 v0, v4;
	v4 =	vperm.xlane v3, v52;
	v20 =	vadd.f32 v8, v5  }
0x2a6: {  	[tilespmem:s7+$0x20] =	vst v6;
	v6 =	vadd.f32 v30, v47;
	v8 =	vmul.f32 v30, v30;
	v11 =	vadd.f32 v34, v31  }
0x2a7: {  	v62 =	vld [tilespmem:$0x1FFF0];
	[tilespmem:s7+$0x0] =	vst v48;
	v10 =	vmul.f32 v31, v31;
	v48 =	vadd.f32 v41, v36;
	v51 =	vadd.f32 v29, v27  }
0x2a8: {  	[tilespmem:$0x1FD90] =	vst v58;
	v50 =	vld [tilespmem:s0+$0x100];
	v3 =	vadd.f32 v3, v4;
	v4 =	vperm.xlane v0, v52;
	v58 =	vadd.f32 v6, v7  }
0x2a9: {  	v28 =	vld [tilespmem:s0+$0x0];
	v6 =	vmul.f32 v35, v35;
	v7 =	vadd.f32 v39, v35;
	v19 =	vadd.f32 v8, v9  }
0x2aa: {  	v33 =	vld [tilespmem:s0+$0x10];
	v9 =	vmul.f32 v39, v39;
	v53 =	vperm.xlane v3, v2;
	v0 =	vadd.f32 v4, v0  }
0x2ab: {  	v32 =	vld [tilespmem:s0+$0x20];
	v21 =	vadd.f32 v51, v48;
	v4 =	vmul.f32 v34, v34;
	v25 =	vadd.f32 v7, v11  }
0x2ac: {  	[tilespmem:$0x1FDA0] =	vst v59;
	v37 =	vld [tilespmem:s0+$0x30];
	v11 =	vmul.f32 v41, v41;
	v3 =	vadd.f32 v3, v53;
	v59 =	vperm.xlane v0, v2  }
0x2ad: {  	v51 =	vld [tilespmem:s0+$0x110];
	v17 =	vadd.f32 v9, v6;
	v19 =	vadd.f32 v19, v20;
	v53 =	vmul.f32 v36, v36  }
0x2ae: {  	v18 =	vadd.f32 v4, v10;
	v43 =	vperm.xlane v3, v63;
	v0 =	vadd.f32 v59, v0  }
0x2af: {  	v4 =	vmul.f32 v29, v29;
	v60 =	vmul.f32 v28, v28;
	v61 =	vadd.f32 v33, v28  }
0x2b0: {  	v44 =	vld [tilespmem:s0+$0xA0];
	[tilespmem:$0x1FD30] =	vst v1;
	v1 =	vmul.f32 v33, v33;
	v3 =	vadd.f32 v3, v43;
	v49 =	vperm.xlane v0, v63  }
0x2b1: {  	v24 =	vmul.f32 v32, v32;
	v48 =	vmul.f32 v37, v37;
	v16 =	vadd.f32 v11, v53;
	v43 =	vld [tilespmem:s0+$0x90]  }
0x2b2: {  	v11 =	vadd.f32 v51, v50;
	v52 =	vperm.xlane v3, v62;
	v0 =	vadd.f32 v49, v0;
	v49 =	vld [tilespmem:s0+$0xB0]  }
0x2b3: {  	v59 =	vmul.f32 v27, v27;
	v14 =	vadd.f32 v1, v60;
	v48 =	vadd.f32 v48, v24  }
0x2b4: {  	v17 =	vadd.f32 v17, v18;
	v3 =	vadd.f32 v3, v52;
	v57 =	vperm.xlane v0, v62  }
0x2b5: {  	v10 =	vmul.f32 v44, v44;
	v53 =	vld [tilespmem:s0+$0x130];
	v63 =	vadd.f32 v37, v32;
	v15 =	vadd.f32 v4, v59  }
0x2b6: {  	v52 =	vld [tilespmem:s0+$0x120];
	v9 =	vmul.f32 v43, v43;
	v26 =	vmul.f32 $1.562500000e-02, v3;
	v0 =	vadd.f32 v57, v0  }
0x2b7: {  	v8 =	vadd.f32 v43, v38;
	v57 =	vld [tilespmem:s0+$0xFFFFFE00];
	v5 =	vadd.f32 v49, v44;
	v59 =	vmul.f32 v49, v49  }
0x2b8: {  	v9 =	vadd.f32 v9, v13;
	v7 =	vmul.f32 $1.562500000e-02, v0;
	v0 =	vmul.f32 v26, v26  }
0x2b9: {  	v12 =	vmul.f32 v50, v50;
	v56 =	vsub.f32 v56, v26;
	v24 =	vadd.f32 v5, v8  }
0x2ba: {  	v6 =	vmul.f32 v51, v51;
	v10 =	vadd.f32 v59, v10;
	v0 =	vsub.f32 v7, v0  }
0x2bb: {  	v60 =	vmul.f32 v52, v52;
	v7 =	vadd.f32 v63, v61;
	v61 =	vadd.f32 v53, v52  }
0x2bc: {  	v63 =	vmul.f32 v53, v53;
	v3 =	vadd.f32 v55, v57;
	v1 =	vadd.f32 $9.999999740e-06, v0;
	v0 =	vld [tilespmem:$0x1FFC0]  }
0x2bd: {  	v4 =	vmul.f32 v57, v57;
	v9 =	vadd.f32 v10, v9;
	v5 =	vadd.f32 v61, v11  }
0x2be: {  	v11 =	vadd.f32 v48, v14;
	v8 =	vshrl.u32 v1, $0x1;
	v1 =	vmul.f32 $5.000000000e-01, v1  }
0x2bf: {  	v3 =	vadd.f32 v22, v3;
	v54 =	vadd.f32 v54, v4;
	v8 =	vsub.s32 $0x5F3759DF, v8  }
0x2c0: {  	v4 =	vadd.f32 v6, v12;
	v6 =	vadd.f32 v63, v60;
	v13 =	vmul.f32 v8, v1  }
0x2c1: {  	v12 =	vadd.f32 v15, v16;
	v22 =	vperm.xlane v3, v0;
	v20 =	vperm.xlane v58, v0  }
0x2c2: {  	v54 =	vadd.f32 v23, v54;
	v18 =	vperm.xlane v25, v0;
	v15 =	vperm.xlane v21, v0  }
0x2c3: {  	v4 =	vadd.f32 v6, v4;
	v23 =	vperm.xlane v7, v0;
	v10 =	vperm.xlane v24, v0  }
0x2c4: {  	v6 =	vperm.xlane v5, v0;
	v13 =	vmul.f32 v8, v13;
	v59 =	vadd.f32 v3, v22  }
0x2c5: {  	v20 =	vadd.f32 v58, v20;
	v22 =	vperm.xlane v19, v0;
	v16 =	vadd.f32 v25, v18  }
0x2c6: {  	v18 =	vperm.xlane v17, v0;
	v14 =	vadd.f32 v21, v15;
	v15 =	vperm.xlane v12, v0  }
0x2c7: {  	v7 =	vadd.f32 v7, v23;
	v23 =	vperm.xlane v11, v0;
	v60 =	vadd.f32 v24, v10  }
0x2c8: {  	v10 =	vperm.xlane v9, v0;
	v5 =	vadd.f32 v5, v6;
	v13 =	vsub.f32 $1.500000000e+00, v13  }
0x2c9: {  	v6 =	vperm.xlane v59, v2;
	v61 =	vperm.xlane v20, v2;
	v17 =	vadd.f32 v18, v17  }
0x2ca: {  	v18 =	vperm.xlane v14, v2;
	v12 =	vadd.f32 v15, v12;
	v15 =	vperm.xlane v7, v2  }
0x2cb: {  	v63 =	vld [tilespmem:$0x1FFD0];
	v11 =	vadd.f32 v23, v11;
	v9 =	vadd.f32 v10, v9;
	v10 =	vperm.xlane v5, v2  }
0x2cc: {  	v8 =	vmul.f32 v8, v13;
	v13 =	vperm.xlane v54, v0;
	v14 =	vadd.f32 v14, v18  }
0x2cd: {  	v18 =	vperm.xlane v12, v2;
	v7 =	vadd.f32 v7, v15;
	v15 =	vperm.xlane v11, v2  }
0x2ce: {  	v21 =	vadd.f32 v59, v6;
	v59 =	vperm.xlane v9, v2;
	v1 =	vmul.f32 v8, v1  }
0x2cf: {  	v5 =	vadd.f32 v5, v10;
	v24 =	vadd.f32 v13, v54;
	v13 =	vperm.xlane v4, v0  }
0x2d0: {  	v10 =	vperm.xlane v21, v63;
	v12 =	vadd.f32 v18, v12;
	v1 =	vmul.f32 v1, v8  }
0x2d1: {  	v18 =	vperm.xlane v7, v63;
	v11 =	vadd.f32 v15, v11;
	v3 =	vadd.f32 v59, v9  }
0x2d2: {  	v9 =	vperm.xlane v5, v63;
	v4 =	vadd.f32 v13, v4;
	v1 =	vsub.f32 $1.500000000e+00, v1  }
0x2d3: {  	v23 =	vld [tilespmem:$0x1FF90];
	v6 =	vperm.xlane v24, v2;
	v13 =	vadd.f32 v20, v61;
	v7 =	vadd.f32 v7, v18  }
0x2d4: {  	v18 =	vperm.xlane v11, v63;
	v54 =	vmul.f32 v1, v8;
	v8 =	vadd.f32 v22, v19  }
0x2d5: {  	v5 =	vadd.f32 v5, v9;
	v19 =	vperm.xlane v16, v2;
	v22 =	vperm.xlane v60, v2  }
0x2d6: {  	v11 =	vadd.f32 v18, v11;
	v0 =	vmul.f32 v54, v56;
	v20 =	vperm.xlane v8, v2  }
0x2d7: {  	v16 =	vadd.f32 v16, v19;
	v19 =	vperm.xlane v17, v2;
	v58 =	vadd.f32 v60, v22  }
0x2d8: {  	v22 =	vperm.xlane v13, v63;
	v60 =	vadd.f32 v21, v10;
	v0 =	vmul.f32 v0, v23  }
0x2d9: {  	v8 =	vadd.f32 v20, v8;
	v20 =	vperm.xlane v16, v63;
	v17 =	vadd.f32 v19, v17  }
0x2da: {  	v23 =	vld [tilespmem:$0x1FFB0];
	v19 =	vperm.xlane v14, v63;
	v10 =	vadd.f32 v13, v22;
	v22 =	vperm.xlane v60, v62  }
0x2db: {  	v21 =	vld [tilespmem:$0x1FD00];
	v13 =	vperm.xlane v8, v63;
	v16 =	vadd.f32 v16, v20;
	v20 =	vperm.xlane v17, v63  }
0x2dc: {  	v14 =	vadd.f32 v14, v19;
	v19 =	vperm.xlane v12, v63;
	v1 =	vadd.f32 v60, v22  }
0x2dd: {  	v15 =	vperm.xlane v58, v63;
	v8 =	vadd.f32 v13, v8;
	v17 =	vadd.f32 v20, v17  }
0x2de: {  	v20 =	vperm.xlane v14, v62;
	v12 =	vadd.f32 v19, v12;
	v19 =	vperm.xlane v7, v62  }
0x2df: {  	v1 =	vmul.f32 $1.562500000e-02, v1;
	v0 =	vadd.f32 v0, v23;
	v23 =	vadd.f32 v6, v24  }
0x2e0: {  	v6 =	vperm.xlane v4, v2;
	v24 =	vsub.f32 v21, v26;
	v14 =	vadd.f32 v14, v20  }
0x2e1: {  	v13 =	vperm.xlane v16, v62;
	v7 =	vadd.f32 v7, v19;
	v57 =	vsub.f32 v57, v1  }
0x2e2: {  	s7 =	sadd.s32 $0x400, s7;
	v19 =	vperm.xlane v11, v62;
	v55 =	vsub.f32 v55, v1;
	v4 =	vadd.f32 v6, v4  }
0x2e3: {  	[tilespmem:s7+$0x1B0] =	vst v0;
	v6 =	vperm.xlane v23, v63;
	v0 =	vadd.f32 v58, v15;
	v15 =	vperm.xlane v3, v63  }
0x2e4: {  	v60 =	vmul.f32 $1.562500000e-02, v14;
	v59 =	vmul.f32 $1.562500000e-02, v7;
	v7 =	vadd.f32 v19, v11  }
0x2e5: {  	v9 =	vperm.xlane v4, v63;
	v61 =	vadd.f32 v6, v23;
	v6 =	vperm.xlane v10, v62  }
0x2e6: {  	v18 =	vperm.xlane v0, v62;
	v3 =	vadd.f32 v15, v3;
	v15 =	vperm.xlane v5, v62  }
0x2e7: {  	v7 =	vmul.f32 $1.562500000e-02, v7;
	v22 =	vperm.xlane v61, v62;
	v4 =	vadd.f32 v9, v4  }
0x2e8: {  	v6 =	vadd.f32 v10, v6;
	v9 =	vperm.xlane v8, v62;
	v10 =	vadd.f32 v16, v13  }
0x2e9: {  	v13 =	vperm.xlane v17, v62;
	v16 =	vperm.xlane v12, v62;
	v0 =	vadd.f32 v0, v18  }
0x2ea: {  	v18 =	vperm.xlane v3, v62;
	v5 =	vadd.f32 v5, v15;
	v15 =	vperm.xlane v4, v62  }
0x2eb: {  	v2 =	vadd.f32 v22, v61;
	v6 =	vmul.f32 $1.562500000e-02, v6;
	v8 =	vadd.f32 v9, v8  }
0x2ec: {  	v61 =	vmul.f32 $1.562500000e-02, v10;
	v9 =	vadd.f32 v13, v17;
	v10 =	vadd.f32 v16, v12  }
0x2ed: {  	v58 =	vmul.f32 $1.562500000e-02, v0;
	v62 =	vadd.f32 v18, v3;
	v56 =	vmul.f32 $1.562500000e-02, v5  }
0x2ee: {  	v2 =	vmul.f32 $1.562500000e-02, v2;
	v48 =	vadd.f32 v15, v4;
	v4 =	vmul.f32 v1, v1  }
0x2ef: {  	v17 =	vsub.f32 v40, v1;
	v5 =	vmul.f32 $1.562500000e-02, v8;
	v8 =	vmul.f32 v6, v6  }
0x2f0: {  	v9 =	vmul.f32 $1.562500000e-02, v9;
	v10 =	vmul.f32 $1.562500000e-02, v10;
	v1 =	vsub.f32 v42, v1  }
0x2f1: {  	v0 =	vmul.f32 $1.562500000e-02, v62;
	v22 =	vsub.f32 v45, v6;
	v42 =	vsub.f32 v46, v6  }
0x2f2: {  	v50 =	vsub.f32 v50, v56;
	v2 =	vsub.f32 v2, v4;
	v4 =	vmul.f32 v61, v61  }
0x2f3: {  	v51 =	vsub.f32 v51, v56;
	v5 =	vsub.f32 v5, v8;
	v8 =	vmul.f32 v60, v60  }
0x2f4: {  	v52 =	vsub.f32 v52, v56;
	v4 =	vsub.f32 v9, v4;
	v9 =	vmul.f32 v59, v59  }
0x2f5: {  	v8 =	vsub.f32 v10, v8;
	v10 =	vmul.f32 v58, v58;
	v2 =	vadd.f32 $9.999999740e-06, v2  }
0x2f6: {  	v3 =	vmul.f32 $1.562500000e-02, v48;
	v5 =	vadd.f32 $9.999999740e-06, v5;
	v7 =	vsub.f32 v7, v9  }
0x2f7: {  	v9 =	vmul.f32 v56, v56;
	v0 =	vsub.f32 v0, v10;
	v10 =	vshrl.u32 v2, $0x1  }
0x2f8: {  	v4 =	vadd.f32 $9.999999740e-06, v4;
	v2 =	vmul.f32 $5.000000000e-01, v2;
	v8 =	vadd.f32 $9.999999740e-06, v8  }
0x2f9: {  	v10 =	vsub.s32 $0x5F3759DF, v10;
	v3 =	vsub.f32 v3, v9;
	v7 =	vadd.f32 $9.999999740e-06, v7  }
0x2fa: {  	v9 =	vshrl.u32 v5, $0x1;
	v0 =	vadd.f32 $9.999999740e-06, v0;
	v5 =	vmul.f32 $5.000000000e-01, v5  }
0x2fb: {  	v11 =	vshrl.u32 v4, $0x1;
	v4 =	vmul.f32 $5.000000000e-01, v4;
	v12 =	vshrl.u32 v8, $0x1  }
0x2fc: {  	v8 =	vmul.f32 $5.000000000e-01, v8;
	v16 =	vmul.f32 v10, v2;
	v9 =	vsub.s32 $0x5F3759DF, v9  }
0x2fd: {  	v11 =	vsub.s32 $0x5F3759DF, v11;
	v12 =	vsub.s32 $0x5F3759DF, v12;
	v13 =	vshrl.u32 v7, $0x1  }
0x2fe: {  	v7 =	vmul.f32 $5.000000000e-01, v7;
	v14 =	vshrl.u32 v0, $0x1;
	v0 =	vmul.f32 $5.000000000e-01, v0  }
0x2ff: {  	v3 =	vadd.f32 $9.999999740e-06, v3;
	v18 =	vmul.f32 v9, v5;
	v19 =	vmul.f32 v11, v4  }
0x300: {  	v20 =	vmul.f32 v12, v8;
	v16 =	vmul.f32 v10, v16;
	v13 =	vsub.s32 $0x5F3759DF, v13  }
0x301: {  	v14 =	vsub.s32 $0x5F3759DF, v14;
	v15 =	vshrl.u32 v3, $0x1;
	v3 =	vmul.f32 $5.000000000e-01, v3  }
0x302: {  	v53 =	vsub.f32 v53, v56;
	v23 =	vmul.f32 v13, v7;
	v40 =	vmul.f32 v14, v0  }
0x303: {  	v18 =	vmul.f32 v9, v18;
	v19 =	vmul.f32 v11, v19;
	v15 =	vsub.s32 $0x5F3759DF, v15  }
0x304: {  	v16 =	vsub.f32 $1.500000000e+00, v16;
	v20 =	vmul.f32 v12, v20;
	v62 =	vmul.f32 v15, v3  }
0x305: {  	v23 =	vmul.f32 v13, v23;
	v18 =	vsub.f32 $1.500000000e+00, v18;
	v40 =	vmul.f32 v14, v40  }
0x306: {  	v10 =	vmul.f32 v10, v16;
	v16 =	vsub.f32 $1.500000000e+00, v19;
	v19 =	vsub.f32 $1.500000000e+00, v20  }
0x307: {  	v45 =	vmul.f32 v15, v62;
	v9 =	vmul.f32 v9, v18;
	v18 =	vsub.f32 $1.500000000e+00, v23  }
0x308: {  	v20 =	vsub.f32 $1.500000000e+00, v40;
	v11 =	vmul.f32 v11, v16;
	v12 =	vmul.f32 v12, v19  }
0x309: {  	v2 =	vmul.f32 v10, v2;
	v19 =	vsub.f32 v35, v61;
	v13 =	vmul.f32 v13, v18  }
0x30a: {  	v16 =	vsub.f32 $1.500000000e+00, v45;
	v14 =	vmul.f32 v14, v20;
	v5 =	vmul.f32 v9, v5  }
0x30b: {  	v23 =	vsub.f32 v36, v60;
	v4 =	vmul.f32 v11, v4;
	v8 =	vmul.f32 v12, v8  }
0x30c: {  	v18 =	vsub.f32 v31, v61;
	v2 =	vmul.f32 v2, v10;
	v15 =	vmul.f32 v15, v16  }
0x30d: {  	v20 =	vsub.f32 v39, v61;
	v7 =	vmul.f32 v13, v7;
	v0 =	vmul.f32 v14, v0  }
0x30e: {  	v16 =	vsub.f32 v34, v61;
	v5 =	vmul.f32 v5, v9;
	v4 =	vmul.f32 v4, v11  }
0x30f: {  	v8 =	vmul.f32 v8, v12;
	v2 =	vsub.f32 $1.500000000e+00, v2;
	v3 =	vmul.f32 v15, v3  }
0x310: {  	v7 =	vmul.f32 v7, v13;
	v0 =	vmul.f32 v0, v14;
	v5 =	vsub.f32 $1.500000000e+00, v5  }
0x311: {  	v4 =	vsub.f32 $1.500000000e+00, v4;
	v2 =	vmul.f32 v2, v10;
	v8 =	vsub.f32 $1.500000000e+00, v8  }
0x312: {  	v10 =	vsub.f32 v29, v60;
	v29 =	vsub.f32 v49, v58;
	v3 =	vmul.f32 v3, v15  }
0x313: {  	v7 =	vsub.f32 $1.500000000e+00, v7;
	v5 =	vmul.f32 v5, v9;
	v0 =	vsub.f32 $1.500000000e+00, v0  }
0x314: {  	v4 =	vmul.f32 v4, v11;
	v9 =	vsub.f32 v27, v60;
	v11 =	vsub.f32 v28, v59  }
0x315: {  	v8 =	vmul.f32 v8, v12;
	v12 =	vsub.f32 v33, v59;
	v27 =	vsub.f32 v38, v58  }
0x316: {  	v28 =	vsub.f32 v43, v58;
	v7 =	vmul.f32 v7, v13;
	v0 =	vmul.f32 v0, v14  }
0x317: {  	v3 =	vsub.f32 $1.500000000e+00, v3;
	v14 =	vmul.f32 v2, v57;
	v57 =	vmul.f32 v4, v16;
	v16 =	vld [tilespmem:$0x1FFB0]  }
0x318: {  	v13 =	vsub.f32 v32, v59;
	v32 =	vmul.f32 v2, v17;
	v56 =	vmul.f32 v4, v18;
	v18 =	vld [tilespmem:$0x1FD30]  }
0x319: {  	v21 =	vld [tilespmem:$0x1FD10];
	v17 =	vsub.f32 v44, v58;
	v36 =	vmul.f32 v5, v42;
	v58 =	vmul.f32 v4, v19  }
0x31a: {  	v46 =	vld [tilespmem:$0x1FDC0];
	v4 =	vmul.f32 v4, v20;
	v3 =	vmul.f32 v3, v15;
	v15 =	vsub.f32 v37, v59  }
0x31b: {  	v44 =	vld [tilespmem:$0x1FF60];
	v11 =	vmul.f32 v7, v11;
	v42 =	vmul.f32 v7, v12  }
0x31c: {  	v43 =	vmul.f32 v7, v13;
	v20 =	vmul.f32 v7, v15;
	v7 =	vld [tilespmem:$0x1FD80]  }
0x31d: {  	v16 =	vadd.f32 v18, v16;
	v18 =	vld [tilespmem:$0x1FD40]  }
0x31e: {  	v48 =	vsub.f32 v47, v6;
	v6 =	vsub.f32 v30, v6;
	v47 =	vld [tilespmem:$0x1FDD0]  }
0x31f: {  	v30 =	vsub.f32 v41, v60;
	v62 =	vld [tilespmem:$0x1FFA0];
	v31 =	vmul.f32 v2, v55;
	v22 =	vmul.f32 v5, v22  }
0x320: {  	v45 =	vld [tilespmem:$0x1FF70];
	v55 =	vmul.f32 v5, v48;
	v5 =	vmul.f32 v5, v6  }
0x321: {  	v6 =	vld [tilespmem:$0x1FD20];
	v30 =	vmul.f32 v8, v30;
	v9 =	vmul.f32 v8, v9;
	v7 =	vadd.f32 v7, v44  }
0x322: {  	v59 =	vmul.f32 v8, v23;
	v8 =	vmul.f32 v8, v10;
	v10 =	vld [tilespmem:$0x1FFA0];
	v18 =	vadd.f32 v18, v44  }
0x323: {  	[tilespmem:s21+$0x100] =	vst v7;
	v7 =	vld [tilespmem:$0x1FDA0]  }
0x324: {  	[tilespmem:s21+$0x80] =	vst v18;
	v18 =	vld [tilespmem:$0x1FD60]  }
0x325: {  	v61 =	vld [tilespmem:$0x1FF50]  }
0x326: {  	v25 =	vsub.f32 v21, v26;
	v33 =	vld [tilespmem:$0x1FFB0]  }
0x327: {  	v21 =	vmul.f32 v0, v27;
	v19 =	vmul.f32 v0, v28;
	v6 =	vsub.f32 v6, v26;
	[tilespmem:s21+$0x30] =	vst v16;
	v16 =	vld [tilespmem:$0x1FD50]  }
0x328: {  	v26 =	vmul.f32 v0, v17;
	v17 =	vmul.f32 v0, v29;
	v0 =	vadd.f32 v7, v62;
	v7 =	vld [tilespmem:$0x1FDB0]  }
0x329: {  	v49 =	vld [tilespmem:$0x1FFA0];
	v10 =	vadd.f32 v18, v10  }
0x32a: {  	v60 =	vld [tilespmem:$0x1FF40]  }
0x32b: {  	[tilespmem:s21+$0xA0] =	vst v10;
	v10 =	vld [tilespmem:$0x1FD90]  }
0x32c: {  	v1 =	vmul.f32 v2, v1;
	v12 =	vld [tilespmem:$0x1FFB0]  }
0x32d: {  	v13 =	vmul.f32 v54, v24;
	v16 =	vadd.f32 v16, v45;
	v2 =	vadd.f32 v7, v33;
	v7 =	vld [tilespmem:$0x1FF80]  }
0x32e: {  	v27 =	vmul.f32 v54, v25;
	v28 =	vmul.f32 v54, v6;
	v54 =	vld [tilespmem:$0x1FFA0]  }
0x32f: {  	[tilespmem:s21+$0x90] =	vst v16;
	v16 =	vld [tilespmem:$0x1FD70]  }
0x330: {  	v6 =	vld [tilespmem:$0x1FDE0];
	v10 =	vadd.f32 v10, v45  }
0x331: {  	v48 =	vmul.f32 v14, v60;
	v15 =	vmul.f32 v3, v51;
	v51 =	vld [tilespmem:$0x1FF90];
	[tilespmem:s21+$0x130] =	vst v2  }
0x332: {  	v29 =	vmul.f32 v3, v52;
	v2 =	vadd.f32 v47, v45;
	[tilespmem:s21+$0x110] =	vst v10;
	v7 =	vmul.f32 v32, v7;
	v10 =	vld [tilespmem:$0x1FF80]  }
0x333: {  	v52 =	vmul.f32 v22, v60;
	v22 =	vmul.f32 v57, v61;
	v57 =	vld [tilespmem:$0x1FF90];
	[tilespmem:s21+$0x120] =	vst v0;
	v0 =	vadd.f32 v46, v44  }
0x334: {  	v23 =	vmul.f32 v56, v60;
	v12 =	vadd.f32 v16, v12;
	[tilespmem:s21+$0x190] =	vst v2;
	v2 =	vadd.f32 v7, v54;
	v7 =	vld [tilespmem:$0x1FF80]  }
0x335: {  	v56 =	vadd.f32 v52, v44;
	v62 =	vld [tilespmem:$0x1FF90];
	[tilespmem:s21+$0x180] =	vst v0;
	v0 =	vadd.f32 v6, v49;
	v6 =	vmul.f32 v31, v61  }
0x336: {  	v18 =	vmul.f32 v3, v50;
	v50 =	vadd.f32 v48, v44;
	v16 =	vmul.f32 v3, v53;
	[tilespmem:s21+$0xB0] =	vst v12;
	v12 =	vld [tilespmem:$0x1FF90]  }
0x337: {  	v53 =	vadd.f32 v6, v45;
	v6 =	vmul.f32 v36, v61;
	v10 =	vmul.f32 v55, v10;
	v55 =	vld [tilespmem:$0x1FFB0]  }
0x338: {  	s24 =	sadd.s32 $0x8, s24;
	v14 =	vmul.f32 v59, v60;
	v59 =	vld [tilespmem:$0x1FFA0];
	[tilespmem:s7+$0xFFFFFE80] =	vst v56  }
0x339: {  	p0 =	slt.u32 s24, $0xC0;
	[tilespmem:s7+$0xFFFFFE00] =	vst v50;
	v36 =	vmul.f32 v58, v7;
	v58 =	vadd.f32 v6, v45;
	v6 =	vld [tilespmem:$0x1FFB0]  }
.Ltmp3:
0x33a: {  	v1 =	vmul.f32 v1, v51;
	v35 =	vmul.f32 v4, v57;
	[tilespmem:s21+$0x1A0] =	vst v0;
	(pc) =	sbr.rel @p0 .LBB2_5-.Ltmp3, $4  }
0x33b: {  	v34 =	vmul.f32 v8, v62;
	v33 =	vmul.f32 v11, v60;
	[tilespmem:s7+$0xFFFFFE10] =	vst v53  }
0x33c: {  	v5 =	vmul.f32 v5, v12;
	v12 =	vmul.f32 v30, v61;
	[tilespmem:s7+$0xFFFFFE20] =	vst v2;
	v0 =	vadd.f32 v1, v55  }
0x33d: {  	v8 =	vld [tilespmem:$0x1FF90];
	v30 =	vmul.f32 v42, v61;
	v31 =	vmul.f32 v9, v7;
	[tilespmem:s7+$0xFFFFFE90] =	vst v58  }
0x33e: {  	s0 =	sadd.s32 $0x400, s0;
	s21 =	smov.u32 s7;
	v25 =	vadd.f32 v10, v59;
	v10 =	vld [tilespmem:$0x1FFA0];
	v32 =	vmul.f32 v43, v7;
	[tilespmem:s7+$0xFFFFFE30] =	vst v0;
	v37 =	vadd.f32 v5, v6  }
0x33f: {  	_ = 	snop  }
0x340: {  	v0 =	vadd.f32 v23, v44;
	[tilespmem:s7+$0xFFFFFEA0] =	vst v25  }
0x341: {  	v1 =	vadd.f32 v22, v45;
	[tilespmem:s7+$0xFFFFFEB0] =	vst v37  }
0x342: {  	v48 =	vadd.f32 v35, v6;
	[tilespmem:s7+$0xFFFFFF00] =	vst v0  }
0x343: {  	v49 =	vadd.f32 v14, v44;
	[tilespmem:s7+$0xFFFFFF10] =	vst v1  }
0x344: {  	v50 =	vadd.f32 v12, v45;
	[tilespmem:s7+$0xFFFFFF30] =	vst v48  }
0x345: {  	v2 =	vadd.f32 v34, v6;
	[tilespmem:s7+$0xFFFFFF80] =	vst v49  }
0x346: {  	v52 =	vadd.f32 v33, v44;
	v3 =	vmul.f32 v21, v60;
	[tilespmem:s7+$0xFFFFFF90] =	vst v50  }
0x347: {  	v54 =	vadd.f32 v30, v45;
	v4 =	vmul.f32 v19, v61;
	[tilespmem:s7+$0xFFFFFFB0] =	vst v2  }
0x348: {  	v39 =	vmul.f32 v27, v61;
	[tilespmem:s7+$0x0] =	vst v52;
	v57 =	vadd.f32 v3, v44  }
0x349: {  	v37 =	vmul.f32 v13, v60;
	[tilespmem:s7+$0x10] =	vst v54;
	v59 =	vadd.f32 v4, v45  }
0x34a: {  	v42 =	vadd.f32 v39, v45;
	[tilespmem:s21+$0x80] =	vst v57  }
0x34b: {  	v41 =	vadd.f32 v37, v44;
	[tilespmem:s21+$0x90] =	vst v59  }
0x34c: {  	v47 =	vadd.f32 v36, v10;
	[tilespmem:s21+$0x190] =	vst v42  }
0x34d: {  	v56 =	vmul.f32 v26, v7;
	v51 =	vadd.f32 v31, v10;
	[tilespmem:s21+$0x180] =	vst v41  }
0x34e: {  	v4 =	vmul.f32 v18, v60;
	v55 =	vadd.f32 v32, v10;
	[tilespmem:s7+$0xFFFFFF20] =	vst v47  }
0x34f: {  	v34 =	vmul.f32 v29, v7;
	v62 =	vadd.f32 v56, v10;
	[tilespmem:s7+$0xFFFFFFA0] =	vst v51  }
0x350: {  	v53 =	vmul.f32 v20, v8;
	v35 =	vadd.f32 v4, v44;
	[tilespmem:s7+$0x20] =	vst v55  }
0x351: {  	v58 =	vmul.f32 v17, v8;
	v38 =	vadd.f32 v34, v10;
	[tilespmem:s21+$0xA0] =	vst v62  }
0x352: {  	v32 =	vmul.f32 v15, v61;
	v4 =	vmul.f32 v16, v8;
	v0 =	vadd.f32 v53, v6;
	[tilespmem:s21+$0x100] =	vst v35  }
0x353: {  	s0 =	sor.u32 $0x4, s16;
	v33 =	vadd.f32 v58, v6;
	[tilespmem:s21+$0x120] =	vst v38  }
0x354: {  	s24 =	smul.u32 $0x380, s0;
	v36 =	vadd.f32 v32, v45;
	v40 =	vadd.f32 v4, v6;
	v4 =	vmul.f32 v28, v7;
	[tilespmem:s21+$0x30] =	vst v0  }
0x355: {  	s0 =	smul.u32 $0x1C00, s0;
	[tilespmem:s21+$0xB0] =	vst v33  }
0x356: {  	[tilespmem:s21+$0x110] =	vst v36;
	v43 =	vadd.f32 v4, v10  }
0x357: {  	s0 =	sshrl.u32 s0, $0x3;
	[tilespmem:s21+$0x130] =	vst v40  }
0x358: {  	s0 =	sadd.s32 s6, s0;
	s7 =	sadd.s32 s6, s24;
	[tilespmem:s21+$0x1A0] =	vst v43  }
0x359: {  	[hbm4b:s7+s3] =	stream.linear.scatter [tilespmem:s26], [sflag:$0x5], $0x1900, $0x38;
	[tilespmem:$0x1F880] =	vst v63  }
0x35a: {  	p0 =	seq.s32 s5, $0x1F;
	s24 =	sadd.s32 $0x380, s0  }
0x35b: {  	[hbm4b:s24+s3] =	stream.linear.scatter [tilespmem:s28], [sflag:$0x5], $0x1900, $0x38;
	[tilespmem:$0x1F880] =	vst v63  }
0x35c: {  	s21 =	sadd.s32 $0x700, s0;
	s7 =	sadd.s32 @!p0 s9, s14  }
0x35d: {  	[hbm4b:s21+s3] =	stream.linear.scatter [tilespmem:s29], [sflag:$0x5], $0x1900, $0x38;
	[tilespmem:$0x1F880] =	vst v63  }
0x35e: {  	s0 =	sadd.s32 $0xA80, s0;
	s7 =	smul.u32 @!p0 $0x32, s7  }
0x35f: {  	[hbm4b:s0+s3] =	stream.linear.scatter [tilespmem:s30], [sflag:$0x5], $0x1900, $0x38;
	[tilespmem:$0x1F880] =	vst v63  }
0x360: {  	s0 =	sshrl.u32 @!p0 s7, $0x3  }
0x361: {  	s7 =	simm.s32 @!p0 $0x0;
	s0 =	sadd.s32 @!p0 s2, s0  }
0x362: {  	[tilespmem:s7], [sflag:$0x6] =	stream.linear.gather @!p0 [hbm4b:s0+s7], $0xC8, $0x38;
	[tilespmem:$0x1F880] =	vst v63  }
0x363: {  	s0 =	simm.s32 @!p0 $0x6  }
0x364: {  	_ =	swait.ge @!p0 [sflag:s0], $0xC8  }
0x365: {  	[sflag:s0] =	ssyncset.done @!p0 $0x0  }
0x366: {  	s21 =	simm.s32 @!p0 $0x400;
	[sflag:s0] =	ssyncadd.s32 @!p0 $0xFFFFFF38;
	s0 =	simm.s32 @!p0 $0xC8  }
0x367: {  	[tilespmem:s21], [sflag:$0x1] =	stream.indirect.gather @!p0 [hbm4b:s4+s0], $0x80, s7, s0, $0xb8;
	[tilespmem:$0x1F880] =	vst v63  }
0x368: {  	_ =	swait.ge [sflag:s20], $0x6400  }
0x369: {  	[sflag:s20] =	ssyncset.done $0x0  }
0x36a: {  	[sflag:s20] =	ssyncadd.s32 $0xFFFF9C00  }
0x36b: {  	_ =	swait.ge [sflag:s17], $0x1900  }
0x36c: {  	[sflag:s17] =	ssyncset.done $0x0  }
0x36d: {  	[sflag:s17] =	ssyncadd.s32 $0xFFFFE700  }
0x36e: {  	_ =	swait.ge [sflag:s17], $0x1900  }
0x36f: {  	[sflag:s17] =	ssyncset.done $0x0  }
0x370: {  	[sflag:s17] =	ssyncadd.s32 $0xFFFFE700  }
0x371: {  	_ =	swait.ge [sflag:s17], $0x1900  }
0x372: {  	[sflag:s17] =	ssyncset.done $0x0  }
0x373: {  	[sflag:s17] =	ssyncadd.s32 $0xFFFFE700  }
0x374: {  	_ =	swait.ge [sflag:s17], $0x1900  }
0x375: {  	[sflag:s17] =	ssyncset.done $0x0  }
0x376: {  	s24 =	simm.s32 $0xCE00;
	[sflag:s17] =	ssyncadd.s32 $0xFFFFE700  }
0x377: {  	v44 =	vld [tilespmem:s24+$0x180];
	_ =	sdelay $0x4  }
0x378: {  	[tilespmem:$0x1FCD0] =	vst v44  }
0x379: {  	v4 =	vld [tilespmem:s24+$0x190];
	_ =	sdelay $0x4  }
0x37a: {  	[tilespmem:$0x1FCE0] =	vst v4  }
0x37b: {  	v5 =	vld [tilespmem:s24+$0x1A0];
	_ =	sdelay $0x4  }
0x37c: {  	[tilespmem:$0x1FCF0] =	vst v5  }
0x37d: {  	v15 =	vld [tilespmem:s24+$0x1B0]  }
0x37e: {  	v29 =	vld [tilespmem:s24+$0xFFFFFE10]  }
0x37f: {  	v30 =	vld [tilespmem:s24+$0xFFFFFE20]  }
0x380: {  	v31 =	vld [tilespmem:s24+$0xFFFFFE30]  }
0x381: {  	v24 =	vld [tilespmem:s24+$0xFFFFFE80]  }
0x382: {  	v23 =	vld [tilespmem:s24+$0xFFFFFE90]  }
0x383: {  	v25 =	vld [tilespmem:s24+$0xFFFFFEA0]  }
0x384: {  	v26 =	vld [tilespmem:s24+$0xFFFFFEB0]  }
0x385: {  	v16 =	vld [tilespmem:s24+$0xFFFFFF00]  }
0x386: {  	v17 =	vld [tilespmem:s24+$0xFFFFFF10]  }
0x387: {  	v18 =	vld [tilespmem:s24+$0xFFFFFF20]  }
0x388: {  	v20 =	vld [tilespmem:s24+$0xFFFFFF30]  }
0x389: {  	v19 =	vld [tilespmem:s24+$0xFFFFFF80]  }
0x38a: {  	v2 =	vmul.f32 v44, v44;
	v47 =	vmul.f32 v4, v4;
	v21 =	vld [tilespmem:s24+$0xFFFFFF90]  }
0x38b: {  	v28 =	vld [tilespmem:s24+$0x0]  }
0x38c: {  	v45 =	vadd.f32 v4, v44;
	v2 =	vadd.f32 v47, v2;
	v4 =	vmul.f32 v5, v5;
	v35 =	vld [tilespmem:s24+$0x30]  }
0x38d: {  	v36 =	vld [tilespmem:s24+$0x80];
	v46 =	vadd.f32 v15, v5;
	v5 =	vmul.f32 v15, v15;
	v12 =	vmul.f32 v29, v29  }
0x38e: {  	v37 =	vld [tilespmem:s24+$0x90];
	v6 =	vadd.f32 v31, v30;
	v7 =	vmul.f32 v24, v24;
	v8 =	vadd.f32 v23, v24  }
0x38f: {  	v9 =	vmul.f32 v25, v25;
	v10 =	vadd.f32 v26, v25;
	v11 =	vmul.f32 v16, v16  }
0x390: {  	v1 =	vld [tilespmem:$0x1FFC0];
	v52 =	vadd.f32 v17, v16;
	v53 =	vmul.f32 v18, v18;
	v59 =	vadd.f32 v20, v18  }
0x391: {  	v42 =	vmul.f32 v19, v19;
	v43 =	vadd.f32 v21, v19;
	v47 =	vmul.f32 v28, v28  }
0x392: {  	v33 =	vld [tilespmem:s24+$0x20];
	v54 =	vmul.f32 v35, v35;
	v55 =	vmul.f32 v36, v36;
	v48 =	vadd.f32 v5, v4  }
0x393: {  	v32 =	vld [tilespmem:s24+$0x10];
	v3 =	vadd.f32 v37, v36;
	v0 =	vadd.f32 v46, v45;
	v4 =	vmul.f32 v30, v30  }
0x394: {  	v5 =	vmul.f32 v31, v31;
	v8 =	vadd.f32 v10, v8;
	v27 =	vadd.f32 v48, v2;
	v2 =	vld [tilespmem:$0x1FFE0]  }
0x395: {  	v10 =	vmul.f32 v17, v17;
	v13 =	vadd.f32 v59, v52;
	v49 =	vperm.xlane v0, v1  }
0x396: {  	v45 =	vmul.f32 v21, v21;
	v4 =	vadd.f32 v5, v4;
	v5 =	vmul.f32 v23, v23  }
0x397: {  	v52 =	vadd.f32 v35, v33;
	v0 =	vadd.f32 v0, v49;
	v50 =	vperm.xlane v27, v1  }
0x398: {  	v22 =	vld [tilespmem:s24+$0xFFFFFFA0];
	v10 =	vadd.f32 v10, v11;
	v5 =	vadd.f32 v5, v7;
	v7 =	vmul.f32 v26, v26  }
0x399: {  	v48 =	vadd.f32 v32, v28;
	v38 =	vadd.f32 v50, v27;
	v27 =	vld [tilespmem:s24+$0xFFFFFFB0];
	v51 =	vperm.xlane v0, v2  }
0x39a: {  	v45 =	vadd.f32 v45, v42;
	v49 =	vmul.f32 v32, v32;
	v7 =	vadd.f32 v7, v9  }
0x39b: {  	v39 =	vld [tilespmem:s24+$0xA0];
	v9 =	vmul.f32 v20, v20;
	v58 =	vperm.xlane v38, v2;
	v0 =	vadd.f32 v0, v51  }
0x39c: {  	v48 =	vadd.f32 v52, v48;
	v50 =	vmul.f32 v33, v33;
	v47 =	vadd.f32 v49, v47  }
0x39d: {  	v9 =	vadd.f32 v9, v53;
	v40 =	vadd.f32 v58, v38;
	v62 =	vperm.xlane v0, v63  }
0x39e: {  	v46 =	vmul.f32 v22, v22;
	v50 =	vadd.f32 v54, v50;
	v44 =	vadd.f32 v27, v22  }
0x39f: {  	v5 =	vadd.f32 v7, v5;
	v38 =	vperm.xlane v40, v63;
	v0 =	vadd.f32 v0, v62;
	v62 =	vld [tilespmem:$0x1FFF0]  }
0x3a0: {  	v7 =	vperm.xlane v8, v1;
	v58 =	vmul.f32 v39, v39;
	v53 =	vadd.f32 v44, v43;
	v44 =	vld [tilespmem:s24+$0xFFFFFE00]  }
0x3a1: {  	v47 =	vadd.f32 v50, v47;
	v50 =	vperm.xlane v48, v1;
	v56 =	vadd.f32 v38, v40;
	v40 =	vld [tilespmem:s24+$0xB0]  }
0x3a2: {  	v7 =	vadd.f32 v8, v7;
	v8 =	vperm.xlane v5, v1;
	v11 =	vmul.f32 v27, v27;
	v38 =	vld [tilespmem:s24+$0x100]  }
0x3a3: {  	v9 =	vadd.f32 v9, v10;
	v48 =	vadd.f32 v48, v50;
	v50 =	vperm.xlane v47, v1  }
0x3a4: {  	v42 =	vld [tilespmem:s24+$0x120];
	v5 =	vadd.f32 v8, v5;
	v11 =	vadd.f32 v11, v46;
	v41 =	vperm.xlane v0, v62  }
0x3a5: {  	v10 =	vperm.xlane v13, v1;
	v43 =	vld [tilespmem:s24+$0x130];
	v47 =	vadd.f32 v50, v47;
	v49 =	vadd.f32 v29, v44  }
0x3a6: {  	v11 =	vadd.f32 v11, v45;
	v51 =	vperm.xlane v56, v62;
	v0 =	vadd.f32 v0, v41;
	v41 =	vld [tilespmem:s24+$0x110]  }
0x3a7: {  	v59 =	vmul.f32 v40, v40;
	v52 =	vmul.f32 v38, v38;
	v6 =	vadd.f32 v6, v49  }
0x3a8: {  	v34 =	vmul.f32 $1.562500000e-02, v0;
	v0 =	vadd.f32 v51, v56;
	v56 =	vadd.f32 v40, v39  }
0x3a9: {  	v49 =	vmul.f32 v42, v42;
	v58 =	vadd.f32 v59, v58;
	v51 =	vmul.f32 v37, v37  }
0x3aa: {  	v0 =	vmul.f32 $1.562500000e-02, v0;
	v57 =	vmul.f32 v34, v34;
	v14 =	vadd.f32 v56, v3  }
0x3ab: {  	v56 =	vadd.f32 v43, v42;
	v51 =	vadd.f32 v51, v55;
	v54 =	vmul.f32 v41, v41  }
0x3ac: {  	v46 =	vadd.f32 v41, v38;
	v0 =	vsub.f32 v0, v57;
	v57 =	vmul.f32 v44, v44  }
0x3ad: {  	v51 =	vadd.f32 v58, v51;
	v52 =	vadd.f32 v54, v52;
	v54 =	vperm.xlane v6, v1  }
0x3ae: {  	v3 =	vmul.f32 v43, v43;
	v56 =	vadd.f32 v56, v46;
	v0 =	vadd.f32 $9.999999740e-06, v0  }
0x3af: {  	v55 =	vperm.xlane v14, v1;
	v12 =	vadd.f32 v12, v57;
	v6 =	vadd.f32 v6, v54  }
0x3b0: {  	v58 =	vperm.xlane v56, v1;
	v54 =	vperm.xlane v51, v1;
	v57 =	vshrl.u32 v0, $0x1  }
0x3b1: {  	v0 =	vmul.f32 $5.000000000e-01, v0;
	v12 =	vadd.f32 v4, v12;
	v4 =	vadd.f32 v3, v49  }
0x3b2: {  	v49 =	vperm.xlane v53, v1;
	v57 =	vsub.s32 $0x5F3759DF, v57;
	v45 =	vadd.f32 v56, v58  }
0x3b3: {  	v51 =	vadd.f32 v54, v51;
	v59 =	vmul.f32 v57, v0;
	v4 =	vadd.f32 v4, v52  }
0x3b4: {  	v49 =	vadd.f32 v53, v49;
	v53 =	vperm.xlane v11, v1;
	v58 =	vperm.xlane v45, v2  }
0x3b5: {  	v15 =	vsub.f32 v15, v34;
	v50 =	vperm.xlane v51, v2;
	v59 =	vmul.f32 v57, v59  }
0x3b6: {  	v52 =	vperm.xlane v4, v1;
	v11 =	vadd.f32 v53, v11;
	v45 =	vadd.f32 v45, v58  }
0x3b7: {  	v53 =	vperm.xlane v48, v2;
	v50 =	vadd.f32 v50, v51;
	v3 =	vsub.f32 $1.500000000e+00, v59  }
0x3b8: {  	v59 =	vperm.xlane v12, v1;
	v4 =	vadd.f32 v52, v4;
	v52 =	vperm.xlane v5, v2  }
0x3b9: {  	v48 =	vadd.f32 v48, v53;
	v53 =	vperm.xlane v47, v2;
	v51 =	vperm.xlane v45, v63  }
0x3ba: {  	v46 =	vmul.f32 v57, v3;
	v3 =	vadd.f32 v13, v10;
	v10 =	vperm.xlane v9, v1  }
0x3bb: {  	v13 =	vadd.f32 v14, v55;
	v55 =	vperm.xlane v6, v2;
	v12 =	vadd.f32 v59, v12  }
0x3bc: {  	v1 =	vperm.xlane v7, v2;
	v5 =	vadd.f32 v52, v5;
	v47 =	vadd.f32 v53, v47  }
0x3bd: {  	v53 =	vperm.xlane v50, v63;
	v45 =	vadd.f32 v45, v51;
	v0 =	vmul.f32 v46, v0  }
0x3be: {  	v8 =	vperm.xlane v3, v2;
	v9 =	vadd.f32 v10, v9;
	v10 =	vperm.xlane v49, v2  }
0x3bf: {  	v57 =	vperm.xlane v13, v2;
	v6 =	vadd.f32 v6, v55;
	v59 =	vperm.xlane v12, v2  }
0x3c0: {  	v7 =	vadd.f32 v7, v1;
	v55 =	vperm.xlane v4, v2;
	v0 =	vmul.f32 v0, v46  }
0x3c1: {  	v3 =	vadd.f32 v3, v8;
	v8 =	vperm.xlane v9, v2;
	v10 =	vadd.f32 v49, v10  }
0x3c2: {  	v49 =	vperm.xlane v11, v2;
	v1 =	vadd.f32 v13, v57;
	v54 =	vperm.xlane v6, v63  }
0x3c3: {  	v12 =	vadd.f32 v59, v12;
	v56 =	vperm.xlane v7, v63;
	v57 =	vperm.xlane v48, v63  }
0x3c4: {  	v4 =	vadd.f32 v55, v4;
	v55 =	vperm.xlane v5, v63;
	v0 =	vsub.f32 $1.500000000e+00, v0  }
0x3c5: {  	v2 =	vperm.xlane v3, v63;
	v8 =	vadd.f32 v8, v9;
	v9 =	vperm.xlane v10, v63  }
0x3c6: {  	v11 =	vadd.f32 v49, v11;
	v58 =	vperm.xlane v1, v63;
	v6 =	vadd.f32 v6, v54  }
0x3c7: {  	v54 =	vperm.xlane v12, v63;
	v7 =	vadd.f32 v7, v56;
	v48 =	vadd.f32 v48, v57  }
0x3c8: {  	v49 =	vperm.xlane v47, v63;
	v51 =	vperm.xlane v4, v63;
	v5 =	vadd.f32 v55, v5  }
0x3c9: {  	v3 =	vadd.f32 v3, v2;
	v52 =	vperm.xlane v8, v63;
	v9 =	vadd.f32 v10, v9  }
0x3ca: {  	v10 =	vperm.xlane v11, v63;
	v2 =	vadd.f32 v1, v58;
	v56 =	vperm.xlane v6, v62  }
0x3cb: {  	v1 =	vadd.f32 v54, v12;
	v54 =	vperm.xlane v7, v62;
	v57 =	vadd.f32 v49, v47  }
0x3cc: {  	v49 =	vperm.xlane v45, v62;
	v4 =	vadd.f32 v51, v4;
	v51 =	vperm.xlane v5, v62  }
0x3cd: {  	v50 =	vadd.f32 v53, v50;
	v46 =	vmul.f32 v0, v46;
	v55 =	vperm.xlane v3, v62  }
0x3ce: {  	v8 =	vadd.f32 v52, v8;
	v52 =	vperm.xlane v9, v62;
	v10 =	vadd.f32 v10, v11  }
0x3cf: {  	v11 =	vperm.xlane v48, v62;
	v59 =	vperm.xlane v2, v62;
	v6 =	vadd.f32 v6, v56  }
0x3d0: {  	v53 =	vperm.xlane v1, v62;
	v7 =	vadd.f32 v7, v54;
	v45 =	vadd.f32 v45, v49  }
0x3d1: {  	v56 =	vperm.xlane v50, v62;
	v5 =	vadd.f32 v51, v5;
	v3 =	vadd.f32 v3, v55  }
0x3d2: {  	v54 =	vperm.xlane v8, v62;
	v9 =	vadd.f32 v9, v52;
	v52 =	vperm.xlane v10, v62  }
0x3d3: {  	v11 =	vadd.f32 v48, v11;
	v55 =	vperm.xlane v57, v62;
	v62 =	vperm.xlane v4, v62  }
0x3d4: {  	v2 =	vadd.f32 v2, v59;
	v6 =	vmul.f32 $1.562500000e-02, v6;
	v7 =	vmul.f32 $1.562500000e-02, v7  }
0x3d5: {  	v1 =	vadd.f32 v53, v1;
	v45 =	vmul.f32 $1.562500000e-02, v45;
	v5 =	vmul.f32 $1.562500000e-02, v5  }
0x3d6: {  	v3 =	vmul.f32 $1.562500000e-02, v3;
	v8 =	vadd.f32 v54, v8;
	v49 =	vmul.f32 $1.562500000e-02, v9  }
0x3d7: {  	v9 =	vadd.f32 v52, v10;
	v48 =	vmul.f32 $1.562500000e-02, v11;
	v47 =	vmul.f32 $1.562500000e-02, v2  }
0x3d8: {  	v55 =	vadd.f32 v55, v57;
	v1 =	vmul.f32 $1.562500000e-02, v1;
	v11 =	vmul.f32 v6, v6  }
0x3d9: {  	v10 =	vadd.f32 v56, v50;
	v56 =	vmul.f32 v7, v7;
	v8 =	vmul.f32 $1.562500000e-02, v8  }
0x3da: {  	v1 =	vsub.f32 v1, v11;
	v11 =	vmul.f32 v3, v3;
	v9 =	vmul.f32 $1.562500000e-02, v9  }
0x3db: {  	v4 =	vadd.f32 v62, v4;
	v57 =	vmul.f32 v49, v49;
	v2 =	vmul.f32 $1.562500000e-02, v55  }
0x3dc: {  	v5 =	vsub.f32 v5, v56;
	v10 =	vmul.f32 $1.562500000e-02, v10;
	v58 =	vmul.f32 v47, v47  }
0x3dd: {  	v8 =	vsub.f32 v8, v11;
	v11 =	vmul.f32 v48, v48;
	v9 =	vsub.f32 v9, v57  }
0x3de: {  	v4 =	vmul.f32 $1.562500000e-02, v4;
	v1 =	vadd.f32 $9.999999740e-06, v1;
	v59 =	vadd.f32 $9.999999740e-06, v5  }
0x3df: {  	v5 =	vsub.f32 v10, v58;
	v2 =	vsub.f32 v2, v11;
	v11 =	vmul.f32 v45, v45  }
0x3e0: {  	v10 =	vshrl.u32 v1, $0x1;
	v8 =	vadd.f32 $9.999999740e-06, v8;
	v1 =	vmul.f32 $5.000000000e-01, v1  }
0x3e1: {  	v9 =	vadd.f32 $9.999999740e-06, v9;
	v5 =	vadd.f32 $9.999999740e-06, v5;
	v0 =	vmul.f32 $5.000000000e-01, v59  }
0x3e2: {  	v10 =	vsub.s32 $0x5F3759DF, v10;
	v4 =	vsub.f32 v4, v11;
	v2 =	vadd.f32 $9.999999740e-06, v2  }
0x3e3: {  	v11 =	vshrl.u32 v59, $0x1;
	v50 =	vshrl.u32 v8, $0x1;
	v8 =	vmul.f32 $5.000000000e-01, v8  }
0x3e4: {  	v51 =	vshrl.u32 v9, $0x1;
	v9 =	vmul.f32 $5.000000000e-01, v9;
	v53 =	vmul.f32 v10, v1  }
0x3e5: {  	v54 =	vshrl.u32 v5, $0x1;
	v5 =	vmul.f32 $5.000000000e-01, v5;
	v11 =	vsub.s32 $0x5F3759DF, v11  }
0x3e6: {  	v50 =	vsub.s32 $0x5F3759DF, v50;
	v51 =	vsub.s32 $0x5F3759DF, v51;
	v54 =	vsub.s32 $0x5F3759DF, v54  }
0x3e7: {  	v52 =	vshrl.u32 v2, $0x1;
	v2 =	vmul.f32 $5.000000000e-01, v2;
	v55 =	vmul.f32 v11, v0  }
0x3e8: {  	v4 =	vadd.f32 $9.999999740e-06, v4;
	v53 =	vmul.f32 v10, v53;
	v57 =	vmul.f32 v50, v8  }
0x3e9: {  	v58 =	vmul.f32 v51, v9;
	v56 =	vmul.f32 v54, v5;
	v52 =	vsub.s32 $0x5F3759DF, v52  }
0x3ea: {  	v62 =	vshrl.u32 v4, $0x1;
	v4 =	vmul.f32 $5.000000000e-01, v4;
	v55 =	vmul.f32 v11, v55  }
0x3eb: {  	v53 =	vsub.f32 $1.500000000e+00, v53;
	v59 =	vmul.f32 v52, v2;
	v57 =	vmul.f32 v50, v57  }
0x3ec: {  	v44 =	vsub.f32 v44, v6;
	v58 =	vmul.f32 v51, v58;
	v56 =	vmul.f32 v54, v56  }
0x3ed: {  	v55 =	vsub.f32 $1.500000000e+00, v55;
	v10 =	vmul.f32 v10, v53;
	v53 =	vsub.s32 $0x5F3759DF, v62  }
0x3ee: {  	v59 =	vmul.f32 v52, v59;
	v57 =	vsub.f32 $1.500000000e+00, v57;
	v58 =	vsub.f32 $1.500000000e+00, v58  }
0x3ef: {  	v56 =	vsub.f32 $1.500000000e+00, v56;
	v62 =	vmul.f32 v53, v4;
	v11 =	vmul.f32 v11, v55  }
0x3f0: {  	v29 =	vsub.f32 v29, v6;
	v1 =	vmul.f32 v10, v1;
	v50 =	vmul.f32 v50, v57  }
0x3f1: {  	v59 =	vsub.f32 $1.500000000e+00, v59;
	v51 =	vmul.f32 v51, v58;
	v54 =	vmul.f32 v54, v56  }
0x3f2: {  	v30 =	vsub.f32 v30, v6;
	v55 =	vmul.f32 v53, v62;
	v1 =	vmul.f32 v1, v10  }
0x3f3: {  	v6 =	vsub.f32 v31, v6;
	v52 =	vmul.f32 v52, v59;
	v0 =	vmul.f32 v11, v0  }
0x3f4: {  	v23 =	vsub.f32 v23, v7;
	v8 =	vmul.f32 v50, v8;
	v9 =	vmul.f32 v51, v9  }
0x3f5: {  	v5 =	vmul.f32 v54, v5;
	v55 =	vsub.f32 $1.500000000e+00, v55;
	v2 =	vmul.f32 v52, v2  }
0x3f6: {  	v1 =	vsub.f32 $1.500000000e+00, v1;
	v0 =	vmul.f32 v0, v11;
	v8 =	vmul.f32 v8, v50  }
0x3f7: {  	v9 =	vmul.f32 v9, v51;
	v53 =	vmul.f32 v53, v55;
	v55 =	vsub.f32 v38, v45  }
0x3f8: {  	v1 =	vmul.f32 v1, v10;
	v10 =	vsub.f32 v24, v7;
	v24 =	vsub.f32 v25, v7  }
0x3f9: {  	v5 =	vmul.f32 v5, v54;
	v7 =	vsub.f32 v26, v7;
	v0 =	vsub.f32 $1.500000000e+00, v0  }
0x3fa: {  	v2 =	vmul.f32 v2, v52;
	v8 =	vsub.f32 $1.500000000e+00, v8;
	v9 =	vsub.f32 $1.500000000e+00, v9  }
0x3fb: {  	v5 =	vsub.f32 $1.500000000e+00, v5;
	v26 =	vsub.f32 v39, v47  }
0x3fc: {  	v4 =	vmul.f32 v53, v4;
	v0 =	vmul.f32 v0, v11;
	v2 =	vsub.f32 $1.500000000e+00, v2  }
0x3fd: {  	v8 =	vmul.f32 v8, v50;
	v9 =	vmul.f32 v9, v51;
	v11 =	vsub.f32 v16, v3  }
0x3fe: {  	v16 =	vsub.f32 v17, v3;
	v17 =	vsub.f32 v18, v3;
	v25 =	vmul.f32 v1, v44  }
0x3ff: {  	v3 =	vsub.f32 v20, v3;
	v31 =	vmul.f32 v1, v29;
	v30 =	vmul.f32 v1, v30  }
0x400: {  	v1 =	vmul.f32 v1, v6;
	v6 =	vsub.f32 v19, v49;
	v18 =	vsub.f32 v21, v49  }
0x401: {  	v5 =	vmul.f32 v5, v54;
	v19 =	vsub.f32 v22, v49;
	v20 =	vsub.f32 v27, v49  }
0x402: {  	v21 =	vsub.f32 v32, v48;
	v4 =	vmul.f32 v4, v53;
	v2 =	vmul.f32 v2, v52  }
0x403: {  	v27 =	vsub.f32 v42, v45;
	v11 =	vmul.f32 v8, v11;
	v50 =	vmul.f32 v8, v16  }
0x404: {  	v51 =	vmul.f32 v8, v17;
	v3 =	vmul.f32 v8, v3;
	v8 =	vsub.f32 v36, v47  }
0x405: {  	v6 =	vmul.f32 v9, v6;
	v52 =	vmul.f32 v9, v18;
	v4 =	vsub.f32 $1.500000000e+00, v4  }
0x406: {  	v16 =	vsub.f32 v35, v48;
	v26 =	vmul.f32 v5, v26;
	v54 =	vmul.f32 v2, v21  }
0x407: {  	v17 =	vsub.f32 v37, v47;
	v21 =	vmul.f32 v5, v8;
	v4 =	vmul.f32 v4, v53  }
0x408: {  	v12 =	vld [tilespmem:$0x1FCD0];
	v18 =	vsub.f32 v40, v47;
	v53 =	vmul.f32 v9, v19;
	v9 =	vmul.f32 v9, v20  }
0x409: {  	v20 =	vmul.f32 v2, v16;
	v16 =	vsub.f32 v41, v45;
	v19 =	vmul.f32 v5, v17  }
0x40a: {  	v8 =	vsub.f32 v43, v45;
	v17 =	vmul.f32 v5, v18;
	v5 =	vmul.f32 v46, v15  }
0x40b: {  	v18 =	vmul.f32 v4, v55;
	v15 =	vmul.f32 v4, v16  }
0x40c: {  	v29 =	vmul.f32 v4, v27;
	v16 =	vmul.f32 v4, v8;
	v4 =	vld [tilespmem:$0x1FF90]  }
0x40d: {  	v14 =	vsub.f32 v12, v34;
	v12 =	vld [tilespmem:$0x1FCF0];
	_ =	sdelay $0x2  }
0x40e: {  	v56 =	vld [tilespmem:$0x1FCE0]  }
0x40f: {  	v10 =	vmul.f32 v0, v10;
	v4 =	vmul.f32 v5, v4;
	v5 =	vld [tilespmem:$0x1FFB0]  }
0x410: {  	v12 =	vsub.f32 v12, v34;
	v44 =	vld [tilespmem:$0x1FF60];
	v22 =	vmul.f32 v0, v23;
	v23 =	vmul.f32 v0, v24  }
0x411: {  	v0 =	vmul.f32 v0, v7;
	v7 =	vsub.f32 v28, v48;
	v24 =	vsub.f32 v33, v48  }
0x412: {  	v28 =	vmul.f32 v46, v12;
	v57 =	vmul.f32 v25, v60;
	v12 =	vld [tilespmem:$0x1FF90]  }
0x413: {  	v7 =	vmul.f32 v2, v7;
	v24 =	vmul.f32 v2, v24;
	v2 =	vsub.f32 v56, v34  }
0x414: {  	v4 =	vadd.f32 v4, v5  }
0x415: {  	s7 =	simm.s32 $0x19600;
	v45 =	vld [tilespmem:$0x1FF70];
	v27 =	vmul.f32 v46, v2;
	v2 =	vadd.f32 v57, v44  }
0x416: {  	v8 =	vld [tilespmem:$0x1FF80];
	[tilespmem:s7+$0x1B0] =	vst v4  }
0x417: {  	v1 =	vmul.f32 v1, v12;
	v12 =	vld [tilespmem:$0x1FF80];
	[tilespmem:s7+$0xFFFFFE00] =	vst v2  }
0x418: {  	v2 =	vld [tilespmem:$0x1FFA0]  }
0x419: {  	v5 =	vmul.f32 v31, v61;
	_ =	sdelay $0x1  }
0x41a: {  	v8 =	vmul.f32 v30, v8;
	v4 =	vadd.f32 v5, v45;
	_ =	sdelay $0x1  }
0x41b: {  	v2 =	vadd.f32 v8, v2;
	v8 =	vld [tilespmem:$0x1FF90];
	[tilespmem:s7+$0xFFFFFE10] =	vst v4  }
0x41c: {  	v4 =	vld [tilespmem:$0x1FFB0];
	_ =	sdelay $0x3  }
0x41d: {  	v10 =	vmul.f32 v10, v60  }
0x41e: {  	v1 =	vadd.f32 v1, v4  }
0x41f: {  	v58 =	vadd.f32 v10, v44;
	v4 =	vld [tilespmem:$0x1FF80];
	[tilespmem:s7+$0xFFFFFE20] =	vst v2  }
0x420: {  	v10 =	vld [tilespmem:$0x1FFA0];
	[tilespmem:s7+$0xFFFFFE30] =	vst v1  }
0x421: {  	v13 =	vmul.f32 v46, v14;
	v62 =	vld [tilespmem:$0x1FF80];
	[tilespmem:s7+$0xFFFFFE80] =	vst v58  }
0x422: {  	v14 =	vmul.f32 v6, v60;
	v33 =	vmul.f32 v7, v60;
	v6 =	vld [tilespmem:$0x1FFB0]  }
0x423: {  	v30 =	vmul.f32 v54, v61;
	v5 =	vmul.f32 v22, v61;
	v7 =	vld [tilespmem:$0x1FF80]  }
0x424: {  	v22 =	vmul.f32 v50, v61;
	v25 =	vmul.f32 v23, v12  }
0x425: {  	v23 =	vmul.f32 v11, v60;
	v12 =	vmul.f32 v52, v61  }
0x426: {  	v59 =	vadd.f32 v5, v45;
	v0 =	vmul.f32 v0, v8;
	v35 =	vmul.f32 v3, v8  }
0x427: {  	v34 =	vmul.f32 v9, v8;
	v36 =	vmul.f32 v51, v4;
	v25 =	vadd.f32 v25, v10  }
0x428: {  	s0 =	simm.s32 $0xD200;
	s21 =	simm.s32 $0x19600;
	s24 =	simm.s32 $0x0;
	[tilespmem:s7+$0xFFFFFE90] =	vst v59;
	v31 =	vmul.f32 v53, v62;
	v37 =	vadd.f32 v0, v6;
	v32 =	vmul.f32 v24, v7  }
.LBB2_7:
0x429: {  	_ = 	snop  }
0x42a: {  	v2 =	vmul.f32 v19, v61;
	[tilespmem:s7+$0xFFFFFEA0] =	vst v25  }
0x42b: {  	v50 =	vmul.f32 v26, v7;
	[tilespmem:s7+$0xFFFFFEB0] =	vst v37  }
0x42c: {  	v3 =	vld [tilespmem:s0+$0x180];
	v0 =	vadd.f32 v23, v44;
	[tilespmem:$0x1FC30] =	vst v2  }
0x42d: {  	v4 =	vld [tilespmem:s0+$0x190];
	v56 =	vmul.f32 v18, v60;
	[tilespmem:$0x1FC40] =	vst v50  }
0x42e: {  	v49 =	vadd.f32 v22, v45;
	v5 =	vld [tilespmem:s0+$0x1A0];
	[tilespmem:s7+$0xFFFFFF00] =	vst v0  }
0x42f: {  	v40 =	vld [tilespmem:s0+$0xFFFFFE20];
	v38 =	vmul.f32 v27, v61;
	[tilespmem:$0x1FC60] =	vst v56  }
0x430: {  	v62 =	vadd.f32 v14, v44;
	v42 =	vld [tilespmem:s0+$0xFFFFFE30];
	[tilespmem:s7+$0xFFFFFF10] =	vst v49  }
0x431: {  	v52 =	vld [tilespmem:$0x1FFC0];
	v57 =	vadd.f32 v35, v6;
	[tilespmem:$0x1FCB0] =	vst v38  }
0x432: {  	v37 =	vadd.f32 v12, v45;
	v56 =	vld [tilespmem:s0+$0x1B0];
	[tilespmem:s7+$0xFFFFFF80] =	vst v62  }
0x433: {  	v43 =	vadd.f32 v34, v6;
	v45 =	vld [tilespmem:s0+$0xFFFFFE80];
	[tilespmem:s7+$0xFFFFFF30] =	vst v57  }
0x434: {  	v50 =	vld [tilespmem:$0x1FF70];
	[tilespmem:s7+$0xFFFFFF90] =	vst v37  }
0x435: {  	v46 =	vld [tilespmem:s0+$0xFFFFFE90];
	[tilespmem:s7+$0xFFFFFFB0] =	vst v43  }
0x436: {  	v48 =	vmul.f32 v21, v60;
	v47 =	vld [tilespmem:s0+$0xFFFFFEA0];
	v55 =	vmul.f32 v17, v8;
	[tilespmem:$0x1FBE0] =	vst v3  }
0x437: {  	v58 =	vmul.f32 v15, v61;
	v59 =	vmul.f32 v29, v7;
	v38 =	vld [tilespmem:s0+$0x80];
	v51 =	vadd.f32 v36, v10;
	[tilespmem:$0x1FBF0] =	vst v4  }
0x438: {  	v39 =	vmul.f32 v28, v7;
	v1 =	vmul.f32 v20, v8;
	[tilespmem:$0x1FC50] =	vst v55;
	v55 =	vld [tilespmem:s0+$0xFFFFFE10]  }
0x439: {  	v35 =	vmul.f32 v16, v8;
	v41 =	vadd.f32 v31, v10;
	[tilespmem:s7+$0xFFFFFF20] =	vst v51;
	v2 =	vadd.f32 v30, v50;
	v30 =	vld [tilespmem:s0+$0xFFFFFEB0]  }
0x43a: {  	v36 =	vmul.f32 v13, v60;
	v6 =	vmovc v3;
	v7 =	vmov v4;
	v8 =	vmov v5;
	[tilespmem:$0x1FC00] =	vst v5;
	v31 =	vld [tilespmem:s0+$0xFFFFFF00]  }
0x43b: {  	v3 =	vadd.f32 v4, v3;
	[tilespmem:s7+$0xFFFFFFA0] =	vst v41;
	v49 =	vmul.f32 v8, v8;
	v8 =	vmul.f32 v40, v40;
	v34 =	vld [tilespmem:s0+$0xFFFFFF10]  }
0x43c: {  	[tilespmem:$0x1FCA0] =	vst v36;
	v51 =	vmul.f32 v42, v42;
	v4 =	vadd.f32 v56, v5;
	v5 =	vmul.f32 v6, v6;
	v36 =	vld [tilespmem:s0+$0xFFFFFF80]  }
0x43d: {  	[tilespmem:$0x1FC20] =	vst v48;
	v48 =	vadd.f32 v33, v44;
	v6 =	vmul.f32 v7, v7;
	v7 =	vmul.f32 v56, v56;
	v41 =	vld [tilespmem:s0+$0xFFFFFF90]  }
0x43e: {  	v22 =	vadd.f32 v42, v40;
	v9 =	vmul.f32 v47, v47;
	v27 =	vld [tilespmem:s0+$0xFFFFFFA0];
	v13 =	vmul.f32 v38, v38  }
0x43f: {  	v29 =	vld [tilespmem:s0+$0xFFFFFFB0];
	v23 =	vadd.f32 v51, v8;
	v8 =	vmul.f32 v46, v46;
	v3 =	vadd.f32 v4, v3  }
0x440: {  	[tilespmem:$0x1FC90] =	vst v35;
	v35 =	vld [tilespmem:s0+$0xFFFFFF20];
	v4 =	vadd.f32 v6, v5;
	v0 =	vadd.f32 v7, v49;
	v5 =	vmul.f32 v45, v45  }
0x441: {  	[tilespmem:$0x1FCC0] =	vst v39;
	v39 =	vld [tilespmem:s0+$0xFFFFFF30];
	v6 =	vadd.f32 v32, v10;
	v7 =	vadd.f32 v46, v45;
	v54 =	vmul.f32 v55, v55  }
0x442: {  	[tilespmem:s7+$0x10] =	vst v2;
	v2 =	vld [tilespmem:$0x1FFE0];
	v0 =	vadd.f32 v0, v4;
	v4 =	vperm.xlane v3, v52;
	v20 =	vadd.f32 v8, v5  }
0x443: {  	[tilespmem:s7+$0x20] =	vst v6;
	v6 =	vadd.f32 v30, v47;
	v8 =	vmul.f32 v30, v30;
	v11 =	vadd.f32 v34, v31  }
0x444: {  	v62 =	vld [tilespmem:$0x1FFF0];
	[tilespmem:s7+$0x0] =	vst v48;
	v10 =	vmul.f32 v31, v31;
	v48 =	vadd.f32 v41, v36;
	v51 =	vadd.f32 v29, v27  }
0x445: {  	[tilespmem:$0x1FC70] =	vst v58;
	v50 =	vld [tilespmem:s0+$0x100];
	v3 =	vadd.f32 v3, v4;
	v4 =	vperm.xlane v0, v52;
	v58 =	vadd.f32 v6, v7  }
0x446: {  	v28 =	vld [tilespmem:s0+$0x0];
	v6 =	vmul.f32 v35, v35;
	v7 =	vadd.f32 v39, v35;
	v19 =	vadd.f32 v8, v9  }
0x447: {  	v33 =	vld [tilespmem:s0+$0x10];
	v9 =	vmul.f32 v39, v39;
	v53 =	vperm.xlane v3, v2;
	v0 =	vadd.f32 v4, v0  }
0x448: {  	v32 =	vld [tilespmem:s0+$0x20];
	v21 =	vadd.f32 v51, v48;
	v4 =	vmul.f32 v34, v34;
	v25 =	vadd.f32 v7, v11  }
0x449: {  	[tilespmem:$0x1FC80] =	vst v59;
	v37 =	vld [tilespmem:s0+$0x30];
	v11 =	vmul.f32 v41, v41;
	v3 =	vadd.f32 v3, v53;
	v59 =	vperm.xlane v0, v2  }
0x44a: {  	v51 =	vld [tilespmem:s0+$0x110];
	v17 =	vadd.f32 v9, v6;
	v19 =	vadd.f32 v19, v20;
	v53 =	vmul.f32 v36, v36  }
0x44b: {  	v18 =	vadd.f32 v4, v10;
	v43 =	vperm.xlane v3, v63;
	v0 =	vadd.f32 v59, v0  }
0x44c: {  	v4 =	vmul.f32 v29, v29;
	v60 =	vmul.f32 v28, v28;
	v61 =	vadd.f32 v33, v28  }
0x44d: {  	v44 =	vld [tilespmem:s0+$0xA0];
	[tilespmem:$0x1FC10] =	vst v1;
	v1 =	vmul.f32 v33, v33;
	v3 =	vadd.f32 v3, v43;
	v49 =	vperm.xlane v0, v63  }
0x44e: {  	v24 =	vmul.f32 v32, v32;
	v48 =	vmul.f32 v37, v37;
	v16 =	vadd.f32 v11, v53;
	v43 =	vld [tilespmem:s0+$0x90]  }
0x44f: {  	v11 =	vadd.f32 v51, v50;
	v52 =	vperm.xlane v3, v62;
	v0 =	vadd.f32 v49, v0;
	v49 =	vld [tilespmem:s0+$0xB0]  }
0x450: {  	v59 =	vmul.f32 v27, v27;
	v14 =	vadd.f32 v1, v60;
	v48 =	vadd.f32 v48, v24  }
0x451: {  	v17 =	vadd.f32 v17, v18;
	v3 =	vadd.f32 v3, v52;
	v57 =	vperm.xlane v0, v62  }
0x452: {  	v10 =	vmul.f32 v44, v44;
	v53 =	vld [tilespmem:s0+$0x130];
	v63 =	vadd.f32 v37, v32;
	v15 =	vadd.f32 v4, v59  }
0x453: {  	v52 =	vld [tilespmem:s0+$0x120];
	v9 =	vmul.f32 v43, v43;
	v26 =	vmul.f32 $1.562500000e-02, v3;
	v0 =	vadd.f32 v57, v0  }
0x454: {  	v8 =	vadd.f32 v43, v38;
	v57 =	vld [tilespmem:s0+$0xFFFFFE00];
	v5 =	vadd.f32 v49, v44;
	v59 =	vmul.f32 v49, v49  }
0x455: {  	v9 =	vadd.f32 v9, v13;
	v7 =	vmul.f32 $1.562500000e-02, v0;
	v0 =	vmul.f32 v26, v26  }
0x456: {  	v12 =	vmul.f32 v50, v50;
	v56 =	vsub.f32 v56, v26;
	v24 =	vadd.f32 v5, v8  }
0x457: {  	v6 =	vmul.f32 v51, v51;
	v10 =	vadd.f32 v59, v10;
	v0 =	vsub.f32 v7, v0  }
0x458: {  	v60 =	vmul.f32 v52, v52;
	v7 =	vadd.f32 v63, v61;
	v61 =	vadd.f32 v53, v52  }
0x459: {  	v63 =	vmul.f32 v53, v53;
	v3 =	vadd.f32 v55, v57;
	v1 =	vadd.f32 $9.999999740e-06, v0;
	v0 =	vld [tilespmem:$0x1FFC0]  }
0x45a: {  	v4 =	vmul.f32 v57, v57;
	v9 =	vadd.f32 v10, v9;
	v5 =	vadd.f32 v61, v11  }
0x45b: {  	v11 =	vadd.f32 v48, v14;
	v8 =	vshrl.u32 v1, $0x1;
	v1 =	vmul.f32 $5.000000000e-01, v1  }
0x45c: {  	v3 =	vadd.f32 v22, v3;
	v54 =	vadd.f32 v54, v4;
	v8 =	vsub.s32 $0x5F3759DF, v8  }
0x45d: {  	v4 =	vadd.f32 v6, v12;
	v6 =	vadd.f32 v63, v60;
	v13 =	vmul.f32 v8, v1  }
0x45e: {  	v12 =	vadd.f32 v15, v16;
	v22 =	vperm.xlane v3, v0;
	v20 =	vperm.xlane v58, v0  }
0x45f: {  	v54 =	vadd.f32 v23, v54;
	v18 =	vperm.xlane v25, v0;
	v15 =	vperm.xlane v21, v0  }
0x460: {  	v4 =	vadd.f32 v6, v4;
	v23 =	vperm.xlane v7, v0;
	v10 =	vperm.xlane v24, v0  }
0x461: {  	v6 =	vperm.xlane v5, v0;
	v13 =	vmul.f32 v8, v13;
	v59 =	vadd.f32 v3, v22  }
0x462: {  	v20 =	vadd.f32 v58, v20;
	v22 =	vperm.xlane v19, v0;
	v16 =	vadd.f32 v25, v18  }
0x463: {  	v18 =	vperm.xlane v17, v0;
	v14 =	vadd.f32 v21, v15;
	v15 =	vperm.xlane v12, v0  }
0x464: {  	v7 =	vadd.f32 v7, v23;
	v23 =	vperm.xlane v11, v0;
	v60 =	vadd.f32 v24, v10  }
0x465: {  	v10 =	vperm.xlane v9, v0;
	v5 =	vadd.f32 v5, v6;
	v13 =	vsub.f32 $1.500000000e+00, v13  }
0x466: {  	v6 =	vperm.xlane v59, v2;
	v61 =	vperm.xlane v20, v2;
	v17 =	vadd.f32 v18, v17  }
0x467: {  	v18 =	vperm.xlane v14, v2;
	v12 =	vadd.f32 v15, v12;
	v15 =	vperm.xlane v7, v2  }
0x468: {  	v63 =	vld [tilespmem:$0x1FFD0];
	v11 =	vadd.f32 v23, v11;
	v9 =	vadd.f32 v10, v9;
	v10 =	vperm.xlane v5, v2  }
0x469: {  	v8 =	vmul.f32 v8, v13;
	v13 =	vperm.xlane v54, v0;
	v14 =	vadd.f32 v14, v18  }
0x46a: {  	v18 =	vperm.xlane v12, v2;
	v7 =	vadd.f32 v7, v15;
	v15 =	vperm.xlane v11, v2  }
0x46b: {  	v21 =	vadd.f32 v59, v6;
	v59 =	vperm.xlane v9, v2;
	v1 =	vmul.f32 v8, v1  }
0x46c: {  	v5 =	vadd.f32 v5, v10;
	v24 =	vadd.f32 v13, v54;
	v13 =	vperm.xlane v4, v0  }
0x46d: {  	v10 =	vperm.xlane v21, v63;
	v12 =	vadd.f32 v18, v12;
	v1 =	vmul.f32 v1, v8  }
0x46e: {  	v18 =	vperm.xlane v7, v63;
	v11 =	vadd.f32 v15, v11;
	v3 =	vadd.f32 v59, v9  }
0x46f: {  	v9 =	vperm.xlane v5, v63;
	v4 =	vadd.f32 v13, v4;
	v1 =	vsub.f32 $1.500000000e+00, v1  }
0x470: {  	v23 =	vld [tilespmem:$0x1FF90];
	v6 =	vperm.xlane v24, v2;
	v13 =	vadd.f32 v20, v61;
	v7 =	vadd.f32 v7, v18  }
0x471: {  	v18 =	vperm.xlane v11, v63;
	v54 =	vmul.f32 v1, v8;
	v8 =	vadd.f32 v22, v19  }
0x472: {  	v5 =	vadd.f32 v5, v9;
	v19 =	vperm.xlane v16, v2;
	v22 =	vperm.xlane v60, v2  }
0x473: {  	v11 =	vadd.f32 v18, v11;
	v0 =	vmul.f32 v54, v56;
	v20 =	vperm.xlane v8, v2  }
0x474: {  	v16 =	vadd.f32 v16, v19;
	v19 =	vperm.xlane v17, v2;
	v58 =	vadd.f32 v60, v22  }
0x475: {  	v22 =	vperm.xlane v13, v63;
	v60 =	vadd.f32 v21, v10;
	v0 =	vmul.f32 v0, v23  }
0x476: {  	v8 =	vadd.f32 v20, v8;
	v20 =	vperm.xlane v16, v63;
	v17 =	vadd.f32 v19, v17  }
0x477: {  	v23 =	vld [tilespmem:$0x1FFB0];
	v19 =	vperm.xlane v14, v63;
	v10 =	vadd.f32 v13, v22;
	v22 =	vperm.xlane v60, v62  }
0x478: {  	v21 =	vld [tilespmem:$0x1FBE0];
	v13 =	vperm.xlane v8, v63;
	v16 =	vadd.f32 v16, v20;
	v20 =	vperm.xlane v17, v63  }
0x479: {  	v14 =	vadd.f32 v14, v19;
	v19 =	vperm.xlane v12, v63;
	v1 =	vadd.f32 v60, v22  }
0x47a: {  	v15 =	vperm.xlane v58, v63;
	v8 =	vadd.f32 v13, v8;
	v17 =	vadd.f32 v20, v17  }
0x47b: {  	v20 =	vperm.xlane v14, v62;
	v12 =	vadd.f32 v19, v12;
	v19 =	vperm.xlane v7, v62  }
0x47c: {  	v1 =	vmul.f32 $1.562500000e-02, v1;
	v0 =	vadd.f32 v0, v23;
	v23 =	vadd.f32 v6, v24  }
0x47d: {  	v6 =	vperm.xlane v4, v2;
	v24 =	vsub.f32 v21, v26;
	v14 =	vadd.f32 v14, v20  }
0x47e: {  	v13 =	vperm.xlane v16, v62;
	v7 =	vadd.f32 v7, v19;
	v57 =	vsub.f32 v57, v1  }
0x47f: {  	s7 =	sadd.s32 $0x400, s7;
	v19 =	vperm.xlane v11, v62;
	v55 =	vsub.f32 v55, v1;
	v4 =	vadd.f32 v6, v4  }
0x480: {  	[tilespmem:s7+$0x1B0] =	vst v0;
	v6 =	vperm.xlane v23, v63;
	v0 =	vadd.f32 v58, v15;
	v15 =	vperm.xlane v3, v63  }
0x481: {  	v60 =	vmul.f32 $1.562500000e-02, v14;
	v59 =	vmul.f32 $1.562500000e-02, v7;
	v7 =	vadd.f32 v19, v11  }
0x482: {  	v9 =	vperm.xlane v4, v63;
	v61 =	vadd.f32 v6, v23;
	v6 =	vperm.xlane v10, v62  }
0x483: {  	v18 =	vperm.xlane v0, v62;
	v3 =	vadd.f32 v15, v3;
	v15 =	vperm.xlane v5, v62  }
0x484: {  	v7 =	vmul.f32 $1.562500000e-02, v7;
	v22 =	vperm.xlane v61, v62;
	v4 =	vadd.f32 v9, v4  }
0x485: {  	v6 =	vadd.f32 v10, v6;
	v9 =	vperm.xlane v8, v62;
	v10 =	vadd.f32 v16, v13  }
0x486: {  	v13 =	vperm.xlane v17, v62;
	v16 =	vperm.xlane v12, v62;
	v0 =	vadd.f32 v0, v18  }
0x487: {  	v18 =	vperm.xlane v3, v62;
	v5 =	vadd.f32 v5, v15;
	v15 =	vperm.xlane v4, v62  }
0x488: {  	v2 =	vadd.f32 v22, v61;
	v6 =	vmul.f32 $1.562500000e-02, v6;
	v8 =	vadd.f32 v9, v8  }
0x489: {  	v61 =	vmul.f32 $1.562500000e-02, v10;
	v9 =	vadd.f32 v13, v17;
	v10 =	vadd.f32 v16, v12  }
0x48a: {  	v58 =	vmul.f32 $1.562500000e-02, v0;
	v62 =	vadd.f32 v18, v3;
	v56 =	vmul.f32 $1.562500000e-02, v5  }
0x48b: {  	v2 =	vmul.f32 $1.562500000e-02, v2;
	v48 =	vadd.f32 v15, v4;
	v4 =	vmul.f32 v1, v1  }
0x48c: {  	v17 =	vsub.f32 v40, v1;
	v5 =	vmul.f32 $1.562500000e-02, v8;
	v8 =	vmul.f32 v6, v6  }
0x48d: {  	v9 =	vmul.f32 $1.562500000e-02, v9;
	v10 =	vmul.f32 $1.562500000e-02, v10;
	v1 =	vsub.f32 v42, v1  }
0x48e: {  	v0 =	vmul.f32 $1.562500000e-02, v62;
	v22 =	vsub.f32 v45, v6;
	v42 =	vsub.f32 v46, v6  }
0x48f: {  	v50 =	vsub.f32 v50, v56;
	v2 =	vsub.f32 v2, v4;
	v4 =	vmul.f32 v61, v61  }
0x490: {  	v51 =	vsub.f32 v51, v56;
	v5 =	vsub.f32 v5, v8;
	v8 =	vmul.f32 v60, v60  }
0x491: {  	v52 =	vsub.f32 v52, v56;
	v4 =	vsub.f32 v9, v4;
	v9 =	vmul.f32 v59, v59  }
0x492: {  	v8 =	vsub.f32 v10, v8;
	v10 =	vmul.f32 v58, v58;
	v2 =	vadd.f32 $9.999999740e-06, v2  }
0x493: {  	v3 =	vmul.f32 $1.562500000e-02, v48;
	v5 =	vadd.f32 $9.999999740e-06, v5;
	v7 =	vsub.f32 v7, v9  }
0x494: {  	v9 =	vmul.f32 v56, v56;
	v0 =	vsub.f32 v0, v10;
	v10 =	vshrl.u32 v2, $0x1  }
0x495: {  	v4 =	vadd.f32 $9.999999740e-06, v4;
	v2 =	vmul.f32 $5.000000000e-01, v2;
	v8 =	vadd.f32 $9.999999740e-06, v8  }
0x496: {  	v10 =	vsub.s32 $0x5F3759DF, v10;
	v3 =	vsub.f32 v3, v9;
	v7 =	vadd.f32 $9.999999740e-06, v7  }
0x497: {  	v9 =	vshrl.u32 v5, $0x1;
	v0 =	vadd.f32 $9.999999740e-06, v0;
	v5 =	vmul.f32 $5.000000000e-01, v5  }
0x498: {  	v11 =	vshrl.u32 v4, $0x1;
	v4 =	vmul.f32 $5.000000000e-01, v4;
	v12 =	vshrl.u32 v8, $0x1  }
0x499: {  	v8 =	vmul.f32 $5.000000000e-01, v8;
	v16 =	vmul.f32 v10, v2;
	v9 =	vsub.s32 $0x5F3759DF, v9  }
0x49a: {  	v11 =	vsub.s32 $0x5F3759DF, v11;
	v12 =	vsub.s32 $0x5F3759DF, v12;
	v13 =	vshrl.u32 v7, $0x1  }
0x49b: {  	v7 =	vmul.f32 $5.000000000e-01, v7;
	v14 =	vshrl.u32 v0, $0x1;
	v0 =	vmul.f32 $5.000000000e-01, v0  }
0x49c: {  	v3 =	vadd.f32 $9.999999740e-06, v3;
	v18 =	vmul.f32 v9, v5;
	v19 =	vmul.f32 v11, v4  }
0x49d: {  	v20 =	vmul.f32 v12, v8;
	v16 =	vmul.f32 v10, v16;
	v13 =	vsub.s32 $0x5F3759DF, v13  }
0x49e: {  	v14 =	vsub.s32 $0x5F3759DF, v14;
	v15 =	vshrl.u32 v3, $0x1;
	v3 =	vmul.f32 $5.000000000e-01, v3  }
0x49f: {  	v53 =	vsub.f32 v53, v56;
	v23 =	vmul.f32 v13, v7;
	v40 =	vmul.f32 v14, v0  }
0x4a0: {  	v18 =	vmul.f32 v9, v18;
	v19 =	vmul.f32 v11, v19;
	v15 =	vsub.s32 $0x5F3759DF, v15  }
0x4a1: {  	v16 =	vsub.f32 $1.500000000e+00, v16;
	v20 =	vmul.f32 v12, v20;
	v62 =	vmul.f32 v15, v3  }
0x4a2: {  	v23 =	vmul.f32 v13, v23;
	v18 =	vsub.f32 $1.500000000e+00, v18;
	v40 =	vmul.f32 v14, v40  }
0x4a3: {  	v10 =	vmul.f32 v10, v16;
	v16 =	vsub.f32 $1.500000000e+00, v19;
	v19 =	vsub.f32 $1.500000000e+00, v20  }
0x4a4: {  	v45 =	vmul.f32 v15, v62;
	v9 =	vmul.f32 v9, v18;
	v18 =	vsub.f32 $1.500000000e+00, v23  }
0x4a5: {  	v20 =	vsub.f32 $1.500000000e+00, v40;
	v11 =	vmul.f32 v11, v16;
	v12 =	vmul.f32 v12, v19  }
0x4a6: {  	v2 =	vmul.f32 v10, v2;
	v19 =	vsub.f32 v35, v61;
	v13 =	vmul.f32 v13, v18  }
0x4a7: {  	v16 =	vsub.f32 $1.500000000e+00, v45;
	v14 =	vmul.f32 v14, v20;
	v5 =	vmul.f32 v9, v5  }
0x4a8: {  	v23 =	vsub.f32 v36, v60;
	v4 =	vmul.f32 v11, v4;
	v8 =	vmul.f32 v12, v8  }
0x4a9: {  	v18 =	vsub.f32 v31, v61;
	v2 =	vmul.f32 v2, v10;
	v15 =	vmul.f32 v15, v16  }
0x4aa: {  	v20 =	vsub.f32 v39, v61;
	v7 =	vmul.f32 v13, v7;
	v0 =	vmul.f32 v14, v0  }
0x4ab: {  	v16 =	vsub.f32 v34, v61;
	v5 =	vmul.f32 v5, v9;
	v4 =	vmul.f32 v4, v11  }
0x4ac: {  	v8 =	vmul.f32 v8, v12;
	v2 =	vsub.f32 $1.500000000e+00, v2;
	v3 =	vmul.f32 v15, v3  }
0x4ad: {  	v7 =	vmul.f32 v7, v13;
	v0 =	vmul.f32 v0, v14;
	v5 =	vsub.f32 $1.500000000e+00, v5  }
0x4ae: {  	v4 =	vsub.f32 $1.500000000e+00, v4;
	v2 =	vmul.f32 v2, v10;
	v8 =	vsub.f32 $1.500000000e+00, v8  }
0x4af: {  	v10 =	vsub.f32 v29, v60;
	v29 =	vsub.f32 v49, v58;
	v3 =	vmul.f32 v3, v15  }
0x4b0: {  	v7 =	vsub.f32 $1.500000000e+00, v7;
	v5 =	vmul.f32 v5, v9;
	v0 =	vsub.f32 $1.500000000e+00, v0  }
0x4b1: {  	v4 =	vmul.f32 v4, v11;
	v9 =	vsub.f32 v27, v60;
	v11 =	vsub.f32 v28, v59  }
0x4b2: {  	v8 =	vmul.f32 v8, v12;
	v12 =	vsub.f32 v33, v59;
	v27 =	vsub.f32 v38, v58  }
0x4b3: {  	v28 =	vsub.f32 v43, v58;
	v7 =	vmul.f32 v7, v13;
	v0 =	vmul.f32 v0, v14  }
0x4b4: {  	v3 =	vsub.f32 $1.500000000e+00, v3;
	v14 =	vmul.f32 v2, v57;
	v57 =	vmul.f32 v4, v16;
	v16 =	vld [tilespmem:$0x1FFB0]  }
0x4b5: {  	v13 =	vsub.f32 v32, v59;
	v32 =	vmul.f32 v2, v17;
	v56 =	vmul.f32 v4, v18;
	v18 =	vld [tilespmem:$0x1FC10]  }
0x4b6: {  	v21 =	vld [tilespmem:$0x1FBF0];
	v17 =	vsub.f32 v44, v58;
	v36 =	vmul.f32 v5, v42;
	v58 =	vmul.f32 v4, v19  }
0x4b7: {  	v46 =	vld [tilespmem:$0x1FCA0];
	v4 =	vmul.f32 v4, v20;
	v3 =	vmul.f32 v3, v15;
	v15 =	vsub.f32 v37, v59  }
0x4b8: {  	v44 =	vld [tilespmem:$0x1FF60];
	v11 =	vmul.f32 v7, v11;
	v42 =	vmul.f32 v7, v12  }
0x4b9: {  	v43 =	vmul.f32 v7, v13;
	v20 =	vmul.f32 v7, v15;
	v7 =	vld [tilespmem:$0x1FC60]  }
0x4ba: {  	v16 =	vadd.f32 v18, v16;
	v18 =	vld [tilespmem:$0x1FC20]  }
0x4bb: {  	v48 =	vsub.f32 v47, v6;
	v6 =	vsub.f32 v30, v6;
	v47 =	vld [tilespmem:$0x1FCB0]  }
0x4bc: {  	v30 =	vsub.f32 v41, v60;
	v62 =	vld [tilespmem:$0x1FFA0];
	v31 =	vmul.f32 v2, v55;
	v22 =	vmul.f32 v5, v22  }
0x4bd: {  	v45 =	vld [tilespmem:$0x1FF70];
	v55 =	vmul.f32 v5, v48;
	v5 =	vmul.f32 v5, v6  }
0x4be: {  	v6 =	vld [tilespmem:$0x1FC00];
	v30 =	vmul.f32 v8, v30;
	v9 =	vmul.f32 v8, v9;
	v7 =	vadd.f32 v7, v44  }
0x4bf: {  	v59 =	vmul.f32 v8, v23;
	v8 =	vmul.f32 v8, v10;
	v10 =	vld [tilespmem:$0x1FFA0];
	v18 =	vadd.f32 v18, v44  }
0x4c0: {  	[tilespmem:s21+$0x100] =	vst v7;
	v7 =	vld [tilespmem:$0x1FC80]  }
0x4c1: {  	[tilespmem:s21+$0x80] =	vst v18;
	v18 =	vld [tilespmem:$0x1FC40]  }
0x4c2: {  	v61 =	vld [tilespmem:$0x1FF50]  }
0x4c3: {  	v25 =	vsub.f32 v21, v26;
	v33 =	vld [tilespmem:$0x1FFB0]  }
0x4c4: {  	v21 =	vmul.f32 v0, v27;
	v19 =	vmul.f32 v0, v28;
	v6 =	vsub.f32 v6, v26;
	[tilespmem:s21+$0x30] =	vst v16;
	v16 =	vld [tilespmem:$0x1FC30]  }
0x4c5: {  	v26 =	vmul.f32 v0, v17;
	v17 =	vmul.f32 v0, v29;
	v0 =	vadd.f32 v7, v62;
	v7 =	vld [tilespmem:$0x1FC90]  }
0x4c6: {  	v49 =	vld [tilespmem:$0x1FFA0];
	v10 =	vadd.f32 v18, v10  }
0x4c7: {  	v60 =	vld [tilespmem:$0x1FF40]  }
0x4c8: {  	[tilespmem:s21+$0xA0] =	vst v10;
	v10 =	vld [tilespmem:$0x1FC70]  }
0x4c9: {  	v1 =	vmul.f32 v2, v1;
	v12 =	vld [tilespmem:$0x1FFB0]  }
0x4ca: {  	v13 =	vmul.f32 v54, v24;
	v16 =	vadd.f32 v16, v45;
	v2 =	vadd.f32 v7, v33;
	v7 =	vld [tilespmem:$0x1FF80]  }
0x4cb: {  	v27 =	vmul.f32 v54, v25;
	v28 =	vmul.f32 v54, v6;
	v54 =	vld [tilespmem:$0x1FFA0]  }
0x4cc: {  	[tilespmem:s21+$0x90] =	vst v16;
	v16 =	vld [tilespmem:$0x1FC50]  }
0x4cd: {  	v6 =	vld [tilespmem:$0x1FCC0];
	v10 =	vadd.f32 v10, v45  }
0x4ce: {  	v48 =	vmul.f32 v14, v60;
	v15 =	vmul.f32 v3, v51;
	v51 =	vld [tilespmem:$0x1FF90];
	[tilespmem:s21+$0x130] =	vst v2  }
0x4cf: {  	v29 =	vmul.f32 v3, v52;
	v2 =	vadd.f32 v47, v45;
	[tilespmem:s21+$0x110] =	vst v10;
	v7 =	vmul.f32 v32, v7;
	v10 =	vld [tilespmem:$0x1FF80]  }
0x4d0: {  	v52 =	vmul.f32 v22, v60;
	v22 =	vmul.f32 v57, v61;
	v57 =	vld [tilespmem:$0x1FF90];
	[tilespmem:s21+$0x120] =	vst v0;
	v0 =	vadd.f32 v46, v44  }
0x4d1: {  	v23 =	vmul.f32 v56, v60;
	v12 =	vadd.f32 v16, v12;
	[tilespmem:s21+$0x190] =	vst v2;
	v2 =	vadd.f32 v7, v54;
	v7 =	vld [tilespmem:$0x1FF80]  }
0x4d2: {  	v56 =	vadd.f32 v52, v44;
	v62 =	vld [tilespmem:$0x1FF90];
	[tilespmem:s21+$0x180] =	vst v0;
	v0 =	vadd.f32 v6, v49;
	v6 =	vmul.f32 v31, v61  }
0x4d3: {  	v18 =	vmul.f32 v3, v50;
	v50 =	vadd.f32 v48, v44;
	v16 =	vmul.f32 v3, v53;
	[tilespmem:s21+$0xB0] =	vst v12;
	v12 =	vld [tilespmem:$0x1FF90]  }
0x4d4: {  	v53 =	vadd.f32 v6, v45;
	v6 =	vmul.f32 v36, v61;
	v10 =	vmul.f32 v55, v10;
	v55 =	vld [tilespmem:$0x1FFB0]  }
0x4d5: {  	s24 =	sadd.s32 $0x8, s24;
	v14 =	vmul.f32 v59, v60;
	v59 =	vld [tilespmem:$0x1FFA0];
	[tilespmem:s7+$0xFFFFFE80] =	vst v56  }
0x4d6: {  	p1 =	slt.u32 s24, $0xC0;
	[tilespmem:s7+$0xFFFFFE00] =	vst v50;
	v36 =	vmul.f32 v58, v7;
	v58 =	vadd.f32 v6, v45;
	v6 =	vld [tilespmem:$0x1FFB0]  }
.Ltmp4:
0x4d7: {  	v1 =	vmul.f32 v1, v51;
	v35 =	vmul.f32 v4, v57;
	[tilespmem:s21+$0x1A0] =	vst v0;
	(pc) =	sbr.rel @p1 .LBB2_7-.Ltmp4, $4  }
0x4d8: {  	v34 =	vmul.f32 v8, v62;
	v33 =	vmul.f32 v11, v60;
	[tilespmem:s7+$0xFFFFFE10] =	vst v53  }
0x4d9: {  	v5 =	vmul.f32 v5, v12;
	v12 =	vmul.f32 v30, v61;
	[tilespmem:s7+$0xFFFFFE20] =	vst v2;
	v0 =	vadd.f32 v1, v55  }
0x4da: {  	v8 =	vld [tilespmem:$0x1FF90];
	v30 =	vmul.f32 v42, v61;
	v31 =	vmul.f32 v9, v7;
	[tilespmem:s7+$0xFFFFFE90] =	vst v58  }
0x4db: {  	s0 =	sadd.s32 $0x400, s0;
	s21 =	smov.u32 s7;
	v25 =	vadd.f32 v10, v59;
	v10 =	vld [tilespmem:$0x1FFA0];
	v32 =	vmul.f32 v43, v7;
	[tilespmem:s7+$0xFFFFFE30] =	vst v0;
	v37 =	vadd.f32 v5, v6  }
0x4dc: {  	_ = 	snop  }
0x4dd: {  	v0 =	vadd.f32 v23, v44;
	[tilespmem:s7+$0xFFFFFEA0] =	vst v25  }
0x4de: {  	v1 =	vadd.f32 v22, v45;
	[tilespmem:s7+$0xFFFFFEB0] =	vst v37  }
0x4df: {  	v48 =	vadd.f32 v35, v6;
	[tilespmem:s7+$0xFFFFFF00] =	vst v0  }
0x4e0: {  	v49 =	vadd.f32 v14, v44;
	[tilespmem:s7+$0xFFFFFF10] =	vst v1  }
0x4e1: {  	v50 =	vadd.f32 v12, v45;
	[tilespmem:s7+$0xFFFFFF30] =	vst v48  }
0x4e2: {  	v2 =	vadd.f32 v34, v6;
	[tilespmem:s7+$0xFFFFFF80] =	vst v49  }
0x4e3: {  	v52 =	vadd.f32 v33, v44;
	v3 =	vmul.f32 v21, v60;
	[tilespmem:s7+$0xFFFFFF90] =	vst v50  }
0x4e4: {  	v54 =	vadd.f32 v30, v45;
	v4 =	vmul.f32 v19, v61;
	[tilespmem:s7+$0xFFFFFFB0] =	vst v2  }
0x4e5: {  	v39 =	vmul.f32 v27, v61;
	[tilespmem:s7+$0x0] =	vst v52;
	v57 =	vadd.f32 v3, v44  }
0x4e6: {  	v37 =	vmul.f32 v13, v60;
	[tilespmem:s7+$0x10] =	vst v54;
	v59 =	vadd.f32 v4, v45  }
0x4e7: {  	v42 =	vadd.f32 v39, v45;
	[tilespmem:s21+$0x80] =	vst v57  }
0x4e8: {  	v41 =	vadd.f32 v37, v44;
	[tilespmem:s21+$0x90] =	vst v59  }
0x4e9: {  	v47 =	vadd.f32 v36, v10;
	[tilespmem:s21+$0x190] =	vst v42  }
0x4ea: {  	v56 =	vmul.f32 v26, v7;
	v51 =	vadd.f32 v31, v10;
	[tilespmem:s21+$0x180] =	vst v41  }
0x4eb: {  	v4 =	vmul.f32 v18, v60;
	v55 =	vadd.f32 v32, v10;
	[tilespmem:s7+$0xFFFFFF20] =	vst v47  }
0x4ec: {  	v34 =	vmul.f32 v29, v7;
	v62 =	vadd.f32 v56, v10;
	[tilespmem:s7+$0xFFFFFFA0] =	vst v51  }
0x4ed: {  	v53 =	vmul.f32 v20, v8;
	v35 =	vadd.f32 v4, v44;
	[tilespmem:s7+$0x20] =	vst v55  }
0x4ee: {  	v58 =	vmul.f32 v17, v8;
	v38 =	vadd.f32 v34, v10;
	[tilespmem:s21+$0xA0] =	vst v62  }
0x4ef: {  	v32 =	vmul.f32 v15, v61;
	v4 =	vmul.f32 v16, v8;
	v0 =	vadd.f32 v53, v6;
	[tilespmem:s21+$0x100] =	vst v35  }
0x4f0: {  	v33 =	vadd.f32 v58, v6;
	[tilespmem:s21+$0x120] =	vst v38  }
0x4f1: {  	s0 =	sor.u32 $0x8, s16;
	v36 =	vadd.f32 v32, v45;
	v40 =	vadd.f32 v4, v6;
	v4 =	vmul.f32 v28, v7;
	[tilespmem:s21+$0x30] =	vst v0  }
0x4f2: {  	s7 =	smul.u32 $0x380, s0;
	[tilespmem:s21+$0xB0] =	vst v33  }
0x4f3: {  	s0 =	smul.u32 $0x1C00, s0;
	[tilespmem:s21+$0x110] =	vst v36;
	v43 =	vadd.f32 v4, v10  }
0x4f4: {  	[tilespmem:s21+$0x130] =	vst v40  }
0x4f5: {  	s24 =	sadd.s32 s6, s7;
	s0 =	sshrl.u32 s0, $0x3;
	[tilespmem:s21+$0x1A0] =	vst v43  }
0x4f6: {  	[hbm4b:s24+s3] =	stream.linear.scatter [tilespmem:s26], [sflag:$0x5], $0x1900, $0x38;
	[tilespmem:$0x1F880] =	vst v63  }
0x4f7: {  	s7 =	sadd.s32 s7, s11;
	s0 =	sadd.s32 s6, s0  }
0x4f8: {  	[hbm4b:s7+s3] =	stream.linear.scatter [tilespmem:s28], [sflag:$0x5], $0x1900, $0x38;
	[tilespmem:$0x1F880] =	vst v63  }
0x4f9: {  	s21 =	sadd.s32 $0x700, s0;
	s7 =	sadd.s32 @!p0 s9, s13  }
0x4fa: {  	[hbm4b:s21+s3] =	stream.linear.scatter [tilespmem:s29], [sflag:$0x5], $0x1900, $0x38;
	[tilespmem:$0x1F880] =	vst v63  }
0x4fb: {  	s0 =	sadd.s32 $0xA80, s0;
	s7 =	smul.u32 @!p0 $0x32, s7  }
0x4fc: {  	[hbm4b:s0+s3] =	stream.linear.scatter [tilespmem:s30], [sflag:$0x5], $0x1900, $0x38;
	[tilespmem:$0x1F880] =	vst v63  }
0x4fd: {  	s0 =	sshrl.u32 @!p0 s7, $0x3  }
0x4fe: {  	s16 =	simm.s32 @!p0 $0x100;
	s7 =	simm.s32 @!p0 $0x0;
	s0 =	sadd.s32 @!p0 s2, s0  }
0x4ff: {  	[tilespmem:s16], [sflag:$0x6] =	stream.linear.gather @!p0 [hbm4b:s0+s7], $0xC8, $0x38;
	[tilespmem:$0x1F880] =	vst v63  }
0x500: {  	s0 =	simm.s32 @!p0 $0x6  }
0x501: {  	_ =	swait.ge @!p0 [sflag:s0], $0xC8  }
0x502: {  	[sflag:s0] =	ssyncset.done @!p0 $0x0  }
0x503: {  	s7 =	simm.s32 @!p0 $0x6800;
	[sflag:s0] =	ssyncadd.s32 @!p0 $0xFFFFFF38;
	s0 =	simm.s32 @!p0 $0xC8  }
0x504: {  	[tilespmem:s7], [sflag:$0x2] =	stream.indirect.gather @!p0 [hbm4b:s4+s0], $0x80, s16, s0, $0xb8;
	[tilespmem:$0x1F880] =	vst v63  }
0x505: {  	_ =	swait.ge [sflag:s22], $0x6400  }
0x506: {  	[sflag:s22] =	ssyncset.done $0x0  }
0x507: {  	[sflag:s22] =	ssyncadd.s32 $0xFFFF9C00  }
0x508: {  	_ =	swait.ge [sflag:s17], $0x1900  }
0x509: {  	[sflag:s17] =	ssyncset.done $0x0  }
0x50a: {  	[sflag:s17] =	ssyncadd.s32 $0xFFFFE700  }
0x50b: {  	_ =	swait.ge [sflag:s17], $0x1900  }
0x50c: {  	[sflag:s17] =	ssyncset.done $0x0  }
0x50d: {  	[sflag:s17] =	ssyncadd.s32 $0xFFFFE700  }
0x50e: {  	_ =	swait.ge [sflag:s17], $0x1900  }
0x50f: {  	[sflag:s17] =	ssyncset.done $0x0  }
0x510: {  	[sflag:s17] =	ssyncadd.s32 $0xFFFFE700  }
0x511: {  	_ =	swait.ge [sflag:s17], $0x1900  }
0x512: {  	[sflag:s17] =	ssyncset.done $0x0  }
0x513: {  	s24 =	simm.s32 $0x13200;
	[sflag:s17] =	ssyncadd.s32 $0xFFFFE700  }
0x514: {  	v44 =	vld [tilespmem:s24+$0x180];
	_ =	sdelay $0x4  }
0x515: {  	[tilespmem:$0x1FBB0] =	vst v44  }
0x516: {  	v4 =	vld [tilespmem:s24+$0x190];
	_ =	sdelay $0x4  }
0x517: {  	[tilespmem:$0x1FBC0] =	vst v4  }
0x518: {  	v5 =	vld [tilespmem:s24+$0x1A0];
	_ =	sdelay $0x4  }
0x519: {  	[tilespmem:$0x1FBD0] =	vst v5  }
0x51a: {  	v15 =	vld [tilespmem:s24+$0x1B0]  }
0x51b: {  	v29 =	vld [tilespmem:s24+$0xFFFFFE10]  }
0x51c: {  	v30 =	vld [tilespmem:s24+$0xFFFFFE20]  }
0x51d: {  	v31 =	vld [tilespmem:s24+$0xFFFFFE30]  }
0x51e: {  	v24 =	vld [tilespmem:s24+$0xFFFFFE80]  }
0x51f: {  	v23 =	vld [tilespmem:s24+$0xFFFFFE90]  }
0x520: {  	v25 =	vld [tilespmem:s24+$0xFFFFFEA0]  }
0x521: {  	v26 =	vld [tilespmem:s24+$0xFFFFFEB0]  }
0x522: {  	v16 =	vld [tilespmem:s24+$0xFFFFFF00]  }
0x523: {  	v17 =	vld [tilespmem:s24+$0xFFFFFF10]  }
0x524: {  	v18 =	vld [tilespmem:s24+$0xFFFFFF20]  }
0x525: {  	v20 =	vld [tilespmem:s24+$0xFFFFFF30]  }
0x526: {  	v19 =	vld [tilespmem:s24+$0xFFFFFF80]  }
0x527: {  	v2 =	vmul.f32 v44, v44;
	v47 =	vmul.f32 v4, v4;
	v21 =	vld [tilespmem:s24+$0xFFFFFF90]  }
0x528: {  	v28 =	vld [tilespmem:s24+$0x0]  }
0x529: {  	v45 =	vadd.f32 v4, v44;
	v2 =	vadd.f32 v47, v2;
	v4 =	vmul.f32 v5, v5;
	v35 =	vld [tilespmem:s24+$0x30]  }
0x52a: {  	v36 =	vld [tilespmem:s24+$0x80];
	v46 =	vadd.f32 v15, v5;
	v5 =	vmul.f32 v15, v15;
	v12 =	vmul.f32 v29, v29  }
0x52b: {  	v37 =	vld [tilespmem:s24+$0x90];
	v6 =	vadd.f32 v31, v30;
	v7 =	vmul.f32 v24, v24;
	v8 =	vadd.f32 v23, v24  }
0x52c: {  	v9 =	vmul.f32 v25, v25;
	v10 =	vadd.f32 v26, v25;
	v11 =	vmul.f32 v16, v16  }
0x52d: {  	v1 =	vld [tilespmem:$0x1FFC0];
	v52 =	vadd.f32 v17, v16;
	v53 =	vmul.f32 v18, v18;
	v59 =	vadd.f32 v20, v18  }
0x52e: {  	v42 =	vmul.f32 v19, v19;
	v43 =	vadd.f32 v21, v19;
	v47 =	vmul.f32 v28, v28  }
0x52f: {  	v33 =	vld [tilespmem:s24+$0x20];
	v54 =	vmul.f32 v35, v35;
	v55 =	vmul.f32 v36, v36;
	v48 =	vadd.f32 v5, v4  }
0x530: {  	v32 =	vld [tilespmem:s24+$0x10];
	v3 =	vadd.f32 v37, v36;
	v0 =	vadd.f32 v46, v45;
	v4 =	vmul.f32 v30, v30  }
0x531: {  	v5 =	vmul.f32 v31, v31;
	v8 =	vadd.f32 v10, v8;
	v27 =	vadd.f32 v48, v2;
	v2 =	vld [tilespmem:$0x1FFE0]  }
0x532: {  	v10 =	vmul.f32 v17, v17;
	v13 =	vadd.f32 v59, v52;
	v49 =	vperm.xlane v0, v1  }
0x533: {  	v45 =	vmul.f32 v21, v21;
	v4 =	vadd.f32 v5, v4;
	v5 =	vmul.f32 v23, v23  }
0x534: {  	v52 =	vadd.f32 v35, v33;
	v0 =	vadd.f32 v0, v49;
	v50 =	vperm.xlane v27, v1  }
0x535: {  	v22 =	vld [tilespmem:s24+$0xFFFFFFA0];
	v10 =	vadd.f32 v10, v11;
	v5 =	vadd.f32 v5, v7;
	v7 =	vmul.f32 v26, v26  }
0x536: {  	v48 =	vadd.f32 v32, v28;
	v38 =	vadd.f32 v50, v27;
	v27 =	vld [tilespmem:s24+$0xFFFFFFB0];
	v51 =	vperm.xlane v0, v2  }
0x537: {  	v45 =	vadd.f32 v45, v42;
	v49 =	vmul.f32 v32, v32;
	v7 =	vadd.f32 v7, v9  }
0x538: {  	v39 =	vld [tilespmem:s24+$0xA0];
	v9 =	vmul.f32 v20, v20;
	v58 =	vperm.xlane v38, v2;
	v0 =	vadd.f32 v0, v51  }
0x539: {  	v48 =	vadd.f32 v52, v48;
	v50 =	vmul.f32 v33, v33;
	v47 =	vadd.f32 v49, v47  }
0x53a: {  	v9 =	vadd.f32 v9, v53;
	v40 =	vadd.f32 v58, v38;
	v62 =	vperm.xlane v0, v63  }
0x53b: {  	v46 =	vmul.f32 v22, v22;
	v50 =	vadd.f32 v54, v50;
	v44 =	vadd.f32 v27, v22  }
0x53c: {  	v5 =	vadd.f32 v7, v5;
	v38 =	vperm.xlane v40, v63;
	v0 =	vadd.f32 v0, v62;
	v62 =	vld [tilespmem:$0x1FFF0]  }
0x53d: {  	v7 =	vperm.xlane v8, v1;
	v58 =	vmul.f32 v39, v39;
	v53 =	vadd.f32 v44, v43;
	v44 =	vld [tilespmem:s24+$0xFFFFFE00]  }
0x53e: {  	v47 =	vadd.f32 v50, v47;
	v50 =	vperm.xlane v48, v1;
	v56 =	vadd.f32 v38, v40;
	v40 =	vld [tilespmem:s24+$0xB0]  }
0x53f: {  	v7 =	vadd.f32 v8, v7;
	v8 =	vperm.xlane v5, v1;
	v11 =	vmul.f32 v27, v27;
	v38 =	vld [tilespmem:s24+$0x100]  }
0x540: {  	v9 =	vadd.f32 v9, v10;
	v48 =	vadd.f32 v48, v50;
	v50 =	vperm.xlane v47, v1  }
0x541: {  	v42 =	vld [tilespmem:s24+$0x120];
	v5 =	vadd.f32 v8, v5;
	v11 =	vadd.f32 v11, v46;
	v41 =	vperm.xlane v0, v62  }
0x542: {  	v10 =	vperm.xlane v13, v1;
	v43 =	vld [tilespmem:s24+$0x130];
	v47 =	vadd.f32 v50, v47;
	v49 =	vadd.f32 v29, v44  }
0x543: {  	v11 =	vadd.f32 v11, v45;
	v51 =	vperm.xlane v56, v62;
	v0 =	vadd.f32 v0, v41;
	v41 =	vld [tilespmem:s24+$0x110]  }
0x544: {  	v59 =	vmul.f32 v40, v40;
	v52 =	vmul.f32 v38, v38;
	v6 =	vadd.f32 v6, v49  }
0x545: {  	v34 =	vmul.f32 $1.562500000e-02, v0;
	v0 =	vadd.f32 v51, v56;
	v56 =	vadd.f32 v40, v39  }
0x546: {  	v49 =	vmul.f32 v42, v42;
	v58 =	vadd.f32 v59, v58;
	v51 =	vmul.f32 v37, v37  }
0x547: {  	v0 =	vmul.f32 $1.562500000e-02, v0;
	v57 =	vmul.f32 v34, v34;
	v14 =	vadd.f32 v56, v3  }
0x548: {  	v56 =	vadd.f32 v43, v42;
	v51 =	vadd.f32 v51, v55;
	v54 =	vmul.f32 v41, v41  }
0x549: {  	v46 =	vadd.f32 v41, v38;
	v0 =	vsub.f32 v0, v57;
	v57 =	vmul.f32 v44, v44  }
0x54a: {  	v51 =	vadd.f32 v58, v51;
	v52 =	vadd.f32 v54, v52;
	v54 =	vperm.xlane v6, v1  }
0x54b: {  	v3 =	vmul.f32 v43, v43;
	v56 =	vadd.f32 v56, v46;
	v0 =	vadd.f32 $9.999999740e-06, v0  }
0x54c: {  	v55 =	vperm.xlane v14, v1;
	v12 =	vadd.f32 v12, v57;
	v6 =	vadd.f32 v6, v54  }
0x54d: {  	v58 =	vperm.xlane v56, v1;
	v54 =	vperm.xlane v51, v1;
	v57 =	vshrl.u32 v0, $0x1  }
0x54e: {  	v0 =	vmul.f32 $5.000000000e-01, v0;
	v12 =	vadd.f32 v4, v12;
	v4 =	vadd.f32 v3, v49  }
0x54f: {  	v49 =	vperm.xlane v53, v1;
	v57 =	vsub.s32 $0x5F3759DF, v57;
	v45 =	vadd.f32 v56, v58  }
0x550: {  	v51 =	vadd.f32 v54, v51;
	v59 =	vmul.f32 v57, v0;
	v4 =	vadd.f32 v4, v52  }
0x551: {  	v49 =	vadd.f32 v53, v49;
	v53 =	vperm.xlane v11, v1;
	v58 =	vperm.xlane v45, v2  }
0x552: {  	v15 =	vsub.f32 v15, v34;
	v50 =	vperm.xlane v51, v2;
	v59 =	vmul.f32 v57, v59  }
0x553: {  	v52 =	vperm.xlane v4, v1;
	v11 =	vadd.f32 v53, v11;
	v45 =	vadd.f32 v45, v58  }
0x554: {  	v53 =	vperm.xlane v48, v2;
	v50 =	vadd.f32 v50, v51;
	v3 =	vsub.f32 $1.500000000e+00, v59  }
0x555: {  	v59 =	vperm.xlane v12, v1;
	v4 =	vadd.f32 v52, v4;
	v52 =	vperm.xlane v5, v2  }
0x556: {  	v48 =	vadd.f32 v48, v53;
	v53 =	vperm.xlane v47, v2;
	v51 =	vperm.xlane v45, v63  }
0x557: {  	v46 =	vmul.f32 v57, v3;
	v3 =	vadd.f32 v13, v10;
	v10 =	vperm.xlane v9, v1  }
0x558: {  	v13 =	vadd.f32 v14, v55;
	v55 =	vperm.xlane v6, v2;
	v12 =	vadd.f32 v59, v12  }
0x559: {  	v1 =	vperm.xlane v7, v2;
	v5 =	vadd.f32 v52, v5;
	v47 =	vadd.f32 v53, v47  }
0x55a: {  	v53 =	vperm.xlane v50, v63;
	v45 =	vadd.f32 v45, v51;
	v0 =	vmul.f32 v46, v0  }
0x55b: {  	v8 =	vperm.xlane v3, v2;
	v9 =	vadd.f32 v10, v9;
	v10 =	vperm.xlane v49, v2  }
0x55c: {  	v57 =	vperm.xlane v13, v2;
	v6 =	vadd.f32 v6, v55;
	v59 =	vperm.xlane v12, v2  }
0x55d: {  	v7 =	vadd.f32 v7, v1;
	v55 =	vperm.xlane v4, v2;
	v0 =	vmul.f32 v0, v46  }
0x55e: {  	v3 =	vadd.f32 v3, v8;
	v8 =	vperm.xlane v9, v2;
	v10 =	vadd.f32 v49, v10  }
0x55f: {  	v49 =	vperm.xlane v11, v2;
	v1 =	vadd.f32 v13, v57;
	v54 =	vperm.xlane v6, v63  }
0x560: {  	v12 =	vadd.f32 v59, v12;
	v56 =	vperm.xlane v7, v63;
	v57 =	vperm.xlane v48, v63  }
0x561: {  	v4 =	vadd.f32 v55, v4;
	v55 =	vperm.xlane v5, v63;
	v0 =	vsub.f32 $1.500000000e+00, v0  }
0x562: {  	v2 =	vperm.xlane v3, v63;
	v8 =	vadd.f32 v8, v9;
	v9 =	vperm.xlane v10, v63  }
0x563: {  	v11 =	vadd.f32 v49, v11;
	v58 =	vperm.xlane v1, v63;
	v6 =	vadd.f32 v6, v54  }
0x564: {  	v54 =	vperm.xlane v12, v63;
	v7 =	vadd.f32 v7, v56;
	v48 =	vadd.f32 v48, v57  }
0x565: {  	v49 =	vperm.xlane v47, v63;
	v51 =	vperm.xlane v4, v63;
	v5 =	vadd.f32 v55, v5  }
0x566: {  	v3 =	vadd.f32 v3, v2;
	v52 =	vperm.xlane v8, v63;
	v9 =	vadd.f32 v10, v9  }
0x567: {  	v10 =	vperm.xlane v11, v63;
	v2 =	vadd.f32 v1, v58;
	v56 =	vperm.xlane v6, v62  }
0x568: {  	v1 =	vadd.f32 v54, v12;
	v54 =	vperm.xlane v7, v62;
	v57 =	vadd.f32 v49, v47  }
0x569: {  	v49 =	vperm.xlane v45, v62;
	v4 =	vadd.f32 v51, v4;
	v51 =	vperm.xlane v5, v62  }
0x56a: {  	v50 =	vadd.f32 v53, v50;
	v46 =	vmul.f32 v0, v46;
	v55 =	vperm.xlane v3, v62  }
0x56b: {  	v8 =	vadd.f32 v52, v8;
	v52 =	vperm.xlane v9, v62;
	v10 =	vadd.f32 v10, v11  }
0x56c: {  	v11 =	vperm.xlane v48, v62;
	v59 =	vperm.xlane v2, v62;
	v6 =	vadd.f32 v6, v56  }
0x56d: {  	v53 =	vperm.xlane v1, v62;
	v7 =	vadd.f32 v7, v54;
	v45 =	vadd.f32 v45, v49  }
0x56e: {  	v56 =	vperm.xlane v50, v62;
	v5 =	vadd.f32 v51, v5;
	v3 =	vadd.f32 v3, v55  }
0x56f: {  	v54 =	vperm.xlane v8, v62;
	v9 =	vadd.f32 v9, v52;
	v52 =	vperm.xlane v10, v62  }
0x570: {  	v11 =	vadd.f32 v48, v11;
	v55 =	vperm.xlane v57, v62;
	v62 =	vperm.xlane v4, v62  }
0x571: {  	v2 =	vadd.f32 v2, v59;
	v6 =	vmul.f32 $1.562500000e-02, v6;
	v7 =	vmul.f32 $1.562500000e-02, v7  }
0x572: {  	v1 =	vadd.f32 v53, v1;
	v45 =	vmul.f32 $1.562500000e-02, v45;
	v5 =	vmul.f32 $1.562500000e-02, v5  }
0x573: {  	v3 =	vmul.f32 $1.562500000e-02, v3;
	v8 =	vadd.f32 v54, v8;
	v49 =	vmul.f32 $1.562500000e-02, v9  }
0x574: {  	v9 =	vadd.f32 v52, v10;
	v48 =	vmul.f32 $1.562500000e-02, v11;
	v47 =	vmul.f32 $1.562500000e-02, v2  }
0x575: {  	v55 =	vadd.f32 v55, v57;
	v1 =	vmul.f32 $1.562500000e-02, v1;
	v11 =	vmul.f32 v6, v6  }
0x576: {  	v10 =	vadd.f32 v56, v50;
	v56 =	vmul.f32 v7, v7;
	v8 =	vmul.f32 $1.562500000e-02, v8  }
0x577: {  	v1 =	vsub.f32 v1, v11;
	v11 =	vmul.f32 v3, v3;
	v9 =	vmul.f32 $1.562500000e-02, v9  }
0x578: {  	v4 =	vadd.f32 v62, v4;
	v57 =	vmul.f32 v49, v49;
	v2 =	vmul.f32 $1.562500000e-02, v55  }
0x579: {  	v5 =	vsub.f32 v5, v56;
	v10 =	vmul.f32 $1.562500000e-02, v10;
	v58 =	vmul.f32 v47, v47  }
0x57a: {  	v8 =	vsub.f32 v8, v11;
	v11 =	vmul.f32 v48, v48;
	v9 =	vsub.f32 v9, v57  }
0x57b: {  	v4 =	vmul.f32 $1.562500000e-02, v4;
	v1 =	vadd.f32 $9.999999740e-06, v1;
	v59 =	vadd.f32 $9.999999740e-06, v5  }
0x57c: {  	v5 =	vsub.f32 v10, v58;
	v2 =	vsub.f32 v2, v11;
	v11 =	vmul.f32 v45, v45  }
0x57d: {  	v10 =	vshrl.u32 v1, $0x1;
	v8 =	vadd.f32 $9.999999740e-06, v8;
	v1 =	vmul.f32 $5.000000000e-01, v1  }
0x57e: {  	v9 =	vadd.f32 $9.999999740e-06, v9;
	v5 =	vadd.f32 $9.999999740e-06, v5;
	v0 =	vmul.f32 $5.000000000e-01, v59  }
0x57f: {  	v10 =	vsub.s32 $0x5F3759DF, v10;
	v4 =	vsub.f32 v4, v11;
	v2 =	vadd.f32 $9.999999740e-06, v2  }
0x580: {  	v11 =	vshrl.u32 v59, $0x1;
	v50 =	vshrl.u32 v8, $0x1;
	v8 =	vmul.f32 $5.000000000e-01, v8  }
0x581: {  	v51 =	vshrl.u32 v9, $0x1;
	v9 =	vmul.f32 $5.000000000e-01, v9;
	v53 =	vmul.f32 v10, v1  }
0x582: {  	v54 =	vshrl.u32 v5, $0x1;
	v5 =	vmul.f32 $5.000000000e-01, v5;
	v11 =	vsub.s32 $0x5F3759DF, v11  }
0x583: {  	v50 =	vsub.s32 $0x5F3759DF, v50;
	v51 =	vsub.s32 $0x5F3759DF, v51;
	v54 =	vsub.s32 $0x5F3759DF, v54  }
0x584: {  	v52 =	vshrl.u32 v2, $0x1;
	v2 =	vmul.f32 $5.000000000e-01, v2;
	v55 =	vmul.f32 v11, v0  }
0x585: {  	v4 =	vadd.f32 $9.999999740e-06, v4;
	v53 =	vmul.f32 v10, v53;
	v57 =	vmul.f32 v50, v8  }
0x586: {  	v58 =	vmul.f32 v51, v9;
	v56 =	vmul.f32 v54, v5;
	v52 =	vsub.s32 $0x5F3759DF, v52  }
0x587: {  	v62 =	vshrl.u32 v4, $0x1;
	v4 =	vmul.f32 $5.000000000e-01, v4;
	v55 =	vmul.f32 v11, v55  }
0x588: {  	v53 =	vsub.f32 $1.500000000e+00, v53;
	v59 =	vmul.f32 v52, v2;
	v57 =	vmul.f32 v50, v57  }
0x589: {  	v44 =	vsub.f32 v44, v6;
	v58 =	vmul.f32 v51, v58;
	v56 =	vmul.f32 v54, v56  }
0x58a: {  	v55 =	vsub.f32 $1.500000000e+00, v55;
	v10 =	vmul.f32 v10, v53;
	v53 =	vsub.s32 $0x5F3759DF, v62  }
0x58b: {  	v59 =	vmul.f32 v52, v59;
	v57 =	vsub.f32 $1.500000000e+00, v57;
	v58 =	vsub.f32 $1.500000000e+00, v58  }
0x58c: {  	v56 =	vsub.f32 $1.500000000e+00, v56;
	v62 =	vmul.f32 v53, v4;
	v11 =	vmul.f32 v11, v55  }
0x58d: {  	v29 =	vsub.f32 v29, v6;
	v1 =	vmul.f32 v10, v1;
	v50 =	vmul.f32 v50, v57  }
0x58e: {  	v59 =	vsub.f32 $1.500000000e+00, v59;
	v51 =	vmul.f32 v51, v58;
	v54 =	vmul.f32 v54, v56  }
0x58f: {  	v30 =	vsub.f32 v30, v6;
	v55 =	vmul.f32 v53, v62;
	v1 =	vmul.f32 v1, v10  }
0x590: {  	v6 =	vsub.f32 v31, v6;
	v52 =	vmul.f32 v52, v59;
	v0 =	vmul.f32 v11, v0  }
0x591: {  	v23 =	vsub.f32 v23, v7;
	v8 =	vmul.f32 v50, v8;
	v9 =	vmul.f32 v51, v9  }
0x592: {  	v5 =	vmul.f32 v54, v5;
	v55 =	vsub.f32 $1.500000000e+00, v55;
	v2 =	vmul.f32 v52, v2  }
0x593: {  	v1 =	vsub.f32 $1.500000000e+00, v1;
	v0 =	vmul.f32 v0, v11;
	v8 =	vmul.f32 v8, v50  }
0x594: {  	v9 =	vmul.f32 v9, v51;
	v53 =	vmul.f32 v53, v55;
	v55 =	vsub.f32 v38, v45  }
0x595: {  	v1 =	vmul.f32 v1, v10;
	v10 =	vsub.f32 v24, v7;
	v24 =	vsub.f32 v25, v7  }
0x596: {  	v5 =	vmul.f32 v5, v54;
	v7 =	vsub.f32 v26, v7;
	v0 =	vsub.f32 $1.500000000e+00, v0  }
0x597: {  	v2 =	vmul.f32 v2, v52;
	v8 =	vsub.f32 $1.500000000e+00, v8;
	v9 =	vsub.f32 $1.500000000e+00, v9  }
0x598: {  	v5 =	vsub.f32 $1.500000000e+00, v5;
	v26 =	vsub.f32 v39, v47  }
0x599: {  	v4 =	vmul.f32 v53, v4;
	v0 =	vmul.f32 v0, v11;
	v2 =	vsub.f32 $1.500000000e+00, v2  }
0x59a: {  	v8 =	vmul.f32 v8, v50;
	v9 =	vmul.f32 v9, v51;
	v11 =	vsub.f32 v16, v3  }
0x59b: {  	v16 =	vsub.f32 v17, v3;
	v17 =	vsub.f32 v18, v3;
	v25 =	vmul.f32 v1, v44  }
0x59c: {  	v3 =	vsub.f32 v20, v3;
	v31 =	vmul.f32 v1, v29;
	v30 =	vmul.f32 v1, v30  }
0x59d: {  	v1 =	vmul.f32 v1, v6;
	v6 =	vsub.f32 v19, v49;
	v18 =	vsub.f32 v21, v49  }
0x59e: {  	v5 =	vmul.f32 v5, v54;
	v19 =	vsub.f32 v22, v49;
	v20 =	vsub.f32 v27, v49  }
0x59f: {  	v21 =	vsub.f32 v32, v48;
	v4 =	vmul.f32 v4, v53;
	v2 =	vmul.f32 v2, v52  }
0x5a0: {  	v27 =	vsub.f32 v42, v45;
	v11 =	vmul.f32 v8, v11;
	v50 =	vmul.f32 v8, v16  }
0x5a1: {  	v51 =	vmul.f32 v8, v17;
	v3 =	vmul.f32 v8, v3;
	v8 =	vsub.f32 v36, v47  }
0x5a2: {  	v6 =	vmul.f32 v9, v6;
	v52 =	vmul.f32 v9, v18;
	v4 =	vsub.f32 $1.500000000e+00, v4  }
0x5a3: {  	v16 =	vsub.f32 v35, v48;
	v26 =	vmul.f32 v5, v26;
	v54 =	vmul.f32 v2, v21  }
0x5a4: {  	v17 =	vsub.f32 v37, v47;
	v21 =	vmul.f32 v5, v8;
	v4 =	vmul.f32 v4, v53  }
0x5a5: {  	v12 =	vld [tilespmem:$0x1FBB0];
	v18 =	vsub.f32 v40, v47;
	v53 =	vmul.f32 v9, v19;
	v9 =	vmul.f32 v9, v20  }
0x5a6: {  	v20 =	vmul.f32 v2, v16;
	v16 =	vsub.f32 v41, v45;
	v19 =	vmul.f32 v5, v17  }
0x5a7: {  	v8 =	vsub.f32 v43, v45;
	v17 =	vmul.f32 v5, v18;
	v5 =	vmul.f32 v46, v15  }
0x5a8: {  	v18 =	vmul.f32 v4, v55;
	v15 =	vmul.f32 v4, v16  }
0x5a9: {  	v29 =	vmul.f32 v4, v27;
	v16 =	vmul.f32 v4, v8;
	v4 =	vld [tilespmem:$0x1FF90]  }
0x5aa: {  	v14 =	vsub.f32 v12, v34;
	v12 =	vld [tilespmem:$0x1FBD0];
	_ =	sdelay $0x2  }
0x5ab: {  	v56 =	vld [tilespmem:$0x1FBC0]  }
0x5ac: {  	v10 =	vmul.f32 v0, v10;
	v4 =	vmul.f32 v5, v4;
	v5 =	vld [tilespmem:$0x1FFB0]  }
0x5ad: {  	v12 =	vsub.f32 v12, v34;
	v44 =	vld [tilespmem:$0x1FF60];
	v22 =	vmul.f32 v0, v23;
	v23 =	vmul.f32 v0, v24  }
0x5ae: {  	v0 =	vmul.f32 v0, v7;
	v7 =	vsub.f32 v28, v48;
	v24 =	vsub.f32 v33, v48  }
0x5af: {  	v28 =	vmul.f32 v46, v12;
	v57 =	vmul.f32 v25, v60;
	v12 =	vld [tilespmem:$0x1FF90]  }
0x5b0: {  	v7 =	vmul.f32 v2, v7;
	v24 =	vmul.f32 v2, v24;
	v2 =	vsub.f32 v56, v34  }
0x5b1: {  	v4 =	vadd.f32 v4, v5  }
0x5b2: {  	s7 =	simm.s32 $0x19600;
	v45 =	vld [tilespmem:$0x1FF70];
	v27 =	vmul.f32 v46, v2;
	v2 =	vadd.f32 v57, v44  }
0x5b3: {  	v8 =	vld [tilespmem:$0x1FF80];
	[tilespmem:s7+$0x1B0] =	vst v4  }
0x5b4: {  	v1 =	vmul.f32 v1, v12;
	v12 =	vld [tilespmem:$0x1FF80];
	[tilespmem:s7+$0xFFFFFE00] =	vst v2  }
0x5b5: {  	v2 =	vld [tilespmem:$0x1FFA0]  }
0x5b6: {  	v5 =	vmul.f32 v31, v61;
	_ =	sdelay $0x1  }
0x5b7: {  	v8 =	vmul.f32 v30, v8;
	v4 =	vadd.f32 v5, v45;
	_ =	sdelay $0x1  }
0x5b8: {  	v2 =	vadd.f32 v8, v2;
	v8 =	vld [tilespmem:$0x1FF90];
	[tilespmem:s7+$0xFFFFFE10] =	vst v4  }
0x5b9: {  	v4 =	vld [tilespmem:$0x1FFB0];
	_ =	sdelay $0x3  }
0x5ba: {  	v10 =	vmul.f32 v10, v60  }
0x5bb: {  	v1 =	vadd.f32 v1, v4  }
0x5bc: {  	v58 =	vadd.f32 v10, v44;
	v4 =	vld [tilespmem:$0x1FF80];
	[tilespmem:s7+$0xFFFFFE20] =	vst v2  }
0x5bd: {  	v10 =	vld [tilespmem:$0x1FFA0];
	[tilespmem:s7+$0xFFFFFE30] =	vst v1  }
0x5be: {  	v13 =	vmul.f32 v46, v14;
	v62 =	vld [tilespmem:$0x1FF80];
	[tilespmem:s7+$0xFFFFFE80] =	vst v58  }
0x5bf: {  	v14 =	vmul.f32 v6, v60;
	v34 =	vmul.f32 v9, v8;
	v9 =	vld [tilespmem:$0x1FFB0]  }
0x5c0: {  	v33 =	vmul.f32 v7, v60;
	v30 =	vmul.f32 v54, v61;
	v7 =	vld [tilespmem:$0x1FF80]  }
0x5c1: {  	v5 =	vmul.f32 v22, v61;
	v22 =	vmul.f32 v50, v61  }
0x5c2: {  	v25 =	vmul.f32 v23, v12;
	v23 =	vmul.f32 v11, v60  }
0x5c3: {  	v59 =	vadd.f32 v5, v45;
	v12 =	vmul.f32 v52, v61;
	v0 =	vmul.f32 v0, v8  }
0x5c4: {  	v35 =	vmul.f32 v3, v8;
	v36 =	vmul.f32 v51, v4;
	v25 =	vadd.f32 v25, v10  }
0x5c5: {  	s21 =	simm.s32 $0x0;
	s0 =	simm.s32 $0x13600;
	s16 =	simm.s32 $0x19600;
	[tilespmem:s7+$0xFFFFFE90] =	vst v59;
	v31 =	vmul.f32 v53, v62;
	v37 =	vadd.f32 v0, v9;
	v32 =	vmul.f32 v24, v7  }
.LBB2_9:
0x5c6: {  	_ = 	snop  }
0x5c7: {  	v48 =	vmul.f32 v21, v60;
	[tilespmem:s7+$0xFFFFFEA0] =	vst v25  }
0x5c8: {  	v2 =	vmul.f32 v19, v61;
	[tilespmem:s7+$0xFFFFFEB0] =	vst v37  }
0x5c9: {  	v6 =	vld [tilespmem:s0+$0x180];
	v50 =	vmul.f32 v26, v7;
	[tilespmem:$0x1FB00] =	vst v48  }
0x5ca: {  	v0 =	vadd.f32 v23, v44;
	v3 =	vld [tilespmem:s0+$0x190];
	[tilespmem:$0x1FB10] =	vst v2  }
0x5cb: {  	v4 =	vld [tilespmem:s0+$0x1A0];
	v56 =	vmul.f32 v18, v60;
	[tilespmem:$0x1FB20] =	vst v50  }
0x5cc: {  	v49 =	vadd.f32 v22, v45;
	v40 =	vld [tilespmem:s0+$0xFFFFFE20];
	[tilespmem:s7+$0xFFFFFF00] =	vst v0  }
0x5cd: {  	v38 =	vmul.f32 v27, v61;
	v42 =	vld [tilespmem:s0+$0xFFFFFE30];
	[tilespmem:$0x1FB40] =	vst v56  }
0x5ce: {  	v62 =	vadd.f32 v14, v44;
	v52 =	vld [tilespmem:$0x1FFC0];
	[tilespmem:s7+$0xFFFFFF10] =	vst v49  }
0x5cf: {  	v57 =	vadd.f32 v35, v9;
	v56 =	vld [tilespmem:s0+$0x1B0];
	[tilespmem:$0x1FB90] =	vst v38  }
0x5d0: {  	v37 =	vadd.f32 v12, v45;
	[tilespmem:s7+$0xFFFFFF80] =	vst v62;
	v45 =	vld [tilespmem:s0+$0xFFFFFE80]  }
0x5d1: {  	v43 =	vadd.f32 v34, v9;
	v50 =	vld [tilespmem:$0x1FF70];
	[tilespmem:s7+$0xFFFFFF30] =	vst v57  }
0x5d2: {  	v46 =	vld [tilespmem:s0+$0xFFFFFE90];
	[tilespmem:s7+$0xFFFFFF90] =	vst v37  }
0x5d3: {  	v47 =	vld [tilespmem:s0+$0xFFFFFEA0];
	[tilespmem:s7+$0xFFFFFFB0] =	vst v43;
	v55 =	vmul.f32 v17, v8  }
0x5d4: {  	v58 =	vmul.f32 v15, v61;
	v59 =	vmul.f32 v29, v7;
	v38 =	vld [tilespmem:s0+$0x80];
	v51 =	vadd.f32 v36, v10;
	[tilespmem:$0x1FAC0] =	vst v6  }
0x5d5: {  	v39 =	vmul.f32 v28, v7;
	v1 =	vmul.f32 v20, v8;
	[tilespmem:$0x1FB30] =	vst v55;
	v55 =	vld [tilespmem:s0+$0xFFFFFE10]  }
0x5d6: {  	v35 =	vmul.f32 v16, v8;
	v41 =	vadd.f32 v31, v10;
	[tilespmem:s7+$0xFFFFFF20] =	vst v51;
	v2 =	vadd.f32 v30, v50;
	v30 =	vld [tilespmem:s0+$0xFFFFFEB0]  }
0x5d7: {  	v36 =	vmul.f32 v13, v60;
	v7 =	vmov v3;
	[tilespmem:$0x1FAD0] =	vst v3;
	v3 =	vadd.f32 v3, v6;
	v31 =	vld [tilespmem:s0+$0xFFFFFF00]  }
0x5d8: {  	v8 =	vmov v4;
	v5 =	vmul.f32 v6, v6;
	v6 =	vmul.f32 v7, v7;
	[tilespmem:s7+$0xFFFFFFA0] =	vst v41;
	v34 =	vld [tilespmem:s0+$0xFFFFFF10]  }
0x5d9: {  	v48 =	vadd.f32 v33, v44;
	[tilespmem:$0x1FB80] =	vst v36;
	v49 =	vmul.f32 v8, v8;
	v8 =	vmul.f32 v40, v40;
	v36 =	vld [tilespmem:s0+$0xFFFFFF80]  }
0x5da: {  	[tilespmem:$0x1FAE0] =	vst v4;
	v51 =	vmul.f32 v42, v42;
	v4 =	vadd.f32 v56, v4;
	v7 =	vmul.f32 v56, v56;
	v41 =	vld [tilespmem:s0+$0xFFFFFF90]  }
0x5db: {  	v22 =	vadd.f32 v42, v40;
	v9 =	vmul.f32 v47, v47;
	v27 =	vld [tilespmem:s0+$0xFFFFFFA0];
	v13 =	vmul.f32 v38, v38  }
0x5dc: {  	v29 =	vld [tilespmem:s0+$0xFFFFFFB0];
	v23 =	vadd.f32 v51, v8;
	v8 =	vmul.f32 v46, v46;
	v3 =	vadd.f32 v4, v3  }
0x5dd: {  	[tilespmem:$0x1FB70] =	vst v35;
	v35 =	vld [tilespmem:s0+$0xFFFFFF20];
	v4 =	vadd.f32 v6, v5;
	v0 =	vadd.f32 v7, v49;
	v5 =	vmul.f32 v45, v45  }
0x5de: {  	[tilespmem:$0x1FBA0] =	vst v39;
	v39 =	vld [tilespmem:s0+$0xFFFFFF30];
	v6 =	vadd.f32 v32, v10;
	v7 =	vadd.f32 v46, v45;
	v54 =	vmul.f32 v55, v55  }
0x5df: {  	[tilespmem:s7+$0x10] =	vst v2;
	v2 =	vld [tilespmem:$0x1FFE0];
	v0 =	vadd.f32 v0, v4;
	v4 =	vperm.xlane v3, v52;
	v20 =	vadd.f32 v8, v5  }
0x5e0: {  	[tilespmem:s7+$0x20] =	vst v6;
	v6 =	vadd.f32 v30, v47;
	v8 =	vmul.f32 v30, v30;
	v11 =	vadd.f32 v34, v31  }
0x5e1: {  	v62 =	vld [tilespmem:$0x1FFF0];
	[tilespmem:s7+$0x0] =	vst v48;
	v10 =	vmul.f32 v31, v31;
	v48 =	vadd.f32 v41, v36;
	v51 =	vadd.f32 v29, v27  }
0x5e2: {  	[tilespmem:$0x1FB50] =	vst v58;
	v50 =	vld [tilespmem:s0+$0x100];
	v3 =	vadd.f32 v3, v4;
	v4 =	vperm.xlane v0, v52;
	v58 =	vadd.f32 v6, v7  }
0x5e3: {  	v28 =	vld [tilespmem:s0+$0x0];
	v6 =	vmul.f32 v35, v35;
	v7 =	vadd.f32 v39, v35;
	v19 =	vadd.f32 v8, v9  }
0x5e4: {  	v33 =	vld [tilespmem:s0+$0x10];
	v9 =	vmul.f32 v39, v39;
	v53 =	vperm.xlane v3, v2;
	v0 =	vadd.f32 v4, v0  }
0x5e5: {  	v32 =	vld [tilespmem:s0+$0x20];
	v21 =	vadd.f32 v51, v48;
	v4 =	vmul.f32 v34, v34;
	v25 =	vadd.f32 v7, v11  }
0x5e6: {  	[tilespmem:$0x1FB60] =	vst v59;
	v37 =	vld [tilespmem:s0+$0x30];
	v11 =	vmul.f32 v41, v41;
	v3 =	vadd.f32 v3, v53;
	v59 =	vperm.xlane v0, v2  }
0x5e7: {  	v51 =	vld [tilespmem:s0+$0x110];
	v17 =	vadd.f32 v9, v6;
	v19 =	vadd.f32 v19, v20;
	v53 =	vmul.f32 v36, v36  }
0x5e8: {  	v18 =	vadd.f32 v4, v10;
	v43 =	vperm.xlane v3, v63;
	v0 =	vadd.f32 v59, v0  }
0x5e9: {  	v4 =	vmul.f32 v29, v29;
	v60 =	vmul.f32 v28, v28;
	v61 =	vadd.f32 v33, v28  }
0x5ea: {  	v44 =	vld [tilespmem:s0+$0xA0];
	[tilespmem:$0x1FAF0] =	vst v1;
	v1 =	vmul.f32 v33, v33;
	v3 =	vadd.f32 v3, v43;
	v49 =	vperm.xlane v0, v63  }
0x5eb: {  	v24 =	vmul.f32 v32, v32;
	v48 =	vmul.f32 v37, v37;
	v16 =	vadd.f32 v11, v53;
	v43 =	vld [tilespmem:s0+$0x90]  }
0x5ec: {  	v11 =	vadd.f32 v51, v50;
	v52 =	vperm.xlane v3, v62;
	v0 =	vadd.f32 v49, v0;
	v49 =	vld [tilespmem:s0+$0xB0]  }
0x5ed: {  	v59 =	vmul.f32 v27, v27;
	v14 =	vadd.f32 v1, v60;
	v48 =	vadd.f32 v48, v24  }
0x5ee: {  	v17 =	vadd.f32 v17, v18;
	v3 =	vadd.f32 v3, v52;
	v57 =	vperm.xlane v0, v62  }
0x5ef: {  	v10 =	vmul.f32 v44, v44;
	v53 =	vld [tilespmem:s0+$0x130];
	v63 =	vadd.f32 v37, v32;
	v15 =	vadd.f32 v4, v59  }
0x5f0: {  	v52 =	vld [tilespmem:s0+$0x120];
	v9 =	vmul.f32 v43, v43;
	v26 =	vmul.f32 $1.562500000e-02, v3;
	v0 =	vadd.f32 v57, v0  }
0x5f1: {  	v8 =	vadd.f32 v43, v38;
	v57 =	vld [tilespmem:s0+$0xFFFFFE00];
	v5 =	vadd.f32 v49, v44;
	v59 =	vmul.f32 v49, v49  }
0x5f2: {  	v9 =	vadd.f32 v9, v13;
	v7 =	vmul.f32 $1.562500000e-02, v0;
	v0 =	vmul.f32 v26, v26  }
0x5f3: {  	v12 =	vmul.f32 v50, v50;
	v56 =	vsub.f32 v56, v26;
	v24 =	vadd.f32 v5, v8  }
0x5f4: {  	v6 =	vmul.f32 v51, v51;
	v10 =	vadd.f32 v59, v10;
	v0 =	vsub.f32 v7, v0  }
0x5f5: {  	v60 =	vmul.f32 v52, v52;
	v7 =	vadd.f32 v63, v61;
	v61 =	vadd.f32 v53, v52  }
0x5f6: {  	v63 =	vmul.f32 v53, v53;
	v3 =	vadd.f32 v55, v57;
	v1 =	vadd.f32 $9.999999740e-06, v0;
	v0 =	vld [tilespmem:$0x1FFC0]  }
0x5f7: {  	v4 =	vmul.f32 v57, v57;
	v9 =	vadd.f32 v10, v9;
	v5 =	vadd.f32 v61, v11  }
0x5f8: {  	v11 =	vadd.f32 v48, v14;
	v8 =	vshrl.u32 v1, $0x1;
	v1 =	vmul.f32 $5.000000000e-01, v1  }
0x5f9: {  	v3 =	vadd.f32 v22, v3;
	v54 =	vadd.f32 v54, v4;
	v8 =	vsub.s32 $0x5F3759DF, v8  }
0x5fa: {  	v4 =	vadd.f32 v6, v12;
	v6 =	vadd.f32 v63, v60;
	v13 =	vmul.f32 v8, v1  }
0x5fb: {  	v12 =	vadd.f32 v15, v16;
	v22 =	vperm.xlane v3, v0;
	v20 =	vperm.xlane v58, v0  }
0x5fc: {  	v54 =	vadd.f32 v23, v54;
	v18 =	vperm.xlane v25, v0;
	v15 =	vperm.xlane v21, v0  }
0x5fd: {  	v4 =	vadd.f32 v6, v4;
	v23 =	vperm.xlane v7, v0;
	v10 =	vperm.xlane v24, v0  }
0x5fe: {  	v6 =	vperm.xlane v5, v0;
	v13 =	vmul.f32 v8, v13;
	v59 =	vadd.f32 v3, v22  }
0x5ff: {  	v20 =	vadd.f32 v58, v20;
	v22 =	vperm.xlane v19, v0;
	v16 =	vadd.f32 v25, v18  }
0x600: {  	v18 =	vperm.xlane v17, v0;
	v14 =	vadd.f32 v21, v15;
	v15 =	vperm.xlane v12, v0  }
0x601: {  	v7 =	vadd.f32 v7, v23;
	v23 =	vperm.xlane v11, v0;
	v60 =	vadd.f32 v24, v10  }
0x602: {  	v10 =	vperm.xlane v9, v0;
	v5 =	vadd.f32 v5, v6;
	v13 =	vsub.f32 $1.500000000e+00, v13  }
0x603: {  	v6 =	vperm.xlane v59, v2;
	v61 =	vperm.xlane v20, v2;
	v17 =	vadd.f32 v18, v17  }
0x604: {  	v18 =	vperm.xlane v14, v2;
	v12 =	vadd.f32 v15, v12;
	v15 =	vperm.xlane v7, v2  }
0x605: {  	v63 =	vld [tilespmem:$0x1FFD0];
	v11 =	vadd.f32 v23, v11;
	v9 =	vadd.f32 v10, v9;
	v10 =	vperm.xlane v5, v2  }
0x606: {  	v8 =	vmul.f32 v8, v13;
	v13 =	vperm.xlane v54, v0;
	v14 =	vadd.f32 v14, v18  }
0x607: {  	v18 =	vperm.xlane v12, v2;
	v7 =	vadd.f32 v7, v15;
	v15 =	vperm.xlane v11, v2  }
0x608: {  	v21 =	vadd.f32 v59, v6;
	v59 =	vperm.xlane v9, v2;
	v1 =	vmul.f32 v8, v1  }
0x609: {  	v5 =	vadd.f32 v5, v10;
	v24 =	vadd.f32 v13, v54;
	v13 =	vperm.xlane v4, v0  }
0x60a: {  	v10 =	vperm.xlane v21, v63;
	v12 =	vadd.f32 v18, v12;
	v1 =	vmul.f32 v1, v8  }
0x60b: {  	v18 =	vperm.xlane v7, v63;
	v11 =	vadd.f32 v15, v11;
	v3 =	vadd.f32 v59, v9  }
0x60c: {  	v9 =	vperm.xlane v5, v63;
	v4 =	vadd.f32 v13, v4;
	v1 =	vsub.f32 $1.500000000e+00, v1  }
0x60d: {  	v23 =	vld [tilespmem:$0x1FF90];
	v6 =	vperm.xlane v24, v2;
	v13 =	vadd.f32 v20, v61;
	v7 =	vadd.f32 v7, v18  }
0x60e: {  	v18 =	vperm.xlane v11, v63;
	v54 =	vmul.f32 v1, v8;
	v8 =	vadd.f32 v22, v19  }
0x60f: {  	v5 =	vadd.f32 v5, v9;
	v19 =	vperm.xlane v16, v2;
	v22 =	vperm.xlane v60, v2  }
0x610: {  	v11 =	vadd.f32 v18, v11;
	v0 =	vmul.f32 v54, v56;
	v20 =	vperm.xlane v8, v2  }
0x611: {  	v16 =	vadd.f32 v16, v19;
	v19 =	vperm.xlane v17, v2;
	v58 =	vadd.f32 v60, v22  }
0x612: {  	v22 =	vperm.xlane v13, v63;
	v60 =	vadd.f32 v21, v10;
	v0 =	vmul.f32 v0, v23  }
0x613: {  	v8 =	vadd.f32 v20, v8;
	v20 =	vperm.xlane v16, v63;
	v17 =	vadd.f32 v19, v17  }
0x614: {  	v23 =	vld [tilespmem:$0x1FFB0];
	v19 =	vperm.xlane v14, v63;
	v10 =	vadd.f32 v13, v22;
	v22 =	vperm.xlane v60, v62  }
0x615: {  	v21 =	vld [tilespmem:$0x1FAC0];
	v13 =	vperm.xlane v8, v63;
	v16 =	vadd.f32 v16, v20;
	v20 =	vperm.xlane v17, v63  }
0x616: {  	v14 =	vadd.f32 v14, v19;
	v19 =	vperm.xlane v12, v63;
	v1 =	vadd.f32 v60, v22  }
0x617: {  	v15 =	vperm.xlane v58, v63;
	v8 =	vadd.f32 v13, v8;
	v17 =	vadd.f32 v20, v17  }
0x618: {  	v20 =	vperm.xlane v14, v62;
	v12 =	vadd.f32 v19, v12;
	v19 =	vperm.xlane v7, v62  }
0x619: {  	v1 =	vmul.f32 $1.562500000e-02, v1;
	v0 =	vadd.f32 v0, v23;
	v23 =	vadd.f32 v6, v24  }
0x61a: {  	v6 =	vperm.xlane v4, v2;
	v24 =	vsub.f32 v21, v26;
	v14 =	vadd.f32 v14, v20  }
0x61b: {  	v13 =	vperm.xlane v16, v62;
	v7 =	vadd.f32 v7, v19;
	v57 =	vsub.f32 v57, v1  }
0x61c: {  	s7 =	sadd.s32 $0x400, s7;
	v19 =	vperm.xlane v11, v62;
	v55 =	vsub.f32 v55, v1;
	v4 =	vadd.f32 v6, v4  }
0x61d: {  	[tilespmem:s7+$0x1B0] =	vst v0;
	v6 =	vperm.xlane v23, v63;
	v0 =	vadd.f32 v58, v15;
	v15 =	vperm.xlane v3, v63  }
0x61e: {  	v60 =	vmul.f32 $1.562500000e-02, v14;
	v59 =	vmul.f32 $1.562500000e-02, v7;
	v7 =	vadd.f32 v19, v11  }
0x61f: {  	v9 =	vperm.xlane v4, v63;
	v61 =	vadd.f32 v6, v23;
	v6 =	vperm.xlane v10, v62  }
0x620: {  	v18 =	vperm.xlane v0, v62;
	v3 =	vadd.f32 v15, v3;
	v15 =	vperm.xlane v5, v62  }
0x621: {  	v7 =	vmul.f32 $1.562500000e-02, v7;
	v22 =	vperm.xlane v61, v62;
	v4 =	vadd.f32 v9, v4  }
0x622: {  	v6 =	vadd.f32 v10, v6;
	v9 =	vperm.xlane v8, v62;
	v10 =	vadd.f32 v16, v13  }
0x623: {  	v13 =	vperm.xlane v17, v62;
	v16 =	vperm.xlane v12, v62;
	v0 =	vadd.f32 v0, v18  }
0x624: {  	v18 =	vperm.xlane v3, v62;
	v5 =	vadd.f32 v5, v15;
	v15 =	vperm.xlane v4, v62  }
0x625: {  	v2 =	vadd.f32 v22, v61;
	v6 =	vmul.f32 $1.562500000e-02, v6;
	v8 =	vadd.f32 v9, v8  }
0x626: {  	v61 =	vmul.f32 $1.562500000e-02, v10;
	v9 =	vadd.f32 v13, v17;
	v10 =	vadd.f32 v16, v12  }
0x627: {  	v58 =	vmul.f32 $1.562500000e-02, v0;
	v62 =	vadd.f32 v18, v3;
	v56 =	vmul.f32 $1.562500000e-02, v5  }
0x628: {  	v2 =	vmul.f32 $1.562500000e-02, v2;
	v48 =	vadd.f32 v15, v4;
	v4 =	vmul.f32 v1, v1  }
0x629: {  	v17 =	vsub.f32 v40, v1;
	v5 =	vmul.f32 $1.562500000e-02, v8;
	v8 =	vmul.f32 v6, v6  }
0x62a: {  	v9 =	vmul.f32 $1.562500000e-02, v9;
	v10 =	vmul.f32 $1.562500000e-02, v10;
	v1 =	vsub.f32 v42, v1  }
0x62b: {  	v0 =	vmul.f32 $1.562500000e-02, v62;
	v22 =	vsub.f32 v45, v6;
	v42 =	vsub.f32 v46, v6  }
0x62c: {  	v50 =	vsub.f32 v50, v56;
	v2 =	vsub.f32 v2, v4;
	v4 =	vmul.f32 v61, v61  }
0x62d: {  	v51 =	vsub.f32 v51, v56;
	v5 =	vsub.f32 v5, v8;
	v8 =	vmul.f32 v60, v60  }
0x62e: {  	v52 =	vsub.f32 v52, v56;
	v4 =	vsub.f32 v9, v4;
	v9 =	vmul.f32 v59, v59  }
0x62f: {  	v8 =	vsub.f32 v10, v8;
	v10 =	vmul.f32 v58, v58;
	v2 =	vadd.f32 $9.999999740e-06, v2  }
0x630: {  	v3 =	vmul.f32 $1.562500000e-02, v48;
	v5 =	vadd.f32 $9.999999740e-06, v5;
	v7 =	vsub.f32 v7, v9  }
0x631: {  	v9 =	vmul.f32 v56, v56;
	v0 =	vsub.f32 v0, v10;
	v10 =	vshrl.u32 v2, $0x1  }
0x632: {  	v4 =	vadd.f32 $9.999999740e-06, v4;
	v2 =	vmul.f32 $5.000000000e-01, v2;
	v8 =	vadd.f32 $9.999999740e-06, v8  }
0x633: {  	v10 =	vsub.s32 $0x5F3759DF, v10;
	v3 =	vsub.f32 v3, v9;
	v7 =	vadd.f32 $9.999999740e-06, v7  }
0x634: {  	v9 =	vshrl.u32 v5, $0x1;
	v0 =	vadd.f32 $9.999999740e-06, v0;
	v5 =	vmul.f32 $5.000000000e-01, v5  }
0x635: {  	v11 =	vshrl.u32 v4, $0x1;
	v4 =	vmul.f32 $5.000000000e-01, v4;
	v12 =	vshrl.u32 v8, $0x1  }
0x636: {  	v8 =	vmul.f32 $5.000000000e-01, v8;
	v16 =	vmul.f32 v10, v2;
	v9 =	vsub.s32 $0x5F3759DF, v9  }
0x637: {  	v11 =	vsub.s32 $0x5F3759DF, v11;
	v12 =	vsub.s32 $0x5F3759DF, v12;
	v13 =	vshrl.u32 v7, $0x1  }
0x638: {  	v7 =	vmul.f32 $5.000000000e-01, v7;
	v14 =	vshrl.u32 v0, $0x1;
	v0 =	vmul.f32 $5.000000000e-01, v0  }
0x639: {  	v3 =	vadd.f32 $9.999999740e-06, v3;
	v18 =	vmul.f32 v9, v5;
	v19 =	vmul.f32 v11, v4  }
0x63a: {  	v20 =	vmul.f32 v12, v8;
	v16 =	vmul.f32 v10, v16;
	v13 =	vsub.s32 $0x5F3759DF, v13  }
0x63b: {  	v14 =	vsub.s32 $0x5F3759DF, v14;
	v15 =	vshrl.u32 v3, $0x1;
	v3 =	vmul.f32 $5.000000000e-01, v3  }
0x63c: {  	v53 =	vsub.f32 v53, v56;
	v23 =	vmul.f32 v13, v7;
	v40 =	vmul.f32 v14, v0  }
0x63d: {  	v18 =	vmul.f32 v9, v18;
	v19 =	vmul.f32 v11, v19;
	v15 =	vsub.s32 $0x5F3759DF, v15  }
0x63e: {  	v16 =	vsub.f32 $1.500000000e+00, v16;
	v20 =	vmul.f32 v12, v20;
	v62 =	vmul.f32 v15, v3  }
0x63f: {  	v23 =	vmul.f32 v13, v23;
	v18 =	vsub.f32 $1.500000000e+00, v18;
	v40 =	vmul.f32 v14, v40  }
0x640: {  	v10 =	vmul.f32 v10, v16;
	v16 =	vsub.f32 $1.500000000e+00, v19;
	v19 =	vsub.f32 $1.500000000e+00, v20  }
0x641: {  	v45 =	vmul.f32 v15, v62;
	v9 =	vmul.f32 v9, v18;
	v18 =	vsub.f32 $1.500000000e+00, v23  }
0x642: {  	v20 =	vsub.f32 $1.500000000e+00, v40;
	v11 =	vmul.f32 v11, v16;
	v12 =	vmul.f32 v12, v19  }
0x643: {  	v2 =	vmul.f32 v10, v2;
	v19 =	vsub.f32 v35, v61;
	v13 =	vmul.f32 v13, v18  }
0x644: {  	v16 =	vsub.f32 $1.500000000e+00, v45;
	v14 =	vmul.f32 v14, v20;
	v5 =	vmul.f32 v9, v5  }
0x645: {  	v23 =	vsub.f32 v36, v60;
	v4 =	vmul.f32 v11, v4;
	v8 =	vmul.f32 v12, v8  }
0x646: {  	v18 =	vsub.f32 v31, v61;
	v2 =	vmul.f32 v2, v10;
	v15 =	vmul.f32 v15, v16  }
0x647: {  	v20 =	vsub.f32 v39, v61;
	v7 =	vmul.f32 v13, v7;
	v0 =	vmul.f32 v14, v0  }
0x648: {  	v16 =	vsub.f32 v34, v61;
	v5 =	vmul.f32 v5, v9;
	v4 =	vmul.f32 v4, v11  }
0x649: {  	v8 =	vmul.f32 v8, v12;
	v2 =	vsub.f32 $1.500000000e+00, v2;
	v3 =	vmul.f32 v15, v3  }
0x64a: {  	v7 =	vmul.f32 v7, v13;
	v0 =	vmul.f32 v0, v14;
	v5 =	vsub.f32 $1.500000000e+00, v5  }
0x64b: {  	v4 =	vsub.f32 $1.500000000e+00, v4;
	v2 =	vmul.f32 v2, v10;
	v8 =	vsub.f32 $1.500000000e+00, v8  }
0x64c: {  	v10 =	vsub.f32 v29, v60;
	v29 =	vsub.f32 v49, v58;
	v3 =	vmul.f32 v3, v15  }
0x64d: {  	v7 =	vsub.f32 $1.500000000e+00, v7;
	v5 =	vmul.f32 v5, v9;
	v0 =	vsub.f32 $1.500000000e+00, v0  }
0x64e: {  	v4 =	vmul.f32 v4, v11;
	v9 =	vsub.f32 v27, v60;
	v11 =	vsub.f32 v28, v59  }
0x64f: {  	v8 =	vmul.f32 v8, v12;
	v12 =	vsub.f32 v33, v59;
	v27 =	vsub.f32 v38, v58  }
0x650: {  	v28 =	vsub.f32 v43, v58;
	v7 =	vmul.f32 v7, v13;
	v0 =	vmul.f32 v0, v14  }
0x651: {  	v3 =	vsub.f32 $1.500000000e+00, v3;
	v14 =	vmul.f32 v2, v57;
	v57 =	vmul.f32 v4, v16;
	v16 =	vld [tilespmem:$0x1FFB0]  }
0x652: {  	v13 =	vsub.f32 v32, v59;
	v32 =	vmul.f32 v2, v17;
	v56 =	vmul.f32 v4, v18;
	v18 =	vld [tilespmem:$0x1FAF0]  }
0x653: {  	v21 =	vld [tilespmem:$0x1FAD0];
	v17 =	vsub.f32 v44, v58;
	v36 =	vmul.f32 v5, v42;
	v58 =	vmul.f32 v4, v19  }
0x654: {  	v46 =	vld [tilespmem:$0x1FB80];
	v4 =	vmul.f32 v4, v20;
	v3 =	vmul.f32 v3, v15;
	v15 =	vsub.f32 v37, v59  }
0x655: {  	v44 =	vld [tilespmem:$0x1FF60];
	v11 =	vmul.f32 v7, v11;
	v42 =	vmul.f32 v7, v12  }
0x656: {  	v43 =	vmul.f32 v7, v13;
	v20 =	vmul.f32 v7, v15;
	v7 =	vld [tilespmem:$0x1FB40]  }
0x657: {  	v16 =	vadd.f32 v18, v16;
	v18 =	vld [tilespmem:$0x1FB00]  }
0x658: {  	v48 =	vsub.f32 v47, v6;
	v6 =	vsub.f32 v30, v6;
	v47 =	vld [tilespmem:$0x1FB90]  }
0x659: {  	v30 =	vsub.f32 v41, v60;
	v62 =	vld [tilespmem:$0x1FFA0];
	v31 =	vmul.f32 v2, v55;
	v22 =	vmul.f32 v5, v22  }
0x65a: {  	v45 =	vld [tilespmem:$0x1FF70];
	v55 =	vmul.f32 v5, v48;
	v5 =	vmul.f32 v5, v6  }
0x65b: {  	v6 =	vld [tilespmem:$0x1FAE0];
	v30 =	vmul.f32 v8, v30;
	v9 =	vmul.f32 v8, v9;
	v7 =	vadd.f32 v7, v44  }
0x65c: {  	v59 =	vmul.f32 v8, v23;
	v8 =	vmul.f32 v8, v10;
	v10 =	vld [tilespmem:$0x1FFA0];
	v18 =	vadd.f32 v18, v44  }
0x65d: {  	[tilespmem:s16+$0x100] =	vst v7;
	v7 =	vld [tilespmem:$0x1FB60]  }
0x65e: {  	[tilespmem:s16+$0x80] =	vst v18;
	v18 =	vld [tilespmem:$0x1FB20]  }
0x65f: {  	v61 =	vld [tilespmem:$0x1FF50]  }
0x660: {  	v25 =	vsub.f32 v21, v26;
	v33 =	vld [tilespmem:$0x1FFB0]  }
0x661: {  	v21 =	vmul.f32 v0, v27;
	v19 =	vmul.f32 v0, v28;
	v6 =	vsub.f32 v6, v26;
	[tilespmem:s16+$0x30] =	vst v16;
	v16 =	vld [tilespmem:$0x1FB10]  }
0x662: {  	v26 =	vmul.f32 v0, v17;
	v17 =	vmul.f32 v0, v29;
	v0 =	vadd.f32 v7, v62;
	v7 =	vld [tilespmem:$0x1FB70]  }
0x663: {  	v49 =	vld [tilespmem:$0x1FFA0];
	v10 =	vadd.f32 v18, v10  }
0x664: {  	v60 =	vld [tilespmem:$0x1FF40]  }
0x665: {  	[tilespmem:s16+$0xA0] =	vst v10;
	v10 =	vld [tilespmem:$0x1FB50]  }
0x666: {  	v1 =	vmul.f32 v2, v1;
	v12 =	vld [tilespmem:$0x1FFB0]  }
0x667: {  	v13 =	vmul.f32 v54, v24;
	v16 =	vadd.f32 v16, v45;
	v2 =	vadd.f32 v7, v33;
	v7 =	vld [tilespmem:$0x1FF80]  }
0x668: {  	v27 =	vmul.f32 v54, v25;
	v28 =	vmul.f32 v54, v6;
	v54 =	vld [tilespmem:$0x1FFA0]  }
0x669: {  	[tilespmem:s16+$0x90] =	vst v16;
	v16 =	vld [tilespmem:$0x1FB30]  }
0x66a: {  	v15 =	vmul.f32 v3, v51;
	v51 =	vld [tilespmem:$0x1FF90];
	v10 =	vadd.f32 v10, v45  }
0x66b: {  	v6 =	vld [tilespmem:$0x1FBA0];
	[tilespmem:s16+$0x130] =	vst v2  }
0x66c: {  	v29 =	vmul.f32 v3, v52;
	v2 =	vadd.f32 v47, v45;
	[tilespmem:s16+$0x110] =	vst v10;
	v7 =	vmul.f32 v32, v7;
	v10 =	vld [tilespmem:$0x1FF80]  }
0x66d: {  	v52 =	vmul.f32 v22, v60;
	v22 =	vmul.f32 v57, v61;
	v57 =	vld [tilespmem:$0x1FF90]  }
0x66e: {  	v48 =	vmul.f32 v14, v60;
	v12 =	vadd.f32 v16, v12;
	[tilespmem:s16+$0x190] =	vst v2;
	v2 =	vadd.f32 v7, v54;
	v7 =	vld [tilespmem:$0x1FF80]  }
0x66f: {  	v23 =	vmul.f32 v56, v60;
	v62 =	vld [tilespmem:$0x1FF90];
	[tilespmem:s16+$0x120] =	vst v0;
	v0 =	vadd.f32 v46, v44  }
0x670: {  	v56 =	vadd.f32 v52, v44;
	v18 =	vmul.f32 v3, v50;
	v50 =	vadd.f32 v48, v44;
	[tilespmem:s16+$0xB0] =	vst v12;
	v12 =	vld [tilespmem:$0x1FF90]  }
0x671: {  	[tilespmem:s16+$0x180] =	vst v0;
	v0 =	vadd.f32 v6, v49;
	v6 =	vmul.f32 v31, v61;
	v10 =	vmul.f32 v55, v10;
	v55 =	vld [tilespmem:$0x1FFB0]  }
0x672: {  	s21 =	sadd.s32 $0x8, s21;
	v14 =	vmul.f32 v59, v60;
	v59 =	vld [tilespmem:$0x1FFA0];
	[tilespmem:s7+$0xFFFFFE80] =	vst v56;
	v16 =	vmul.f32 v3, v53  }
0x673: {  	p1 =	slt.u32 s21, $0xC0;
	[tilespmem:s7+$0xFFFFFE00] =	vst v50;
	v53 =	vadd.f32 v6, v45;
	v6 =	vmul.f32 v36, v61;
	v31 =	vmul.f32 v9, v7;
	v9 =	vld [tilespmem:$0x1FFB0]  }
.Ltmp5:
0x674: {  	v1 =	vmul.f32 v1, v51;
	v35 =	vmul.f32 v4, v57;
	[tilespmem:s16+$0x1A0] =	vst v0;
	(pc) =	sbr.rel @p1 .LBB2_9-.Ltmp5, $4  }
0x675: {  	v34 =	vmul.f32 v8, v62;
	[tilespmem:s7+$0xFFFFFE10] =	vst v53;
	v36 =	vmul.f32 v58, v7;
	v58 =	vadd.f32 v6, v45  }
0x676: {  	v33 =	vmul.f32 v11, v60;
	v5 =	vmul.f32 v5, v12;
	[tilespmem:s7+$0xFFFFFE20] =	vst v2;
	v0 =	vadd.f32 v1, v55  }
0x677: {  	v8 =	vld [tilespmem:$0x1FF90];
	v12 =	vmul.f32 v30, v61;
	v30 =	vmul.f32 v42, v61;
	[tilespmem:s7+$0xFFFFFE90] =	vst v58  }
0x678: {  	s0 =	sadd.s32 $0x400, s0;
	s16 =	smov.u32 s7;
	v25 =	vadd.f32 v10, v59;
	v10 =	vld [tilespmem:$0x1FFA0];
	v32 =	vmul.f32 v43, v7;
	[tilespmem:s7+$0xFFFFFE30] =	vst v0;
	v37 =	vadd.f32 v5, v9  }
0x679: {  	v6 =	vld [tilespmem:$0x1FFF0]  }
0x67a: {  	v5 =	vld [tilespmem:$0x1FFE0];
	v0 =	vadd.f32 v23, v44;
	[tilespmem:s7+$0xFFFFFEA0] =	vst v25  }
0x67b: {  	v1 =	vadd.f32 v22, v45;
	[tilespmem:s7+$0xFFFFFEB0] =	vst v37  }
0x67c: {  	v39 =	vadd.f32 v35, v9;
	[tilespmem:s7+$0xFFFFFF00] =	vst v0  }
0x67d: {  	v40 =	vadd.f32 v14, v44;
	[tilespmem:s7+$0xFFFFFF10] =	vst v1  }
0x67e: {  	v41 =	vadd.f32 v12, v45;
	[tilespmem:s7+$0xFFFFFF30] =	vst v39  }
0x67f: {  	v2 =	vadd.f32 v34, v9;
	[tilespmem:s7+$0xFFFFFF80] =	vst v40  }
0x680: {  	v43 =	vadd.f32 v33, v44;
	v3 =	vmul.f32 v21, v60;
	[tilespmem:s7+$0xFFFFFF90] =	vst v41  }
0x681: {  	v47 =	vadd.f32 v30, v45;
	v4 =	vmul.f32 v19, v61;
	[tilespmem:s7+$0xFFFFFFB0] =	vst v2  }
0x682: {  	v53 =	vmul.f32 v15, v61;
	[tilespmem:s7+$0x0] =	vst v43;
	v50 =	vadd.f32 v3, v44  }
0x683: {  	v57 =	vmul.f32 v13, v60;
	[tilespmem:s7+$0x10] =	vst v47;
	v51 =	vadd.f32 v4, v45  }
0x684: {  	v56 =	vadd.f32 v53, v45;
	[tilespmem:s16+$0x80] =	vst v50  }
0x685: {  	v4 =	vmul.f32 v18, v60;
	v60 =	vadd.f32 v57, v44;
	[tilespmem:s16+$0x90] =	vst v51  }
0x686: {  	v38 =	vadd.f32 v36, v10;
	[tilespmem:s16+$0x110] =	vst v56  }
0x687: {  	v49 =	vmul.f32 v26, v7;
	v42 =	vadd.f32 v31, v10;
	[tilespmem:s16+$0x180] =	vst v60  }
0x688: {  	v48 =	vadd.f32 v32, v10;
	[tilespmem:s7+$0xFFFFFF20] =	vst v38  }
0x689: {  	v46 =	vmul.f32 v20, v8;
	v52 =	vadd.f32 v49, v10;
	[tilespmem:s7+$0xFFFFFFA0] =	vst v42  }
0x68a: {  	v3 =	vmul.f32 v17, v8;
	v55 =	vadd.f32 v4, v44;
	[tilespmem:s7+$0x20] =	vst v48  }
0x68b: {  	v4 =	vmul.f32 v16, v8;
	v0 =	vadd.f32 v46, v9;
	[tilespmem:s16+$0xA0] =	vst v52  }
0x68c: {  	v54 =	vadd.f32 v3, v9;
	v3 =	vmul.f32 v29, v7;
	[tilespmem:s16+$0x100] =	vst v55  }
0x68d: {  	v59 =	vadd.f32 v4, v9;
	v4 =	vmul.f32 v28, v7;
	[tilespmem:s16+$0x30] =	vst v0  }
0x68e: {  	[tilespmem:s16+$0xB0] =	vst v54;
	v58 =	vadd.f32 v3, v10;
	v3 =	vmul.f32 v27, v61  }
0x68f: {  	s0 =	smul.u32 $0x380, s10;
	[tilespmem:s16+$0x130] =	vst v59;
	v62 =	vadd.f32 v4, v10  }
0x690: {  	s10 =	smul.u32 $0x1C00, s10;
	[tilespmem:s16+$0x120] =	vst v58;
	v61 =	vadd.f32 v3, v45  }
0x691: {  	[tilespmem:s16+$0x1A0] =	vst v62  }
0x692: {  	s0 =	sadd.s32 s6, s0;
	[tilespmem:s16+$0x190] =	vst v61;
	s16 =	sshrl.u32 s10, $0x3  }
0x693: {  	[hbm4b:s0+s3] =	stream.linear.scatter [tilespmem:s26], [sflag:$0x5], $0x1900, $0x38;
	[tilespmem:$0x1F880] =	vst v63  }
0x694: {  	s0 =	sadd.s32 s6, s16  }
0x695: {  	s21 =	sadd.s32 $0x380, s0  }
0x696: {  	[hbm4b:s21+s3] =	stream.linear.scatter [tilespmem:s28], [sflag:$0x5], $0x1900, $0x38;
	[tilespmem:$0x1F880] =	vst v63  }
.Ltmp6:
0x697: {  	_ = 	snop;
	(pc) =	sbr.rel @p0 .LBB2_12-.Ltmp6, $4  }
0x698: {  	s24 =	sadd.s32 $0x700, s0  }
0x699: {  	[hbm4b:s24+s3] =	stream.linear.scatter [tilespmem:s29], [sflag:$0x5], $0x1900, $0x38;
	[tilespmem:$0x1F880] =	vst v63  }
0x69a: {  	s0 =	sadd.s32 $0xA80, s0  }
0x69b: {  	[hbm4b:s0+s3] =	stream.linear.scatter [tilespmem:s30], [sflag:$0x5], $0x1900, $0x38;
	[tilespmem:$0x1F880] =	vst v63  }
0x69c: {  	s0 =	sadd.s32 s9, s15  }
0x69d: {  	s0 =	smul.u32 $0x32, s0;
	_ =	sdelay $0x1  }
0x69e: {  	s0 =	sshrl.u32 s0, $0x3  }
0x69f: {  	s0 =	sadd.s32 s2, s0  }
0x6a0: {  	[tilespmem:s23], [sflag:$0x6] =	stream.linear.gather [hbm4b:s0+s3], $0xC8, $0x38;
	[tilespmem:$0x1F880] =	vst v63  }
.Ltmp7:
0x6a1: {  	_ = 	snop;
	(pc) =	sbr.rel .LBB2_2-.Ltmp7, $4  }
0x6a2: {  	_ =	swait.ge [sflag:s18], $0xC8  }
0x6a3: {  	[sflag:s18] =	ssyncset.done $0x0  }
0x6a4: {  	s24 =	simm.s32 $0xCC00;
	s5 =	sadd.s32 $0x1, s5;
	[sflag:s18] =	ssyncadd.s32 $0xFFFFFF38  }
0x6a5: {  	v0 =	vmov v5;
	[tilespmem:s24], [sflag:$0x3] =	stream.indirect.gather [hbm4b:s4+s19], $0x80, s23, s19, $0xb8;
	[tilespmem:$0x1F880] =	vst v63  }
.LBB2_13:
0x6a6: {  	_ =	sfence.sel $0x180000  }
0x6a7: {  	[bflag:$0x0] =	sbarrier.arrive $0xFFFF  }
0x6a8: {  	_ =	strace $0x90000047  }
0x6a9: {  	s0 =	stileid.u32;
	[bflag:$0x2] =	sbarrier.arrive $0xFFFF  }
0x6aa: {  	p0 =	sne.s32 s0, $0x0;
	s0 =	rddreg [dreg:$0x2]  }
0x6ab: {  	s0 =	sadd.s32 @!p0 $0x100000, s0  }
0x6ac: {  	[sflag:s0] =	ssyncadd.tile.s32 @!p0 $0x1;
	_ =	shalt  }
.Lfunc_end2:
_tile_overlayer_lowered:
.L_overlay_start_2:
0x6ad: {  	(tag) =	ssettag $0x2  }
0x6ae: {  	s0 =	rddreg [dreg:$0x0];
	s2 =	stileid.u32  }
0x6af: {  	s1 =	rddreg [dreg:$0x1];
	p0 =	sne.s32 s2, $0x0  }
0x6b0: {  	s3 =	rddreg [dreg:$0x2];
	[bflag:$0x3] =	sbarrier.arrive $0xFFFF;
	s2 =	simm.s32 @!p0 $0x1C06  }
0x6b1: {  	[timem:s3], [sflag:s2] =	dma.local @!p0 [hbm:s0], s1  }
0x6b2: {  	s0 =	simm.s32 @!p0 $0x6  }
0x6b3: {  	_ =	swait.ge @!p0 [sflag:s0], s1  }
0x6b4: {  	s1 =	ssub.s32 @!p0 $0x0, s1;
	[sflag:s0] =	ssyncset.done @!p0 $0x0  }
0x6b5: {  	[sflag:s0] =	ssyncadd.s32 @!p0 s1  }
0x6b6: {  	[bflag:$0x3] =	sbarrier.arrive $0xFFFF  }
0x6b7: {  	_ =	shalt  }

</sc_bundles>
